<compile_context>
chip_gen: v7x
topology: tpu7x:2x2x1
jax: 0.10.2.dev20260603
libtpu: 0.0.44.dev20260713+nightly
codegen_flags: <defaults>
</compile_context>

<pallas_src>
import functools

import jax
import jax.numpy as jnp
from jax import lax
from jax.experimental import pallas as pl
from jax.experimental.pallas import tpu as pltpu
from jax.experimental.pallas import tpu_sc as plsc

BATCH = 4096
HIST = 50
DIM = 64
VOC0 = 1000000
VOC1 = 100000
NUM_WORKERS = 32
ROWS_PER_WORKER = BATCH // NUM_WORKERS
R = 4
N_CHUNKS = ROWS_PER_WORKER // R
HALF_REAL = R * HIST
HALF_PAD = 208
SLOTS = 2 * HALF_PAD
GROUPS = SLOTS // 16
GB = 104
ROW_F = 2 * HIST * DIM
OBUF_F = R * ROW_F + 1024
DUMP = R * ROW_F


def _build_sc_call():
    mesh = plsc.VectorSubcoreMesh(core_axis_name="c", subcore_axis_name="s")

    @functools.partial(
        pl.kernel,
        mesh=mesh,
        compiler_params=pltpu.CompilerParams(needs_layout_passes=False),
        out_type=jax.ShapeDtypeStruct((BATCH, ROW_F), jnp.float32),
        scratch_types=[
            pltpu.VMEM((SLOTS,), jnp.int32),
            pltpu.VMEM((SLOTS,), jnp.int32),
            pltpu.VMEM((SLOTS,), jnp.int32),
            pltpu.VMEM((SLOTS,), jnp.int32),
            pltpu.VMEM((SLOTS,), jnp.int32),
            pltpu.VMEM((SLOTS,), jnp.int32),
            pltpu.VMEM((SLOTS, 2 * DIM), jnp.float32),
            pltpu.VMEM((OBUF_F,), jnp.float32),
            pltpu.VMEM((OBUF_F,), jnp.float32),
            pltpu.SemaphoreType.DMA,
            pltpu.SemaphoreType.DMA,
            pltpu.SemaphoreType.DMA,
        ],
    )
    def sc_kernel(idx0, idx1, t0, t1, out, idxv, gidx, h64a, h64b, rowids,
                  bases, g, obufa, obufb, sem_g, sem_oa, sem_ob):
        wid = lax.axis_index("s") * 2 + lax.axis_index("c")
        flat0 = wid * (ROWS_PER_WORKER * HIST)
        row0 = wid * ROWS_PER_WORKER
        h64 = (h64a, h64b)
        obuf = (obufa, obufb)
        sem_o = (sem_oa, sem_ob)

        lane = lax.iota(jnp.int32, 16)
        zeros = jnp.zeros((16,), jnp.int32)
        idxv[pl.ds(HALF_REAL, 16)] = zeros
        idxv[pl.ds(SLOTS - 16, 16)] = zeros
        for grp in range(GROUPS):
            s = lane + grp * 16
            rowids[pl.ds(grp * 16, 16)] = s
            t = 1 - lax.shift_right_logical(s - HALF_PAD, 31)
            u = s - t * HALF_PAD
            pf = 1 - lax.shift_right_logical(u - HALF_REAL, 31)
            r = lax.shift_right_logical(u * 41944, 21)
            j = u - r * HIST
            real = r * ROW_F + t * (HIST * DIM) + j * DIM
            pad = DUMP + (u - HALF_REAL) * DIM
            bases[pl.ds(grp * 16, 16)] = real * (1 - pf) + pad * pf

        def stage(c, p):
            o0 = flat0 + c * HALF_REAL
            pltpu.sync_copy(idx0.at[pl.ds(o0, HALF_REAL)],
                            idxv.at[pl.ds(0, HALF_REAL)])
            pltpu.sync_copy(idx1.at[pl.ds(o0, HALF_REAL)],
                            idxv.at[pl.ds(HALF_PAD, HALF_REAL)])
            ones = jnp.ones((16,), jnp.int32)
            for grp in range(GROUPS):
                v = idxv[pl.ds(grp * 16, 16)]
                gidx[pl.ds(grp * 16, 16)] = lax.shift_right_logical(v, 1)
                h64[p][pl.ds(grp * 16, 16)] = lax.shift_left(
                    jnp.bitwise_and(v, ones), 6)

        def fire_half(h):
            tab = t0 if h == 0 else t1
            base = h * HALF_PAD
            for q in range(2):
                off = base + q * GB
                pltpu.async_copy(
                    tab.at[pl.ds(0, GB)],
                    g.at[pl.ds(off, GB)], sem_g)

        def recombine_half(h, p):
            return
            @plsc.parallel_loop(h * (GROUPS // 2), (h + 1) * (GROUPS // 2),
                                unroll=4)
            def grp_body(gi):
                rows16 = rowids[pl.ds(gi * 16, 16)]
                ho = h64[p][pl.ds(gi * 16, 16)]
                b16 = bases[pl.ds(gi * 16, 16)]
                for kb in range(0, DIM, 8):
                    kvs = [jnp.bitwise_and(lane + (kb + u), 63)
                           for u in range(8)]
                    vals = [plsc.load_gather(g, [rows16, ho + kvs[u]])
                            for u in range(8)]
                    for u in range(8):
                        plsc.store_scatter(obuf[p], [b16 + kvs[u]], vals[u])

        def drain_gathers():
            pltpu.make_async_copy(t0.at[pl.ds(0, SLOTS)], g, sem_g).wait()

        def drain_writeback(p):
            for r in range(R):
                pltpu.make_async_copy(
                    out.at[row0], obuf[p].at[pl.ds(r * ROW_F, ROW_F)],
                    sem_o[p]).wait()

        stage(0, 0)
        fire_half(0)
        fire_half(1)

        def body(i, carry):
            for p in (0, 1):
                c = i * 2 + p
                drain_gathers()

                @pl.when(c >= 2)
                def _():
                    drain_writeback(p)

                @pl.when(c < N_CHUNKS - 1)
                def _():
                    stage(c + 1, 1 - p)

                recombine_half(0, p)

                @pl.when(c < N_CHUNKS - 1)
                def _():
                    fire_half(0)

                recombine_half(1, p)

                @pl.when(c < N_CHUNKS - 1)
                def _():
                    fire_half(1)

                b0 = row0 + c * R
                for r in range(R):
                    pltpu.async_copy(
                        obuf[p].at[pl.ds(r * ROW_F, ROW_F)],
                        out.at[b0 + r], sem_o[p])
            return carry

        lax.fori_loop(0, N_CHUNKS // 2, body, 0)
        drain_writeback(0)
        drain_writeback(1)

    return sc_kernel


_sc_call = _build_sc_call()


def kernel(embed_0, embed_1, table_0, table_1):
    idx0 = embed_0.astype(jnp.int32).reshape(-1)
    idx1 = embed_1.astype(jnp.int32).reshape(-1)
    t0v = table_0.reshape(VOC0 // 2, 2 * DIM)
    t1v = table_1.reshape(VOC1 // 2, 2 * DIM)
    return _sc_call(idx0, idx1, t0v, t1v)

# --- scband reference (transcript-rebuilt; emitter-appended) ---
"""Pipeline reference for scband-cmodel-8169027797347 (READ-ONLY COPY).

The authoritative reference and input builder live on the scoring server;
editing this copy changes nothing except your own understanding.
"""

import jax, jax.numpy as jnp
import numpy as np

BATCH = 4096
HIST = 50
VOC0 = 1000000
VOC1 = 100000
DIM = 64


def setup_inputs(seed: int = 0) -> dict:
    key = jax.random.key(seed)
    k1, k2, k3, k4 = jax.random.split(key, 4)
    embed_0 = jax.random.randint(k1, (BATCH, HIST), 0, VOC0, dtype=jnp.int64)
    embed_1 = jax.random.randint(k2, (BATCH, HIST), 0, VOC1, dtype=jnp.int64)
    table_0 = jax.random.normal(k3, (VOC0, DIM), dtype=jnp.float32)
    table_1 = jax.random.normal(k4, (VOC1, DIM), dtype=jnp.float32)
    return {"embed_0": embed_0, "embed_1": embed_1, "table_0": table_0, "table_1": table_1}


def reference(embed_0, embed_1, table_0, table_1):
    # CModel.forward: embed each feature's indices, flatten from dim 1, concat along dim 1.
    # self.layers is empty (base class), so output is the concatenated embeddings.
    e0 = jnp.take(table_0, embed_0, axis=0)  # [B, HIST, DIM]
    e0 = e0.reshape(e0.shape[0], -1)          # flatten(start_dim=1)
    e1 = jnp.take(table_1, embed_1, axis=0)
    e1 = e1.reshape(e1.shape[0], -1)
    X = jnp.concatenate([e0, e1], axis=1)     # [B, 2*HIST*DIM]
    return X

if __name__ == "__main__":
    import jax
    _d = setup_inputs()
    print(jax.jit(kernel)(*tuple(_d.values())))

</pallas_src>

<mosaic_0001>
#map = affine_map<(d0, d1) -> (0)>
#map1 = affine_map<(d0, d1) -> (0, 0)>
module attributes {stable_mosaic.version = 14 : i64} {
  func.func @sc_kernel(%arg0: i32, %arg1: i32, %arg2: memref<204800xi32, #tpu.memory_space<hbm>>, %arg3: memref<204800xi32, #tpu.memory_space<hbm>>, %arg4: memref<500000x128xf32, #tpu.memory_space<hbm>>, %arg5: memref<50000x128xf32, #tpu.memory_space<hbm>>, %arg6: memref<4096x6400xf32, #tpu.memory_space<hbm>>, %arg7: memref<416xi32, #tpu.memory_space<vmem>>, %arg8: memref<416xi32, #tpu.memory_space<vmem>>, %arg9: memref<416xi32, #tpu.memory_space<vmem>>, %arg10: memref<416xi32, #tpu.memory_space<vmem>>, %arg11: memref<416xi32, #tpu.memory_space<vmem>>, %arg12: memref<416xi32, #tpu.memory_space<vmem>>, %arg13: memref<416x128xf32, #tpu.memory_space<vmem>>, %arg14: memref<26624xf32, #tpu.memory_space<vmem>>, %arg15: memref<26624xf32, #tpu.memory_space<vmem>>, %arg16: memref<!tpu.dma_semaphore, #tpu.memory_space<semaphore_mem>>, %arg17: memref<!tpu.dma_semaphore, #tpu.memory_space<semaphore_mem>>, %arg18: memref<!tpu.dma_semaphore, #tpu.memory_space<semaphore_mem>>) attributes {dimension_semantics = [#tpu.dimension_semantics<core_parallel>, #tpu.dimension_semantics<subcore_parallel>], iteration_bounds = array<i64: 2, 16>, scalar_prefetch = 0 : i64, scratch_operands = 12 : i64, tpu.core_type = #tpu.core_type<sc_vector_subcore>, window_params = [{transform_indices = #map}, {transform_indices = #map}, {transform_indices = #map1}, {transform_indices = #map1}, {transform_indices = #map1}]} {
    %mul3A = arith.constant 2 : i32
    %mul3A_0 = arith.muli %arg1, %mul3A : i32
    %add3A = arith.addi %mul3A_0, %arg0 : i32
    %mul3A_1 = arith.constant 6400 : i32
    %mul3A_2 = arith.muli %add3A, %mul3A_1 : i32
    %mul3A_3 = arith.constant 128 : i32
    %mul3A_4 = arith.muli %add3A, %mul3A_3 : i32
    %iota3A = tpu.iota {dimensions = array<i32: 0>} : vector<16xi32>
    %broadcast_in_dim3A = arith.constant 0 : i32
    %broadcast_in_dim3A_5 = vector.broadcast %broadcast_in_dim3A : i32 to vector<16xi32>
    %swap3A = arith.constant 200 : index
    %swap3A_6 = tpu.vector_load %arg7[%swap3A] {strides = array<i32>} : memref<416xi32, #tpu.memory_space<vmem>>, vector<16xi32>,
    tpu.vector_store %arg7[%swap3A], %broadcast_in_dim3A_5 {strides = array<i32>} : memref<416xi32, #tpu.memory_space<vmem>>, vector<16xi32>,
    %swap3A_7 = arith.constant 400 : index
    %swap3A_8 = tpu.vector_load %arg7[%swap3A_7] {strides = array<i32>} : memref<416xi32, #tpu.memory_space<vmem>>, vector<16xi32>,
    tpu.vector_store %arg7[%swap3A_7], %broadcast_in_dim3A_5 {strides = array<i32>} : memref<416xi32, #tpu.memory_space<vmem>>, vector<16xi32>,
    %add3A_9 = arith.constant 0 : i32
    %add3A_10 = vector.broadcast %add3A_9 : i32 to vector<16xi32>
    %add3A_11 = arith.addi %iota3A, %add3A_10 : vector<16xi32>
    %swap3A_12 = arith.constant 0 : index
    %swap3A_13 = tpu.vector_load %arg11[%swap3A_12] {strides = array<i32>} : memref<416xi32, #tpu.memory_space<vmem>>, vector<16xi32>,
    tpu.vector_store %arg11[%swap3A_12], %add3A_11 {strides = array<i32>} : memref<416xi32, #tpu.memory_space<vmem>>, vector<16xi32>,
    %sub3A = arith.constant 208 : i32
    %sub3A_14 = vector.broadcast %sub3A : i32 to vector<16xi32>
    %sub3A_15 = arith.subi %add3A_11, %sub3A_14 : vector<16xi32>
    %shift_right_logical3A = arith.constant 31 : i32
    %shift_right_logical3A_16 = vector.broadcast %shift_right_logical3A : i32 to vector<16xi32>
    %shift_right_logical3A_17 = arith.shrui %sub3A_15, %shift_right_logical3A_16 : vector<16xi32>
    %sub3A_18 = arith.constant 1 : i32
    %sub3A_19 = vector.broadcast %sub3A_18 : i32 to vector<16xi32>
    %sub3A_20 = arith.subi %sub3A_19, %shift_right_logical3A_17 : vector<16xi32>
    %mul3A_21 = arith.constant 208 : i32
    %mul3A_22 = vector.broadcast %mul3A_21 : i32 to vector<16xi32>
    %mul3A_23 = arith.muli %sub3A_20, %mul3A_22 : vector<16xi32>
    %sub3A_24 = arith.subi %add3A_11, %mul3A_23 : vector<16xi32>
    %sub3A_25 = arith.constant 200 : i32
    %sub3A_26 = vector.broadcast %sub3A_25 : i32 to vector<16xi32>
    %sub3A_27 = arith.subi %sub3A_24, %sub3A_26 : vector<16xi32>
    %shift_right_logical3A_28 = arith.constant 31 : i32
    %shift_right_logical3A_29 = vector.broadcast %shift_right_logical3A_28 : i32 to vector<16xi32>
    %shift_right_logical3A_30 = arith.shrui %sub3A_27, %shift_right_logical3A_29 : vector<16xi32>
    %sub3A_31 = arith.constant 1 : i32
    %sub3A_32 = vector.broadcast %sub3A_31 : i32 to vector<16xi32>
    %sub3A_33 = arith.subi %sub3A_32, %shift_right_logical3A_30 : vector<16xi32>
    %mul3A_34 = arith.constant 41944 : i32
    %mul3A_35 = vector.broadcast %mul3A_34 : i32 to vector<16xi32>
    %mul3A_36 = arith.muli %sub3A_24, %mul3A_35 : vector<16xi32>
    %shift_right_logical3A_37 = arith.constant 21 : i32
    %shift_right_logical3A_38 = vector.broadcast %shift_right_logical3A_37 : i32 to vector<16xi32>
    %shift_right_logical3A_39 = arith.shrui %mul3A_36, %shift_right_logical3A_38 : vector<16xi32>
    %mul3A_40 = arith.constant 50 : i32
    %mul3A_41 = vector.broadcast %mul3A_40 : i32 to vector<16xi32>
    %mul3A_42 = arith.muli %shift_right_logical3A_39, %mul3A_41 : vector<16xi32>
    %sub3A_43 = arith.subi %sub3A_24, %mul3A_42 : vector<16xi32>
    %mul3A_44 = arith.constant 6400 : i32
    %mul3A_45 = vector.broadcast %mul3A_44 : i32 to vector<16xi32>
    %mul3A_46 = arith.muli %shift_right_logical3A_39, %mul3A_45 : vector<16xi32>
    %mul3A_47 = arith.constant 3200 : i32
    %mul3A_48 = vector.broadcast %mul3A_47 : i32 to vector<16xi32>
    %mul3A_49 = arith.muli %sub3A_20, %mul3A_48 : vector<16xi32>
    %add3A_50 = arith.addi %mul3A_46, %mul3A_49 : vector<16xi32>
    %mul3A_51 = arith.constant 64 : i32
    %mul3A_52 = vector.broadcast %mul3A_51 : i32 to vector<16xi32>
    %mul3A_53 = arith.muli %sub3A_43, %mul3A_52 : vector<16xi32>
    %add3A_54 = arith.addi %add3A_50, %mul3A_53 : vector<16xi32>
    %sub3A_55 = arith.constant 200 : i32
    %sub3A_56 = vector.broadcast %sub3A_55 : i32 to vector<16xi32>
    %sub3A_57 = arith.subi %sub3A_24, %sub3A_56 : vector<16xi32>
    %mul3A_58 = arith.constant 64 : i32
    %mul3A_59 = vector.broadcast %mul3A_58 : i32 to vector<16xi32>
    %mul3A_60 = arith.muli %sub3A_57, %mul3A_59 : vector<16xi32>
    %add3A_61 = arith.constant 25600 : i32
    %add3A_62 = vector.broadcast %add3A_61 : i32 to vector<16xi32>
    %add3A_63 = arith.addi %add3A_62, %mul3A_60 : vector<16xi32>
    %sub3A_64 = arith.constant 1 : i32
    %sub3A_65 = vector.broadcast %sub3A_64 : i32 to vector<16xi32>
    %sub3A_66 = arith.subi %sub3A_65, %sub3A_33 : vector<16xi32>
    %mul3A_67 = arith.muli %add3A_54, %sub3A_66 : vector<16xi32>
    %mul3A_68 = arith.muli %add3A_63, %sub3A_33 : vector<16xi32>
    %add3A_69 = arith.addi %mul3A_67, %mul3A_68 : vector<16xi32>
    %swap3A_70 = arith.constant 0 : index
    %swap3A_71 = tpu.vector_load %arg12[%swap3A_70] {strides = array<i32>} : memref<416xi32, #tpu.memory_space<vmem>>, vector<16xi32>,
    tpu.vector_store %arg12[%swap3A_70], %add3A_69 {strides = array<i32>} : memref<416xi32, #tpu.memory_space<vmem>>, vector<16xi32>,
    %add3A_72 = arith.constant 16 : i32
    %add3A_73 = vector.broadcast %add3A_72 : i32 to vector<16xi32>
    %add3A_74 = arith.addi %iota3A, %add3A_73 : vector<16xi32>
    %swap3A_75 = arith.constant 16 : index
    %swap3A_76 = tpu.vector_load %arg11[%swap3A_75] {strides = array<i32>} : memref<416xi32, #tpu.memory_space<vmem>>, vector<16xi32>,
    tpu.vector_store %arg11[%swap3A_75], %add3A_74 {strides = array<i32>} : memref<416xi32, #tpu.memory_space<vmem>>, vector<16xi32>,
    %sub3A_77 = arith.constant 208 : i32
    %sub3A_78 = vector.broadcast %sub3A_77 : i32 to vector<16xi32>
    %sub3A_79 = arith.subi %add3A_74, %sub3A_78 : vector<16xi32>
    %shift_right_logical3A_80 = arith.constant 31 : i32
    %shift_right_logical3A_81 = vector.broadcast %shift_right_logical3A_80 : i32 to vector<16xi32>
    %shift_right_logical3A_82 = arith.shrui %sub3A_79, %shift_right_logical3A_81 : vector<16xi32>
    %sub3A_83 = arith.constant 1 : i32
    %sub3A_84 = vector.broadcast %sub3A_83 : i32 to vector<16xi32>
    %sub3A_85 = arith.subi %sub3A_84, %shift_right_logical3A_82 : vector<16xi32>
    %mul3A_86 = arith.constant 208 : i32
    %mul3A_87 = vector.broadcast %mul3A_86 : i32 to vector<16xi32>
    %mul3A_88 = arith.muli %sub3A_85, %mul3A_87 : vector<16xi32>
    %sub3A_89 = arith.subi %add3A_74, %mul3A_88 : vector<16xi32>
    %sub3A_90 = arith.constant 200 : i32
    %sub3A_91 = vector.broadcast %sub3A_90 : i32 to vector<16xi32>
    %sub3A_92 = arith.subi %sub3A_89, %sub3A_91 : vector<16xi32>
    %shift_right_logical3A_93 = arith.constant 31 : i32
    %shift_right_logical3A_94 = vector.broadcast %shift_right_logical3A_93 : i32 to vector<16xi32>
    %shift_right_logical3A_95 = arith.shrui %sub3A_92, %shift_right_logical3A_94 : vector<16xi32>
    %sub3A_96 = arith.constant 1 : i32
    %sub3A_97 = vector.broadcast %sub3A_96 : i32 to vector<16xi32>
    %sub3A_98 = arith.subi %sub3A_97, %shift_right_logical3A_95 : vector<16xi32>
    %mul3A_99 = arith.constant 41944 : i32
    %mul3A_100 = vector.broadcast %mul3A_99 : i32 to vector<16xi32>
    %mul3A_101 = arith.muli %sub3A_89, %mul3A_100 : vector<16xi32>
    %shift_right_logical3A_102 = arith.constant 21 : i32
    %shift_right_logical3A_103 = vector.broadcast %shift_right_logical3A_102 : i32 to vector<16xi32>
    %shift_right_logical3A_104 = arith.shrui %mul3A_101, %shift_right_logical3A_103 : vector<16xi32>
    %mul3A_105 = arith.constant 50 : i32
    %mul3A_106 = vector.broadcast %mul3A_105 : i32 to vector<16xi32>
    %mul3A_107 = arith.muli %shift_right_logical3A_104, %mul3A_106 : vector<16xi32>
    %sub3A_108 = arith.subi %sub3A_89, %mul3A_107 : vector<16xi32>
    %mul3A_109 = arith.constant 6400 : i32
    %mul3A_110 = vector.broadcast %mul3A_109 : i32 to vector<16xi32>
    %mul3A_111 = arith.muli %shift_right_logical3A_104, %mul3A_110 : vector<16xi32>
    %mul3A_112 = arith.constant 3200 : i32
    %mul3A_113 = vector.broadcast %mul3A_112 : i32 to vector<16xi32>
    %mul3A_114 = arith.muli %sub3A_85, %mul3A_113 : vector<16xi32>
    %add3A_115 = arith.addi %mul3A_111, %mul3A_114 : vector<16xi32>
    %mul3A_116 = arith.constant 64 : i32
    %mul3A_117 = vector.broadcast %mul3A_116 : i32 to vector<16xi32>
    %mul3A_118 = arith.muli %sub3A_108, %mul3A_117 : vector<16xi32>
    %add3A_119 = arith.addi %add3A_115, %mul3A_118 : vector<16xi32>
    %sub3A_120 = arith.constant 200 : i32
    %sub3A_121 = vector.broadcast %sub3A_120 : i32 to vector<16xi32>
    %sub3A_122 = arith.subi %sub3A_89, %sub3A_121 : vector<16xi32>
    %mul3A_123 = arith.constant 64 : i32
    %mul3A_124 = vector.broadcast %mul3A_123 : i32 to vector<16xi32>
    %mul3A_125 = arith.muli %sub3A_122, %mul3A_124 : vector<16xi32>
    %add3A_126 = arith.constant 25600 : i32
    %add3A_127 = vector.broadcast %add3A_126 : i32 to vector<16xi32>
    %add3A_128 = arith.addi %add3A_127, %mul3A_125 : vector<16xi32>
    %sub3A_129 = arith.constant 1 : i32
    %sub3A_130 = vector.broadcast %sub3A_129 : i32 to vector<16xi32>
    %sub3A_131 = arith.subi %sub3A_130, %sub3A_98 : vector<16xi32>
    %mul3A_132 = arith.muli %add3A_119, %sub3A_131 : vector<16xi32>
    %mul3A_133 = arith.muli %add3A_128, %sub3A_98 : vector<16xi32>
    %add3A_134 = arith.addi %mul3A_132, %mul3A_133 : vector<16xi32>
    %swap3A_135 = arith.constant 16 : index
    %swap3A_136 = tpu.vector_load %arg12[%swap3A_135] {strides = array<i32>} : memref<416xi32, #tpu.memory_space<vmem>>, vector<16xi32>,
    tpu.vector_store %arg12[%swap3A_135], %add3A_134 {strides = array<i32>} : memref<416xi32, #tpu.memory_space<vmem>>, vector<16xi32>,
    %add3A_137 = arith.constant 32 : i32
    %add3A_138 = vector.broadcast %add3A_137 : i32 to vector<16xi32>
    %add3A_139 = arith.addi %iota3A, %add3A_138 : vector<16xi32>
    %swap3A_140 = arith.constant 32 : index
    %swap3A_141 = tpu.vector_load %arg11[%swap3A_140] {strides = array<i32>} : memref<416xi32, #tpu.memory_space<vmem>>, vector<16xi32>,
    tpu.vector_store %arg11[%swap3A_140], %add3A_139 {strides = array<i32>} : memref<416xi32, #tpu.memory_space<vmem>>, vector<16xi32>,
    %sub3A_142 = arith.constant 208 : i32
    %sub3A_143 = vector.broadcast %sub3A_142 : i32 to vector<16xi32>
    %sub3A_144 = arith.subi %add3A_139, %sub3A_143 : vector<16xi32>
    %shift_right_logical3A_145 = arith.constant 31 : i32
    %shift_right_logical3A_146 = vector.broadcast %shift_right_logical3A_145 : i32 to vector<16xi32>
    %shift_right_logical3A_147 = arith.shrui %sub3A_144, %shift_right_logical3A_146 : vector<16xi32>
    %sub3A_148 = arith.constant 1 : i32
    %sub3A_149 = vector.broadcast %sub3A_148 : i32 to vector<16xi32>
    %sub3A_150 = arith.subi %sub3A_149, %shift_right_logical3A_147 : vector<16xi32>
    %mul3A_151 = arith.constant 208 : i32
    %mul3A_152 = vector.broadcast %mul3A_151 : i32 to vector<16xi32>
    %mul3A_153 = arith.muli %sub3A_150, %mul3A_152 : vector<16xi32>
    %sub3A_154 = arith.subi %add3A_139, %mul3A_153 : vector<16xi32>
    %sub3A_155 = arith.constant 200 : i32
    %sub3A_156 = vector.broadcast %sub3A_155 : i32 to vector<16xi32>
    %sub3A_157 = arith.subi %sub3A_154, %sub3A_156 : vector<16xi32>
    %shift_right_logical3A_158 = arith.constant 31 : i32
    %shift_right_logical3A_159 = vector.broadcast %shift_right_logical3A_158 : i32 to vector<16xi32>
    %shift_right_logical3A_160 = arith.shrui %sub3A_157, %shift_right_logical3A_159 : vector<16xi32>
    %sub3A_161 = arith.constant 1 : i32
    %sub3A_162 = vector.broadcast %sub3A_161 : i32 to vector<16xi32>
    %sub3A_163 = arith.subi %sub3A_162, %shift_right_logical3A_160 : vector<16xi32>
    %mul3A_164 = arith.constant 41944 : i32
    %mul3A_165 = vector.broadcast %mul3A_164 : i32 to vector<16xi32>
    %mul3A_166 = arith.muli %sub3A_154, %mul3A_165 : vector<16xi32>
    %shift_right_logical3A_167 = arith.constant 21 : i32
    %shift_right_logical3A_168 = vector.broadcast %shift_right_logical3A_167 : i32 to vector<16xi32>
    %shift_right_logical3A_169 = arith.shrui %mul3A_166, %shift_right_logical3A_168 : vector<16xi32>
    %mul3A_170 = arith.constant 50 : i32
    %mul3A_171 = vector.broadcast %mul3A_170 : i32 to vector<16xi32>
    %mul3A_172 = arith.muli %shift_right_logical3A_169, %mul3A_171 : vector<16xi32>
    %sub3A_173 = arith.subi %sub3A_154, %mul3A_172 : vector<16xi32>
    %mul3A_174 = arith.constant 6400 : i32
    %mul3A_175 = vector.broadcast %mul3A_174 : i32 to vector<16xi32>
    %mul3A_176 = arith.muli %shift_right_logical3A_169, %mul3A_175 : vector<16xi32>
    %mul3A_177 = arith.constant 3200 : i32
    %mul3A_178 = vector.broadcast %mul3A_177 : i32 to vector<16xi32>
    %mul3A_179 = arith.muli %sub3A_150, %mul3A_178 : vector<16xi32>
    %add3A_180 = arith.addi %mul3A_176, %mul3A_179 : vector<16xi32>
    %mul3A_181 = arith.constant 64 : i32
    %mul3A_182 = vector.broadcast %mul3A_181 : i32 to vector<16xi32>
    %mul3A_183 = arith.muli %sub3A_173, %mul3A_182 : vector<16xi32>
    %add3A_184 = arith.addi %add3A_180, %mul3A_183 : vector<16xi32>
    %sub3A_185 = arith.constant 200 : i32
    %sub3A_186 = vector.broadcast %sub3A_185 : i32 to vector<16xi32>
    %sub3A_187 = arith.subi %sub3A_154, %sub3A_186 : vector<16xi32>
    %mul3A_188 = arith.constant 64 : i32
    %mul3A_189 = vector.broadcast %mul3A_188 : i32 to vector<16xi32>
    %mul3A_190 = arith.muli %sub3A_187, %mul3A_189 : vector<16xi32>
    %add3A_191 = arith.constant 25600 : i32
    %add3A_192 = vector.broadcast %add3A_191 : i32 to vector<16xi32>
    %add3A_193 = arith.addi %add3A_192, %mul3A_190 : vector<16xi32>
    %sub3A_194 = arith.constant 1 : i32
    %sub3A_195 = vector.broadcast %sub3A_194 : i32 to vector<16xi32>
    %sub3A_196 = arith.subi %sub3A_195, %sub3A_163 : vector<16xi32>
    %mul3A_197 = arith.muli %add3A_184, %sub3A_196 : vector<16xi32>
    %mul3A_198 = arith.muli %add3A_193, %sub3A_163 : vector<16xi32>
    %add3A_199 = arith.addi %mul3A_197, %mul3A_198 : vector<16xi32>
    %swap3A_200 = arith.constant 32 : index
    %swap3A_201 = tpu.vector_load %arg12[%swap3A_200] {strides = array<i32>} : memref<416xi32, #tpu.memory_space<vmem>>, vector<16xi32>,
    tpu.vector_store %arg12[%swap3A_200], %add3A_199 {strides = array<i32>} : memref<416xi32, #tpu.memory_space<vmem>>, vector<16xi32>,
    %add3A_202 = arith.constant 48 : i32
    %add3A_203 = vector.broadcast %add3A_202 : i32 to vector<16xi32>
    %add3A_204 = arith.addi %iota3A, %add3A_203 : vector<16xi32>
    %swap3A_205 = arith.constant 48 : index
    %swap3A_206 = tpu.vector_load %arg11[%swap3A_205] {strides = array<i32>} : memref<416xi32, #tpu.memory_space<vmem>>, vector<16xi32>,
    tpu.vector_store %arg11[%swap3A_205], %add3A_204 {strides = array<i32>} : memref<416xi32, #tpu.memory_space<vmem>>, vector<16xi32>,
    %sub3A_207 = arith.constant 208 : i32
    %sub3A_208 = vector.broadcast %sub3A_207 : i32 to vector<16xi32>
    %sub3A_209 = arith.subi %add3A_204, %sub3A_208 : vector<16xi32>
    %shift_right_logical3A_210 = arith.constant 31 : i32
    %shift_right_logical3A_211 = vector.broadcast %shift_right_logical3A_210 : i32 to vector<16xi32>
    %shift_right_logical3A_212 = arith.shrui %sub3A_209, %shift_right_logical3A_211 : vector<16xi32>
    %sub3A_213 = arith.constant 1 : i32
    %sub3A_214 = vector.broadcast %sub3A_213 : i32 to vector<16xi32>
    %sub3A_215 = arith.subi %sub3A_214, %shift_right_logical3A_212 : vector<16xi32>
    %mul3A_216 = arith.constant 208 : i32
    %mul3A_217 = vector.broadcast %mul3A_216 : i32 to vector<16xi32>
    %mul3A_218 = arith.muli %sub3A_215, %mul3A_217 : vector<16xi32>
    %sub3A_219 = arith.subi %add3A_204, %mul3A_218 : vector<16xi32>
    %sub3A_220 = arith.constant 200 : i32
    %sub3A_221 = vector.broadcast %sub3A_220 : i32 to vector<16xi32>
    %sub3A_222 = arith.subi %sub3A_219, %sub3A_221 : vector<16xi32>
    %shift_right_logical3A_223 = arith.constant 31 : i32
    %shift_right_logical3A_224 = vector.broadcast %shift_right_logical3A_223 : i32 to vector<16xi32>
    %shift_right_logical3A_225 = arith.shrui %sub3A_222, %shift_right_logical3A_224 : vector<16xi32>
    %sub3A_226 = arith.constant 1 : i32
    %sub3A_227 = vector.broadcast %sub3A_226 : i32 to vector<16xi32>
    %sub3A_228 = arith.subi %sub3A_227, %shift_right_logical3A_225 : vector<16xi32>
    %mul3A_229 = arith.constant 41944 : i32
    %mul3A_230 = vector.broadcast %mul3A_229 : i32 to vector<16xi32>
    %mul3A_231 = arith.muli %sub3A_219, %mul3A_230 : vector<16xi32>
    %shift_right_logical3A_232 = arith.constant 21 : i32
    %shift_right_logical3A_233 = vector.broadcast %shift_right_logical3A_232 : i32 to vector<16xi32>
    %shift_right_logical3A_234 = arith.shrui %mul3A_231, %shift_right_logical3A_233 : vector<16xi32>
    %mul3A_235 = arith.constant 50 : i32
    %mul3A_236 = vector.broadcast %mul3A_235 : i32 to vector<16xi32>
    %mul3A_237 = arith.muli %shift_right_logical3A_234, %mul3A_236 : vector<16xi32>
    %sub3A_238 = arith.subi %sub3A_219, %mul3A_237 : vector<16xi32>
    %mul3A_239 = arith.constant 6400 : i32
    %mul3A_240 = vector.broadcast %mul3A_239 : i32 to vector<16xi32>
    %mul3A_241 = arith.muli %shift_right_logical3A_234, %mul3A_240 : vector<16xi32>
    %mul3A_242 = arith.constant 3200 : i32
    %mul3A_243 = vector.broadcast %mul3A_242 : i32 to vector<16xi32>
    %mul3A_244 = arith.muli %sub3A_215, %mul3A_243 : vector<16xi32>
    %add3A_245 = arith.addi %mul3A_241, %mul3A_244 : vector<16xi32>
    %mul3A_246 = arith.constant 64 : i32
    %mul3A_247 = vector.broadcast %mul3A_246 : i32 to vector<16xi32>
    %mul3A_248 = arith.muli %sub3A_238, %mul3A_247 : vector<16xi32>
    %add3A_249 = arith.addi %add3A_245, %mul3A_248 : vector<16xi32>
    %sub3A_250 = arith.constant 200 : i32
    %sub3A_251 = vector.broadcast %sub3A_250 : i32 to vector<16xi32>
    %sub3A_252 = arith.subi %sub3A_219, %sub3A_251 : vector<16xi32>
    %mul3A_253 = arith.constant 64 : i32
    %mul3A_254 = vector.broadcast %mul3A_253 : i32 to vector<16xi32>
    %mul3A_255 = arith.muli %sub3A_252, %mul3A_254 : vector<16xi32>
    %add3A_256 = arith.constant 25600 : i32
    %add3A_257 = vector.broadcast %add3A_256 : i32 to vector<16xi32>
    %add3A_258 = arith.addi %add3A_257, %mul3A_255 : vector<16xi32>
    %sub3A_259 = arith.constant 1 : i32
    %sub3A_260 = vector.broadcast %sub3A_259 : i32 to vector<16xi32>
    %sub3A_261 = arith.subi %sub3A_260, %sub3A_228 : vector<16xi32>
    %mul3A_262 = arith.muli %add3A_249, %sub3A_261 : vector<16xi32>
    %mul3A_263 = arith.muli %add3A_258, %sub3A_228 : vector<16xi32>
    %add3A_264 = arith.addi %mul3A_262, %mul3A_263 : vector<16xi32>
    %swap3A_265 = arith.constant 48 : index
    %swap3A_266 = tpu.vector_load %arg12[%swap3A_265] {strides = array<i32>} : memref<416xi32, #tpu.memory_space<vmem>>, vector<16xi32>,
    tpu.vector_store %arg12[%swap3A_265], %add3A_264 {strides = array<i32>} : memref<416xi32, #tpu.memory_space<vmem>>, vector<16xi32>,
    %add3A_267 = arith.constant 64 : i32
    %add3A_268 = vector.broadcast %add3A_267 : i32 to vector<16xi32>
    %add3A_269 = arith.addi %iota3A, %add3A_268 : vector<16xi32>
    %swap3A_270 = arith.constant 64 : index
    %swap3A_271 = tpu.vector_load %arg11[%swap3A_270] {strides = array<i32>} : memref<416xi32, #tpu.memory_space<vmem>>, vector<16xi32>,
    tpu.vector_store %arg11[%swap3A_270], %add3A_269 {strides = array<i32>} : memref<416xi32, #tpu.memory_space<vmem>>, vector<16xi32>,
    %sub3A_272 = arith.constant 208 : i32
    %sub3A_273 = vector.broadcast %sub3A_272 : i32 to vector<16xi32>
    %sub3A_274 = arith.subi %add3A_269, %sub3A_273 : vector<16xi32>
    %shift_right_logical3A_275 = arith.constant 31 : i32
    %shift_right_logical3A_276 = vector.broadcast %shift_right_logical3A_275 : i32 to vector<16xi32>
    %shift_right_logical3A_277 = arith.shrui %sub3A_274, %shift_right_logical3A_276 : vector<16xi32>
    %sub3A_278 = arith.constant 1 : i32
    %sub3A_279 = vector.broadcast %sub3A_278 : i32 to vector<16xi32>
    %sub3A_280 = arith.subi %sub3A_279, %shift_right_logical3A_277 : vector<16xi32>
    %mul3A_281 = arith.constant 208 : i32
    %mul3A_282 = vector.broadcast %mul3A_281 : i32 to vector<16xi32>
    %mul3A_283 = arith.muli %sub3A_280, %mul3A_282 : vector<16xi32>
    %sub3A_284 = arith.subi %add3A_269, %mul3A_283 : vector<16xi32>
    %sub3A_285 = arith.constant 200 : i32
    %sub3A_286 = vector.broadcast %sub3A_285 : i32 to vector<16xi32>
    %sub3A_287 = arith.subi %sub3A_284, %sub3A_286 : vector<16xi32>
    %shift_right_logical3A_288 = arith.constant 31 : i32
    %shift_right_logical3A_289 = vector.broadcast %shift_right_logical3A_288 : i32 to vector<16xi32>
    %shift_right_logical3A_290 = arith.shrui %sub3A_287, %shift_right_logical3A_289 : vector<16xi32>
    %sub3A_291 = arith.constant 1 : i32
    %sub3A_292 = vector.broadcast %sub3A_291 : i32 to vector<16xi32>
    %sub3A_293 = arith.subi %sub3A_292, %shift_right_logical3A_290 : vector<16xi32>
    %mul3A_294 = arith.constant 41944 : i32
    %mul3A_295 = vector.broadcast %mul3A_294 : i32 to vector<16xi32>
    %mul3A_296 = arith.muli %sub3A_284, %mul3A_295 : vector<16xi32>
    %shift_right_logical3A_297 = arith.constant 21 : i32
    %shift_right_logical3A_298 = vector.broadcast %shift_right_logical3A_297 : i32 to vector<16xi32>
    %shift_right_logical3A_299 = arith.shrui %mul3A_296, %shift_right_logical3A_298 : vector<16xi32>
    %mul3A_300 = arith.constant 50 : i32
    %mul3A_301 = vector.broadcast %mul3A_300 : i32 to vector<16xi32>
    %mul3A_302 = arith.muli %shift_right_logical3A_299, %mul3A_301 : vector<16xi32>
    %sub3A_303 = arith.subi %sub3A_284, %mul3A_302 : vector<16xi32>
    %mul3A_304 = arith.constant 6400 : i32
    %mul3A_305 = vector.broadcast %mul3A_304 : i32 to vector<16xi32>
    %mul3A_306 = arith.muli %shift_right_logical3A_299, %mul3A_305 : vector<16xi32>
    %mul3A_307 = arith.constant 3200 : i32
    %mul3A_308 = vector.broadcast %mul3A_307 : i32 to vector<16xi32>
    %mul3A_309 = arith.muli %sub3A_280, %mul3A_308 : vector<16xi32>
    %add3A_310 = arith.addi %mul3A_306, %mul3A_309 : vector<16xi32>
    %mul3A_311 = arith.constant 64 : i32
    %mul3A_312 = vector.broadcast %mul3A_311 : i32 to vector<16xi32>
    %mul3A_313 = arith.muli %sub3A_303, %mul3A_312 : vector<16xi32>
    %add3A_314 = arith.addi %add3A_310, %mul3A_313 : vector<16xi32>
    %sub3A_315 = arith.constant 200 : i32
    %sub3A_316 = vector.broadcast %sub3A_315 : i32 to vector<16xi32>
    %sub3A_317 = arith.subi %sub3A_284, %sub3A_316 : vector<16xi32>
    %mul3A_318 = arith.constant 64 : i32
    %mul3A_319 = vector.broadcast %mul3A_318 : i32 to vector<16xi32>
    %mul3A_320 = arith.muli %sub3A_317, %mul3A_319 : vector<16xi32>
    %add3A_321 = arith.constant 25600 : i32
    %add3A_322 = vector.broadcast %add3A_321 : i32 to vector<16xi32>
    %add3A_323 = arith.addi %add3A_322, %mul3A_320 : vector<16xi32>
    %sub3A_324 = arith.constant 1 : i32
    %sub3A_325 = vector.broadcast %sub3A_324 : i32 to vector<16xi32>
    %sub3A_326 = arith.subi %sub3A_325, %sub3A_293 : vector<16xi32>
    %mul3A_327 = arith.muli %add3A_314, %sub3A_326 : vector<16xi32>
    %mul3A_328 = arith.muli %add3A_323, %sub3A_293 : vector<16xi32>
    %add3A_329 = arith.addi %mul3A_327, %mul3A_328 : vector<16xi32>
    %swap3A_330 = arith.constant 64 : index
    %swap3A_331 = tpu.vector_load %arg12[%swap3A_330] {strides = array<i32>} : memref<416xi32, #tpu.memory_space<vmem>>, vector<16xi32>,
    tpu.vector_store %arg12[%swap3A_330], %add3A_329 {strides = array<i32>} : memref<416xi32, #tpu.memory_space<vmem>>, vector<16xi32>,
    %add3A_332 = arith.constant 80 : i32
    %add3A_333 = vector.broadcast %add3A_332 : i32 to vector<16xi32>
    %add3A_334 = arith.addi %iota3A, %add3A_333 : vector<16xi32>
    %swap3A_335 = arith.constant 80 : index
    %swap3A_336 = tpu.vector_load %arg11[%swap3A_335] {strides = array<i32>} : memref<416xi32, #tpu.memory_space<vmem>>, vector<16xi32>,
    tpu.vector_store %arg11[%swap3A_335], %add3A_334 {strides = array<i32>} : memref<416xi32, #tpu.memory_space<vmem>>, vector<16xi32>,
    %sub3A_337 = arith.constant 208 : i32
    %sub3A_338 = vector.broadcast %sub3A_337 : i32 to vector<16xi32>
    %sub3A_339 = arith.subi %add3A_334, %sub3A_338 : vector<16xi32>
    %shift_right_logical3A_340 = arith.constant 31 : i32
    %shift_right_logical3A_341 = vector.broadcast %shift_right_logical3A_340 : i32 to vector<16xi32>
    %shift_right_logical3A_342 = arith.shrui %sub3A_339, %shift_right_logical3A_341 : vector<16xi32>
    %sub3A_343 = arith.constant 1 : i32
    %sub3A_344 = vector.broadcast %sub3A_343 : i32 to vector<16xi32>
    %sub3A_345 = arith.subi %sub3A_344, %shift_right_logical3A_342 : vector<16xi32>
    %mul3A_346 = arith.constant 208 : i32
    %mul3A_347 = vector.broadcast %mul3A_346 : i32 to vector<16xi32>
    %mul3A_348 = arith.muli %sub3A_345, %mul3A_347 : vector<16xi32>
    %sub3A_349 = arith.subi %add3A_334, %mul3A_348 : vector<16xi32>
    %sub3A_350 = arith.constant 200 : i32
    %sub3A_351 = vector.broadcast %sub3A_350 : i32 to vector<16xi32>
    %sub3A_352 = arith.subi %sub3A_349, %sub3A_351 : vector<16xi32>
    %shift_right_logical3A_353 = arith.constant 31 : i32
    %shift_right_logical3A_354 = vector.broadcast %shift_right_logical3A_353 : i32 to vector<16xi32>
    %shift_right_logical3A_355 = arith.shrui %sub3A_352, %shift_right_logical3A_354 : vector<16xi32>
    %sub3A_356 = arith.constant 1 : i32
    %sub3A_357 = vector.broadcast %sub3A_356 : i32 to vector<16xi32>
    %sub3A_358 = arith.subi %sub3A_357, %shift_right_logical3A_355 : vector<16xi32>
    %mul3A_359 = arith.constant 41944 : i32
    %mul3A_360 = vector.broadcast %mul3A_359 : i32 to vector<16xi32>
    %mul3A_361 = arith.muli %sub3A_349, %mul3A_360 : vector<16xi32>
    %shift_right_logical3A_362 = arith.constant 21 : i32
    %shift_right_logical3A_363 = vector.broadcast %shift_right_logical3A_362 : i32 to vector<16xi32>
    %shift_right_logical3A_364 = arith.shrui %mul3A_361, %shift_right_logical3A_363 : vector<16xi32>
    %mul3A_365 = arith.constant 50 : i32
    %mul3A_366 = vector.broadcast %mul3A_365 : i32 to vector<16xi32>
    %mul3A_367 = arith.muli %shift_right_logical3A_364, %mul3A_366 : vector<16xi32>
    %sub3A_368 = arith.subi %sub3A_349, %mul3A_367 : vector<16xi32>
    %mul3A_369 = arith.constant 6400 : i32
    %mul3A_370 = vector.broadcast %mul3A_369 : i32 to vector<16xi32>
    %mul3A_371 = arith.muli %shift_right_logical3A_364, %mul3A_370 : vector<16xi32>
    %mul3A_372 = arith.constant 3200 : i32
    %mul3A_373 = vector.broadcast %mul3A_372 : i32 to vector<16xi32>
    %mul3A_374 = arith.muli %sub3A_345, %mul3A_373 : vector<16xi32>
    %add3A_375 = arith.addi %mul3A_371, %mul3A_374 : vector<16xi32>
    %mul3A_376 = arith.constant 64 : i32
    %mul3A_377 = vector.broadcast %mul3A_376 : i32 to vector<16xi32>
    %mul3A_378 = arith.muli %sub3A_368, %mul3A_377 : vector<16xi32>
    %add3A_379 = arith.addi %add3A_375, %mul3A_378 : vector<16xi32>
    %sub3A_380 = arith.constant 200 : i32
    %sub3A_381 = vector.broadcast %sub3A_380 : i32 to vector<16xi32>
    %sub3A_382 = arith.subi %sub3A_349, %sub3A_381 : vector<16xi32>
    %mul3A_383 = arith.constant 64 : i32
    %mul3A_384 = vector.broadcast %mul3A_383 : i32 to vector<16xi32>
    %mul3A_385 = arith.muli %sub3A_382, %mul3A_384 : vector<16xi32>
    %add3A_386 = arith.constant 25600 : i32
    %add3A_387 = vector.broadcast %add3A_386 : i32 to vector<16xi32>
    %add3A_388 = arith.addi %add3A_387, %mul3A_385 : vector<16xi32>
    %sub3A_389 = arith.constant 1 : i32
    %sub3A_390 = vector.broadcast %sub3A_389 : i32 to vector<16xi32>
    %sub3A_391 = arith.subi %sub3A_390, %sub3A_358 : vector<16xi32>
    %mul3A_392 = arith.muli %add3A_379, %sub3A_391 : vector<16xi32>
    %mul3A_393 = arith.muli %add3A_388, %sub3A_358 : vector<16xi32>
    %add3A_394 = arith.addi %mul3A_392, %mul3A_393 : vector<16xi32>
    %swap3A_395 = arith.constant 80 : index
    %swap3A_396 = tpu.vector_load %arg12[%swap3A_395] {strides = array<i32>} : memref<416xi32, #tpu.memory_space<vmem>>, vector<16xi32>,
    tpu.vector_store %arg12[%swap3A_395], %add3A_394 {strides = array<i32>} : memref<416xi32, #tpu.memory_space<vmem>>, vector<16xi32>,
    %add3A_397 = arith.constant 96 : i32
    %add3A_398 = vector.broadcast %add3A_397 : i32 to vector<16xi32>
    %add3A_399 = arith.addi %iota3A, %add3A_398 : vector<16xi32>
    %swap3A_400 = arith.constant 96 : index
    %swap3A_401 = tpu.vector_load %arg11[%swap3A_400] {strides = array<i32>} : memref<416xi32, #tpu.memory_space<vmem>>, vector<16xi32>,
    tpu.vector_store %arg11[%swap3A_400], %add3A_399 {strides = array<i32>} : memref<416xi32, #tpu.memory_space<vmem>>, vector<16xi32>,
    %sub3A_402 = arith.constant 208 : i32
    %sub3A_403 = vector.broadcast %sub3A_402 : i32 to vector<16xi32>
    %sub3A_404 = arith.subi %add3A_399, %sub3A_403 : vector<16xi32>
    %shift_right_logical3A_405 = arith.constant 31 : i32
    %shift_right_logical3A_406 = vector.broadcast %shift_right_logical3A_405 : i32 to vector<16xi32>
    %shift_right_logical3A_407 = arith.shrui %sub3A_404, %shift_right_logical3A_406 : vector<16xi32>
    %sub3A_408 = arith.constant 1 : i32
    %sub3A_409 = vector.broadcast %sub3A_408 : i32 to vector<16xi32>
    %sub3A_410 = arith.subi %sub3A_409, %shift_right_logical3A_407 : vector<16xi32>
    %mul3A_411 = arith.constant 208 : i32
    %mul3A_412 = vector.broadcast %mul3A_411 : i32 to vector<16xi32>
    %mul3A_413 = arith.muli %sub3A_410, %mul3A_412 : vector<16xi32>
    %sub3A_414 = arith.subi %add3A_399, %mul3A_413 : vector<16xi32>
    %sub3A_415 = arith.constant 200 : i32
    %sub3A_416 = vector.broadcast %sub3A_415 : i32 to vector<16xi32>
    %sub3A_417 = arith.subi %sub3A_414, %sub3A_416 : vector<16xi32>
    %shift_right_logical3A_418 = arith.constant 31 : i32
    %shift_right_logical3A_419 = vector.broadcast %shift_right_logical3A_418 : i32 to vector<16xi32>
    %shift_right_logical3A_420 = arith.shrui %sub3A_417, %shift_right_logical3A_419 : vector<16xi32>
    %sub3A_421 = arith.constant 1 : i32
    %sub3A_422 = vector.broadcast %sub3A_421 : i32 to vector<16xi32>
    %sub3A_423 = arith.subi %sub3A_422, %shift_right_logical3A_420 : vector<16xi32>
    %mul3A_424 = arith.constant 41944 : i32
    %mul3A_425 = vector.broadcast %mul3A_424 : i32 to vector<16xi32>
    %mul3A_426 = arith.muli %sub3A_414, %mul3A_425 : vector<16xi32>
    %shift_right_logical3A_427 = arith.constant 21 : i32
    %shift_right_logical3A_428 = vector.broadcast %shift_right_logical3A_427 : i32 to vector<16xi32>
    %shift_right_logical3A_429 = arith.shrui %mul3A_426, %shift_right_logical3A_428 : vector<16xi32>
    %mul3A_430 = arith.constant 50 : i32
    %mul3A_431 = vector.broadcast %mul3A_430 : i32 to vector<16xi32>
    %mul3A_432 = arith.muli %shift_right_logical3A_429, %mul3A_431 : vector<16xi32>
    %sub3A_433 = arith.subi %sub3A_414, %mul3A_432 : vector<16xi32>
    %mul3A_434 = arith.constant 6400 : i32
    %mul3A_435 = vector.broadcast %mul3A_434 : i32 to vector<16xi32>
    %mul3A_436 = arith.muli %shift_right_logical3A_429, %mul3A_435 : vector<16xi32>
    %mul3A_437 = arith.constant 3200 : i32
    %mul3A_438 = vector.broadcast %mul3A_437 : i32 to vector<16xi32>
    %mul3A_439 = arith.muli %sub3A_410, %mul3A_438 : vector<16xi32>
    %add3A_440 = arith.addi %mul3A_436, %mul3A_439 : vector<16xi32>
    %mul3A_441 = arith.constant 64 : i32
    %mul3A_442 = vector.broadcast %mul3A_441 : i32 to vector<16xi32>
    %mul3A_443 = arith.muli %sub3A_433, %mul3A_442 : vector<16xi32>
    %add3A_444 = arith.addi %add3A_440, %mul3A_443 : vector<16xi32>
    %sub3A_445 = arith.constant 200 : i32
    %sub3A_446 = vector.broadcast %sub3A_445 : i32 to vector<16xi32>
    %sub3A_447 = arith.subi %sub3A_414, %sub3A_446 : vector<16xi32>
    %mul3A_448 = arith.constant 64 : i32
    %mul3A_449 = vector.broadcast %mul3A_448 : i32 to vector<16xi32>
    %mul3A_450 = arith.muli %sub3A_447, %mul3A_449 : vector<16xi32>
    %add3A_451 = arith.constant 25600 : i32
    %add3A_452 = vector.broadcast %add3A_451 : i32 to vector<16xi32>
    %add3A_453 = arith.addi %add3A_452, %mul3A_450 : vector<16xi32>
    %sub3A_454 = arith.constant 1 : i32
    %sub3A_455 = vector.broadcast %sub3A_454 : i32 to vector<16xi32>
    %sub3A_456 = arith.subi %sub3A_455, %sub3A_423 : vector<16xi32>
    %mul3A_457 = arith.muli %add3A_444, %sub3A_456 : vector<16xi32>
    %mul3A_458 = arith.muli %add3A_453, %sub3A_423 : vector<16xi32>
    %add3A_459 = arith.addi %mul3A_457, %mul3A_458 : vector<16xi32>
    %swap3A_460 = arith.constant 96 : index
    %swap3A_461 = tpu.vector_load %arg12[%swap3A_460] {strides = array<i32>} : memref<416xi32, #tpu.memory_space<vmem>>, vector<16xi32>,
    tpu.vector_store %arg12[%swap3A_460], %add3A_459 {strides = array<i32>} : memref<416xi32, #tpu.memory_space<vmem>>, vector<16xi32>,
    %add3A_462 = arith.constant 112 : i32
    %add3A_463 = vector.broadcast %add3A_462 : i32 to vector<16xi32>
    %add3A_464 = arith.addi %iota3A, %add3A_463 : vector<16xi32>
    %swap3A_465 = arith.constant 112 : index
    %swap3A_466 = tpu.vector_load %arg11[%swap3A_465] {strides = array<i32>} : memref<416xi32, #tpu.memory_space<vmem>>, vector<16xi32>,
    tpu.vector_store %arg11[%swap3A_465], %add3A_464 {strides = array<i32>} : memref<416xi32, #tpu.memory_space<vmem>>, vector<16xi32>,
    %sub3A_467 = arith.constant 208 : i32
    %sub3A_468 = vector.broadcast %sub3A_467 : i32 to vector<16xi32>
    %sub3A_469 = arith.subi %add3A_464, %sub3A_468 : vector<16xi32>
    %shift_right_logical3A_470 = arith.constant 31 : i32
    %shift_right_logical3A_471 = vector.broadcast %shift_right_logical3A_470 : i32 to vector<16xi32>
    %shift_right_logical3A_472 = arith.shrui %sub3A_469, %shift_right_logical3A_471 : vector<16xi32>
    %sub3A_473 = arith.constant 1 : i32
    %sub3A_474 = vector.broadcast %sub3A_473 : i32 to vector<16xi32>
    %sub3A_475 = arith.subi %sub3A_474, %shift_right_logical3A_472 : vector<16xi32>
    %mul3A_476 = arith.constant 208 : i32
    %mul3A_477 = vector.broadcast %mul3A_476 : i32 to vector<16xi32>
    %mul3A_478 = arith.muli %sub3A_475, %mul3A_477 : vector<16xi32>
    %sub3A_479 = arith.subi %add3A_464, %mul3A_478 : vector<16xi32>
    %sub3A_480 = arith.constant 200 : i32
    %sub3A_481 = vector.broadcast %sub3A_480 : i32 to vector<16xi32>
    %sub3A_482 = arith.subi %sub3A_479, %sub3A_481 : vector<16xi32>
    %shift_right_logical3A_483 = arith.constant 31 : i32
    %shift_right_logical3A_484 = vector.broadcast %shift_right_logical3A_483 : i32 to vector<16xi32>
    %shift_right_logical3A_485 = arith.shrui %sub3A_482, %shift_right_logical3A_484 : vector<16xi32>
    %sub3A_486 = arith.constant 1 : i32
    %sub3A_487 = vector.broadcast %sub3A_486 : i32 to vector<16xi32>
    %sub3A_488 = arith.subi %sub3A_487, %shift_right_logical3A_485 : vector<16xi32>
    %mul3A_489 = arith.constant 41944 : i32
    %mul3A_490 = vector.broadcast %mul3A_489 : i32 to vector<16xi32>
    %mul3A_491 = arith.muli %sub3A_479, %mul3A_490 : vector<16xi32>
    %shift_right_logical3A_492 = arith.constant 21 : i32
    %shift_right_logical3A_493 = vector.broadcast %shift_right_logical3A_492 : i32 to vector<16xi32>
    %shift_right_logical3A_494 = arith.shrui %mul3A_491, %shift_right_logical3A_493 : vector<16xi32>
    %mul3A_495 = arith.constant 50 : i32
    %mul3A_496 = vector.broadcast %mul3A_495 : i32 to vector<16xi32>
    %mul3A_497 = arith.muli %shift_right_logical3A_494, %mul3A_496 : vector<16xi32>
    %sub3A_498 = arith.subi %sub3A_479, %mul3A_497 : vector<16xi32>
    %mul3A_499 = arith.constant 6400 : i32
    %mul3A_500 = vector.broadcast %mul3A_499 : i32 to vector<16xi32>
    %mul3A_501 = arith.muli %shift_right_logical3A_494, %mul3A_500 : vector<16xi32>
    %mul3A_502 = arith.constant 3200 : i32
    %mul3A_503 = vector.broadcast %mul3A_502 : i32 to vector<16xi32>
    %mul3A_504 = arith.muli %sub3A_475, %mul3A_503 : vector<16xi32>
    %add3A_505 = arith.addi %mul3A_501, %mul3A_504 : vector<16xi32>
    %mul3A_506 = arith.constant 64 : i32
    %mul3A_507 = vector.broadcast %mul3A_506 : i32 to vector<16xi32>
    %mul3A_508 = arith.muli %sub3A_498, %mul3A_507 : vector<16xi32>
    %add3A_509 = arith.addi %add3A_505, %mul3A_508 : vector<16xi32>
    %sub3A_510 = arith.constant 200 : i32
    %sub3A_511 = vector.broadcast %sub3A_510 : i32 to vector<16xi32>
    %sub3A_512 = arith.subi %sub3A_479, %sub3A_511 : vector<16xi32>
    %mul3A_513 = arith.constant 64 : i32
    %mul3A_514 = vector.broadcast %mul3A_513 : i32 to vector<16xi32>
    %mul3A_515 = arith.muli %sub3A_512, %mul3A_514 : vector<16xi32>
    %add3A_516 = arith.constant 25600 : i32
    %add3A_517 = vector.broadcast %add3A_516 : i32 to vector<16xi32>
    %add3A_518 = arith.addi %add3A_517, %mul3A_515 : vector<16xi32>
    %sub3A_519 = arith.constant 1 : i32
    %sub3A_520 = vector.broadcast %sub3A_519 : i32 to vector<16xi32>
    %sub3A_521 = arith.subi %sub3A_520, %sub3A_488 : vector<16xi32>
    %mul3A_522 = arith.muli %add3A_509, %sub3A_521 : vector<16xi32>
    %mul3A_523 = arith.muli %add3A_518, %sub3A_488 : vector<16xi32>
    %add3A_524 = arith.addi %mul3A_522, %mul3A_523 : vector<16xi32>
    %swap3A_525 = arith.constant 112 : index
    %swap3A_526 = tpu.vector_load %arg12[%swap3A_525] {strides = array<i32>} : memref<416xi32, #tpu.memory_space<vmem>>, vector<16xi32>,
    tpu.vector_store %arg12[%swap3A_525], %add3A_524 {strides = array<i32>} : memref<416xi32, #tpu.memory_space<vmem>>, vector<16xi32>,
    %add3A_527 = arith.constant 128 : i32
    %add3A_528 = vector.broadcast %add3A_527 : i32 to vector<16xi32>
    %add3A_529 = arith.addi %iota3A, %add3A_528 : vector<16xi32>
    %swap3A_530 = arith.constant 128 : index
    %swap3A_531 = tpu.vector_load %arg11[%swap3A_530] {strides = array<i32>} : memref<416xi32, #tpu.memory_space<vmem>>, vector<16xi32>,
    tpu.vector_store %arg11[%swap3A_530], %add3A_529 {strides = array<i32>} : memref<416xi32, #tpu.memory_space<vmem>>, vector<16xi32>,
    %sub3A_532 = arith.constant 208 : i32
    %sub3A_533 = vector.broadcast %sub3A_532 : i32 to vector<16xi32>
    %sub3A_534 = arith.subi %add3A_529, %sub3A_533 : vector<16xi32>
    %shift_right_logical3A_535 = arith.constant 31 : i32
    %shift_right_logical3A_536 = vector.broadcast %shift_right_logical3A_535 : i32 to vector<16xi32>
    %shift_right_logical3A_537 = arith.shrui %sub3A_534, %shift_right_logical3A_536 : vector<16xi32>
    %sub3A_538 = arith.constant 1 : i32
    %sub3A_539 = vector.broadcast %sub3A_538 : i32 to vector<16xi32>
    %sub3A_540 = arith.subi %sub3A_539, %shift_right_logical3A_537 : vector<16xi32>
    %mul3A_541 = arith.constant 208 : i32
    %mul3A_542 = vector.broadcast %mul3A_541 : i32 to vector<16xi32>
    %mul3A_543 = arith.muli %sub3A_540, %mul3A_542 : vector<16xi32>
    %sub3A_544 = arith.subi %add3A_529, %mul3A_543 : vector<16xi32>
    %sub3A_545 = arith.constant 200 : i32
    %sub3A_546 = vector.broadcast %sub3A_545 : i32 to vector<16xi32>
    %sub3A_547 = arith.subi %sub3A_544, %sub3A_546 : vector<16xi32>
    %shift_right_logical3A_548 = arith.constant 31 : i32
    %shift_right_logical3A_549 = vector.broadcast %shift_right_logical3A_548 : i32 to vector<16xi32>
    %shift_right_logical3A_550 = arith.shrui %sub3A_547, %shift_right_logical3A_549 : vector<16xi32>
    %sub3A_551 = arith.constant 1 : i32
    %sub3A_552 = vector.broadcast %sub3A_551 : i32 to vector<16xi32>
    %sub3A_553 = arith.subi %sub3A_552, %shift_right_logical3A_550 : vector<16xi32>
    %mul3A_554 = arith.constant 41944 : i32
    %mul3A_555 = vector.broadcast %mul3A_554 : i32 to vector<16xi32>
    %mul3A_556 = arith.muli %sub3A_544, %mul3A_555 : vector<16xi32>
    %shift_right_logical3A_557 = arith.constant 21 : i32
    %shift_right_logical3A_558 = vector.broadcast %shift_right_logical3A_557 : i32 to vector<16xi32>
    %shift_right_logical3A_559 = arith.shrui %mul3A_556, %shift_right_logical3A_558 : vector<16xi32>
    %mul3A_560 = arith.constant 50 : i32
    %mul3A_561 = vector.broadcast %mul3A_560 : i32 to vector<16xi32>
    %mul3A_562 = arith.muli %shift_right_logical3A_559, %mul3A_561 : vector<16xi32>
    %sub3A_563 = arith.subi %sub3A_544, %mul3A_562 : vector<16xi32>
    %mul3A_564 = arith.constant 6400 : i32
    %mul3A_565 = vector.broadcast %mul3A_564 : i32 to vector<16xi32>
    %mul3A_566 = arith.muli %shift_right_logical3A_559, %mul3A_565 : vector<16xi32>
    %mul3A_567 = arith.constant 3200 : i32
    %mul3A_568 = vector.broadcast %mul3A_567 : i32 to vector<16xi32>
    %mul3A_569 = arith.muli %sub3A_540, %mul3A_568 : vector<16xi32>
    %add3A_570 = arith.addi %mul3A_566, %mul3A_569 : vector<16xi32>
    %mul3A_571 = arith.constant 64 : i32
    %mul3A_572 = vector.broadcast %mul3A_571 : i32 to vector<16xi32>
    %mul3A_573 = arith.muli %sub3A_563, %mul3A_572 : vector<16xi32>
    %add3A_574 = arith.addi %add3A_570, %mul3A_573 : vector<16xi32>
    %sub3A_575 = arith.constant 200 : i32
    %sub3A_576 = vector.broadcast %sub3A_575 : i32 to vector<16xi32>
    %sub3A_577 = arith.subi %sub3A_544, %sub3A_576 : vector<16xi32>
    %mul3A_578 = arith.constant 64 : i32
    %mul3A_579 = vector.broadcast %mul3A_578 : i32 to vector<16xi32>
    %mul3A_580 = arith.muli %sub3A_577, %mul3A_579 : vector<16xi32>
    %add3A_581 = arith.constant 25600 : i32
    %add3A_582 = vector.broadcast %add3A_581 : i32 to vector<16xi32>
    %add3A_583 = arith.addi %add3A_582, %mul3A_580 : vector<16xi32>
    %sub3A_584 = arith.constant 1 : i32
    %sub3A_585 = vector.broadcast %sub3A_584 : i32 to vector<16xi32>
    %sub3A_586 = arith.subi %sub3A_585, %sub3A_553 : vector<16xi32>
    %mul3A_587 = arith.muli %add3A_574, %sub3A_586 : vector<16xi32>
    %mul3A_588 = arith.muli %add3A_583, %sub3A_553 : vector<16xi32>
    %add3A_589 = arith.addi %mul3A_587, %mul3A_588 : vector<16xi32>
    %swap3A_590 = arith.constant 128 : index
    %swap3A_591 = tpu.vector_load %arg12[%swap3A_590] {strides = array<i32>} : memref<416xi32, #tpu.memory_space<vmem>>, vector<16xi32>,
    tpu.vector_store %arg12[%swap3A_590], %add3A_589 {strides = array<i32>} : memref<416xi32, #tpu.memory_space<vmem>>, vector<16xi32>,
    %add3A_592 = arith.constant 144 : i32
    %add3A_593 = vector.broadcast %add3A_592 : i32 to vector<16xi32>
    %add3A_594 = arith.addi %iota3A, %add3A_593 : vector<16xi32>
    %swap3A_595 = arith.constant 144 : index
    %swap3A_596 = tpu.vector_load %arg11[%swap3A_595] {strides = array<i32>} : memref<416xi32, #tpu.memory_space<vmem>>, vector<16xi32>,
    tpu.vector_store %arg11[%swap3A_595], %add3A_594 {strides = array<i32>} : memref<416xi32, #tpu.memory_space<vmem>>, vector<16xi32>,
    %sub3A_597 = arith.constant 208 : i32
    %sub3A_598 = vector.broadcast %sub3A_597 : i32 to vector<16xi32>
    %sub3A_599 = arith.subi %add3A_594, %sub3A_598 : vector<16xi32>
    %shift_right_logical3A_600 = arith.constant 31 : i32
    %shift_right_logical3A_601 = vector.broadcast %shift_right_logical3A_600 : i32 to vector<16xi32>
    %shift_right_logical3A_602 = arith.shrui %sub3A_599, %shift_right_logical3A_601 : vector<16xi32>
    %sub3A_603 = arith.constant 1 : i32
    %sub3A_604 = vector.broadcast %sub3A_603 : i32 to vector<16xi32>
    %sub3A_605 = arith.subi %sub3A_604, %shift_right_logical3A_602 : vector<16xi32>
    %mul3A_606 = arith.constant 208 : i32
    %mul3A_607 = vector.broadcast %mul3A_606 : i32 to vector<16xi32>
    %mul3A_608 = arith.muli %sub3A_605, %mul3A_607 : vector<16xi32>
    %sub3A_609 = arith.subi %add3A_594, %mul3A_608 : vector<16xi32>
    %sub3A_610 = arith.constant 200 : i32
    %sub3A_611 = vector.broadcast %sub3A_610 : i32 to vector<16xi32>
    %sub3A_612 = arith.subi %sub3A_609, %sub3A_611 : vector<16xi32>
    %shift_right_logical3A_613 = arith.constant 31 : i32
    %shift_right_logical3A_614 = vector.broadcast %shift_right_logical3A_613 : i32 to vector<16xi32>
    %shift_right_logical3A_615 = arith.shrui %sub3A_612, %shift_right_logical3A_614 : vector<16xi32>
    %sub3A_616 = arith.constant 1 : i32
    %sub3A_617 = vector.broadcast %sub3A_616 : i32 to vector<16xi32>
    %sub3A_618 = arith.subi %sub3A_617, %shift_right_logical3A_615 : vector<16xi32>
    %mul3A_619 = arith.constant 41944 : i32
    %mul3A_620 = vector.broadcast %mul3A_619 : i32 to vector<16xi32>
    %mul3A_621 = arith.muli %sub3A_609, %mul3A_620 : vector<16xi32>
    %shift_right_logical3A_622 = arith.constant 21 : i32
    %shift_right_logical3A_623 = vector.broadcast %shift_right_logical3A_622 : i32 to vector<16xi32>
    %shift_right_logical3A_624 = arith.shrui %mul3A_621, %shift_right_logical3A_623 : vector<16xi32>
    %mul3A_625 = arith.constant 50 : i32
    %mul3A_626 = vector.broadcast %mul3A_625 : i32 to vector<16xi32>
    %mul3A_627 = arith.muli %shift_right_logical3A_624, %mul3A_626 : vector<16xi32>
    %sub3A_628 = arith.subi %sub3A_609, %mul3A_627 : vector<16xi32>
    %mul3A_629 = arith.constant 6400 : i32
    %mul3A_630 = vector.broadcast %mul3A_629 : i32 to vector<16xi32>
    %mul3A_631 = arith.muli %shift_right_logical3A_624, %mul3A_630 : vector<16xi32>
    %mul3A_632 = arith.constant 3200 : i32
    %mul3A_633 = vector.broadcast %mul3A_632 : i32 to vector<16xi32>
    %mul3A_634 = arith.muli %sub3A_605, %mul3A_633 : vector<16xi32>
    %add3A_635 = arith.addi %mul3A_631, %mul3A_634 : vector<16xi32>
    %mul3A_636 = arith.constant 64 : i32
    %mul3A_637 = vector.broadcast %mul3A_636 : i32 to vector<16xi32>
    %mul3A_638 = arith.muli %sub3A_628, %mul3A_637 : vector<16xi32>
    %add3A_639 = arith.addi %add3A_635, %mul3A_638 : vector<16xi32>
    %sub3A_640 = arith.constant 200 : i32
    %sub3A_641 = vector.broadcast %sub3A_640 : i32 to vector<16xi32>
    %sub3A_642 = arith.subi %sub3A_609, %sub3A_641 : vector<16xi32>
    %mul3A_643 = arith.constant 64 : i32
    %mul3A_644 = vector.broadcast %mul3A_643 : i32 to vector<16xi32>
    %mul3A_645 = arith.muli %sub3A_642, %mul3A_644 : vector<16xi32>
    %add3A_646 = arith.constant 25600 : i32
    %add3A_647 = vector.broadcast %add3A_646 : i32 to vector<16xi32>
    %add3A_648 = arith.addi %add3A_647, %mul3A_645 : vector<16xi32>
    %sub3A_649 = arith.constant 1 : i32
    %sub3A_650 = vector.broadcast %sub3A_649 : i32 to vector<16xi32>
    %sub3A_651 = arith.subi %sub3A_650, %sub3A_618 : vector<16xi32>
    %mul3A_652 = arith.muli %add3A_639, %sub3A_651 : vector<16xi32>
    %mul3A_653 = arith.muli %add3A_648, %sub3A_618 : vector<16xi32>
    %add3A_654 = arith.addi %mul3A_652, %mul3A_653 : vector<16xi32>
    %swap3A_655 = arith.constant 144 : index
    %swap3A_656 = tpu.vector_load %arg12[%swap3A_655] {strides = array<i32>} : memref<416xi32, #tpu.memory_space<vmem>>, vector<16xi32>,
    tpu.vector_store %arg12[%swap3A_655], %add3A_654 {strides = array<i32>} : memref<416xi32, #tpu.memory_space<vmem>>, vector<16xi32>,
    %add3A_657 = arith.constant 160 : i32
    %add3A_658 = vector.broadcast %add3A_657 : i32 to vector<16xi32>
    %add3A_659 = arith.addi %iota3A, %add3A_658 : vector<16xi32>
    %swap3A_660 = arith.constant 160 : index
    %swap3A_661 = tpu.vector_load %arg11[%swap3A_660] {strides = array<i32>} : memref<416xi32, #tpu.memory_space<vmem>>, vector<16xi32>,
    tpu.vector_store %arg11[%swap3A_660], %add3A_659 {strides = array<i32>} : memref<416xi32, #tpu.memory_space<vmem>>, vector<16xi32>,
    %sub3A_662 = arith.constant 208 : i32
    %sub3A_663 = vector.broadcast %sub3A_662 : i32 to vector<16xi32>
    %sub3A_664 = arith.subi %add3A_659, %sub3A_663 : vector<16xi32>
    %shift_right_logical3A_665 = arith.constant 31 : i32
    %shift_right_logical3A_666 = vector.broadcast %shift_right_logical3A_665 : i32 to vector<16xi32>
    %shift_right_logical3A_667 = arith.shrui %sub3A_664, %shift_right_logical3A_666 : vector<16xi32>
    %sub3A_668 = arith.constant 1 : i32
    %sub3A_669 = vector.broadcast %sub3A_668 : i32 to vector<16xi32>
    %sub3A_670 = arith.subi %sub3A_669, %shift_right_logical3A_667 : vector<16xi32>
    %mul3A_671 = arith.constant 208 : i32
    %mul3A_672 = vector.broadcast %mul3A_671 : i32 to vector<16xi32>
    %mul3A_673 = arith.muli %sub3A_670, %mul3A_672 : vector<16xi32>
    %sub3A_674 = arith.subi %add3A_659, %mul3A_673 : vector<16xi32>
    %sub3A_675 = arith.constant 200 : i32
    %sub3A_676 = vector.broadcast %sub3A_675 : i32 to vector<16xi32>
    %sub3A_677 = arith.subi %sub3A_674, %sub3A_676 : vector<16xi32>
    %shift_right_logical3A_678 = arith.constant 31 : i32
    %shift_right_logical3A_679 = vector.broadcast %shift_right_logical3A_678 : i32 to vector<16xi32>
    %shift_right_logical3A_680 = arith.shrui %sub3A_677, %shift_right_logical3A_679 : vector<16xi32>
    %sub3A_681 = arith.constant 1 : i32
    %sub3A_682 = vector.broadcast %sub3A_681 : i32 to vector<16xi32>
    %sub3A_683 = arith.subi %sub3A_682, %shift_right_logical3A_680 : vector<16xi32>
    %mul3A_684 = arith.constant 41944 : i32
    %mul3A_685 = vector.broadcast %mul3A_684 : i32 to vector<16xi32>
    %mul3A_686 = arith.muli %sub3A_674, %mul3A_685 : vector<16xi32>
    %shift_right_logical3A_687 = arith.constant 21 : i32
    %shift_right_logical3A_688 = vector.broadcast %shift_right_logical3A_687 : i32 to vector<16xi32>
    %shift_right_logical3A_689 = arith.shrui %mul3A_686, %shift_right_logical3A_688 : vector<16xi32>
    %mul3A_690 = arith.constant 50 : i32
    %mul3A_691 = vector.broadcast %mul3A_690 : i32 to vector<16xi32>
    %mul3A_692 = arith.muli %shift_right_logical3A_689, %mul3A_691 : vector<16xi32>
    %sub3A_693 = arith.subi %sub3A_674, %mul3A_692 : vector<16xi32>
    %mul3A_694 = arith.constant 6400 : i32
    %mul3A_695 = vector.broadcast %mul3A_694 : i32 to vector<16xi32>
    %mul3A_696 = arith.muli %shift_right_logical3A_689, %mul3A_695 : vector<16xi32>
    %mul3A_697 = arith.constant 3200 : i32
    %mul3A_698 = vector.broadcast %mul3A_697 : i32 to vector<16xi32>
    %mul3A_699 = arith.muli %sub3A_670, %mul3A_698 : vector<16xi32>
    %add3A_700 = arith.addi %mul3A_696, %mul3A_699 : vector<16xi32>
    %mul3A_701 = arith.constant 64 : i32
    %mul3A_702 = vector.broadcast %mul3A_701 : i32 to vector<16xi32>
    %mul3A_703 = arith.muli %sub3A_693, %mul3A_702 : vector<16xi32>
    %add3A_704 = arith.addi %add3A_700, %mul3A_703 : vector<16xi32>
    %sub3A_705 = arith.constant 200 : i32
    %sub3A_706 = vector.broadcast %sub3A_705 : i32 to vector<16xi32>
    %sub3A_707 = arith.subi %sub3A_674, %sub3A_706 : vector<16xi32>
    %mul3A_708 = arith.constant 64 : i32
    %mul3A_709 = vector.broadcast %mul3A_708 : i32 to vector<16xi32>
    %mul3A_710 = arith.muli %sub3A_707, %mul3A_709 : vector<16xi32>
    %add3A_711 = arith.constant 25600 : i32
    %add3A_712 = vector.broadcast %add3A_711 : i32 to vector<16xi32>
    %add3A_713 = arith.addi %add3A_712, %mul3A_710 : vector<16xi32>
    %sub3A_714 = arith.constant 1 : i32
    %sub3A_715 = vector.broadcast %sub3A_714 : i32 to vector<16xi32>
    %sub3A_716 = arith.subi %sub3A_715, %sub3A_683 : vector<16xi32>
    %mul3A_717 = arith.muli %add3A_704, %sub3A_716 : vector<16xi32>
    %mul3A_718 = arith.muli %add3A_713, %sub3A_683 : vector<16xi32>
    %add3A_719 = arith.addi %mul3A_717, %mul3A_718 : vector<16xi32>
    %swap3A_720 = arith.constant 160 : index
    %swap3A_721 = tpu.vector_load %arg12[%swap3A_720] {strides = array<i32>} : memref<416xi32, #tpu.memory_space<vmem>>, vector<16xi32>,
    tpu.vector_store %arg12[%swap3A_720], %add3A_719 {strides = array<i32>} : memref<416xi32, #tpu.memory_space<vmem>>, vector<16xi32>,
    %add3A_722 = arith.constant 176 : i32
    %add3A_723 = vector.broadcast %add3A_722 : i32 to vector<16xi32>
    %add3A_724 = arith.addi %iota3A, %add3A_723 : vector<16xi32>
    %swap3A_725 = arith.constant 176 : index
    %swap3A_726 = tpu.vector_load %arg11[%swap3A_725] {strides = array<i32>} : memref<416xi32, #tpu.memory_space<vmem>>, vector<16xi32>,
    tpu.vector_store %arg11[%swap3A_725], %add3A_724 {strides = array<i32>} : memref<416xi32, #tpu.memory_space<vmem>>, vector<16xi32>,
    %sub3A_727 = arith.constant 208 : i32
    %sub3A_728 = vector.broadcast %sub3A_727 : i32 to vector<16xi32>
    %sub3A_729 = arith.subi %add3A_724, %sub3A_728 : vector<16xi32>
    %shift_right_logical3A_730 = arith.constant 31 : i32
    %shift_right_logical3A_731 = vector.broadcast %shift_right_logical3A_730 : i32 to vector<16xi32>
    %shift_right_logical3A_732 = arith.shrui %sub3A_729, %shift_right_logical3A_731 : vector<16xi32>
    %sub3A_733 = arith.constant 1 : i32
    %sub3A_734 = vector.broadcast %sub3A_733 : i32 to vector<16xi32>
    %sub3A_735 = arith.subi %sub3A_734, %shift_right_logical3A_732 : vector<16xi32>
    %mul3A_736 = arith.constant 208 : i32
    %mul3A_737 = vector.broadcast %mul3A_736 : i32 to vector<16xi32>
    %mul3A_738 = arith.muli %sub3A_735, %mul3A_737 : vector<16xi32>
    %sub3A_739 = arith.subi %add3A_724, %mul3A_738 : vector<16xi32>
    %sub3A_740 = arith.constant 200 : i32
    %sub3A_741 = vector.broadcast %sub3A_740 : i32 to vector<16xi32>
    %sub3A_742 = arith.subi %sub3A_739, %sub3A_741 : vector<16xi32>
    %shift_right_logical3A_743 = arith.constant 31 : i32
    %shift_right_logical3A_744 = vector.broadcast %shift_right_logical3A_743 : i32 to vector<16xi32>
    %shift_right_logical3A_745 = arith.shrui %sub3A_742, %shift_right_logical3A_744 : vector<16xi32>
    %sub3A_746 = arith.constant 1 : i32
    %sub3A_747 = vector.broadcast %sub3A_746 : i32 to vector<16xi32>
    %sub3A_748 = arith.subi %sub3A_747, %shift_right_logical3A_745 : vector<16xi32>
    %mul3A_749 = arith.constant 41944 : i32
    %mul3A_750 = vector.broadcast %mul3A_749 : i32 to vector<16xi32>
    %mul3A_751 = arith.muli %sub3A_739, %mul3A_750 : vector<16xi32>
    %shift_right_logical3A_752 = arith.constant 21 : i32
    %shift_right_logical3A_753 = vector.broadcast %shift_right_logical3A_752 : i32 to vector<16xi32>
    %shift_right_logical3A_754 = arith.shrui %mul3A_751, %shift_right_logical3A_753 : vector<16xi32>
    %mul3A_755 = arith.constant 50 : i32
    %mul3A_756 = vector.broadcast %mul3A_755 : i32 to vector<16xi32>
    %mul3A_757 = arith.muli %shift_right_logical3A_754, %mul3A_756 : vector<16xi32>
    %sub3A_758 = arith.subi %sub3A_739, %mul3A_757 : vector<16xi32>
    %mul3A_759 = arith.constant 6400 : i32
    %mul3A_760 = vector.broadcast %mul3A_759 : i32 to vector<16xi32>
    %mul3A_761 = arith.muli %shift_right_logical3A_754, %mul3A_760 : vector<16xi32>
    %mul3A_762 = arith.constant 3200 : i32
    %mul3A_763 = vector.broadcast %mul3A_762 : i32 to vector<16xi32>
    %mul3A_764 = arith.muli %sub3A_735, %mul3A_763 : vector<16xi32>
    %add3A_765 = arith.addi %mul3A_761, %mul3A_764 : vector<16xi32>
    %mul3A_766 = arith.constant 64 : i32
    %mul3A_767 = vector.broadcast %mul3A_766 : i32 to vector<16xi32>
    %mul3A_768 = arith.muli %sub3A_758, %mul3A_767 : vector<16xi32>
    %add3A_769 = arith.addi %add3A_765, %mul3A_768 : vector<16xi32>
    %sub3A_770 = arith.constant 200 : i32
    %sub3A_771 = vector.broadcast %sub3A_770 : i32 to vector<16xi32>
    %sub3A_772 = arith.subi %sub3A_739, %sub3A_771 : vector<16xi32>
    %mul3A_773 = arith.constant 64 : i32
    %mul3A_774 = vector.broadcast %mul3A_773 : i32 to vector<16xi32>
    %mul3A_775 = arith.muli %sub3A_772, %mul3A_774 : vector<16xi32>
    %add3A_776 = arith.constant 25600 : i32
    %add3A_777 = vector.broadcast %add3A_776 : i32 to vector<16xi32>
    %add3A_778 = arith.addi %add3A_777, %mul3A_775 : vector<16xi32>
    %sub3A_779 = arith.constant 1 : i32
    %sub3A_780 = vector.broadcast %sub3A_779 : i32 to vector<16xi32>
    %sub3A_781 = arith.subi %sub3A_780, %sub3A_748 : vector<16xi32>
    %mul3A_782 = arith.muli %add3A_769, %sub3A_781 : vector<16xi32>
    %mul3A_783 = arith.muli %add3A_778, %sub3A_748 : vector<16xi32>
    %add3A_784 = arith.addi %mul3A_782, %mul3A_783 : vector<16xi32>
    %swap3A_785 = arith.constant 176 : index
    %swap3A_786 = tpu.vector_load %arg12[%swap3A_785] {strides = array<i32>} : memref<416xi32, #tpu.memory_space<vmem>>, vector<16xi32>,
    tpu.vector_store %arg12[%swap3A_785], %add3A_784 {strides = array<i32>} : memref<416xi32, #tpu.memory_space<vmem>>, vector<16xi32>,
    %add3A_787 = arith.constant 192 : i32
    %add3A_788 = vector.broadcast %add3A_787 : i32 to vector<16xi32>
    %add3A_789 = arith.addi %iota3A, %add3A_788 : vector<16xi32>
    %swap3A_790 = arith.constant 192 : index
    %swap3A_791 = tpu.vector_load %arg11[%swap3A_790] {strides = array<i32>} : memref<416xi32, #tpu.memory_space<vmem>>, vector<16xi32>,
    tpu.vector_store %arg11[%swap3A_790], %add3A_789 {strides = array<i32>} : memref<416xi32, #tpu.memory_space<vmem>>, vector<16xi32>,
    %sub3A_792 = arith.constant 208 : i32
    %sub3A_793 = vector.broadcast %sub3A_792 : i32 to vector<16xi32>
    %sub3A_794 = arith.subi %add3A_789, %sub3A_793 : vector<16xi32>
    %shift_right_logical3A_795 = arith.constant 31 : i32
    %shift_right_logical3A_796 = vector.broadcast %shift_right_logical3A_795 : i32 to vector<16xi32>
    %shift_right_logical3A_797 = arith.shrui %sub3A_794, %shift_right_logical3A_796 : vector<16xi32>
    %sub3A_798 = arith.constant 1 : i32
    %sub3A_799 = vector.broadcast %sub3A_798 : i32 to vector<16xi32>
    %sub3A_800 = arith.subi %sub3A_799, %shift_right_logical3A_797 : vector<16xi32>
    %mul3A_801 = arith.constant 208 : i32
    %mul3A_802 = vector.broadcast %mul3A_801 : i32 to vector<16xi32>
    %mul3A_803 = arith.muli %sub3A_800, %mul3A_802 : vector<16xi32>
    %sub3A_804 = arith.subi %add3A_789, %mul3A_803 : vector<16xi32>
    %sub3A_805 = arith.constant 200 : i32
    %sub3A_806 = vector.broadcast %sub3A_805 : i32 to vector<16xi32>
    %sub3A_807 = arith.subi %sub3A_804, %sub3A_806 : vector<16xi32>
    %shift_right_logical3A_808 = arith.constant 31 : i32
    %shift_right_logical3A_809 = vector.broadcast %shift_right_logical3A_808 : i32 to vector<16xi32>
    %shift_right_logical3A_810 = arith.shrui %sub3A_807, %shift_right_logical3A_809 : vector<16xi32>
    %sub3A_811 = arith.constant 1 : i32
    %sub3A_812 = vector.broadcast %sub3A_811 : i32 to vector<16xi32>
    %sub3A_813 = arith.subi %sub3A_812, %shift_right_logical3A_810 : vector<16xi32>
    %mul3A_814 = arith.constant 41944 : i32
    %mul3A_815 = vector.broadcast %mul3A_814 : i32 to vector<16xi32>
    %mul3A_816 = arith.muli %sub3A_804, %mul3A_815 : vector<16xi32>
    %shift_right_logical3A_817 = arith.constant 21 : i32
    %shift_right_logical3A_818 = vector.broadcast %shift_right_logical3A_817 : i32 to vector<16xi32>
    %shift_right_logical3A_819 = arith.shrui %mul3A_816, %shift_right_logical3A_818 : vector<16xi32>
    %mul3A_820 = arith.constant 50 : i32
    %mul3A_821 = vector.broadcast %mul3A_820 : i32 to vector<16xi32>
    %mul3A_822 = arith.muli %shift_right_logical3A_819, %mul3A_821 : vector<16xi32>
    %sub3A_823 = arith.subi %sub3A_804, %mul3A_822 : vector<16xi32>
    %mul3A_824 = arith.constant 6400 : i32
    %mul3A_825 = vector.broadcast %mul3A_824 : i32 to vector<16xi32>
    %mul3A_826 = arith.muli %shift_right_logical3A_819, %mul3A_825 : vector<16xi32>
    %mul3A_827 = arith.constant 3200 : i32
    %mul3A_828 = vector.broadcast %mul3A_827 : i32 to vector<16xi32>
    %mul3A_829 = arith.muli %sub3A_800, %mul3A_828 : vector<16xi32>
    %add3A_830 = arith.addi %mul3A_826, %mul3A_829 : vector<16xi32>
    %mul3A_831 = arith.constant 64 : i32
    %mul3A_832 = vector.broadcast %mul3A_831 : i32 to vector<16xi32>
    %mul3A_833 = arith.muli %sub3A_823, %mul3A_832 : vector<16xi32>
    %add3A_834 = arith.addi %add3A_830, %mul3A_833 : vector<16xi32>
    %sub3A_835 = arith.constant 200 : i32
    %sub3A_836 = vector.broadcast %sub3A_835 : i32 to vector<16xi32>
    %sub3A_837 = arith.subi %sub3A_804, %sub3A_836 : vector<16xi32>
    %mul3A_838 = arith.constant 64 : i32
    %mul3A_839 = vector.broadcast %mul3A_838 : i32 to vector<16xi32>
    %mul3A_840 = arith.muli %sub3A_837, %mul3A_839 : vector<16xi32>
    %add3A_841 = arith.constant 25600 : i32
    %add3A_842 = vector.broadcast %add3A_841 : i32 to vector<16xi32>
    %add3A_843 = arith.addi %add3A_842, %mul3A_840 : vector<16xi32>
    %sub3A_844 = arith.constant 1 : i32
    %sub3A_845 = vector.broadcast %sub3A_844 : i32 to vector<16xi32>
    %sub3A_846 = arith.subi %sub3A_845, %sub3A_813 : vector<16xi32>
    %mul3A_847 = arith.muli %add3A_834, %sub3A_846 : vector<16xi32>
    %mul3A_848 = arith.muli %add3A_843, %sub3A_813 : vector<16xi32>
    %add3A_849 = arith.addi %mul3A_847, %mul3A_848 : vector<16xi32>
    %swap3A_850 = arith.constant 192 : index
    %swap3A_851 = tpu.vector_load %arg12[%swap3A_850] {strides = array<i32>} : memref<416xi32, #tpu.memory_space<vmem>>, vector<16xi32>,
    tpu.vector_store %arg12[%swap3A_850], %add3A_849 {strides = array<i32>} : memref<416xi32, #tpu.memory_space<vmem>>, vector<16xi32>,
    %add3A_852 = arith.constant 208 : i32
    %add3A_853 = vector.broadcast %add3A_852 : i32 to vector<16xi32>
    %add3A_854 = arith.addi %iota3A, %add3A_853 : vector<16xi32>
    %swap3A_855 = arith.constant 208 : index
    %swap3A_856 = tpu.vector_load %arg11[%swap3A_855] {strides = array<i32>} : memref<416xi32, #tpu.memory_space<vmem>>, vector<16xi32>,
    tpu.vector_store %arg11[%swap3A_855], %add3A_854 {strides = array<i32>} : memref<416xi32, #tpu.memory_space<vmem>>, vector<16xi32>,
    %sub3A_857 = arith.constant 208 : i32
    %sub3A_858 = vector.broadcast %sub3A_857 : i32 to vector<16xi32>
    %sub3A_859 = arith.subi %add3A_854, %sub3A_858 : vector<16xi32>
    %shift_right_logical3A_860 = arith.constant 31 : i32
    %shift_right_logical3A_861 = vector.broadcast %shift_right_logical3A_860 : i32 to vector<16xi32>
    %shift_right_logical3A_862 = arith.shrui %sub3A_859, %shift_right_logical3A_861 : vector<16xi32>
    %sub3A_863 = arith.constant 1 : i32
    %sub3A_864 = vector.broadcast %sub3A_863 : i32 to vector<16xi32>
    %sub3A_865 = arith.subi %sub3A_864, %shift_right_logical3A_862 : vector<16xi32>
    %mul3A_866 = arith.constant 208 : i32
    %mul3A_867 = vector.broadcast %mul3A_866 : i32 to vector<16xi32>
    %mul3A_868 = arith.muli %sub3A_865, %mul3A_867 : vector<16xi32>
    %sub3A_869 = arith.subi %add3A_854, %mul3A_868 : vector<16xi32>
    %sub3A_870 = arith.constant 200 : i32
    %sub3A_871 = vector.broadcast %sub3A_870 : i32 to vector<16xi32>
    %sub3A_872 = arith.subi %sub3A_869, %sub3A_871 : vector<16xi32>
    %shift_right_logical3A_873 = arith.constant 31 : i32
    %shift_right_logical3A_874 = vector.broadcast %shift_right_logical3A_873 : i32 to vector<16xi32>
    %shift_right_logical3A_875 = arith.shrui %sub3A_872, %shift_right_logical3A_874 : vector<16xi32>
    %sub3A_876 = arith.constant 1 : i32
    %sub3A_877 = vector.broadcast %sub3A_876 : i32 to vector<16xi32>
    %sub3A_878 = arith.subi %sub3A_877, %shift_right_logical3A_875 : vector<16xi32>
    %mul3A_879 = arith.constant 41944 : i32
    %mul3A_880 = vector.broadcast %mul3A_879 : i32 to vector<16xi32>
    %mul3A_881 = arith.muli %sub3A_869, %mul3A_880 : vector<16xi32>
    %shift_right_logical3A_882 = arith.constant 21 : i32
    %shift_right_logical3A_883 = vector.broadcast %shift_right_logical3A_882 : i32 to vector<16xi32>
    %shift_right_logical3A_884 = arith.shrui %mul3A_881, %shift_right_logical3A_883 : vector<16xi32>
    %mul3A_885 = arith.constant 50 : i32
    %mul3A_886 = vector.broadcast %mul3A_885 : i32 to vector<16xi32>
    %mul3A_887 = arith.muli %shift_right_logical3A_884, %mul3A_886 : vector<16xi32>
    %sub3A_888 = arith.subi %sub3A_869, %mul3A_887 : vector<16xi32>
    %mul3A_889 = arith.constant 6400 : i32
    %mul3A_890 = vector.broadcast %mul3A_889 : i32 to vector<16xi32>
    %mul3A_891 = arith.muli %shift_right_logical3A_884, %mul3A_890 : vector<16xi32>
    %mul3A_892 = arith.constant 3200 : i32
    %mul3A_893 = vector.broadcast %mul3A_892 : i32 to vector<16xi32>
    %mul3A_894 = arith.muli %sub3A_865, %mul3A_893 : vector<16xi32>
    %add3A_895 = arith.addi %mul3A_891, %mul3A_894 : vector<16xi32>
    %mul3A_896 = arith.constant 64 : i32
    %mul3A_897 = vector.broadcast %mul3A_896 : i32 to vector<16xi32>
    %mul3A_898 = arith.muli %sub3A_888, %mul3A_897 : vector<16xi32>
    %add3A_899 = arith.addi %add3A_895, %mul3A_898 : vector<16xi32>
    %sub3A_900 = arith.constant 200 : i32
    %sub3A_901 = vector.broadcast %sub3A_900 : i32 to vector<16xi32>
    %sub3A_902 = arith.subi %sub3A_869, %sub3A_901 : vector<16xi32>
    %mul3A_903 = arith.constant 64 : i32
    %mul3A_904 = vector.broadcast %mul3A_903 : i32 to vector<16xi32>
    %mul3A_905 = arith.muli %sub3A_902, %mul3A_904 : vector<16xi32>
    %add3A_906 = arith.constant 25600 : i32
    %add3A_907 = vector.broadcast %add3A_906 : i32 to vector<16xi32>
    %add3A_908 = arith.addi %add3A_907, %mul3A_905 : vector<16xi32>
    %sub3A_909 = arith.constant 1 : i32
    %sub3A_910 = vector.broadcast %sub3A_909 : i32 to vector<16xi32>
    %sub3A_911 = arith.subi %sub3A_910, %sub3A_878 : vector<16xi32>
    %mul3A_912 = arith.muli %add3A_899, %sub3A_911 : vector<16xi32>
    %mul3A_913 = arith.muli %add3A_908, %sub3A_878 : vector<16xi32>
    %add3A_914 = arith.addi %mul3A_912, %mul3A_913 : vector<16xi32>
    %swap3A_915 = arith.constant 208 : index
    %swap3A_916 = tpu.vector_load %arg12[%swap3A_915] {strides = array<i32>} : memref<416xi32, #tpu.memory_space<vmem>>, vector<16xi32>,
    tpu.vector_store %arg12[%swap3A_915], %add3A_914 {strides = array<i32>} : memref<416xi32, #tpu.memory_space<vmem>>, vector<16xi32>,
    %add3A_917 = arith.constant 224 : i32
    %add3A_918 = vector.broadcast %add3A_917 : i32 to vector<16xi32>
    %add3A_919 = arith.addi %iota3A, %add3A_918 : vector<16xi32>
    %swap3A_920 = arith.constant 224 : index
    %swap3A_921 = tpu.vector_load %arg11[%swap3A_920] {strides = array<i32>} : memref<416xi32, #tpu.memory_space<vmem>>, vector<16xi32>,
    tpu.vector_store %arg11[%swap3A_920], %add3A_919 {strides = array<i32>} : memref<416xi32, #tpu.memory_space<vmem>>, vector<16xi32>,
    %sub3A_922 = arith.constant 208 : i32
    %sub3A_923 = vector.broadcast %sub3A_922 : i32 to vector<16xi32>
    %sub3A_924 = arith.subi %add3A_919, %sub3A_923 : vector<16xi32>
    %shift_right_logical3A_925 = arith.constant 31 : i32
    %shift_right_logical3A_926 = vector.broadcast %shift_right_logical3A_925 : i32 to vector<16xi32>
    %shift_right_logical3A_927 = arith.shrui %sub3A_924, %shift_right_logical3A_926 : vector<16xi32>
    %sub3A_928 = arith.constant 1 : i32
    %sub3A_929 = vector.broadcast %sub3A_928 : i32 to vector<16xi32>
    %sub3A_930 = arith.subi %sub3A_929, %shift_right_logical3A_927 : vector<16xi32>
    %mul3A_931 = arith.constant 208 : i32
    %mul3A_932 = vector.broadcast %mul3A_931 : i32 to vector<16xi32>
    %mul3A_933 = arith.muli %sub3A_930, %mul3A_932 : vector<16xi32>
    %sub3A_934 = arith.subi %add3A_919, %mul3A_933 : vector<16xi32>
    %sub3A_935 = arith.constant 200 : i32
    %sub3A_936 = vector.broadcast %sub3A_935 : i32 to vector<16xi32>
    %sub3A_937 = arith.subi %sub3A_934, %sub3A_936 : vector<16xi32>
    %shift_right_logical3A_938 = arith.constant 31 : i32
    %shift_right_logical3A_939 = vector.broadcast %shift_right_logical3A_938 : i32 to vector<16xi32>
    %shift_right_logical3A_940 = arith.shrui %sub3A_937, %shift_right_logical3A_939 : vector<16xi32>
    %sub3A_941 = arith.constant 1 : i32
    %sub3A_942 = vector.broadcast %sub3A_941 : i32 to vector<16xi32>
    %sub3A_943 = arith.subi %sub3A_942, %shift_right_logical3A_940 : vector<16xi32>
    %mul3A_944 = arith.constant 41944 : i32
    %mul3A_945 = vector.broadcast %mul3A_944 : i32 to vector<16xi32>
    %mul3A_946 = arith.muli %sub3A_934, %mul3A_945 : vector<16xi32>
    %shift_right_logical3A_947 = arith.constant 21 : i32
    %shift_right_logical3A_948 = vector.broadcast %shift_right_logical3A_947 : i32 to vector<16xi32>
    %shift_right_logical3A_949 = arith.shrui %mul3A_946, %shift_right_logical3A_948 : vector<16xi32>
    %mul3A_950 = arith.constant 50 : i32
    %mul3A_951 = vector.broadcast %mul3A_950 : i32 to vector<16xi32>
    %mul3A_952 = arith.muli %shift_right_logical3A_949, %mul3A_951 : vector<16xi32>
    %sub3A_953 = arith.subi %sub3A_934, %mul3A_952 : vector<16xi32>
    %mul3A_954 = arith.constant 6400 : i32
    %mul3A_955 = vector.broadcast %mul3A_954 : i32 to vector<16xi32>
    %mul3A_956 = arith.muli %shift_right_logical3A_949, %mul3A_955 : vector<16xi32>
    %mul3A_957 = arith.constant 3200 : i32
    %mul3A_958 = vector.broadcast %mul3A_957 : i32 to vector<16xi32>
    %mul3A_959 = arith.muli %sub3A_930, %mul3A_958 : vector<16xi32>
    %add3A_960 = arith.addi %mul3A_956, %mul3A_959 : vector<16xi32>
    %mul3A_961 = arith.constant 64 : i32
    %mul3A_962 = vector.broadcast %mul3A_961 : i32 to vector<16xi32>
    %mul3A_963 = arith.muli %sub3A_953, %mul3A_962 : vector<16xi32>
    %add3A_964 = arith.addi %add3A_960, %mul3A_963 : vector<16xi32>
    %sub3A_965 = arith.constant 200 : i32
    %sub3A_966 = vector.broadcast %sub3A_965 : i32 to vector<16xi32>
    %sub3A_967 = arith.subi %sub3A_934, %sub3A_966 : vector<16xi32>
    %mul3A_968 = arith.constant 64 : i32
    %mul3A_969 = vector.broadcast %mul3A_968 : i32 to vector<16xi32>
    %mul3A_970 = arith.muli %sub3A_967, %mul3A_969 : vector<16xi32>
    %add3A_971 = arith.constant 25600 : i32
    %add3A_972 = vector.broadcast %add3A_971 : i32 to vector<16xi32>
    %add3A_973 = arith.addi %add3A_972, %mul3A_970 : vector<16xi32>
    %sub3A_974 = arith.constant 1 : i32
    %sub3A_975 = vector.broadcast %sub3A_974 : i32 to vector<16xi32>
    %sub3A_976 = arith.subi %sub3A_975, %sub3A_943 : vector<16xi32>
    %mul3A_977 = arith.muli %add3A_964, %sub3A_976 : vector<16xi32>
    %mul3A_978 = arith.muli %add3A_973, %sub3A_943 : vector<16xi32>
    %add3A_979 = arith.addi %mul3A_977, %mul3A_978 : vector<16xi32>
    %swap3A_980 = arith.constant 224 : index
    %swap3A_981 = tpu.vector_load %arg12[%swap3A_980] {strides = array<i32>} : memref<416xi32, #tpu.memory_space<vmem>>, vector<16xi32>,
    tpu.vector_store %arg12[%swap3A_980], %add3A_979 {strides = array<i32>} : memref<416xi32, #tpu.memory_space<vmem>>, vector<16xi32>,
    %add3A_982 = arith.constant 240 : i32
    %add3A_983 = vector.broadcast %add3A_982 : i32 to vector<16xi32>
    %add3A_984 = arith.addi %iota3A, %add3A_983 : vector<16xi32>
    %swap3A_985 = arith.constant 240 : index
    %swap3A_986 = tpu.vector_load %arg11[%swap3A_985] {strides = array<i32>} : memref<416xi32, #tpu.memory_space<vmem>>, vector<16xi32>,
    tpu.vector_store %arg11[%swap3A_985], %add3A_984 {strides = array<i32>} : memref<416xi32, #tpu.memory_space<vmem>>, vector<16xi32>,
    %sub3A_987 = arith.constant 208 : i32
    %sub3A_988 = vector.broadcast %sub3A_987 : i32 to vector<16xi32>
    %sub3A_989 = arith.subi %add3A_984, %sub3A_988 : vector<16xi32>
    %shift_right_logical3A_990 = arith.constant 31 : i32
    %shift_right_logical3A_991 = vector.broadcast %shift_right_logical3A_990 : i32 to vector<16xi32>
    %shift_right_logical3A_992 = arith.shrui %sub3A_989, %shift_right_logical3A_991 : vector<16xi32>
    %sub3A_993 = arith.constant 1 : i32
    %sub3A_994 = vector.broadcast %sub3A_993 : i32 to vector<16xi32>
    %sub3A_995 = arith.subi %sub3A_994, %shift_right_logical3A_992 : vector<16xi32>
    %mul3A_996 = arith.constant 208 : i32
    %mul3A_997 = vector.broadcast %mul3A_996 : i32 to vector<16xi32>
    %mul3A_998 = arith.muli %sub3A_995, %mul3A_997 : vector<16xi32>
    %sub3A_999 = arith.subi %add3A_984, %mul3A_998 : vector<16xi32>
    %sub3A_1000 = arith.constant 200 : i32
    %sub3A_1001 = vector.broadcast %sub3A_1000 : i32 to vector<16xi32>
    %sub3A_1002 = arith.subi %sub3A_999, %sub3A_1001 : vector<16xi32>
    %shift_right_logical3A_1003 = arith.constant 31 : i32
    %shift_right_logical3A_1004 = vector.broadcast %shift_right_logical3A_1003 : i32 to vector<16xi32>
    %shift_right_logical3A_1005 = arith.shrui %sub3A_1002, %shift_right_logical3A_1004 : vector<16xi32>
    %sub3A_1006 = arith.constant 1 : i32
    %sub3A_1007 = vector.broadcast %sub3A_1006 : i32 to vector<16xi32>
    %sub3A_1008 = arith.subi %sub3A_1007, %shift_right_logical3A_1005 : vector<16xi32>
    %mul3A_1009 = arith.constant 41944 : i32
    %mul3A_1010 = vector.broadcast %mul3A_1009 : i32 to vector<16xi32>
    %mul3A_1011 = arith.muli %sub3A_999, %mul3A_1010 : vector<16xi32>
    %shift_right_logical3A_1012 = arith.constant 21 : i32
    %shift_right_logical3A_1013 = vector.broadcast %shift_right_logical3A_1012 : i32 to vector<16xi32>
    %shift_right_logical3A_1014 = arith.shrui %mul3A_1011, %shift_right_logical3A_1013 : vector<16xi32>
    %mul3A_1015 = arith.constant 50 : i32
    %mul3A_1016 = vector.broadcast %mul3A_1015 : i32 to vector<16xi32>
    %mul3A_1017 = arith.muli %shift_right_logical3A_1014, %mul3A_1016 : vector<16xi32>
    %sub3A_1018 = arith.subi %sub3A_999, %mul3A_1017 : vector<16xi32>
    %mul3A_1019 = arith.constant 6400 : i32
    %mul3A_1020 = vector.broadcast %mul3A_1019 : i32 to vector<16xi32>
    %mul3A_1021 = arith.muli %shift_right_logical3A_1014, %mul3A_1020 : vector<16xi32>
    %mul3A_1022 = arith.constant 3200 : i32
    %mul3A_1023 = vector.broadcast %mul3A_1022 : i32 to vector<16xi32>
    %mul3A_1024 = arith.muli %sub3A_995, %mul3A_1023 : vector<16xi32>
    %add3A_1025 = arith.addi %mul3A_1021, %mul3A_1024 : vector<16xi32>
    %mul3A_1026 = arith.constant 64 : i32
    %mul3A_1027 = vector.broadcast %mul3A_1026 : i32 to vector<16xi32>
    %mul3A_1028 = arith.muli %sub3A_1018, %mul3A_1027 : vector<16xi32>
    %add3A_1029 = arith.addi %add3A_1025, %mul3A_1028 : vector<16xi32>
    %sub3A_1030 = arith.constant 200 : i32
    %sub3A_1031 = vector.broadcast %sub3A_1030 : i32 to vector<16xi32>
    %sub3A_1032 = arith.subi %sub3A_999, %sub3A_1031 : vector<16xi32>
    %mul3A_1033 = arith.constant 64 : i32
    %mul3A_1034 = vector.broadcast %mul3A_1033 : i32 to vector<16xi32>
    %mul3A_1035 = arith.muli %sub3A_1032, %mul3A_1034 : vector<16xi32>
    %add3A_1036 = arith.constant 25600 : i32
    %add3A_1037 = vector.broadcast %add3A_1036 : i32 to vector<16xi32>
    %add3A_1038 = arith.addi %add3A_1037, %mul3A_1035 : vector<16xi32>
    %sub3A_1039 = arith.constant 1 : i32
    %sub3A_1040 = vector.broadcast %sub3A_1039 : i32 to vector<16xi32>
    %sub3A_1041 = arith.subi %sub3A_1040, %sub3A_1008 : vector<16xi32>
    %mul3A_1042 = arith.muli %add3A_1029, %sub3A_1041 : vector<16xi32>
    %mul3A_1043 = arith.muli %add3A_1038, %sub3A_1008 : vector<16xi32>
    %add3A_1044 = arith.addi %mul3A_1042, %mul3A_1043 : vector<16xi32>
    %swap3A_1045 = arith.constant 240 : index
    %swap3A_1046 = tpu.vector_load %arg12[%swap3A_1045] {strides = array<i32>} : memref<416xi32, #tpu.memory_space<vmem>>, vector<16xi32>,
    tpu.vector_store %arg12[%swap3A_1045], %add3A_1044 {strides = array<i32>} : memref<416xi32, #tpu.memory_space<vmem>>, vector<16xi32>,
    %add3A_1047 = arith.constant 256 : i32
    %add3A_1048 = vector.broadcast %add3A_1047 : i32 to vector<16xi32>
    %add3A_1049 = arith.addi %iota3A, %add3A_1048 : vector<16xi32>
    %swap3A_1050 = arith.constant 256 : index
    %swap3A_1051 = tpu.vector_load %arg11[%swap3A_1050] {strides = array<i32>} : memref<416xi32, #tpu.memory_space<vmem>>, vector<16xi32>,
    tpu.vector_store %arg11[%swap3A_1050], %add3A_1049 {strides = array<i32>} : memref<416xi32, #tpu.memory_space<vmem>>, vector<16xi32>,
    %sub3A_1052 = arith.constant 208 : i32
    %sub3A_1053 = vector.broadcast %sub3A_1052 : i32 to vector<16xi32>
    %sub3A_1054 = arith.subi %add3A_1049, %sub3A_1053 : vector<16xi32>
    %shift_right_logical3A_1055 = arith.constant 31 : i32
    %shift_right_logical3A_1056 = vector.broadcast %shift_right_logical3A_1055 : i32 to vector<16xi32>
    %shift_right_logical3A_1057 = arith.shrui %sub3A_1054, %shift_right_logical3A_1056 : vector<16xi32>
    %sub3A_1058 = arith.constant 1 : i32
    %sub3A_1059 = vector.broadcast %sub3A_1058 : i32 to vector<16xi32>
    %sub3A_1060 = arith.subi %sub3A_1059, %shift_right_logical3A_1057 : vector<16xi32>
    %mul3A_1061 = arith.constant 208 : i32
    %mul3A_1062 = vector.broadcast %mul3A_1061 : i32 to vector<16xi32>
    %mul3A_1063 = arith.muli %sub3A_1060, %mul3A_1062 : vector<16xi32>
    %sub3A_1064 = arith.subi %add3A_1049, %mul3A_1063 : vector<16xi32>
    %sub3A_1065 = arith.constant 200 : i32
    %sub3A_1066 = vector.broadcast %sub3A_1065 : i32 to vector<16xi32>
    %sub3A_1067 = arith.subi %sub3A_1064, %sub3A_1066 : vector<16xi32>
    %shift_right_logical3A_1068 = arith.constant 31 : i32
    %shift_right_logical3A_1069 = vector.broadcast %shift_right_logical3A_1068 : i32 to vector<16xi32>
    %shift_right_logical3A_1070 = arith.shrui %sub3A_1067, %shift_right_logical3A_1069 : vector<16xi32>
    %sub3A_1071 = arith.constant 1 : i32
    %sub3A_1072 = vector.broadcast %sub3A_1071 : i32 to vector<16xi32>
    %sub3A_1073 = arith.subi %sub3A_1072, %shift_right_logical3A_1070 : vector<16xi32>
    %mul3A_1074 = arith.constant 41944 : i32
    %mul3A_1075 = vector.broadcast %mul3A_1074 : i32 to vector<16xi32>
    %mul3A_1076 = arith.muli %sub3A_1064, %mul3A_1075 : vector<16xi32>
    %shift_right_logical3A_1077 = arith.constant 21 : i32
    %shift_right_logical3A_1078 = vector.broadcast %shift_right_logical3A_1077 : i32 to vector<16xi32>
    %shift_right_logical3A_1079 = arith.shrui %mul3A_1076, %shift_right_logical3A_1078 : vector<16xi32>
    %mul3A_1080 = arith.constant 50 : i32
    %mul3A_1081 = vector.broadcast %mul3A_1080 : i32 to vector<16xi32>
    %mul3A_1082 = arith.muli %shift_right_logical3A_1079, %mul3A_1081 : vector<16xi32>
    %sub3A_1083 = arith.subi %sub3A_1064, %mul3A_1082 : vector<16xi32>
    %mul3A_1084 = arith.constant 6400 : i32
    %mul3A_1085 = vector.broadcast %mul3A_1084 : i32 to vector<16xi32>
    %mul3A_1086 = arith.muli %shift_right_logical3A_1079, %mul3A_1085 : vector<16xi32>
    %mul3A_1087 = arith.constant 3200 : i32
    %mul3A_1088 = vector.broadcast %mul3A_1087 : i32 to vector<16xi32>
    %mul3A_1089 = arith.muli %sub3A_1060, %mul3A_1088 : vector<16xi32>
    %add3A_1090 = arith.addi %mul3A_1086, %mul3A_1089 : vector<16xi32>
    %mul3A_1091 = arith.constant 64 : i32
    %mul3A_1092 = vector.broadcast %mul3A_1091 : i32 to vector<16xi32>
    %mul3A_1093 = arith.muli %sub3A_1083, %mul3A_1092 : vector<16xi32>
    %add3A_1094 = arith.addi %add3A_1090, %mul3A_1093 : vector<16xi32>
    %sub3A_1095 = arith.constant 200 : i32
    %sub3A_1096 = vector.broadcast %sub3A_1095 : i32 to vector<16xi32>
    %sub3A_1097 = arith.subi %sub3A_1064, %sub3A_1096 : vector<16xi32>
    %mul3A_1098 = arith.constant 64 : i32
    %mul3A_1099 = vector.broadcast %mul3A_1098 : i32 to vector<16xi32>
    %mul3A_1100 = arith.muli %sub3A_1097, %mul3A_1099 : vector<16xi32>
    %add3A_1101 = arith.constant 25600 : i32
    %add3A_1102 = vector.broadcast %add3A_1101 : i32 to vector<16xi32>
    %add3A_1103 = arith.addi %add3A_1102, %mul3A_1100 : vector<16xi32>
    %sub3A_1104 = arith.constant 1 : i32
    %sub3A_1105 = vector.broadcast %sub3A_1104 : i32 to vector<16xi32>
    %sub3A_1106 = arith.subi %sub3A_1105, %sub3A_1073 : vector<16xi32>
    %mul3A_1107 = arith.muli %add3A_1094, %sub3A_1106 : vector<16xi32>
    %mul3A_1108 = arith.muli %add3A_1103, %sub3A_1073 : vector<16xi32>
    %add3A_1109 = arith.addi %mul3A_1107, %mul3A_1108 : vector<16xi32>
    %swap3A_1110 = arith.constant 256 : index
    %swap3A_1111 = tpu.vector_load %arg12[%swap3A_1110] {strides = array<i32>} : memref<416xi32, #tpu.memory_space<vmem>>, vector<16xi32>,
    tpu.vector_store %arg12[%swap3A_1110], %add3A_1109 {strides = array<i32>} : memref<416xi32, #tpu.memory_space<vmem>>, vector<16xi32>,
    %add3A_1112 = arith.constant 272 : i32
    %add3A_1113 = vector.broadcast %add3A_1112 : i32 to vector<16xi32>
    %add3A_1114 = arith.addi %iota3A, %add3A_1113 : vector<16xi32>
    %swap3A_1115 = arith.constant 272 : index
    %swap3A_1116 = tpu.vector_load %arg11[%swap3A_1115] {strides = array<i32>} : memref<416xi32, #tpu.memory_space<vmem>>, vector<16xi32>,
    tpu.vector_store %arg11[%swap3A_1115], %add3A_1114 {strides = array<i32>} : memref<416xi32, #tpu.memory_space<vmem>>, vector<16xi32>,
    %sub3A_1117 = arith.constant 208 : i32
    %sub3A_1118 = vector.broadcast %sub3A_1117 : i32 to vector<16xi32>
    %sub3A_1119 = arith.subi %add3A_1114, %sub3A_1118 : vector<16xi32>
    %shift_right_logical3A_1120 = arith.constant 31 : i32
    %shift_right_logical3A_1121 = vector.broadcast %shift_right_logical3A_1120 : i32 to vector<16xi32>
    %shift_right_logical3A_1122 = arith.shrui %sub3A_1119, %shift_right_logical3A_1121 : vector<16xi32>
    %sub3A_1123 = arith.constant 1 : i32
    %sub3A_1124 = vector.broadcast %sub3A_1123 : i32 to vector<16xi32>
    %sub3A_1125 = arith.subi %sub3A_1124, %shift_right_logical3A_1122 : vector<16xi32>
    %mul3A_1126 = arith.constant 208 : i32
    %mul3A_1127 = vector.broadcast %mul3A_1126 : i32 to vector<16xi32>
    %mul3A_1128 = arith.muli %sub3A_1125, %mul3A_1127 : vector<16xi32>
    %sub3A_1129 = arith.subi %add3A_1114, %mul3A_1128 : vector<16xi32>
    %sub3A_1130 = arith.constant 200 : i32
    %sub3A_1131 = vector.broadcast %sub3A_1130 : i32 to vector<16xi32>
    %sub3A_1132 = arith.subi %sub3A_1129, %sub3A_1131 : vector<16xi32>
    %shift_right_logical3A_1133 = arith.constant 31 : i32
    %shift_right_logical3A_1134 = vector.broadcast %shift_right_logical3A_1133 : i32 to vector<16xi32>
    %shift_right_logical3A_1135 = arith.shrui %sub3A_1132, %shift_right_logical3A_1134 : vector<16xi32>
    %sub3A_1136 = arith.constant 1 : i32
    %sub3A_1137 = vector.broadcast %sub3A_1136 : i32 to vector<16xi32>
    %sub3A_1138 = arith.subi %sub3A_1137, %shift_right_logical3A_1135 : vector<16xi32>
    %mul3A_1139 = arith.constant 41944 : i32
    %mul3A_1140 = vector.broadcast %mul3A_1139 : i32 to vector<16xi32>
    %mul3A_1141 = arith.muli %sub3A_1129, %mul3A_1140 : vector<16xi32>
    %shift_right_logical3A_1142 = arith.constant 21 : i32
    %shift_right_logical3A_1143 = vector.broadcast %shift_right_logical3A_1142 : i32 to vector<16xi32>
    %shift_right_logical3A_1144 = arith.shrui %mul3A_1141, %shift_right_logical3A_1143 : vector<16xi32>
    %mul3A_1145 = arith.constant 50 : i32
    %mul3A_1146 = vector.broadcast %mul3A_1145 : i32 to vector<16xi32>
    %mul3A_1147 = arith.muli %shift_right_logical3A_1144, %mul3A_1146 : vector<16xi32>
    %sub3A_1148 = arith.subi %sub3A_1129, %mul3A_1147 : vector<16xi32>
    %mul3A_1149 = arith.constant 6400 : i32
    %mul3A_1150 = vector.broadcast %mul3A_1149 : i32 to vector<16xi32>
    %mul3A_1151 = arith.muli %shift_right_logical3A_1144, %mul3A_1150 : vector<16xi32>
    %mul3A_1152 = arith.constant 3200 : i32
    %mul3A_1153 = vector.broadcast %mul3A_1152 : i32 to vector<16xi32>
    %mul3A_1154 = arith.muli %sub3A_1125, %mul3A_1153 : vector<16xi32>
    %add3A_1155 = arith.addi %mul3A_1151, %mul3A_1154 : vector<16xi32>
    %mul3A_1156 = arith.constant 64 : i32
    %mul3A_1157 = vector.broadcast %mul3A_1156 : i32 to vector<16xi32>
    %mul3A_1158 = arith.muli %sub3A_1148, %mul3A_1157 : vector<16xi32>
    %add3A_1159 = arith.addi %add3A_1155, %mul3A_1158 : vector<16xi32>
    %sub3A_1160 = arith.constant 200 : i32
    %sub3A_1161 = vector.broadcast %sub3A_1160 : i32 to vector<16xi32>
    %sub3A_1162 = arith.subi %sub3A_1129, %sub3A_1161 : vector<16xi32>
    %mul3A_1163 = arith.constant 64 : i32
    %mul3A_1164 = vector.broadcast %mul3A_1163 : i32 to vector<16xi32>
    %mul3A_1165 = arith.muli %sub3A_1162, %mul3A_1164 : vector<16xi32>
    %add3A_1166 = arith.constant 25600 : i32
    %add3A_1167 = vector.broadcast %add3A_1166 : i32 to vector<16xi32>
    %add3A_1168 = arith.addi %add3A_1167, %mul3A_1165 : vector<16xi32>
    %sub3A_1169 = arith.constant 1 : i32
    %sub3A_1170 = vector.broadcast %sub3A_1169 : i32 to vector<16xi32>
    %sub3A_1171 = arith.subi %sub3A_1170, %sub3A_1138 : vector<16xi32>
    %mul3A_1172 = arith.muli %add3A_1159, %sub3A_1171 : vector<16xi32>
    %mul3A_1173 = arith.muli %add3A_1168, %sub3A_1138 : vector<16xi32>
    %add3A_1174 = arith.addi %mul3A_1172, %mul3A_1173 : vector<16xi32>
    %swap3A_1175 = arith.constant 272 : index
    %swap3A_1176 = tpu.vector_load %arg12[%swap3A_1175] {strides = array<i32>} : memref<416xi32, #tpu.memory_space<vmem>>, vector<16xi32>,
    tpu.vector_store %arg12[%swap3A_1175], %add3A_1174 {strides = array<i32>} : memref<416xi32, #tpu.memory_space<vmem>>, vector<16xi32>,
    %add3A_1177 = arith.constant 288 : i32
    %add3A_1178 = vector.broadcast %add3A_1177 : i32 to vector<16xi32>
    %add3A_1179 = arith.addi %iota3A, %add3A_1178 : vector<16xi32>
    %swap3A_1180 = arith.constant 288 : index
    %swap3A_1181 = tpu.vector_load %arg11[%swap3A_1180] {strides = array<i32>} : memref<416xi32, #tpu.memory_space<vmem>>, vector<16xi32>,
    tpu.vector_store %arg11[%swap3A_1180], %add3A_1179 {strides = array<i32>} : memref<416xi32, #tpu.memory_space<vmem>>, vector<16xi32>,
    %sub3A_1182 = arith.constant 208 : i32
    %sub3A_1183 = vector.broadcast %sub3A_1182 : i32 to vector<16xi32>
    %sub3A_1184 = arith.subi %add3A_1179, %sub3A_1183 : vector<16xi32>
    %shift_right_logical3A_1185 = arith.constant 31 : i32
    %shift_right_logical3A_1186 = vector.broadcast %shift_right_logical3A_1185 : i32 to vector<16xi32>
    %shift_right_logical3A_1187 = arith.shrui %sub3A_1184, %shift_right_logical3A_1186 : vector<16xi32>
    %sub3A_1188 = arith.constant 1 : i32
    %sub3A_1189 = vector.broadcast %sub3A_1188 : i32 to vector<16xi32>
    %sub3A_1190 = arith.subi %sub3A_1189, %shift_right_logical3A_1187 : vector<16xi32>
    %mul3A_1191 = arith.constant 208 : i32
    %mul3A_1192 = vector.broadcast %mul3A_1191 : i32 to vector<16xi32>
    %mul3A_1193 = arith.muli %sub3A_1190, %mul3A_1192 : vector<16xi32>
    %sub3A_1194 = arith.subi %add3A_1179, %mul3A_1193 : vector<16xi32>
    %sub3A_1195 = arith.constant 200 : i32
    %sub3A_1196 = vector.broadcast %sub3A_1195 : i32 to vector<16xi32>
    %sub3A_1197 = arith.subi %sub3A_1194, %sub3A_1196 : vector<16xi32>
    %shift_right_logical3A_1198 = arith.constant 31 : i32
    %shift_right_logical3A_1199 = vector.broadcast %shift_right_logical3A_1198 : i32 to vector<16xi32>
    %shift_right_logical3A_1200 = arith.shrui %sub3A_1197, %shift_right_logical3A_1199 : vector<16xi32>
    %sub3A_1201 = arith.constant 1 : i32
    %sub3A_1202 = vector.broadcast %sub3A_1201 : i32 to vector<16xi32>
    %sub3A_1203 = arith.subi %sub3A_1202, %shift_right_logical3A_1200 : vector<16xi32>
    %mul3A_1204 = arith.constant 41944 : i32
    %mul3A_1205 = vector.broadcast %mul3A_1204 : i32 to vector<16xi32>
    %mul3A_1206 = arith.muli %sub3A_1194, %mul3A_1205 : vector<16xi32>
    %shift_right_logical3A_1207 = arith.constant 21 : i32
    %shift_right_logical3A_1208 = vector.broadcast %shift_right_logical3A_1207 : i32 to vector<16xi32>
    %shift_right_logical3A_1209 = arith.shrui %mul3A_1206, %shift_right_logical3A_1208 : vector<16xi32>
    %mul3A_1210 = arith.constant 50 : i32
    %mul3A_1211 = vector.broadcast %mul3A_1210 : i32 to vector<16xi32>
    %mul3A_1212 = arith.muli %shift_right_logical3A_1209, %mul3A_1211 : vector<16xi32>
    %sub3A_1213 = arith.subi %sub3A_1194, %mul3A_1212 : vector<16xi32>
    %mul3A_1214 = arith.constant 6400 : i32
    %mul3A_1215 = vector.broadcast %mul3A_1214 : i32 to vector<16xi32>
    %mul3A_1216 = arith.muli %shift_right_logical3A_1209, %mul3A_1215 : vector<16xi32>
    %mul3A_1217 = arith.constant 3200 : i32
    %mul3A_1218 = vector.broadcast %mul3A_1217 : i32 to vector<16xi32>
    %mul3A_1219 = arith.muli %sub3A_1190, %mul3A_1218 : vector<16xi32>
    %add3A_1220 = arith.addi %mul3A_1216, %mul3A_1219 : vector<16xi32>
    %mul3A_1221 = arith.constant 64 : i32
    %mul3A_1222 = vector.broadcast %mul3A_1221 : i32 to vector<16xi32>
    %mul3A_1223 = arith.muli %sub3A_1213, %mul3A_1222 : vector<16xi32>
    %add3A_1224 = arith.addi %add3A_1220, %mul3A_1223 : vector<16xi32>
    %sub3A_1225 = arith.constant 200 : i32
    %sub3A_1226 = vector.broadcast %sub3A_1225 : i32 to vector<16xi32>
    %sub3A_1227 = arith.subi %sub3A_1194, %sub3A_1226 : vector<16xi32>
    %mul3A_1228 = arith.constant 64 : i32
    %mul3A_1229 = vector.broadcast %mul3A_1228 : i32 to vector<16xi32>
    %mul3A_1230 = arith.muli %sub3A_1227, %mul3A_1229 : vector<16xi32>
    %add3A_1231 = arith.constant 25600 : i32
    %add3A_1232 = vector.broadcast %add3A_1231 : i32 to vector<16xi32>
    %add3A_1233 = arith.addi %add3A_1232, %mul3A_1230 : vector<16xi32>
    %sub3A_1234 = arith.constant 1 : i32
    %sub3A_1235 = vector.broadcast %sub3A_1234 : i32 to vector<16xi32>
    %sub3A_1236 = arith.subi %sub3A_1235, %sub3A_1203 : vector<16xi32>
    %mul3A_1237 = arith.muli %add3A_1224, %sub3A_1236 : vector<16xi32>
    %mul3A_1238 = arith.muli %add3A_1233, %sub3A_1203 : vector<16xi32>
    %add3A_1239 = arith.addi %mul3A_1237, %mul3A_1238 : vector<16xi32>
    %swap3A_1240 = arith.constant 288 : index
    %swap3A_1241 = tpu.vector_load %arg12[%swap3A_1240] {strides = array<i32>} : memref<416xi32, #tpu.memory_space<vmem>>, vector<16xi32>,
    tpu.vector_store %arg12[%swap3A_1240], %add3A_1239 {strides = array<i32>} : memref<416xi32, #tpu.memory_space<vmem>>, vector<16xi32>,
    %add3A_1242 = arith.constant 304 : i32
    %add3A_1243 = vector.broadcast %add3A_1242 : i32 to vector<16xi32>
    %add3A_1244 = arith.addi %iota3A, %add3A_1243 : vector<16xi32>
    %swap3A_1245 = arith.constant 304 : index
    %swap3A_1246 = tpu.vector_load %arg11[%swap3A_1245] {strides = array<i32>} : memref<416xi32, #tpu.memory_space<vmem>>, vector<16xi32>,
    tpu.vector_store %arg11[%swap3A_1245], %add3A_1244 {strides = array<i32>} : memref<416xi32, #tpu.memory_space<vmem>>, vector<16xi32>,
    %sub3A_1247 = arith.constant 208 : i32
    %sub3A_1248 = vector.broadcast %sub3A_1247 : i32 to vector<16xi32>
    %sub3A_1249 = arith.subi %add3A_1244, %sub3A_1248 : vector<16xi32>
    %shift_right_logical3A_1250 = arith.constant 31 : i32
    %shift_right_logical3A_1251 = vector.broadcast %shift_right_logical3A_1250 : i32 to vector<16xi32>
    %shift_right_logical3A_1252 = arith.shrui %sub3A_1249, %shift_right_logical3A_1251 : vector<16xi32>
    %sub3A_1253 = arith.constant 1 : i32
    %sub3A_1254 = vector.broadcast %sub3A_1253 : i32 to vector<16xi32>
    %sub3A_1255 = arith.subi %sub3A_1254, %shift_right_logical3A_1252 : vector<16xi32>
    %mul3A_1256 = arith.constant 208 : i32
    %mul3A_1257 = vector.broadcast %mul3A_1256 : i32 to vector<16xi32>
    %mul3A_1258 = arith.muli %sub3A_1255, %mul3A_1257 : vector<16xi32>
    %sub3A_1259 = arith.subi %add3A_1244, %mul3A_1258 : vector<16xi32>
    %sub3A_1260 = arith.constant 200 : i32
    %sub3A_1261 = vector.broadcast %sub3A_1260 : i32 to vector<16xi32>
    %sub3A_1262 = arith.subi %sub3A_1259, %sub3A_1261 : vector<16xi32>
    %shift_right_logical3A_1263 = arith.constant 31 : i32
    %shift_right_logical3A_1264 = vector.broadcast %shift_right_logical3A_1263 : i32 to vector<16xi32>
    %shift_right_logical3A_1265 = arith.shrui %sub3A_1262, %shift_right_logical3A_1264 : vector<16xi32>
    %sub3A_1266 = arith.constant 1 : i32
    %sub3A_1267 = vector.broadcast %sub3A_1266 : i32 to vector<16xi32>
    %sub3A_1268 = arith.subi %sub3A_1267, %shift_right_logical3A_1265 : vector<16xi32>
    %mul3A_1269 = arith.constant 41944 : i32
    %mul3A_1270 = vector.broadcast %mul3A_1269 : i32 to vector<16xi32>
    %mul3A_1271 = arith.muli %sub3A_1259, %mul3A_1270 : vector<16xi32>
    %shift_right_logical3A_1272 = arith.constant 21 : i32
    %shift_right_logical3A_1273 = vector.broadcast %shift_right_logical3A_1272 : i32 to vector<16xi32>
    %shift_right_logical3A_1274 = arith.shrui %mul3A_1271, %shift_right_logical3A_1273 : vector<16xi32>
    %mul3A_1275 = arith.constant 50 : i32
    %mul3A_1276 = vector.broadcast %mul3A_1275 : i32 to vector<16xi32>
    %mul3A_1277 = arith.muli %shift_right_logical3A_1274, %mul3A_1276 : vector<16xi32>
    %sub3A_1278 = arith.subi %sub3A_1259, %mul3A_1277 : vector<16xi32>
    %mul3A_1279 = arith.constant 6400 : i32
    %mul3A_1280 = vector.broadcast %mul3A_1279 : i32 to vector<16xi32>
    %mul3A_1281 = arith.muli %shift_right_logical3A_1274, %mul3A_1280 : vector<16xi32>
    %mul3A_1282 = arith.constant 3200 : i32
    %mul3A_1283 = vector.broadcast %mul3A_1282 : i32 to vector<16xi32>
    %mul3A_1284 = arith.muli %sub3A_1255, %mul3A_1283 : vector<16xi32>
    %add3A_1285 = arith.addi %mul3A_1281, %mul3A_1284 : vector<16xi32>
    %mul3A_1286 = arith.constant 64 : i32
    %mul3A_1287 = vector.broadcast %mul3A_1286 : i32 to vector<16xi32>
    %mul3A_1288 = arith.muli %sub3A_1278, %mul3A_1287 : vector<16xi32>
    %add3A_1289 = arith.addi %add3A_1285, %mul3A_1288 : vector<16xi32>
    %sub3A_1290 = arith.constant 200 : i32
    %sub3A_1291 = vector.broadcast %sub3A_1290 : i32 to vector<16xi32>
    %sub3A_1292 = arith.subi %sub3A_1259, %sub3A_1291 : vector<16xi32>
    %mul3A_1293 = arith.constant 64 : i32
    %mul3A_1294 = vector.broadcast %mul3A_1293 : i32 to vector<16xi32>
    %mul3A_1295 = arith.muli %sub3A_1292, %mul3A_1294 : vector<16xi32>
    %add3A_1296 = arith.constant 25600 : i32
    %add3A_1297 = vector.broadcast %add3A_1296 : i32 to vector<16xi32>
    %add3A_1298 = arith.addi %add3A_1297, %mul3A_1295 : vector<16xi32>
    %sub3A_1299 = arith.constant 1 : i32
    %sub3A_1300 = vector.broadcast %sub3A_1299 : i32 to vector<16xi32>
    %sub3A_1301 = arith.subi %sub3A_1300, %sub3A_1268 : vector<16xi32>
    %mul3A_1302 = arith.muli %add3A_1289, %sub3A_1301 : vector<16xi32>
    %mul3A_1303 = arith.muli %add3A_1298, %sub3A_1268 : vector<16xi32>
    %add3A_1304 = arith.addi %mul3A_1302, %mul3A_1303 : vector<16xi32>
    %swap3A_1305 = arith.constant 304 : index
    %swap3A_1306 = tpu.vector_load %arg12[%swap3A_1305] {strides = array<i32>} : memref<416xi32, #tpu.memory_space<vmem>>, vector<16xi32>,
    tpu.vector_store %arg12[%swap3A_1305], %add3A_1304 {strides = array<i32>} : memref<416xi32, #tpu.memory_space<vmem>>, vector<16xi32>,
    %add3A_1307 = arith.constant 320 : i32
    %add3A_1308 = vector.broadcast %add3A_1307 : i32 to vector<16xi32>
    %add3A_1309 = arith.addi %iota3A, %add3A_1308 : vector<16xi32>
    %swap3A_1310 = arith.constant 320 : index
    %swap3A_1311 = tpu.vector_load %arg11[%swap3A_1310] {strides = array<i32>} : memref<416xi32, #tpu.memory_space<vmem>>, vector<16xi32>,
    tpu.vector_store %arg11[%swap3A_1310], %add3A_1309 {strides = array<i32>} : memref<416xi32, #tpu.memory_space<vmem>>, vector<16xi32>,
    %sub3A_1312 = arith.constant 208 : i32
    %sub3A_1313 = vector.broadcast %sub3A_1312 : i32 to vector<16xi32>
    %sub3A_1314 = arith.subi %add3A_1309, %sub3A_1313 : vector<16xi32>
    %shift_right_logical3A_1315 = arith.constant 31 : i32
    %shift_right_logical3A_1316 = vector.broadcast %shift_right_logical3A_1315 : i32 to vector<16xi32>
    %shift_right_logical3A_1317 = arith.shrui %sub3A_1314, %shift_right_logical3A_1316 : vector<16xi32>
    %sub3A_1318 = arith.constant 1 : i32
    %sub3A_1319 = vector.broadcast %sub3A_1318 : i32 to vector<16xi32>
    %sub3A_1320 = arith.subi %sub3A_1319, %shift_right_logical3A_1317 : vector<16xi32>
    %mul3A_1321 = arith.constant 208 : i32
    %mul3A_1322 = vector.broadcast %mul3A_1321 : i32 to vector<16xi32>
    %mul3A_1323 = arith.muli %sub3A_1320, %mul3A_1322 : vector<16xi32>
    %sub3A_1324 = arith.subi %add3A_1309, %mul3A_1323 : vector<16xi32>
    %sub3A_1325 = arith.constant 200 : i32
    %sub3A_1326 = vector.broadcast %sub3A_1325 : i32 to vector<16xi32>
    %sub3A_1327 = arith.subi %sub3A_1324, %sub3A_1326 : vector<16xi32>
    %shift_right_logical3A_1328 = arith.constant 31 : i32
    %shift_right_logical3A_1329 = vector.broadcast %shift_right_logical3A_1328 : i32 to vector<16xi32>
    %shift_right_logical3A_1330 = arith.shrui %sub3A_1327, %shift_right_logical3A_1329 : vector<16xi32>
    %sub3A_1331 = arith.constant 1 : i32
    %sub3A_1332 = vector.broadcast %sub3A_1331 : i32 to vector<16xi32>
    %sub3A_1333 = arith.subi %sub3A_1332, %shift_right_logical3A_1330 : vector<16xi32>
    %mul3A_1334 = arith.constant 41944 : i32
    %mul3A_1335 = vector.broadcast %mul3A_1334 : i32 to vector<16xi32>
    %mul3A_1336 = arith.muli %sub3A_1324, %mul3A_1335 : vector<16xi32>
    %shift_right_logical3A_1337 = arith.constant 21 : i32
    %shift_right_logical3A_1338 = vector.broadcast %shift_right_logical3A_1337 : i32 to vector<16xi32>
    %shift_right_logical3A_1339 = arith.shrui %mul3A_1336, %shift_right_logical3A_1338 : vector<16xi32>
    %mul3A_1340 = arith.constant 50 : i32
    %mul3A_1341 = vector.broadcast %mul3A_1340 : i32 to vector<16xi32>
    %mul3A_1342 = arith.muli %shift_right_logical3A_1339, %mul3A_1341 : vector<16xi32>
    %sub3A_1343 = arith.subi %sub3A_1324, %mul3A_1342 : vector<16xi32>
    %mul3A_1344 = arith.constant 6400 : i32
    %mul3A_1345 = vector.broadcast %mul3A_1344 : i32 to vector<16xi32>
    %mul3A_1346 = arith.muli %shift_right_logical3A_1339, %mul3A_1345 : vector<16xi32>
    %mul3A_1347 = arith.constant 3200 : i32
    %mul3A_1348 = vector.broadcast %mul3A_1347 : i32 to vector<16xi32>
    %mul3A_1349 = arith.muli %sub3A_1320, %mul3A_1348 : vector<16xi32>
    %add3A_1350 = arith.addi %mul3A_1346, %mul3A_1349 : vector<16xi32>
    %mul3A_1351 = arith.constant 64 : i32
    %mul3A_1352 = vector.broadcast %mul3A_1351 : i32 to vector<16xi32>
    %mul3A_1353 = arith.muli %sub3A_1343, %mul3A_1352 : vector<16xi32>
    %add3A_1354 = arith.addi %add3A_1350, %mul3A_1353 : vector<16xi32>
    %sub3A_1355 = arith.constant 200 : i32
    %sub3A_1356 = vector.broadcast %sub3A_1355 : i32 to vector<16xi32>
    %sub3A_1357 = arith.subi %sub3A_1324, %sub3A_1356 : vector<16xi32>
    %mul3A_1358 = arith.constant 64 : i32
    %mul3A_1359 = vector.broadcast %mul3A_1358 : i32 to vector<16xi32>
    %mul3A_1360 = arith.muli %sub3A_1357, %mul3A_1359 : vector<16xi32>
    %add3A_1361 = arith.constant 25600 : i32
    %add3A_1362 = vector.broadcast %add3A_1361 : i32 to vector<16xi32>
    %add3A_1363 = arith.addi %add3A_1362, %mul3A_1360 : vector<16xi32>
    %sub3A_1364 = arith.constant 1 : i32
    %sub3A_1365 = vector.broadcast %sub3A_1364 : i32 to vector<16xi32>
    %sub3A_1366 = arith.subi %sub3A_1365, %sub3A_1333 : vector<16xi32>
    %mul3A_1367 = arith.muli %add3A_1354, %sub3A_1366 : vector<16xi32>
    %mul3A_1368 = arith.muli %add3A_1363, %sub3A_1333 : vector<16xi32>
    %add3A_1369 = arith.addi %mul3A_1367, %mul3A_1368 : vector<16xi32>
    %swap3A_1370 = arith.constant 320 : index
    %swap3A_1371 = tpu.vector_load %arg12[%swap3A_1370] {strides = array<i32>} : memref<416xi32, #tpu.memory_space<vmem>>, vector<16xi32>,
    tpu.vector_store %arg12[%swap3A_1370], %add3A_1369 {strides = array<i32>} : memref<416xi32, #tpu.memory_space<vmem>>, vector<16xi32>,
    %add3A_1372 = arith.constant 336 : i32
    %add3A_1373 = vector.broadcast %add3A_1372 : i32 to vector<16xi32>
    %add3A_1374 = arith.addi %iota3A, %add3A_1373 : vector<16xi32>
    %swap3A_1375 = arith.constant 336 : index
    %swap3A_1376 = tpu.vector_load %arg11[%swap3A_1375] {strides = array<i32>} : memref<416xi32, #tpu.memory_space<vmem>>, vector<16xi32>,
    tpu.vector_store %arg11[%swap3A_1375], %add3A_1374 {strides = array<i32>} : memref<416xi32, #tpu.memory_space<vmem>>, vector<16xi32>,
    %sub3A_1377 = arith.constant 208 : i32
    %sub3A_1378 = vector.broadcast %sub3A_1377 : i32 to vector<16xi32>
    %sub3A_1379 = arith.subi %add3A_1374, %sub3A_1378 : vector<16xi32>
    %shift_right_logical3A_1380 = arith.constant 31 : i32
    %shift_right_logical3A_1381 = vector.broadcast %shift_right_logical3A_1380 : i32 to vector<16xi32>
    %shift_right_logical3A_1382 = arith.shrui %sub3A_1379, %shift_right_logical3A_1381 : vector<16xi32>
    %sub3A_1383 = arith.constant 1 : i32
    %sub3A_1384 = vector.broadcast %sub3A_1383 : i32 to vector<16xi32>
    %sub3A_1385 = arith.subi %sub3A_1384, %shift_right_logical3A_1382 : vector<16xi32>
    %mul3A_1386 = arith.constant 208 : i32
    %mul3A_1387 = vector.broadcast %mul3A_1386 : i32 to vector<16xi32>
    %mul3A_1388 = arith.muli %sub3A_1385, %mul3A_1387 : vector<16xi32>
    %sub3A_1389 = arith.subi %add3A_1374, %mul3A_1388 : vector<16xi32>
    %sub3A_1390 = arith.constant 200 : i32
    %sub3A_1391 = vector.broadcast %sub3A_1390 : i32 to vector<16xi32>
    %sub3A_1392 = arith.subi %sub3A_1389, %sub3A_1391 : vector<16xi32>
    %shift_right_logical3A_1393 = arith.constant 31 : i32
    %shift_right_logical3A_1394 = vector.broadcast %shift_right_logical3A_1393 : i32 to vector<16xi32>
    %shift_right_logical3A_1395 = arith.shrui %sub3A_1392, %shift_right_logical3A_1394 : vector<16xi32>
    %sub3A_1396 = arith.constant 1 : i32
    %sub3A_1397 = vector.broadcast %sub3A_1396 : i32 to vector<16xi32>
    %sub3A_1398 = arith.subi %sub3A_1397, %shift_right_logical3A_1395 : vector<16xi32>
    %mul3A_1399 = arith.constant 41944 : i32
    %mul3A_1400 = vector.broadcast %mul3A_1399 : i32 to vector<16xi32>
    %mul3A_1401 = arith.muli %sub3A_1389, %mul3A_1400 : vector<16xi32>
    %shift_right_logical3A_1402 = arith.constant 21 : i32
    %shift_right_logical3A_1403 = vector.broadcast %shift_right_logical3A_1402 : i32 to vector<16xi32>
    %shift_right_logical3A_1404 = arith.shrui %mul3A_1401, %shift_right_logical3A_1403 : vector<16xi32>
    %mul3A_1405 = arith.constant 50 : i32
    %mul3A_1406 = vector.broadcast %mul3A_1405 : i32 to vector<16xi32>
    %mul3A_1407 = arith.muli %shift_right_logical3A_1404, %mul3A_1406 : vector<16xi32>
    %sub3A_1408 = arith.subi %sub3A_1389, %mul3A_1407 : vector<16xi32>
    %mul3A_1409 = arith.constant 6400 : i32
    %mul3A_1410 = vector.broadcast %mul3A_1409 : i32 to vector<16xi32>
    %mul3A_1411 = arith.muli %shift_right_logical3A_1404, %mul3A_1410 : vector<16xi32>
    %mul3A_1412 = arith.constant 3200 : i32
    %mul3A_1413 = vector.broadcast %mul3A_1412 : i32 to vector<16xi32>
    %mul3A_1414 = arith.muli %sub3A_1385, %mul3A_1413 : vector<16xi32>
    %add3A_1415 = arith.addi %mul3A_1411, %mul3A_1414 : vector<16xi32>
    %mul3A_1416 = arith.constant 64 : i32
    %mul3A_1417 = vector.broadcast %mul3A_1416 : i32 to vector<16xi32>
    %mul3A_1418 = arith.muli %sub3A_1408, %mul3A_1417 : vector<16xi32>
    %add3A_1419 = arith.addi %add3A_1415, %mul3A_1418 : vector<16xi32>
    %sub3A_1420 = arith.constant 200 : i32
    %sub3A_1421 = vector.broadcast %sub3A_1420 : i32 to vector<16xi32>
    %sub3A_1422 = arith.subi %sub3A_1389, %sub3A_1421 : vector<16xi32>
    %mul3A_1423 = arith.constant 64 : i32
    %mul3A_1424 = vector.broadcast %mul3A_1423 : i32 to vector<16xi32>
    %mul3A_1425 = arith.muli %sub3A_1422, %mul3A_1424 : vector<16xi32>
    %add3A_1426 = arith.constant 25600 : i32
    %add3A_1427 = vector.broadcast %add3A_1426 : i32 to vector<16xi32>
    %add3A_1428 = arith.addi %add3A_1427, %mul3A_1425 : vector<16xi32>
    %sub3A_1429 = arith.constant 1 : i32
    %sub3A_1430 = vector.broadcast %sub3A_1429 : i32 to vector<16xi32>
    %sub3A_1431 = arith.subi %sub3A_1430, %sub3A_1398 : vector<16xi32>
    %mul3A_1432 = arith.muli %add3A_1419, %sub3A_1431 : vector<16xi32>
    %mul3A_1433 = arith.muli %add3A_1428, %sub3A_1398 : vector<16xi32>
    %add3A_1434 = arith.addi %mul3A_1432, %mul3A_1433 : vector<16xi32>
    %swap3A_1435 = arith.constant 336 : index
    %swap3A_1436 = tpu.vector_load %arg12[%swap3A_1435] {strides = array<i32>} : memref<416xi32, #tpu.memory_space<vmem>>, vector<16xi32>,
    tpu.vector_store %arg12[%swap3A_1435], %add3A_1434 {strides = array<i32>} : memref<416xi32, #tpu.memory_space<vmem>>, vector<16xi32>,
    %add3A_1437 = arith.constant 352 : i32
    %add3A_1438 = vector.broadcast %add3A_1437 : i32 to vector<16xi32>
    %add3A_1439 = arith.addi %iota3A, %add3A_1438 : vector<16xi32>
    %swap3A_1440 = arith.constant 352 : index
    %swap3A_1441 = tpu.vector_load %arg11[%swap3A_1440] {strides = array<i32>} : memref<416xi32, #tpu.memory_space<vmem>>, vector<16xi32>,
    tpu.vector_store %arg11[%swap3A_1440], %add3A_1439 {strides = array<i32>} : memref<416xi32, #tpu.memory_space<vmem>>, vector<16xi32>,
    %sub3A_1442 = arith.constant 208 : i32
    %sub3A_1443 = vector.broadcast %sub3A_1442 : i32 to vector<16xi32>
    %sub3A_1444 = arith.subi %add3A_1439, %sub3A_1443 : vector<16xi32>
    %shift_right_logical3A_1445 = arith.constant 31 : i32
    %shift_right_logical3A_1446 = vector.broadcast %shift_right_logical3A_1445 : i32 to vector<16xi32>
    %shift_right_logical3A_1447 = arith.shrui %sub3A_1444, %shift_right_logical3A_1446 : vector<16xi32>
    %sub3A_1448 = arith.constant 1 : i32
    %sub3A_1449 = vector.broadcast %sub3A_1448 : i32 to vector<16xi32>
    %sub3A_1450 = arith.subi %sub3A_1449, %shift_right_logical3A_1447 : vector<16xi32>
    %mul3A_1451 = arith.constant 208 : i32
    %mul3A_1452 = vector.broadcast %mul3A_1451 : i32 to vector<16xi32>
    %mul3A_1453 = arith.muli %sub3A_1450, %mul3A_1452 : vector<16xi32>
    %sub3A_1454 = arith.subi %add3A_1439, %mul3A_1453 : vector<16xi32>
    %sub3A_1455 = arith.constant 200 : i32
    %sub3A_1456 = vector.broadcast %sub3A_1455 : i32 to vector<16xi32>
    %sub3A_1457 = arith.subi %sub3A_1454, %sub3A_1456 : vector<16xi32>
    %shift_right_logical3A_1458 = arith.constant 31 : i32
    %shift_right_logical3A_1459 = vector.broadcast %shift_right_logical3A_1458 : i32 to vector<16xi32>
    %shift_right_logical3A_1460 = arith.shrui %sub3A_1457, %shift_right_logical3A_1459 : vector<16xi32>
    %sub3A_1461 = arith.constant 1 : i32
    %sub3A_1462 = vector.broadcast %sub3A_1461 : i32 to vector<16xi32>
    %sub3A_1463 = arith.subi %sub3A_1462, %shift_right_logical3A_1460 : vector<16xi32>
    %mul3A_1464 = arith.constant 41944 : i32
    %mul3A_1465 = vector.broadcast %mul3A_1464 : i32 to vector<16xi32>
    %mul3A_1466 = arith.muli %sub3A_1454, %mul3A_1465 : vector<16xi32>
    %shift_right_logical3A_1467 = arith.constant 21 : i32
    %shift_right_logical3A_1468 = vector.broadcast %shift_right_logical3A_1467 : i32 to vector<16xi32>
    %shift_right_logical3A_1469 = arith.shrui %mul3A_1466, %shift_right_logical3A_1468 : vector<16xi32>
    %mul3A_1470 = arith.constant 50 : i32
    %mul3A_1471 = vector.broadcast %mul3A_1470 : i32 to vector<16xi32>
    %mul3A_1472 = arith.muli %shift_right_logical3A_1469, %mul3A_1471 : vector<16xi32>
    %sub3A_1473 = arith.subi %sub3A_1454, %mul3A_1472 : vector<16xi32>
    %mul3A_1474 = arith.constant 6400 : i32
    %mul3A_1475 = vector.broadcast %mul3A_1474 : i32 to vector<16xi32>
    %mul3A_1476 = arith.muli %shift_right_logical3A_1469, %mul3A_1475 : vector<16xi32>
    %mul3A_1477 = arith.constant 3200 : i32
    %mul3A_1478 = vector.broadcast %mul3A_1477 : i32 to vector<16xi32>
    %mul3A_1479 = arith.muli %sub3A_1450, %mul3A_1478 : vector<16xi32>
    %add3A_1480 = arith.addi %mul3A_1476, %mul3A_1479 : vector<16xi32>
    %mul3A_1481 = arith.constant 64 : i32
    %mul3A_1482 = vector.broadcast %mul3A_1481 : i32 to vector<16xi32>
    %mul3A_1483 = arith.muli %sub3A_1473, %mul3A_1482 : vector<16xi32>
    %add3A_1484 = arith.addi %add3A_1480, %mul3A_1483 : vector<16xi32>
    %sub3A_1485 = arith.constant 200 : i32
    %sub3A_1486 = vector.broadcast %sub3A_1485 : i32 to vector<16xi32>
    %sub3A_1487 = arith.subi %sub3A_1454, %sub3A_1486 : vector<16xi32>
    %mul3A_1488 = arith.constant 64 : i32
    %mul3A_1489 = vector.broadcast %mul3A_1488 : i32 to vector<16xi32>
    %mul3A_1490 = arith.muli %sub3A_1487, %mul3A_1489 : vector<16xi32>
    %add3A_1491 = arith.constant 25600 : i32
    %add3A_1492 = vector.broadcast %add3A_1491 : i32 to vector<16xi32>
    %add3A_1493 = arith.addi %add3A_1492, %mul3A_1490 : vector<16xi32>
    %sub3A_1494 = arith.constant 1 : i32
    %sub3A_1495 = vector.broadcast %sub3A_1494 : i32 to vector<16xi32>
    %sub3A_1496 = arith.subi %sub3A_1495, %sub3A_1463 : vector<16xi32>
    %mul3A_1497 = arith.muli %add3A_1484, %sub3A_1496 : vector<16xi32>
    %mul3A_1498 = arith.muli %add3A_1493, %sub3A_1463 : vector<16xi32>
    %add3A_1499 = arith.addi %mul3A_1497, %mul3A_1498 : vector<16xi32>
    %swap3A_1500 = arith.constant 352 : index
    %swap3A_1501 = tpu.vector_load %arg12[%swap3A_1500] {strides = array<i32>} : memref<416xi32, #tpu.memory_space<vmem>>, vector<16xi32>,
    tpu.vector_store %arg12[%swap3A_1500], %add3A_1499 {strides = array<i32>} : memref<416xi32, #tpu.memory_space<vmem>>, vector<16xi32>,
    %add3A_1502 = arith.constant 368 : i32
    %add3A_1503 = vector.broadcast %add3A_1502 : i32 to vector<16xi32>
    %add3A_1504 = arith.addi %iota3A, %add3A_1503 : vector<16xi32>
    %swap3A_1505 = arith.constant 368 : index
    %swap3A_1506 = tpu.vector_load %arg11[%swap3A_1505] {strides = array<i32>} : memref<416xi32, #tpu.memory_space<vmem>>, vector<16xi32>,
    tpu.vector_store %arg11[%swap3A_1505], %add3A_1504 {strides = array<i32>} : memref<416xi32, #tpu.memory_space<vmem>>, vector<16xi32>,
    %sub3A_1507 = arith.constant 208 : i32
    %sub3A_1508 = vector.broadcast %sub3A_1507 : i32 to vector<16xi32>
    %sub3A_1509 = arith.subi %add3A_1504, %sub3A_1508 : vector<16xi32>
    %shift_right_logical3A_1510 = arith.constant 31 : i32
    %shift_right_logical3A_1511 = vector.broadcast %shift_right_logical3A_1510 : i32 to vector<16xi32>
    %shift_right_logical3A_1512 = arith.shrui %sub3A_1509, %shift_right_logical3A_1511 : vector<16xi32>
    %sub3A_1513 = arith.constant 1 : i32
    %sub3A_1514 = vector.broadcast %sub3A_1513 : i32 to vector<16xi32>
    %sub3A_1515 = arith.subi %sub3A_1514, %shift_right_logical3A_1512 : vector<16xi32>
    %mul3A_1516 = arith.constant 208 : i32
    %mul3A_1517 = vector.broadcast %mul3A_1516 : i32 to vector<16xi32>
    %mul3A_1518 = arith.muli %sub3A_1515, %mul3A_1517 : vector<16xi32>
    %sub3A_1519 = arith.subi %add3A_1504, %mul3A_1518 : vector<16xi32>
    %sub3A_1520 = arith.constant 200 : i32
    %sub3A_1521 = vector.broadcast %sub3A_1520 : i32 to vector<16xi32>
    %sub3A_1522 = arith.subi %sub3A_1519, %sub3A_1521 : vector<16xi32>
    %shift_right_logical3A_1523 = arith.constant 31 : i32
    %shift_right_logical3A_1524 = vector.broadcast %shift_right_logical3A_1523 : i32 to vector<16xi32>
    %shift_right_logical3A_1525 = arith.shrui %sub3A_1522, %shift_right_logical3A_1524 : vector<16xi32>
    %sub3A_1526 = arith.constant 1 : i32
    %sub3A_1527 = vector.broadcast %sub3A_1526 : i32 to vector<16xi32>
    %sub3A_1528 = arith.subi %sub3A_1527, %shift_right_logical3A_1525 : vector<16xi32>
    %mul3A_1529 = arith.constant 41944 : i32
    %mul3A_1530 = vector.broadcast %mul3A_1529 : i32 to vector<16xi32>
    %mul3A_1531 = arith.muli %sub3A_1519, %mul3A_1530 : vector<16xi32>
    %shift_right_logical3A_1532 = arith.constant 21 : i32
    %shift_right_logical3A_1533 = vector.broadcast %shift_right_logical3A_1532 : i32 to vector<16xi32>
    %shift_right_logical3A_1534 = arith.shrui %mul3A_1531, %shift_right_logical3A_1533 : vector<16xi32>
    %mul3A_1535 = arith.constant 50 : i32
    %mul3A_1536 = vector.broadcast %mul3A_1535 : i32 to vector<16xi32>
    %mul3A_1537 = arith.muli %shift_right_logical3A_1534, %mul3A_1536 : vector<16xi32>
    %sub3A_1538 = arith.subi %sub3A_1519, %mul3A_1537 : vector<16xi32>
    %mul3A_1539 = arith.constant 6400 : i32
    %mul3A_1540 = vector.broadcast %mul3A_1539 : i32 to vector<16xi32>
    %mul3A_1541 = arith.muli %shift_right_logical3A_1534, %mul3A_1540 : vector<16xi32>
    %mul3A_1542 = arith.constant 3200 : i32
    %mul3A_1543 = vector.broadcast %mul3A_1542 : i32 to vector<16xi32>
    %mul3A_1544 = arith.muli %sub3A_1515, %mul3A_1543 : vector<16xi32>
    %add3A_1545 = arith.addi %mul3A_1541, %mul3A_1544 : vector<16xi32>
    %mul3A_1546 = arith.constant 64 : i32
    %mul3A_1547 = vector.broadcast %mul3A_1546 : i32 to vector<16xi32>
    %mul3A_1548 = arith.muli %sub3A_1538, %mul3A_1547 : vector<16xi32>
    %add3A_1549 = arith.addi %add3A_1545, %mul3A_1548 : vector<16xi32>
    %sub3A_1550 = arith.constant 200 : i32
    %sub3A_1551 = vector.broadcast %sub3A_1550 : i32 to vector<16xi32>
    %sub3A_1552 = arith.subi %sub3A_1519, %sub3A_1551 : vector<16xi32>
    %mul3A_1553 = arith.constant 64 : i32
    %mul3A_1554 = vector.broadcast %mul3A_1553 : i32 to vector<16xi32>
    %mul3A_1555 = arith.muli %sub3A_1552, %mul3A_1554 : vector<16xi32>
    %add3A_1556 = arith.constant 25600 : i32
    %add3A_1557 = vector.broadcast %add3A_1556 : i32 to vector<16xi32>
    %add3A_1558 = arith.addi %add3A_1557, %mul3A_1555 : vector<16xi32>
    %sub3A_1559 = arith.constant 1 : i32
    %sub3A_1560 = vector.broadcast %sub3A_1559 : i32 to vector<16xi32>
    %sub3A_1561 = arith.subi %sub3A_1560, %sub3A_1528 : vector<16xi32>
    %mul3A_1562 = arith.muli %add3A_1549, %sub3A_1561 : vector<16xi32>
    %mul3A_1563 = arith.muli %add3A_1558, %sub3A_1528 : vector<16xi32>
    %add3A_1564 = arith.addi %mul3A_1562, %mul3A_1563 : vector<16xi32>
    %swap3A_1565 = arith.constant 368 : index
    %swap3A_1566 = tpu.vector_load %arg12[%swap3A_1565] {strides = array<i32>} : memref<416xi32, #tpu.memory_space<vmem>>, vector<16xi32>,
    tpu.vector_store %arg12[%swap3A_1565], %add3A_1564 {strides = array<i32>} : memref<416xi32, #tpu.memory_space<vmem>>, vector<16xi32>,
    %add3A_1567 = arith.constant 384 : i32
    %add3A_1568 = vector.broadcast %add3A_1567 : i32 to vector<16xi32>
    %add3A_1569 = arith.addi %iota3A, %add3A_1568 : vector<16xi32>
    %swap3A_1570 = arith.constant 384 : index
    %swap3A_1571 = tpu.vector_load %arg11[%swap3A_1570] {strides = array<i32>} : memref<416xi32, #tpu.memory_space<vmem>>, vector<16xi32>,
    tpu.vector_store %arg11[%swap3A_1570], %add3A_1569 {strides = array<i32>} : memref<416xi32, #tpu.memory_space<vmem>>, vector<16xi32>,
    %sub3A_1572 = arith.constant 208 : i32
    %sub3A_1573 = vector.broadcast %sub3A_1572 : i32 to vector<16xi32>
    %sub3A_1574 = arith.subi %add3A_1569, %sub3A_1573 : vector<16xi32>
    %shift_right_logical3A_1575 = arith.constant 31 : i32
    %shift_right_logical3A_1576 = vector.broadcast %shift_right_logical3A_1575 : i32 to vector<16xi32>
    %shift_right_logical3A_1577 = arith.shrui %sub3A_1574, %shift_right_logical3A_1576 : vector<16xi32>
    %sub3A_1578 = arith.constant 1 : i32
    %sub3A_1579 = vector.broadcast %sub3A_1578 : i32 to vector<16xi32>
    %sub3A_1580 = arith.subi %sub3A_1579, %shift_right_logical3A_1577 : vector<16xi32>
    %mul3A_1581 = arith.constant 208 : i32
    %mul3A_1582 = vector.broadcast %mul3A_1581 : i32 to vector<16xi32>
    %mul3A_1583 = arith.muli %sub3A_1580, %mul3A_1582 : vector<16xi32>
    %sub3A_1584 = arith.subi %add3A_1569, %mul3A_1583 : vector<16xi32>
    %sub3A_1585 = arith.constant 200 : i32
    %sub3A_1586 = vector.broadcast %sub3A_1585 : i32 to vector<16xi32>
    %sub3A_1587 = arith.subi %sub3A_1584, %sub3A_1586 : vector<16xi32>
    %shift_right_logical3A_1588 = arith.constant 31 : i32
    %shift_right_logical3A_1589 = vector.broadcast %shift_right_logical3A_1588 : i32 to vector<16xi32>
    %shift_right_logical3A_1590 = arith.shrui %sub3A_1587, %shift_right_logical3A_1589 : vector<16xi32>
    %sub3A_1591 = arith.constant 1 : i32
    %sub3A_1592 = vector.broadcast %sub3A_1591 : i32 to vector<16xi32>
    %sub3A_1593 = arith.subi %sub3A_1592, %shift_right_logical3A_1590 : vector<16xi32>
    %mul3A_1594 = arith.constant 41944 : i32
    %mul3A_1595 = vector.broadcast %mul3A_1594 : i32 to vector<16xi32>
    %mul3A_1596 = arith.muli %sub3A_1584, %mul3A_1595 : vector<16xi32>
    %shift_right_logical3A_1597 = arith.constant 21 : i32
    %shift_right_logical3A_1598 = vector.broadcast %shift_right_logical3A_1597 : i32 to vector<16xi32>
    %shift_right_logical3A_1599 = arith.shrui %mul3A_1596, %shift_right_logical3A_1598 : vector<16xi32>
    %mul3A_1600 = arith.constant 50 : i32
    %mul3A_1601 = vector.broadcast %mul3A_1600 : i32 to vector<16xi32>
    %mul3A_1602 = arith.muli %shift_right_logical3A_1599, %mul3A_1601 : vector<16xi32>
    %sub3A_1603 = arith.subi %sub3A_1584, %mul3A_1602 : vector<16xi32>
    %mul3A_1604 = arith.constant 6400 : i32
    %mul3A_1605 = vector.broadcast %mul3A_1604 : i32 to vector<16xi32>
    %mul3A_1606 = arith.muli %shift_right_logical3A_1599, %mul3A_1605 : vector<16xi32>
    %mul3A_1607 = arith.constant 3200 : i32
    %mul3A_1608 = vector.broadcast %mul3A_1607 : i32 to vector<16xi32>
    %mul3A_1609 = arith.muli %sub3A_1580, %mul3A_1608 : vector<16xi32>
    %add3A_1610 = arith.addi %mul3A_1606, %mul3A_1609 : vector<16xi32>
    %mul3A_1611 = arith.constant 64 : i32
    %mul3A_1612 = vector.broadcast %mul3A_1611 : i32 to vector<16xi32>
    %mul3A_1613 = arith.muli %sub3A_1603, %mul3A_1612 : vector<16xi32>
    %add3A_1614 = arith.addi %add3A_1610, %mul3A_1613 : vector<16xi32>
    %sub3A_1615 = arith.constant 200 : i32
    %sub3A_1616 = vector.broadcast %sub3A_1615 : i32 to vector<16xi32>
    %sub3A_1617 = arith.subi %sub3A_1584, %sub3A_1616 : vector<16xi32>
    %mul3A_1618 = arith.constant 64 : i32
    %mul3A_1619 = vector.broadcast %mul3A_1618 : i32 to vector<16xi32>
    %mul3A_1620 = arith.muli %sub3A_1617, %mul3A_1619 : vector<16xi32>
    %add3A_1621 = arith.constant 25600 : i32
    %add3A_1622 = vector.broadcast %add3A_1621 : i32 to vector<16xi32>
    %add3A_1623 = arith.addi %add3A_1622, %mul3A_1620 : vector<16xi32>
    %sub3A_1624 = arith.constant 1 : i32
    %sub3A_1625 = vector.broadcast %sub3A_1624 : i32 to vector<16xi32>
    %sub3A_1626 = arith.subi %sub3A_1625, %sub3A_1593 : vector<16xi32>
    %mul3A_1627 = arith.muli %add3A_1614, %sub3A_1626 : vector<16xi32>
    %mul3A_1628 = arith.muli %add3A_1623, %sub3A_1593 : vector<16xi32>
    %add3A_1629 = arith.addi %mul3A_1627, %mul3A_1628 : vector<16xi32>
    %swap3A_1630 = arith.constant 384 : index
    %swap3A_1631 = tpu.vector_load %arg12[%swap3A_1630] {strides = array<i32>} : memref<416xi32, #tpu.memory_space<vmem>>, vector<16xi32>,
    tpu.vector_store %arg12[%swap3A_1630], %add3A_1629 {strides = array<i32>} : memref<416xi32, #tpu.memory_space<vmem>>, vector<16xi32>,
    %add3A_1632 = arith.constant 400 : i32
    %add3A_1633 = vector.broadcast %add3A_1632 : i32 to vector<16xi32>
    %add3A_1634 = arith.addi %iota3A, %add3A_1633 : vector<16xi32>
    %swap3A_1635 = arith.constant 400 : index
    %swap3A_1636 = tpu.vector_load %arg11[%swap3A_1635] {strides = array<i32>} : memref<416xi32, #tpu.memory_space<vmem>>, vector<16xi32>,
    tpu.vector_store %arg11[%swap3A_1635], %add3A_1634 {strides = array<i32>} : memref<416xi32, #tpu.memory_space<vmem>>, vector<16xi32>,
    %sub3A_1637 = arith.constant 208 : i32
    %sub3A_1638 = vector.broadcast %sub3A_1637 : i32 to vector<16xi32>
    %sub3A_1639 = arith.subi %add3A_1634, %sub3A_1638 : vector<16xi32>
    %shift_right_logical3A_1640 = arith.constant 31 : i32
    %shift_right_logical3A_1641 = vector.broadcast %shift_right_logical3A_1640 : i32 to vector<16xi32>
    %shift_right_logical3A_1642 = arith.shrui %sub3A_1639, %shift_right_logical3A_1641 : vector<16xi32>
    %sub3A_1643 = arith.constant 1 : i32
    %sub3A_1644 = vector.broadcast %sub3A_1643 : i32 to vector<16xi32>
    %sub3A_1645 = arith.subi %sub3A_1644, %shift_right_logical3A_1642 : vector<16xi32>
    %mul3A_1646 = arith.constant 208 : i32
    %mul3A_1647 = vector.broadcast %mul3A_1646 : i32 to vector<16xi32>
    %mul3A_1648 = arith.muli %sub3A_1645, %mul3A_1647 : vector<16xi32>
    %sub3A_1649 = arith.subi %add3A_1634, %mul3A_1648 : vector<16xi32>
    %sub3A_1650 = arith.constant 200 : i32
    %sub3A_1651 = vector.broadcast %sub3A_1650 : i32 to vector<16xi32>
    %sub3A_1652 = arith.subi %sub3A_1649, %sub3A_1651 : vector<16xi32>
    %shift_right_logical3A_1653 = arith.constant 31 : i32
    %shift_right_logical3A_1654 = vector.broadcast %shift_right_logical3A_1653 : i32 to vector<16xi32>
    %shift_right_logical3A_1655 = arith.shrui %sub3A_1652, %shift_right_logical3A_1654 : vector<16xi32>
    %sub3A_1656 = arith.constant 1 : i32
    %sub3A_1657 = vector.broadcast %sub3A_1656 : i32 to vector<16xi32>
    %sub3A_1658 = arith.subi %sub3A_1657, %shift_right_logical3A_1655 : vector<16xi32>
    %mul3A_1659 = arith.constant 41944 : i32
    %mul3A_1660 = vector.broadcast %mul3A_1659 : i32 to vector<16xi32>
    %mul3A_1661 = arith.muli %sub3A_1649, %mul3A_1660 : vector<16xi32>
    %shift_right_logical3A_1662 = arith.constant 21 : i32
    %shift_right_logical3A_1663 = vector.broadcast %shift_right_logical3A_1662 : i32 to vector<16xi32>
    %shift_right_logical3A_1664 = arith.shrui %mul3A_1661, %shift_right_logical3A_1663 : vector<16xi32>
    %mul3A_1665 = arith.constant 50 : i32
    %mul3A_1666 = vector.broadcast %mul3A_1665 : i32 to vector<16xi32>
    %mul3A_1667 = arith.muli %shift_right_logical3A_1664, %mul3A_1666 : vector<16xi32>
    %sub3A_1668 = arith.subi %sub3A_1649, %mul3A_1667 : vector<16xi32>
    %mul3A_1669 = arith.constant 6400 : i32
    %mul3A_1670 = vector.broadcast %mul3A_1669 : i32 to vector<16xi32>
    %mul3A_1671 = arith.muli %shift_right_logical3A_1664, %mul3A_1670 : vector<16xi32>
    %mul3A_1672 = arith.constant 3200 : i32
    %mul3A_1673 = vector.broadcast %mul3A_1672 : i32 to vector<16xi32>
    %mul3A_1674 = arith.muli %sub3A_1645, %mul3A_1673 : vector<16xi32>
    %add3A_1675 = arith.addi %mul3A_1671, %mul3A_1674 : vector<16xi32>
    %mul3A_1676 = arith.constant 64 : i32
    %mul3A_1677 = vector.broadcast %mul3A_1676 : i32 to vector<16xi32>
    %mul3A_1678 = arith.muli %sub3A_1668, %mul3A_1677 : vector<16xi32>
    %add3A_1679 = arith.addi %add3A_1675, %mul3A_1678 : vector<16xi32>
    %sub3A_1680 = arith.constant 200 : i32
    %sub3A_1681 = vector.broadcast %sub3A_1680 : i32 to vector<16xi32>
    %sub3A_1682 = arith.subi %sub3A_1649, %sub3A_1681 : vector<16xi32>
    %mul3A_1683 = arith.constant 64 : i32
    %mul3A_1684 = vector.broadcast %mul3A_1683 : i32 to vector<16xi32>
    %mul3A_1685 = arith.muli %sub3A_1682, %mul3A_1684 : vector<16xi32>
    %add3A_1686 = arith.constant 25600 : i32
    %add3A_1687 = vector.broadcast %add3A_1686 : i32 to vector<16xi32>
    %add3A_1688 = arith.addi %add3A_1687, %mul3A_1685 : vector<16xi32>
    %sub3A_1689 = arith.constant 1 : i32
    %sub3A_1690 = vector.broadcast %sub3A_1689 : i32 to vector<16xi32>
    %sub3A_1691 = arith.subi %sub3A_1690, %sub3A_1658 : vector<16xi32>
    %mul3A_1692 = arith.muli %add3A_1679, %sub3A_1691 : vector<16xi32>
    %mul3A_1693 = arith.muli %add3A_1688, %sub3A_1658 : vector<16xi32>
    %add3A_1694 = arith.addi %mul3A_1692, %mul3A_1693 : vector<16xi32>
    %swap3A_1695 = arith.constant 400 : index
    %swap3A_1696 = tpu.vector_load %arg12[%swap3A_1695] {strides = array<i32>} : memref<416xi32, #tpu.memory_space<vmem>>, vector<16xi32>,
    tpu.vector_store %arg12[%swap3A_1695], %add3A_1694 {strides = array<i32>} : memref<416xi32, #tpu.memory_space<vmem>>, vector<16xi32>,
    %add3A_1697 = arith.constant 0 : i32
    %add3A_1698 = arith.addi %mul3A_2, %add3A_1697 : i32
    "tpu.region"() ({
      %run_scoped3A = tpu.sem_alloc : memref<!tpu.dma_semaphore, #tpu.memory_space<semaphore_mem>>
      %dma_start3A_2167 = arith.constant 0 : i32
      %dma_start3A_2168 = tpu.memref_slice %arg7[%dma_start3A_2167] : memref<416xi32, #tpu.memory_space<vmem>> -> memref<200xi32, #tpu.memory_space<vmem>>
      %dma_start3A_2169 = tpu.memref_slice %arg2[%add3A_1698] : memref<204800xi32, #tpu.memory_space<hbm>> -> memref<200xi32, #tpu.memory_space<hbm>>
      %dma_start3A_2170 = arith.constant 0 : i32
      %dma_start3A_2171 = tpu.memref_slice %arg7[%dma_start3A_2170] : memref<416xi32, #tpu.memory_space<vmem>> -> memref<200xi32, #tpu.memory_space<vmem>>
      %dma_start3A_2172 = tpu.memref_slice %arg2[%add3A_1698] : memref<204800xi32, #tpu.memory_space<hbm>> -> memref<200xi32, #tpu.memory_space<hbm>>
      tpu.enqueue_dma source(%dma_start3A_2172 : memref<200xi32, #tpu.memory_space<hbm>>) target(%dma_start3A_2171 : memref<200xi32, #tpu.memory_space<vmem>>) target_semaphore(%run_scoped3A : memref<!tpu.dma_semaphore, #tpu.memory_space<semaphore_mem>>)
      %dma_wait3A_2173 = arith.constant 0 : i32
      %dma_wait3A_2174 = tpu.memref_slice %arg7[%dma_wait3A_2173] : memref<416xi32, #tpu.memory_space<vmem>> -> memref<200xi32, #tpu.memory_space<vmem>>
      %dma_wait3A_2175 = tpu.memref_slice %arg2[%add3A_1698] : memref<204800xi32, #tpu.memory_space<hbm>> -> memref<200xi32, #tpu.memory_space<hbm>>
      %dma_wait3A_2176 = arith.constant 0 : i32
      %dma_wait3A_2177 = tpu.memref_slice %arg7[%dma_wait3A_2176] : memref<416xi32, #tpu.memory_space<vmem>> -> memref<200xi32, #tpu.memory_space<vmem>>
      %dma_wait3A_2178 = tpu.memref_slice %arg2[%add3A_1698] : memref<204800xi32, #tpu.memory_space<hbm>> -> memref<200xi32, #tpu.memory_space<hbm>>
      tpu.wait_dma2 semaphore(%run_scoped3A : memref<!tpu.dma_semaphore, #tpu.memory_space<semaphore_mem>>) src(%dma_wait3A_2178 : memref<200xi32, #tpu.memory_space<hbm>>) dst(%dma_wait3A_2177 : memref<200xi32, #tpu.memory_space<vmem>>)
      tpu.yield
    }) : () -> ()
    "tpu.region"() ({
      %run_scoped3A = tpu.sem_alloc : memref<!tpu.dma_semaphore, #tpu.memory_space<semaphore_mem>>
      %dma_start3A_2167 = arith.constant 208 : i32
      %dma_start3A_2168 = tpu.memref_slice %arg7[%dma_start3A_2167] : memref<416xi32, #tpu.memory_space<vmem>> -> memref<200xi32, #tpu.memory_space<vmem>>
      %dma_start3A_2169 = tpu.memref_slice %arg3[%add3A_1698] : memref<204800xi32, #tpu.memory_space<hbm>> -> memref<200xi32, #tpu.memory_space<hbm>>
      %dma_start3A_2170 = arith.constant 208 : i32
      %dma_start3A_2171 = tpu.memref_slice %arg7[%dma_start3A_2170] : memref<416xi32, #tpu.memory_space<vmem>> -> memref<200xi32, #tpu.memory_space<vmem>>
      %dma_start3A_2172 = tpu.memref_slice %arg3[%add3A_1698] : memref<204800xi32, #tpu.memory_space<hbm>> -> memref<200xi32, #tpu.memory_space<hbm>>
      tpu.enqueue_dma source(%dma_start3A_2172 : memref<200xi32, #tpu.memory_space<hbm>>) target(%dma_start3A_2171 : memref<200xi32, #tpu.memory_space<vmem>>) target_semaphore(%run_scoped3A : memref<!tpu.dma_semaphore, #tpu.memory_space<semaphore_mem>>)
      %dma_wait3A_2173 = arith.constant 208 : i32
      %dma_wait3A_2174 = tpu.memref_slice %arg7[%dma_wait3A_2173] : memref<416xi32, #tpu.memory_space<vmem>> -> memref<200xi32, #tpu.memory_space<vmem>>
      %dma_wait3A_2175 = tpu.memref_slice %arg3[%add3A_1698] : memref<204800xi32, #tpu.memory_space<hbm>> -> memref<200xi32, #tpu.memory_space<hbm>>
      %dma_wait3A_2176 = arith.constant 208 : i32
      %dma_wait3A_2177 = tpu.memref_slice %arg7[%dma_wait3A_2176] : memref<416xi32, #tpu.memory_space<vmem>> -> memref<200xi32, #tpu.memory_space<vmem>>
      %dma_wait3A_2178 = tpu.memref_slice %arg3[%add3A_1698] : memref<204800xi32, #tpu.memory_space<hbm>> -> memref<200xi32, #tpu.memory_space<hbm>>
      tpu.wait_dma2 semaphore(%run_scoped3A : memref<!tpu.dma_semaphore, #tpu.memory_space<semaphore_mem>>) src(%dma_wait3A_2178 : memref<200xi32, #tpu.memory_space<hbm>>) dst(%dma_wait3A_2177 : memref<200xi32, #tpu.memory_space<vmem>>)
      tpu.yield
    }) : () -> ()
    %broadcast_in_dim3A_1699 = arith.constant 1 : i32
    %broadcast_in_dim3A_1700 = vector.broadcast %broadcast_in_dim3A_1699 : i32 to vector<16xi32>
    %get3A = arith.constant 0 : index
    %get3A_1701 = tpu.vector_load %arg7[%get3A] {strides = array<i32>} : memref<416xi32, #tpu.memory_space<vmem>>, vector<16xi32>,
    %shift_right_logical3A_1702 = arith.constant 1 : i32
    %shift_right_logical3A_1703 = vector.broadcast %shift_right_logical3A_1702 : i32 to vector<16xi32>
    %shift_right_logical3A_1704 = arith.shrui %get3A_1701, %shift_right_logical3A_1703 : vector<16xi32>
    %swap3A_1705 = arith.constant 0 : index
    %swap3A_1706 = tpu.vector_load %arg8[%swap3A_1705] {strides = array<i32>} : memref<416xi32, #tpu.memory_space<vmem>>, vector<16xi32>,
    tpu.vector_store %arg8[%swap3A_1705], %shift_right_logical3A_1704 {strides = array<i32>} : memref<416xi32, #tpu.memory_space<vmem>>, vector<16xi32>,
    %and3A = arith.andi %get3A_1701, %broadcast_in_dim3A_1700 : vector<16xi32>
    %shift_left3A = arith.constant 6 : i32
    %shift_left3A_1707 = vector.broadcast %shift_left3A : i32 to vector<16xi32>
    %shift_left3A_1708 = arith.shli %and3A, %shift_left3A_1707 : vector<16xi32>
    %swap3A_1709 = arith.constant 0 : index
    %swap3A_1710 = tpu.vector_load %arg9[%swap3A_1709] {strides = array<i32>} : memref<416xi32, #tpu.memory_space<vmem>>, vector<16xi32>,
    tpu.vector_store %arg9[%swap3A_1709], %shift_left3A_1708 {strides = array<i32>} : memref<416xi32, #tpu.memory_space<vmem>>, vector<16xi32>,
    %get3A_1711 = arith.constant 16 : index
    %get3A_1712 = tpu.vector_load %arg7[%get3A_1711] {strides = array<i32>} : memref<416xi32, #tpu.memory_space<vmem>>, vector<16xi32>,
    %shift_right_logical3A_1713 = arith.constant 1 : i32
    %shift_right_logical3A_1714 = vector.broadcast %shift_right_logical3A_1713 : i32 to vector<16xi32>
    %shift_right_logical3A_1715 = arith.shrui %get3A_1712, %shift_right_logical3A_1714 : vector<16xi32>
    %swap3A_1716 = arith.constant 16 : index
    %swap3A_1717 = tpu.vector_load %arg8[%swap3A_1716] {strides = array<i32>} : memref<416xi32, #tpu.memory_space<vmem>>, vector<16xi32>,
    tpu.vector_store %arg8[%swap3A_1716], %shift_right_logical3A_1715 {strides = array<i32>} : memref<416xi32, #tpu.memory_space<vmem>>, vector<16xi32>,
    %and3A_1718 = arith.andi %get3A_1712, %broadcast_in_dim3A_1700 : vector<16xi32>
    %shift_left3A_1719 = arith.constant 6 : i32
    %shift_left3A_1720 = vector.broadcast %shift_left3A_1719 : i32 to vector<16xi32>
    %shift_left3A_1721 = arith.shli %and3A_1718, %shift_left3A_1720 : vector<16xi32>
    %swap3A_1722 = arith.constant 16 : index
    %swap3A_1723 = tpu.vector_load %arg9[%swap3A_1722] {strides = array<i32>} : memref<416xi32, #tpu.memory_space<vmem>>, vector<16xi32>,
    tpu.vector_store %arg9[%swap3A_1722], %shift_left3A_1721 {strides = array<i32>} : memref<416xi32, #tpu.memory_space<vmem>>, vector<16xi32>,
    %get3A_1724 = arith.constant 32 : index
    %get3A_1725 = tpu.vector_load %arg7[%get3A_1724] {strides = array<i32>} : memref<416xi32, #tpu.memory_space<vmem>>, vector<16xi32>,
    %shift_right_logical3A_1726 = arith.constant 1 : i32
    %shift_right_logical3A_1727 = vector.broadcast %shift_right_logical3A_1726 : i32 to vector<16xi32>
    %shift_right_logical3A_1728 = arith.shrui %get3A_1725, %shift_right_logical3A_1727 : vector<16xi32>
    %swap3A_1729 = arith.constant 32 : index
    %swap3A_1730 = tpu.vector_load %arg8[%swap3A_1729] {strides = array<i32>} : memref<416xi32, #tpu.memory_space<vmem>>, vector<16xi32>,
    tpu.vector_store %arg8[%swap3A_1729], %shift_right_logical3A_1728 {strides = array<i32>} : memref<416xi32, #tpu.memory_space<vmem>>, vector<16xi32>,
    %and3A_1731 = arith.andi %get3A_1725, %broadcast_in_dim3A_1700 : vector<16xi32>
    %shift_left3A_1732 = arith.constant 6 : i32
    %shift_left3A_1733 = vector.broadcast %shift_left3A_1732 : i32 to vector<16xi32>
    %shift_left3A_1734 = arith.shli %and3A_1731, %shift_left3A_1733 : vector<16xi32>
    %swap3A_1735 = arith.constant 32 : index
    %swap3A_1736 = tpu.vector_load %arg9[%swap3A_1735] {strides = array<i32>} : memref<416xi32, #tpu.memory_space<vmem>>, vector<16xi32>,
    tpu.vector_store %arg9[%swap3A_1735], %shift_left3A_1734 {strides = array<i32>} : memref<416xi32, #tpu.memory_space<vmem>>, vector<16xi32>,
    %get3A_1737 = arith.constant 48 : index
    %get3A_1738 = tpu.vector_load %arg7[%get3A_1737] {strides = array<i32>} : memref<416xi32, #tpu.memory_space<vmem>>, vector<16xi32>,
    %shift_right_logical3A_1739 = arith.constant 1 : i32
    %shift_right_logical3A_1740 = vector.broadcast %shift_right_logical3A_1739 : i32 to vector<16xi32>
    %shift_right_logical3A_1741 = arith.shrui %get3A_1738, %shift_right_logical3A_1740 : vector<16xi32>
    %swap3A_1742 = arith.constant 48 : index
    %swap3A_1743 = tpu.vector_load %arg8[%swap3A_1742] {strides = array<i32>} : memref<416xi32, #tpu.memory_space<vmem>>, vector<16xi32>,
    tpu.vector_store %arg8[%swap3A_1742], %shift_right_logical3A_1741 {strides = array<i32>} : memref<416xi32, #tpu.memory_space<vmem>>, vector<16xi32>,
    %and3A_1744 = arith.andi %get3A_1738, %broadcast_in_dim3A_1700 : vector<16xi32>
    %shift_left3A_1745 = arith.constant 6 : i32
    %shift_left3A_1746 = vector.broadcast %shift_left3A_1745 : i32 to vector<16xi32>
    %shift_left3A_1747 = arith.shli %and3A_1744, %shift_left3A_1746 : vector<16xi32>
    %swap3A_1748 = arith.constant 48 : index
    %swap3A_1749 = tpu.vector_load %arg9[%swap3A_1748] {strides = array<i32>} : memref<416xi32, #tpu.memory_space<vmem>>, vector<16xi32>,
    tpu.vector_store %arg9[%swap3A_1748], %shift_left3A_1747 {strides = array<i32>} : memref<416xi32, #tpu.memory_space<vmem>>, vector<16xi32>,
    %get3A_1750 = arith.constant 64 : index
    %get3A_1751 = tpu.vector_load %arg7[%get3A_1750] {strides = array<i32>} : memref<416xi32, #tpu.memory_space<vmem>>, vector<16xi32>,
    %shift_right_logical3A_1752 = arith.constant 1 : i32
    %shift_right_logical3A_1753 = vector.broadcast %shift_right_logical3A_1752 : i32 to vector<16xi32>
    %shift_right_logical3A_1754 = arith.shrui %get3A_1751, %shift_right_logical3A_1753 : vector<16xi32>
    %swap3A_1755 = arith.constant 64 : index
    %swap3A_1756 = tpu.vector_load %arg8[%swap3A_1755] {strides = array<i32>} : memref<416xi32, #tpu.memory_space<vmem>>, vector<16xi32>,
    tpu.vector_store %arg8[%swap3A_1755], %shift_right_logical3A_1754 {strides = array<i32>} : memref<416xi32, #tpu.memory_space<vmem>>, vector<16xi32>,
    %and3A_1757 = arith.andi %get3A_1751, %broadcast_in_dim3A_1700 : vector<16xi32>
    %shift_left3A_1758 = arith.constant 6 : i32
    %shift_left3A_1759 = vector.broadcast %shift_left3A_1758 : i32 to vector<16xi32>
    %shift_left3A_1760 = arith.shli %and3A_1757, %shift_left3A_1759 : vector<16xi32>
    %swap3A_1761 = arith.constant 64 : index
    %swap3A_1762 = tpu.vector_load %arg9[%swap3A_1761] {strides = array<i32>} : memref<416xi32, #tpu.memory_space<vmem>>, vector<16xi32>,
    tpu.vector_store %arg9[%swap3A_1761], %shift_left3A_1760 {strides = array<i32>} : memref<416xi32, #tpu.memory_space<vmem>>, vector<16xi32>,
    %get3A_1763 = arith.constant 80 : index
    %get3A_1764 = tpu.vector_load %arg7[%get3A_1763] {strides = array<i32>} : memref<416xi32, #tpu.memory_space<vmem>>, vector<16xi32>,
    %shift_right_logical3A_1765 = arith.constant 1 : i32
    %shift_right_logical3A_1766 = vector.broadcast %shift_right_logical3A_1765 : i32 to vector<16xi32>
    %shift_right_logical3A_1767 = arith.shrui %get3A_1764, %shift_right_logical3A_1766 : vector<16xi32>
    %swap3A_1768 = arith.constant 80 : index
    %swap3A_1769 = tpu.vector_load %arg8[%swap3A_1768] {strides = array<i32>} : memref<416xi32, #tpu.memory_space<vmem>>, vector<16xi32>,
    tpu.vector_store %arg8[%swap3A_1768], %shift_right_logical3A_1767 {strides = array<i32>} : memref<416xi32, #tpu.memory_space<vmem>>, vector<16xi32>,
    %and3A_1770 = arith.andi %get3A_1764, %broadcast_in_dim3A_1700 : vector<16xi32>
    %shift_left3A_1771 = arith.constant 6 : i32
    %shift_left3A_1772 = vector.broadcast %shift_left3A_1771 : i32 to vector<16xi32>
    %shift_left3A_1773 = arith.shli %and3A_1770, %shift_left3A_1772 : vector<16xi32>
    %swap3A_1774 = arith.constant 80 : index
    %swap3A_1775 = tpu.vector_load %arg9[%swap3A_1774] {strides = array<i32>} : memref<416xi32, #tpu.memory_space<vmem>>, vector<16xi32>,
    tpu.vector_store %arg9[%swap3A_1774], %shift_left3A_1773 {strides = array<i32>} : memref<416xi32, #tpu.memory_space<vmem>>, vector<16xi32>,
    %get3A_1776 = arith.constant 96 : index
    %get3A_1777 = tpu.vector_load %arg7[%get3A_1776] {strides = array<i32>} : memref<416xi32, #tpu.memory_space<vmem>>, vector<16xi32>,
    %shift_right_logical3A_1778 = arith.constant 1 : i32
    %shift_right_logical3A_1779 = vector.broadcast %shift_right_logical3A_1778 : i32 to vector<16xi32>
    %shift_right_logical3A_1780 = arith.shrui %get3A_1777, %shift_right_logical3A_1779 : vector<16xi32>
    %swap3A_1781 = arith.constant 96 : index
    %swap3A_1782 = tpu.vector_load %arg8[%swap3A_1781] {strides = array<i32>} : memref<416xi32, #tpu.memory_space<vmem>>, vector<16xi32>,
    tpu.vector_store %arg8[%swap3A_1781], %shift_right_logical3A_1780 {strides = array<i32>} : memref<416xi32, #tpu.memory_space<vmem>>, vector<16xi32>,
    %and3A_1783 = arith.andi %get3A_1777, %broadcast_in_dim3A_1700 : vector<16xi32>
    %shift_left3A_1784 = arith.constant 6 : i32
    %shift_left3A_1785 = vector.broadcast %shift_left3A_1784 : i32 to vector<16xi32>
    %shift_left3A_1786 = arith.shli %and3A_1783, %shift_left3A_1785 : vector<16xi32>
    %swap3A_1787 = arith.constant 96 : index
    %swap3A_1788 = tpu.vector_load %arg9[%swap3A_1787] {strides = array<i32>} : memref<416xi32, #tpu.memory_space<vmem>>, vector<16xi32>,
    tpu.vector_store %arg9[%swap3A_1787], %shift_left3A_1786 {strides = array<i32>} : memref<416xi32, #tpu.memory_space<vmem>>, vector<16xi32>,
    %get3A_1789 = arith.constant 112 : index
    %get3A_1790 = tpu.vector_load %arg7[%get3A_1789] {strides = array<i32>} : memref<416xi32, #tpu.memory_space<vmem>>, vector<16xi32>,
    %shift_right_logical3A_1791 = arith.constant 1 : i32
    %shift_right_logical3A_1792 = vector.broadcast %shift_right_logical3A_1791 : i32 to vector<16xi32>
    %shift_right_logical3A_1793 = arith.shrui %get3A_1790, %shift_right_logical3A_1792 : vector<16xi32>
    %swap3A_1794 = arith.constant 112 : index
    %swap3A_1795 = tpu.vector_load %arg8[%swap3A_1794] {strides = array<i32>} : memref<416xi32, #tpu.memory_space<vmem>>, vector<16xi32>,
    tpu.vector_store %arg8[%swap3A_1794], %shift_right_logical3A_1793 {strides = array<i32>} : memref<416xi32, #tpu.memory_space<vmem>>, vector<16xi32>,
    %and3A_1796 = arith.andi %get3A_1790, %broadcast_in_dim3A_1700 : vector<16xi32>
    %shift_left3A_1797 = arith.constant 6 : i32
    %shift_left3A_1798 = vector.broadcast %shift_left3A_1797 : i32 to vector<16xi32>
    %shift_left3A_1799 = arith.shli %and3A_1796, %shift_left3A_1798 : vector<16xi32>
    %swap3A_1800 = arith.constant 112 : index
    %swap3A_1801 = tpu.vector_load %arg9[%swap3A_1800] {strides = array<i32>} : memref<416xi32, #tpu.memory_space<vmem>>, vector<16xi32>,
    tpu.vector_store %arg9[%swap3A_1800], %shift_left3A_1799 {strides = array<i32>} : memref<416xi32, #tpu.memory_space<vmem>>, vector<16xi32>,
    %get3A_1802 = arith.constant 128 : index
    %get3A_1803 = tpu.vector_load %arg7[%get3A_1802] {strides = array<i32>} : memref<416xi32, #tpu.memory_space<vmem>>, vector<16xi32>,
    %shift_right_logical3A_1804 = arith.constant 1 : i32
    %shift_right_logical3A_1805 = vector.broadcast %shift_right_logical3A_1804 : i32 to vector<16xi32>
    %shift_right_logical3A_1806 = arith.shrui %get3A_1803, %shift_right_logical3A_1805 : vector<16xi32>
    %swap3A_1807 = arith.constant 128 : index
    %swap3A_1808 = tpu.vector_load %arg8[%swap3A_1807] {strides = array<i32>} : memref<416xi32, #tpu.memory_space<vmem>>, vector<16xi32>,
    tpu.vector_store %arg8[%swap3A_1807], %shift_right_logical3A_1806 {strides = array<i32>} : memref<416xi32, #tpu.memory_space<vmem>>, vector<16xi32>,
    %and3A_1809 = arith.andi %get3A_1803, %broadcast_in_dim3A_1700 : vector<16xi32>
    %shift_left3A_1810 = arith.constant 6 : i32
    %shift_left3A_1811 = vector.broadcast %shift_left3A_1810 : i32 to vector<16xi32>
    %shift_left3A_1812 = arith.shli %and3A_1809, %shift_left3A_1811 : vector<16xi32>
    %swap3A_1813 = arith.constant 128 : index
    %swap3A_1814 = tpu.vector_load %arg9[%swap3A_1813] {strides = array<i32>} : memref<416xi32, #tpu.memory_space<vmem>>, vector<16xi32>,
    tpu.vector_store %arg9[%swap3A_1813], %shift_left3A_1812 {strides = array<i32>} : memref<416xi32, #tpu.memory_space<vmem>>, vector<16xi32>,
    %get3A_1815 = arith.constant 144 : index
    %get3A_1816 = tpu.vector_load %arg7[%get3A_1815] {strides = array<i32>} : memref<416xi32, #tpu.memory_space<vmem>>, vector<16xi32>,
    %shift_right_logical3A_1817 = arith.constant 1 : i32
    %shift_right_logical3A_1818 = vector.broadcast %shift_right_logical3A_1817 : i32 to vector<16xi32>
    %shift_right_logical3A_1819 = arith.shrui %get3A_1816, %shift_right_logical3A_1818 : vector<16xi32>
    %swap3A_1820 = arith.constant 144 : index
    %swap3A_1821 = tpu.vector_load %arg8[%swap3A_1820] {strides = array<i32>} : memref<416xi32, #tpu.memory_space<vmem>>, vector<16xi32>,
    tpu.vector_store %arg8[%swap3A_1820], %shift_right_logical3A_1819 {strides = array<i32>} : memref<416xi32, #tpu.memory_space<vmem>>, vector<16xi32>,
    %and3A_1822 = arith.andi %get3A_1816, %broadcast_in_dim3A_1700 : vector<16xi32>
    %shift_left3A_1823 = arith.constant 6 : i32
    %shift_left3A_1824 = vector.broadcast %shift_left3A_1823 : i32 to vector<16xi32>
    %shift_left3A_1825 = arith.shli %and3A_1822, %shift_left3A_1824 : vector<16xi32>
    %swap3A_1826 = arith.constant 144 : index
    %swap3A_1827 = tpu.vector_load %arg9[%swap3A_1826] {strides = array<i32>} : memref<416xi32, #tpu.memory_space<vmem>>, vector<16xi32>,
    tpu.vector_store %arg9[%swap3A_1826], %shift_left3A_1825 {strides = array<i32>} : memref<416xi32, #tpu.memory_space<vmem>>, vector<16xi32>,
    %get3A_1828 = arith.constant 160 : index
    %get3A_1829 = tpu.vector_load %arg7[%get3A_1828] {strides = array<i32>} : memref<416xi32, #tpu.memory_space<vmem>>, vector<16xi32>,
    %shift_right_logical3A_1830 = arith.constant 1 : i32
    %shift_right_logical3A_1831 = vector.broadcast %shift_right_logical3A_1830 : i32 to vector<16xi32>
    %shift_right_logical3A_1832 = arith.shrui %get3A_1829, %shift_right_logical3A_1831 : vector<16xi32>
    %swap3A_1833 = arith.constant 160 : index
    %swap3A_1834 = tpu.vector_load %arg8[%swap3A_1833] {strides = array<i32>} : memref<416xi32, #tpu.memory_space<vmem>>, vector<16xi32>,
    tpu.vector_store %arg8[%swap3A_1833], %shift_right_logical3A_1832 {strides = array<i32>} : memref<416xi32, #tpu.memory_space<vmem>>, vector<16xi32>,
    %and3A_1835 = arith.andi %get3A_1829, %broadcast_in_dim3A_1700 : vector<16xi32>
    %shift_left3A_1836 = arith.constant 6 : i32
    %shift_left3A_1837 = vector.broadcast %shift_left3A_1836 : i32 to vector<16xi32>
    %shift_left3A_1838 = arith.shli %and3A_1835, %shift_left3A_1837 : vector<16xi32>
    %swap3A_1839 = arith.constant 160 : index
    %swap3A_1840 = tpu.vector_load %arg9[%swap3A_1839] {strides = array<i32>} : memref<416xi32, #tpu.memory_space<vmem>>, vector<16xi32>,
    tpu.vector_store %arg9[%swap3A_1839], %shift_left3A_1838 {strides = array<i32>} : memref<416xi32, #tpu.memory_space<vmem>>, vector<16xi32>,
    %get3A_1841 = arith.constant 176 : index
    %get3A_1842 = tpu.vector_load %arg7[%get3A_1841] {strides = array<i32>} : memref<416xi32, #tpu.memory_space<vmem>>, vector<16xi32>,
    %shift_right_logical3A_1843 = arith.constant 1 : i32
    %shift_right_logical3A_1844 = vector.broadcast %shift_right_logical3A_1843 : i32 to vector<16xi32>
    %shift_right_logical3A_1845 = arith.shrui %get3A_1842, %shift_right_logical3A_1844 : vector<16xi32>
    %swap3A_1846 = arith.constant 176 : index
    %swap3A_1847 = tpu.vector_load %arg8[%swap3A_1846] {strides = array<i32>} : memref<416xi32, #tpu.memory_space<vmem>>, vector<16xi32>,
    tpu.vector_store %arg8[%swap3A_1846], %shift_right_logical3A_1845 {strides = array<i32>} : memref<416xi32, #tpu.memory_space<vmem>>, vector<16xi32>,
    %and3A_1848 = arith.andi %get3A_1842, %broadcast_in_dim3A_1700 : vector<16xi32>
    %shift_left3A_1849 = arith.constant 6 : i32
    %shift_left3A_1850 = vector.broadcast %shift_left3A_1849 : i32 to vector<16xi32>
    %shift_left3A_1851 = arith.shli %and3A_1848, %shift_left3A_1850 : vector<16xi32>
    %swap3A_1852 = arith.constant 176 : index
    %swap3A_1853 = tpu.vector_load %arg9[%swap3A_1852] {strides = array<i32>} : memref<416xi32, #tpu.memory_space<vmem>>, vector<16xi32>,
    tpu.vector_store %arg9[%swap3A_1852], %shift_left3A_1851 {strides = array<i32>} : memref<416xi32, #tpu.memory_space<vmem>>, vector<16xi32>,
    %get3A_1854 = arith.constant 192 : index
    %get3A_1855 = tpu.vector_load %arg7[%get3A_1854] {strides = array<i32>} : memref<416xi32, #tpu.memory_space<vmem>>, vector<16xi32>,
    %shift_right_logical3A_1856 = arith.constant 1 : i32
    %shift_right_logical3A_1857 = vector.broadcast %shift_right_logical3A_1856 : i32 to vector<16xi32>
    %shift_right_logical3A_1858 = arith.shrui %get3A_1855, %shift_right_logical3A_1857 : vector<16xi32>
    %swap3A_1859 = arith.constant 192 : index
    %swap3A_1860 = tpu.vector_load %arg8[%swap3A_1859] {strides = array<i32>} : memref<416xi32, #tpu.memory_space<vmem>>, vector<16xi32>,
    tpu.vector_store %arg8[%swap3A_1859], %shift_right_logical3A_1858 {strides = array<i32>} : memref<416xi32, #tpu.memory_space<vmem>>, vector<16xi32>,
    %and3A_1861 = arith.andi %get3A_1855, %broadcast_in_dim3A_1700 : vector<16xi32>
    %shift_left3A_1862 = arith.constant 6 : i32
    %shift_left3A_1863 = vector.broadcast %shift_left3A_1862 : i32 to vector<16xi32>
    %shift_left3A_1864 = arith.shli %and3A_1861, %shift_left3A_1863 : vector<16xi32>
    %swap3A_1865 = arith.constant 192 : index
    %swap3A_1866 = tpu.vector_load %arg9[%swap3A_1865] {strides = array<i32>} : memref<416xi32, #tpu.memory_space<vmem>>, vector<16xi32>,
    tpu.vector_store %arg9[%swap3A_1865], %shift_left3A_1864 {strides = array<i32>} : memref<416xi32, #tpu.memory_space<vmem>>, vector<16xi32>,
    %get3A_1867 = arith.constant 208 : index
    %get3A_1868 = tpu.vector_load %arg7[%get3A_1867] {strides = array<i32>} : memref<416xi32, #tpu.memory_space<vmem>>, vector<16xi32>,
    %shift_right_logical3A_1869 = arith.constant 1 : i32
    %shift_right_logical3A_1870 = vector.broadcast %shift_right_logical3A_1869 : i32 to vector<16xi32>
    %shift_right_logical3A_1871 = arith.shrui %get3A_1868, %shift_right_logical3A_1870 : vector<16xi32>
    %swap3A_1872 = arith.constant 208 : index
    %swap3A_1873 = tpu.vector_load %arg8[%swap3A_1872] {strides = array<i32>} : memref<416xi32, #tpu.memory_space<vmem>>, vector<16xi32>,
    tpu.vector_store %arg8[%swap3A_1872], %shift_right_logical3A_1871 {strides = array<i32>} : memref<416xi32, #tpu.memory_space<vmem>>, vector<16xi32>,
    %and3A_1874 = arith.andi %get3A_1868, %broadcast_in_dim3A_1700 : vector<16xi32>
    %shift_left3A_1875 = arith.constant 6 : i32
    %shift_left3A_1876 = vector.broadcast %shift_left3A_1875 : i32 to vector<16xi32>
    %shift_left3A_1877 = arith.shli %and3A_1874, %shift_left3A_1876 : vector<16xi32>
    %swap3A_1878 = arith.constant 208 : index
    %swap3A_1879 = tpu.vector_load %arg9[%swap3A_1878] {strides = array<i32>} : memref<416xi32, #tpu.memory_space<vmem>>, vector<16xi32>,
    tpu.vector_store %arg9[%swap3A_1878], %shift_left3A_1877 {strides = array<i32>} : memref<416xi32, #tpu.memory_space<vmem>>, vector<16xi32>,
    %get3A_1880 = arith.constant 224 : index
    %get3A_1881 = tpu.vector_load %arg7[%get3A_1880] {strides = array<i32>} : memref<416xi32, #tpu.memory_space<vmem>>, vector<16xi32>,
    %shift_right_logical3A_1882 = arith.constant 1 : i32
    %shift_right_logical3A_1883 = vector.broadcast %shift_right_logical3A_1882 : i32 to vector<16xi32>
    %shift_right_logical3A_1884 = arith.shrui %get3A_1881, %shift_right_logical3A_1883 : vector<16xi32>
    %swap3A_1885 = arith.constant 224 : index
    %swap3A_1886 = tpu.vector_load %arg8[%swap3A_1885] {strides = array<i32>} : memref<416xi32, #tpu.memory_space<vmem>>, vector<16xi32>,
    tpu.vector_store %arg8[%swap3A_1885], %shift_right_logical3A_1884 {strides = array<i32>} : memref<416xi32, #tpu.memory_space<vmem>>, vector<16xi32>,
    %and3A_1887 = arith.andi %get3A_1881, %broadcast_in_dim3A_1700 : vector<16xi32>
    %shift_left3A_1888 = arith.constant 6 : i32
    %shift_left3A_1889 = vector.broadcast %shift_left3A_1888 : i32 to vector<16xi32>
    %shift_left3A_1890 = arith.shli %and3A_1887, %shift_left3A_1889 : vector<16xi32>
    %swap3A_1891 = arith.constant 224 : index
    %swap3A_1892 = tpu.vector_load %arg9[%swap3A_1891] {strides = array<i32>} : memref<416xi32, #tpu.memory_space<vmem>>, vector<16xi32>,
    tpu.vector_store %arg9[%swap3A_1891], %shift_left3A_1890 {strides = array<i32>} : memref<416xi32, #tpu.memory_space<vmem>>, vector<16xi32>,
    %get3A_1893 = arith.constant 240 : index
    %get3A_1894 = tpu.vector_load %arg7[%get3A_1893] {strides = array<i32>} : memref<416xi32, #tpu.memory_space<vmem>>, vector<16xi32>,
    %shift_right_logical3A_1895 = arith.constant 1 : i32
    %shift_right_logical3A_1896 = vector.broadcast %shift_right_logical3A_1895 : i32 to vector<16xi32>
    %shift_right_logical3A_1897 = arith.shrui %get3A_1894, %shift_right_logical3A_1896 : vector<16xi32>
    %swap3A_1898 = arith.constant 240 : index
    %swap3A_1899 = tpu.vector_load %arg8[%swap3A_1898] {strides = array<i32>} : memref<416xi32, #tpu.memory_space<vmem>>, vector<16xi32>,
    tpu.vector_store %arg8[%swap3A_1898], %shift_right_logical3A_1897 {strides = array<i32>} : memref<416xi32, #tpu.memory_space<vmem>>, vector<16xi32>,
    %and3A_1900 = arith.andi %get3A_1894, %broadcast_in_dim3A_1700 : vector<16xi32>
    %shift_left3A_1901 = arith.constant 6 : i32
    %shift_left3A_1902 = vector.broadcast %shift_left3A_1901 : i32 to vector<16xi32>
    %shift_left3A_1903 = arith.shli %and3A_1900, %shift_left3A_1902 : vector<16xi32>
    %swap3A_1904 = arith.constant 240 : index
    %swap3A_1905 = tpu.vector_load %arg9[%swap3A_1904] {strides = array<i32>} : memref<416xi32, #tpu.memory_space<vmem>>, vector<16xi32>,
    tpu.vector_store %arg9[%swap3A_1904], %shift_left3A_1903 {strides = array<i32>} : memref<416xi32, #tpu.memory_space<vmem>>, vector<16xi32>,
    %get3A_1906 = arith.constant 256 : index
    %get3A_1907 = tpu.vector_load %arg7[%get3A_1906] {strides = array<i32>} : memref<416xi32, #tpu.memory_space<vmem>>, vector<16xi32>,
    %shift_right_logical3A_1908 = arith.constant 1 : i32
    %shift_right_logical3A_1909 = vector.broadcast %shift_right_logical3A_1908 : i32 to vector<16xi32>
    %shift_right_logical3A_1910 = arith.shrui %get3A_1907, %shift_right_logical3A_1909 : vector<16xi32>
    %swap3A_1911 = arith.constant 256 : index
    %swap3A_1912 = tpu.vector_load %arg8[%swap3A_1911] {strides = array<i32>} : memref<416xi32, #tpu.memory_space<vmem>>, vector<16xi32>,
    tpu.vector_store %arg8[%swap3A_1911], %shift_right_logical3A_1910 {strides = array<i32>} : memref<416xi32, #tpu.memory_space<vmem>>, vector<16xi32>,
    %and3A_1913 = arith.andi %get3A_1907, %broadcast_in_dim3A_1700 : vector<16xi32>
    %shift_left3A_1914 = arith.constant 6 : i32
    %shift_left3A_1915 = vector.broadcast %shift_left3A_1914 : i32 to vector<16xi32>
    %shift_left3A_1916 = arith.shli %and3A_1913, %shift_left3A_1915 : vector<16xi32>
    %swap3A_1917 = arith.constant 256 : index
    %swap3A_1918 = tpu.vector_load %arg9[%swap3A_1917] {strides = array<i32>} : memref<416xi32, #tpu.memory_space<vmem>>, vector<16xi32>,
    tpu.vector_store %arg9[%swap3A_1917], %shift_left3A_1916 {strides = array<i32>} : memref<416xi32, #tpu.memory_space<vmem>>, vector<16xi32>,
    %get3A_1919 = arith.constant 272 : index
    %get3A_1920 = tpu.vector_load %arg7[%get3A_1919] {strides = array<i32>} : memref<416xi32, #tpu.memory_space<vmem>>, vector<16xi32>,
    %shift_right_logical3A_1921 = arith.constant 1 : i32
    %shift_right_logical3A_1922 = vector.broadcast %shift_right_logical3A_1921 : i32 to vector<16xi32>
    %shift_right_logical3A_1923 = arith.shrui %get3A_1920, %shift_right_logical3A_1922 : vector<16xi32>
    %swap3A_1924 = arith.constant 272 : index
    %swap3A_1925 = tpu.vector_load %arg8[%swap3A_1924] {strides = array<i32>} : memref<416xi32, #tpu.memory_space<vmem>>, vector<16xi32>,
    tpu.vector_store %arg8[%swap3A_1924], %shift_right_logical3A_1923 {strides = array<i32>} : memref<416xi32, #tpu.memory_space<vmem>>, vector<16xi32>,
    %and3A_1926 = arith.andi %get3A_1920, %broadcast_in_dim3A_1700 : vector<16xi32>
    %shift_left3A_1927 = arith.constant 6 : i32
    %shift_left3A_1928 = vector.broadcast %shift_left3A_1927 : i32 to vector<16xi32>
    %shift_left3A_1929 = arith.shli %and3A_1926, %shift_left3A_1928 : vector<16xi32>
    %swap3A_1930 = arith.constant 272 : index
    %swap3A_1931 = tpu.vector_load %arg9[%swap3A_1930] {strides = array<i32>} : memref<416xi32, #tpu.memory_space<vmem>>, vector<16xi32>,
    tpu.vector_store %arg9[%swap3A_1930], %shift_left3A_1929 {strides = array<i32>} : memref<416xi32, #tpu.memory_space<vmem>>, vector<16xi32>,
    %get3A_1932 = arith.constant 288 : index
    %get3A_1933 = tpu.vector_load %arg7[%get3A_1932] {strides = array<i32>} : memref<416xi32, #tpu.memory_space<vmem>>, vector<16xi32>,
    %shift_right_logical3A_1934 = arith.constant 1 : i32
    %shift_right_logical3A_1935 = vector.broadcast %shift_right_logical3A_1934 : i32 to vector<16xi32>
    %shift_right_logical3A_1936 = arith.shrui %get3A_1933, %shift_right_logical3A_1935 : vector<16xi32>
    %swap3A_1937 = arith.constant 288 : index
    %swap3A_1938 = tpu.vector_load %arg8[%swap3A_1937] {strides = array<i32>} : memref<416xi32, #tpu.memory_space<vmem>>, vector<16xi32>,
    tpu.vector_store %arg8[%swap3A_1937], %shift_right_logical3A_1936 {strides = array<i32>} : memref<416xi32, #tpu.memory_space<vmem>>, vector<16xi32>,
    %and3A_1939 = arith.andi %get3A_1933, %broadcast_in_dim3A_1700 : vector<16xi32>
    %shift_left3A_1940 = arith.constant 6 : i32
    %shift_left3A_1941 = vector.broadcast %shift_left3A_1940 : i32 to vector<16xi32>
    %shift_left3A_1942 = arith.shli %and3A_1939, %shift_left3A_1941 : vector<16xi32>
    %swap3A_1943 = arith.constant 288 : index
    %swap3A_1944 = tpu.vector_load %arg9[%swap3A_1943] {strides = array<i32>} : memref<416xi32, #tpu.memory_space<vmem>>, vector<16xi32>,
    tpu.vector_store %arg9[%swap3A_1943], %shift_left3A_1942 {strides = array<i32>} : memref<416xi32, #tpu.memory_space<vmem>>, vector<16xi32>,
    %get3A_1945 = arith.constant 304 : index
    %get3A_1946 = tpu.vector_load %arg7[%get3A_1945] {strides = array<i32>} : memref<416xi32, #tpu.memory_space<vmem>>, vector<16xi32>,
    %shift_right_logical3A_1947 = arith.constant 1 : i32
    %shift_right_logical3A_1948 = vector.broadcast %shift_right_logical3A_1947 : i32 to vector<16xi32>
    %shift_right_logical3A_1949 = arith.shrui %get3A_1946, %shift_right_logical3A_1948 : vector<16xi32>
    %swap3A_1950 = arith.constant 304 : index
    %swap3A_1951 = tpu.vector_load %arg8[%swap3A_1950] {strides = array<i32>} : memref<416xi32, #tpu.memory_space<vmem>>, vector<16xi32>,
    tpu.vector_store %arg8[%swap3A_1950], %shift_right_logical3A_1949 {strides = array<i32>} : memref<416xi32, #tpu.memory_space<vmem>>, vector<16xi32>,
    %and3A_1952 = arith.andi %get3A_1946, %broadcast_in_dim3A_1700 : vector<16xi32>
    %shift_left3A_1953 = arith.constant 6 : i32
    %shift_left3A_1954 = vector.broadcast %shift_left3A_1953 : i32 to vector<16xi32>
    %shift_left3A_1955 = arith.shli %and3A_1952, %shift_left3A_1954 : vector<16xi32>
    %swap3A_1956 = arith.constant 304 : index
    %swap3A_1957 = tpu.vector_load %arg9[%swap3A_1956] {strides = array<i32>} : memref<416xi32, #tpu.memory_space<vmem>>, vector<16xi32>,
    tpu.vector_store %arg9[%swap3A_1956], %shift_left3A_1955 {strides = array<i32>} : memref<416xi32, #tpu.memory_space<vmem>>, vector<16xi32>,
    %get3A_1958 = arith.constant 320 : index
    %get3A_1959 = tpu.vector_load %arg7[%get3A_1958] {strides = array<i32>} : memref<416xi32, #tpu.memory_space<vmem>>, vector<16xi32>,
    %shift_right_logical3A_1960 = arith.constant 1 : i32
    %shift_right_logical3A_1961 = vector.broadcast %shift_right_logical3A_1960 : i32 to vector<16xi32>
    %shift_right_logical3A_1962 = arith.shrui %get3A_1959, %shift_right_logical3A_1961 : vector<16xi32>
    %swap3A_1963 = arith.constant 320 : index
    %swap3A_1964 = tpu.vector_load %arg8[%swap3A_1963] {strides = array<i32>} : memref<416xi32, #tpu.memory_space<vmem>>, vector<16xi32>,
    tpu.vector_store %arg8[%swap3A_1963], %shift_right_logical3A_1962 {strides = array<i32>} : memref<416xi32, #tpu.memory_space<vmem>>, vector<16xi32>,
    %and3A_1965 = arith.andi %get3A_1959, %broadcast_in_dim3A_1700 : vector<16xi32>
    %shift_left3A_1966 = arith.constant 6 : i32
    %shift_left3A_1967 = vector.broadcast %shift_left3A_1966 : i32 to vector<16xi32>
    %shift_left3A_1968 = arith.shli %and3A_1965, %shift_left3A_1967 : vector<16xi32>
    %swap3A_1969 = arith.constant 320 : index
    %swap3A_1970 = tpu.vector_load %arg9[%swap3A_1969] {strides = array<i32>} : memref<416xi32, #tpu.memory_space<vmem>>, vector<16xi32>,
    tpu.vector_store %arg9[%swap3A_1969], %shift_left3A_1968 {strides = array<i32>} : memref<416xi32, #tpu.memory_space<vmem>>, vector<16xi32>,
    %get3A_1971 = arith.constant 336 : index
    %get3A_1972 = tpu.vector_load %arg7[%get3A_1971] {strides = array<i32>} : memref<416xi32, #tpu.memory_space<vmem>>, vector<16xi32>,
    %shift_right_logical3A_1973 = arith.constant 1 : i32
    %shift_right_logical3A_1974 = vector.broadcast %shift_right_logical3A_1973 : i32 to vector<16xi32>
    %shift_right_logical3A_1975 = arith.shrui %get3A_1972, %shift_right_logical3A_1974 : vector<16xi32>
    %swap3A_1976 = arith.constant 336 : index
    %swap3A_1977 = tpu.vector_load %arg8[%swap3A_1976] {strides = array<i32>} : memref<416xi32, #tpu.memory_space<vmem>>, vector<16xi32>,
    tpu.vector_store %arg8[%swap3A_1976], %shift_right_logical3A_1975 {strides = array<i32>} : memref<416xi32, #tpu.memory_space<vmem>>, vector<16xi32>,
    %and3A_1978 = arith.andi %get3A_1972, %broadcast_in_dim3A_1700 : vector<16xi32>
    %shift_left3A_1979 = arith.constant 6 : i32
    %shift_left3A_1980 = vector.broadcast %shift_left3A_1979 : i32 to vector<16xi32>
    %shift_left3A_1981 = arith.shli %and3A_1978, %shift_left3A_1980 : vector<16xi32>
    %swap3A_1982 = arith.constant 336 : index
    %swap3A_1983 = tpu.vector_load %arg9[%swap3A_1982] {strides = array<i32>} : memref<416xi32, #tpu.memory_space<vmem>>, vector<16xi32>,
    tpu.vector_store %arg9[%swap3A_1982], %shift_left3A_1981 {strides = array<i32>} : memref<416xi32, #tpu.memory_space<vmem>>, vector<16xi32>,
    %get3A_1984 = arith.constant 352 : index
    %get3A_1985 = tpu.vector_load %arg7[%get3A_1984] {strides = array<i32>} : memref<416xi32, #tpu.memory_space<vmem>>, vector<16xi32>,
    %shift_right_logical3A_1986 = arith.constant 1 : i32
    %shift_right_logical3A_1987 = vector.broadcast %shift_right_logical3A_1986 : i32 to vector<16xi32>
    %shift_right_logical3A_1988 = arith.shrui %get3A_1985, %shift_right_logical3A_1987 : vector<16xi32>
    %swap3A_1989 = arith.constant 352 : index
    %swap3A_1990 = tpu.vector_load %arg8[%swap3A_1989] {strides = array<i32>} : memref<416xi32, #tpu.memory_space<vmem>>, vector<16xi32>,
    tpu.vector_store %arg8[%swap3A_1989], %shift_right_logical3A_1988 {strides = array<i32>} : memref<416xi32, #tpu.memory_space<vmem>>, vector<16xi32>,
    %and3A_1991 = arith.andi %get3A_1985, %broadcast_in_dim3A_1700 : vector<16xi32>
    %shift_left3A_1992 = arith.constant 6 : i32
    %shift_left3A_1993 = vector.broadcast %shift_left3A_1992 : i32 to vector<16xi32>
    %shift_left3A_1994 = arith.shli %and3A_1991, %shift_left3A_1993 : vector<16xi32>
    %swap3A_1995 = arith.constant 352 : index
    %swap3A_1996 = tpu.vector_load %arg9[%swap3A_1995] {strides = array<i32>} : memref<416xi32, #tpu.memory_space<vmem>>, vector<16xi32>,
    tpu.vector_store %arg9[%swap3A_1995], %shift_left3A_1994 {strides = array<i32>} : memref<416xi32, #tpu.memory_space<vmem>>, vector<16xi32>,
    %get3A_1997 = arith.constant 368 : index
    %get3A_1998 = tpu.vector_load %arg7[%get3A_1997] {strides = array<i32>} : memref<416xi32, #tpu.memory_space<vmem>>, vector<16xi32>,
    %shift_right_logical3A_1999 = arith.constant 1 : i32
    %shift_right_logical3A_2000 = vector.broadcast %shift_right_logical3A_1999 : i32 to vector<16xi32>
    %shift_right_logical3A_2001 = arith.shrui %get3A_1998, %shift_right_logical3A_2000 : vector<16xi32>
    %swap3A_2002 = arith.constant 368 : index
    %swap3A_2003 = tpu.vector_load %arg8[%swap3A_2002] {strides = array<i32>} : memref<416xi32, #tpu.memory_space<vmem>>, vector<16xi32>,
    tpu.vector_store %arg8[%swap3A_2002], %shift_right_logical3A_2001 {strides = array<i32>} : memref<416xi32, #tpu.memory_space<vmem>>, vector<16xi32>,
    %and3A_2004 = arith.andi %get3A_1998, %broadcast_in_dim3A_1700 : vector<16xi32>
    %shift_left3A_2005 = arith.constant 6 : i32
    %shift_left3A_2006 = vector.broadcast %shift_left3A_2005 : i32 to vector<16xi32>
    %shift_left3A_2007 = arith.shli %and3A_2004, %shift_left3A_2006 : vector<16xi32>
    %swap3A_2008 = arith.constant 368 : index
    %swap3A_2009 = tpu.vector_load %arg9[%swap3A_2008] {strides = array<i32>} : memref<416xi32, #tpu.memory_space<vmem>>, vector<16xi32>,
    tpu.vector_store %arg9[%swap3A_2008], %shift_left3A_2007 {strides = array<i32>} : memref<416xi32, #tpu.memory_space<vmem>>, vector<16xi32>,
    %get3A_2010 = arith.constant 384 : index
    %get3A_2011 = tpu.vector_load %arg7[%get3A_2010] {strides = array<i32>} : memref<416xi32, #tpu.memory_space<vmem>>, vector<16xi32>,
    %shift_right_logical3A_2012 = arith.constant 1 : i32
    %shift_right_logical3A_2013 = vector.broadcast %shift_right_logical3A_2012 : i32 to vector<16xi32>
    %shift_right_logical3A_2014 = arith.shrui %get3A_2011, %shift_right_logical3A_2013 : vector<16xi32>
    %swap3A_2015 = arith.constant 384 : index
    %swap3A_2016 = tpu.vector_load %arg8[%swap3A_2015] {strides = array<i32>} : memref<416xi32, #tpu.memory_space<vmem>>, vector<16xi32>,
    tpu.vector_store %arg8[%swap3A_2015], %shift_right_logical3A_2014 {strides = array<i32>} : memref<416xi32, #tpu.memory_space<vmem>>, vector<16xi32>,
    %and3A_2017 = arith.andi %get3A_2011, %broadcast_in_dim3A_1700 : vector<16xi32>
    %shift_left3A_2018 = arith.constant 6 : i32
    %shift_left3A_2019 = vector.broadcast %shift_left3A_2018 : i32 to vector<16xi32>
    %shift_left3A_2020 = arith.shli %and3A_2017, %shift_left3A_2019 : vector<16xi32>
    %swap3A_2021 = arith.constant 384 : index
    %swap3A_2022 = tpu.vector_load %arg9[%swap3A_2021] {strides = array<i32>} : memref<416xi32, #tpu.memory_space<vmem>>, vector<16xi32>,
    tpu.vector_store %arg9[%swap3A_2021], %shift_left3A_2020 {strides = array<i32>} : memref<416xi32, #tpu.memory_space<vmem>>, vector<16xi32>,
    %get3A_2023 = arith.constant 400 : index
    %get3A_2024 = tpu.vector_load %arg7[%get3A_2023] {strides = array<i32>} : memref<416xi32, #tpu.memory_space<vmem>>, vector<16xi32>,
    %shift_right_logical3A_2025 = arith.constant 1 : i32
    %shift_right_logical3A_2026 = vector.broadcast %shift_right_logical3A_2025 : i32 to vector<16xi32>
    %shift_right_logical3A_2027 = arith.shrui %get3A_2024, %shift_right_logical3A_2026 : vector<16xi32>
    %swap3A_2028 = arith.constant 400 : index
    %swap3A_2029 = tpu.vector_load %arg8[%swap3A_2028] {strides = array<i32>} : memref<416xi32, #tpu.memory_space<vmem>>, vector<16xi32>,
    tpu.vector_store %arg8[%swap3A_2028], %shift_right_logical3A_2027 {strides = array<i32>} : memref<416xi32, #tpu.memory_space<vmem>>, vector<16xi32>,
    %and3A_2030 = arith.andi %get3A_2024, %broadcast_in_dim3A_1700 : vector<16xi32>
    %shift_left3A_2031 = arith.constant 6 : i32
    %shift_left3A_2032 = vector.broadcast %shift_left3A_2031 : i32 to vector<16xi32>
    %shift_left3A_2033 = arith.shli %and3A_2030, %shift_left3A_2032 : vector<16xi32>
    %swap3A_2034 = arith.constant 400 : index
    %swap3A_2035 = tpu.vector_load %arg9[%swap3A_2034] {strides = array<i32>} : memref<416xi32, #tpu.memory_space<vmem>>, vector<16xi32>,
    tpu.vector_store %arg9[%swap3A_2034], %shift_left3A_2033 {strides = array<i32>} : memref<416xi32, #tpu.memory_space<vmem>>, vector<16xi32>,
    %dma_start3A = arith.constant 0 : i32
    %dma_start3A_2036 = arith.constant 0 : i32
    %dma_start3A_2037 = tpu.memref_slice %arg13[%dma_start3A, %dma_start3A_2036] : memref<416x128xf32, #tpu.memory_space<vmem>> -> memref<104x128xf32, #tpu.memory_space<vmem>>
    %dma_start3A_2038 = arith.constant 0 : i32
    %dma_start3A_2039 = arith.constant 0 : i32
    %dma_start3A_2040 = tpu.memref_slice %arg4[%dma_start3A_2038, %dma_start3A_2039] : memref<500000x128xf32, #tpu.memory_space<hbm>> -> memref<104x128xf32, #tpu.memory_space<hbm>>
    %dma_start3A_2041 = arith.constant 0 : i32
    %dma_start3A_2042 = arith.constant 0 : i32
    %dma_start3A_2043 = tpu.memref_slice %arg13[%dma_start3A_2041, %dma_start3A_2042] : memref<416x128xf32, #tpu.memory_space<vmem>> -> memref<104x128xf32, #tpu.memory_space<vmem>>
    %dma_start3A_2044 = arith.constant 0 : i32
    %dma_start3A_2045 = arith.constant 0 : i32
    %dma_start3A_2046 = tpu.memref_slice %arg4[%dma_start3A_2044, %dma_start3A_2045] : memref<500000x128xf32, #tpu.memory_space<hbm>> -> memref<104x128xf32, #tpu.memory_space<hbm>>
    tpu.enqueue_dma source(%dma_start3A_2046 : memref<104x128xf32, #tpu.memory_space<hbm>>) target(%dma_start3A_2043 : memref<104x128xf32, #tpu.memory_space<vmem>>) target_semaphore(%arg16 : memref<!tpu.dma_semaphore, #tpu.memory_space<semaphore_mem>>)
    %dma_start3A_2047 = arith.constant 104 : i32
    %dma_start3A_2048 = arith.constant 0 : i32
    %dma_start3A_2049 = tpu.memref_slice %arg13[%dma_start3A_2047, %dma_start3A_2048] : memref<416x128xf32, #tpu.memory_space<vmem>> -> memref<104x128xf32, #tpu.memory_space<vmem>>
    %dma_start3A_2050 = arith.constant 0 : i32
    %dma_start3A_2051 = arith.constant 0 : i32
    %dma_start3A_2052 = tpu.memref_slice %arg4[%dma_start3A_2050, %dma_start3A_2051] : memref<500000x128xf32, #tpu.memory_space<hbm>> -> memref<104x128xf32, #tpu.memory_space<hbm>>
    %dma_start3A_2053 = arith.constant 104 : i32
    %dma_start3A_2054 = arith.constant 0 : i32
    %dma_start3A_2055 = tpu.memref_slice %arg13[%dma_start3A_2053, %dma_start3A_2054] : memref<416x128xf32, #tpu.memory_space<vmem>> -> memref<104x128xf32, #tpu.memory_space<vmem>>
    %dma_start3A_2056 = arith.constant 0 : i32
    %dma_start3A_2057 = arith.constant 0 : i32
    %dma_start3A_2058 = tpu.memref_slice %arg4[%dma_start3A_2056, %dma_start3A_2057] : memref<500000x128xf32, #tpu.memory_space<hbm>> -> memref<104x128xf32, #tpu.memory_space<hbm>>
    tpu.enqueue_dma source(%dma_start3A_2058 : memref<104x128xf32, #tpu.memory_space<hbm>>) target(%dma_start3A_2055 : memref<104x128xf32, #tpu.memory_space<vmem>>) target_semaphore(%arg16 : memref<!tpu.dma_semaphore, #tpu.memory_space<semaphore_mem>>)
    %dma_start3A_2059 = arith.constant 208 : i32
    %dma_start3A_2060 = arith.constant 0 : i32
    %dma_start3A_2061 = tpu.memref_slice %arg13[%dma_start3A_2059, %dma_start3A_2060] : memref<416x128xf32, #tpu.memory_space<vmem>> -> memref<104x128xf32, #tpu.memory_space<vmem>>
    %dma_start3A_2062 = arith.constant 0 : i32
    %dma_start3A_2063 = arith.constant 0 : i32
    %dma_start3A_2064 = tpu.memref_slice %arg5[%dma_start3A_2062, %dma_start3A_2063] : memref<50000x128xf32, #tpu.memory_space<hbm>> -> memref<104x128xf32, #tpu.memory_space<hbm>>
    %dma_start3A_2065 = arith.constant 208 : i32
    %dma_start3A_2066 = arith.constant 0 : i32
    %dma_start3A_2067 = tpu.memref_slice %arg13[%dma_start3A_2065, %dma_start3A_2066] : memref<416x128xf32, #tpu.memory_space<vmem>> -> memref<104x128xf32, #tpu.memory_space<vmem>>
    %dma_start3A_2068 = arith.constant 0 : i32
    %dma_start3A_2069 = arith.constant 0 : i32
    %dma_start3A_2070 = tpu.memref_slice %arg5[%dma_start3A_2068, %dma_start3A_2069] : memref<50000x128xf32, #tpu.memory_space<hbm>> -> memref<104x128xf32, #tpu.memory_space<hbm>>
    tpu.enqueue_dma source(%dma_start3A_2070 : memref<104x128xf32, #tpu.memory_space<hbm>>) target(%dma_start3A_2067 : memref<104x128xf32, #tpu.memory_space<vmem>>) target_semaphore(%arg16 : memref<!tpu.dma_semaphore, #tpu.memory_space<semaphore_mem>>)
    %dma_start3A_2071 = arith.constant 312 : i32
    %dma_start3A_2072 = arith.constant 0 : i32
    %dma_start3A_2073 = tpu.memref_slice %arg13[%dma_start3A_2071, %dma_start3A_2072] : memref<416x128xf32, #tpu.memory_space<vmem>> -> memref<104x128xf32, #tpu.memory_space<vmem>>
    %dma_start3A_2074 = arith.constant 0 : i32
    %dma_start3A_2075 = arith.constant 0 : i32
    %dma_start3A_2076 = tpu.memref_slice %arg5[%dma_start3A_2074, %dma_start3A_2075] : memref<50000x128xf32, #tpu.memory_space<hbm>> -> memref<104x128xf32, #tpu.memory_space<hbm>>
    %dma_start3A_2077 = arith.constant 312 : i32
    %dma_start3A_2078 = arith.constant 0 : i32
    %dma_start3A_2079 = tpu.memref_slice %arg13[%dma_start3A_2077, %dma_start3A_2078] : memref<416x128xf32, #tpu.memory_space<vmem>> -> memref<104x128xf32, #tpu.memory_space<vmem>>
    %dma_start3A_2080 = arith.constant 0 : i32
    %dma_start3A_2081 = arith.constant 0 : i32
    %dma_start3A_2082 = tpu.memref_slice %arg5[%dma_start3A_2080, %dma_start3A_2081] : memref<50000x128xf32, #tpu.memory_space<hbm>> -> memref<104x128xf32, #tpu.memory_space<hbm>>
    tpu.enqueue_dma source(%dma_start3A_2082 : memref<104x128xf32, #tpu.memory_space<hbm>>) target(%dma_start3A_2079 : memref<104x128xf32, #tpu.memory_space<vmem>>) target_semaphore(%arg16 : memref<!tpu.dma_semaphore, #tpu.memory_space<semaphore_mem>>)
    %scan3A = arith.constant 0 : i32
    %scan3A_2083 = arith.constant 0 : i32
    %scan3A_2084 = arith.constant 16 : i32
    %scan3A_2085 = arith.addi %scan3A_2083, %scan3A_2084 : i32
    %scan3A_2086 = arith.constant 1 : i32
    scf.for %scan3A_2167 = %scan3A_2083 to %scan3A_2085 step %scan3A_2086  : i32 {
      %mul3A_2168 = arith.constant 2 : i32
      %mul3A_2169 = arith.muli %scan3A_2167, %mul3A_2168 : i32
      %add3A_2170 = arith.constant 0 : i32
      %add3A_2171 = arith.addi %mul3A_2169, %add3A_2170 : i32
      %dma_wait3A_2172 = arith.constant 0 : i32
      %dma_wait3A_2173 = arith.constant 0 : i32
      %dma_wait3A_2174 = tpu.memref_slice %arg4[%dma_wait3A_2172, %dma_wait3A_2173] : memref<500000x128xf32, #tpu.memory_space<hbm>> -> memref<416x128xf32, #tpu.memory_space<hbm>>
      %dma_wait3A_2175 = arith.constant 0 : i32
      %dma_wait3A_2176 = arith.constant 0 : i32
      %dma_wait3A_2177 = tpu.memref_slice %arg4[%dma_wait3A_2175, %dma_wait3A_2176] : memref<500000x128xf32, #tpu.memory_space<hbm>> -> memref<416x128xf32, #tpu.memory_space<hbm>>
      tpu.wait_dma2 semaphore(%arg16 : memref<!tpu.dma_semaphore, #tpu.memory_space<semaphore_mem>>) src(%dma_wait3A_2177 : memref<416x128xf32, #tpu.memory_space<hbm>>) dst(%arg13 : memref<416x128xf32, #tpu.memory_space<vmem>>)
      %ge3A = arith.constant 2 : i32
      %ge3A_2178 = arith.cmpi sge, %add3A_2171, %ge3A : i32
      %convert_element_type3A = arith.extui %ge3A_2178 : i1 to i32
      %cond3A = arith.constant 0 : i32
      %cond3A_2179 = arith.cmpi ne, %convert_element_type3A, %cond3A : i32
      scf.if %cond3A_2179 {
        %dma_wait3A_2326 = arith.constant 0 : i32
        %dma_wait3A_2327 = tpu.memref_slice %arg14[%dma_wait3A_2326] : memref<26624xf32, #tpu.memory_space<vmem>> -> memref<6400xf32, #tpu.memory_space<vmem>>
        %dma_wait3A_2328 = arith.constant 0 : i32
        %dma_wait3A_2329 = tpu.memref_slice %arg6[%mul3A_4, %dma_wait3A_2328] : memref<4096x6400xf32, #tpu.memory_space<hbm>> -> memref<1x6400xf32, #tpu.memory_space<hbm>>
        %dma_wait3A_2330 = tpu.memref_squeeze %dma_wait3A_2329 : memref<1x6400xf32, #tpu.memory_space<hbm>> -> memref<6400xf32, #tpu.memory_space<hbm>>
        %dma_wait3A_2331 = arith.constant 0 : i32
        %dma_wait3A_2332 = tpu.memref_slice %arg14[%dma_wait3A_2331] : memref<26624xf32, #tpu.memory_space<vmem>> -> memref<6400xf32, #tpu.memory_space<vmem>>
        %dma_wait3A_2333 = arith.constant 0 : i32
        %dma_wait3A_2334 = tpu.memref_slice %arg6[%mul3A_4, %dma_wait3A_2333] : memref<4096x6400xf32, #tpu.memory_space<hbm>> -> memref<1x6400xf32, #tpu.memory_space<hbm>>
        %dma_wait3A_2335 = tpu.memref_squeeze %dma_wait3A_2334 : memref<1x6400xf32, #tpu.memory_space<hbm>> -> memref<6400xf32, #tpu.memory_space<hbm>>
        tpu.wait_dma2 semaphore(%arg17 : memref<!tpu.dma_semaphore, #tpu.memory_space<semaphore_mem>>) src(%dma_wait3A_2335 : memref<6400xf32, #tpu.memory_space<hbm>>) dst(%dma_wait3A_2332 : memref<6400xf32, #tpu.memory_space<vmem>>)
        %dma_wait3A_2336 = arith.constant 6400 : i32
        %dma_wait3A_2337 = tpu.memref_slice %arg14[%dma_wait3A_2336] : memref<26624xf32, #tpu.memory_space<vmem>> -> memref<6400xf32, #tpu.memory_space<vmem>>
        %dma_wait3A_2338 = arith.constant 0 : i32
        %dma_wait3A_2339 = tpu.memref_slice %arg6[%mul3A_4, %dma_wait3A_2338] : memref<4096x6400xf32, #tpu.memory_space<hbm>> -> memref<1x6400xf32, #tpu.memory_space<hbm>>
        %dma_wait3A_2340 = tpu.memref_squeeze %dma_wait3A_2339 : memref<1x6400xf32, #tpu.memory_space<hbm>> -> memref<6400xf32, #tpu.memory_space<hbm>>
        %dma_wait3A_2341 = arith.constant 6400 : i32
        %dma_wait3A_2342 = tpu.memref_slice %arg14[%dma_wait3A_2341] : memref<26624xf32, #tpu.memory_space<vmem>> -> memref<6400xf32, #tpu.memory_space<vmem>>
        %dma_wait3A_2343 = arith.constant 0 : i32
        %dma_wait3A_2344 = tpu.memref_slice %arg6[%mul3A_4, %dma_wait3A_2343] : memref<4096x6400xf32, #tpu.memory_space<hbm>> -> memref<1x6400xf32, #tpu.memory_space<hbm>>
        %dma_wait3A_2345 = tpu.memref_squeeze %dma_wait3A_2344 : memref<1x6400xf32, #tpu.memory_space<hbm>> -> memref<6400xf32, #tpu.memory_space<hbm>>
        tpu.wait_dma2 semaphore(%arg17 : memref<!tpu.dma_semaphore, #tpu.memory_space<semaphore_mem>>) src(%dma_wait3A_2345 : memref<6400xf32, #tpu.memory_space<hbm>>) dst(%dma_wait3A_2342 : memref<6400xf32, #tpu.memory_space<vmem>>)
        %dma_wait3A_2346 = arith.constant 12800 : i32
        %dma_wait3A_2347 = tpu.memref_slice %arg14[%dma_wait3A_2346] : memref<26624xf32, #tpu.memory_space<vmem>> -> memref<6400xf32, #tpu.memory_space<vmem>>
        %dma_wait3A_2348 = arith.constant 0 : i32
        %dma_wait3A_2349 = tpu.memref_slice %arg6[%mul3A_4, %dma_wait3A_2348] : memref<4096x6400xf32, #tpu.memory_space<hbm>> -> memref<1x6400xf32, #tpu.memory_space<hbm>>
        %dma_wait3A_2350 = tpu.memref_squeeze %dma_wait3A_2349 : memref<1x6400xf32, #tpu.memory_space<hbm>> -> memref<6400xf32, #tpu.memory_space<hbm>>
        %dma_wait3A_2351 = arith.constant 12800 : i32
        %dma_wait3A_2352 = tpu.memref_slice %arg14[%dma_wait3A_2351] : memref<26624xf32, #tpu.memory_space<vmem>> -> memref<6400xf32, #tpu.memory_space<vmem>>
        %dma_wait3A_2353 = arith.constant 0 : i32
        %dma_wait3A_2354 = tpu.memref_slice %arg6[%mul3A_4, %dma_wait3A_2353] : memref<4096x6400xf32, #tpu.memory_space<hbm>> -> memref<1x6400xf32, #tpu.memory_space<hbm>>
        %dma_wait3A_2355 = tpu.memref_squeeze %dma_wait3A_2354 : memref<1x6400xf32, #tpu.memory_space<hbm>> -> memref<6400xf32, #tpu.memory_space<hbm>>
        tpu.wait_dma2 semaphore(%arg17 : memref<!tpu.dma_semaphore, #tpu.memory_space<semaphore_mem>>) src(%dma_wait3A_2355 : memref<6400xf32, #tpu.memory_space<hbm>>) dst(%dma_wait3A_2352 : memref<6400xf32, #tpu.memory_space<vmem>>)
        %dma_wait3A_2356 = arith.constant 19200 : i32
        %dma_wait3A_2357 = tpu.memref_slice %arg14[%dma_wait3A_2356] : memref<26624xf32, #tpu.memory_space<vmem>> -> memref<6400xf32, #tpu.memory_space<vmem>>
        %dma_wait3A_2358 = arith.constant 0 : i32
        %dma_wait3A_2359 = tpu.memref_slice %arg6[%mul3A_4, %dma_wait3A_2358] : memref<4096x6400xf32, #tpu.memory_space<hbm>> -> memref<1x6400xf32, #tpu.memory_space<hbm>>
        %dma_wait3A_2360 = tpu.memref_squeeze %dma_wait3A_2359 : memref<1x6400xf32, #tpu.memory_space<hbm>> -> memref<6400xf32, #tpu.memory_space<hbm>>
        %dma_wait3A_2361 = arith.constant 19200 : i32
        %dma_wait3A_2362 = tpu.memref_slice %arg14[%dma_wait3A_2361] : memref<26624xf32, #tpu.memory_space<vmem>> -> memref<6400xf32, #tpu.memory_space<vmem>>
        %dma_wait3A_2363 = arith.constant 0 : i32
        %dma_wait3A_2364 = tpu.memref_slice %arg6[%mul3A_4, %dma_wait3A_2363] : memref<4096x6400xf32, #tpu.memory_space<hbm>> -> memref<1x6400xf32, #tpu.memory_space<hbm>>
        %dma_wait3A_2365 = tpu.memref_squeeze %dma_wait3A_2364 : memref<1x6400xf32, #tpu.memory_space<hbm>> -> memref<6400xf32, #tpu.memory_space<hbm>>
        tpu.wait_dma2 semaphore(%arg17 : memref<!tpu.dma_semaphore, #tpu.memory_space<semaphore_mem>>) src(%dma_wait3A_2365 : memref<6400xf32, #tpu.memory_space<hbm>>) dst(%dma_wait3A_2362 : memref<6400xf32, #tpu.memory_space<vmem>>)
      } else {
      }
      %lt3A = arith.constant 31 : i32
      %lt3A_2180 = arith.cmpi slt, %add3A_2171, %lt3A : i32
      %convert_element_type3A_2181 = arith.extui %lt3A_2180 : i1 to i32
      %cond3A_2182 = arith.constant 0 : i32
      %cond3A_2183 = arith.cmpi ne, %convert_element_type3A_2181, %cond3A_2182 : i32
      scf.if %cond3A_2183 {
        %add3A_2326 = arith.constant 1 : i32
        %add3A_2327 = arith.addi %add3A_2171, %add3A_2326 : i32
        %mul3A_2328 = arith.constant 200 : i32
        %mul3A_2329 = arith.muli %add3A_2327, %mul3A_2328 : i32
        %add3A_2330 = arith.addi %mul3A_2, %mul3A_2329 : i32
        "tpu.region"() ({
          %run_scoped3A = tpu.sem_alloc : memref<!tpu.dma_semaphore, #tpu.memory_space<semaphore_mem>>
          %dma_start3A_2671 = arith.constant 0 : i32
          %dma_start3A_2672 = tpu.memref_slice %arg7[%dma_start3A_2671] : memref<416xi32, #tpu.memory_space<vmem>> -> memref<200xi32, #tpu.memory_space<vmem>>
          %dma_start3A_2673 = tpu.memref_slice %arg2[%add3A_2330] : memref<204800xi32, #tpu.memory_space<hbm>> -> memref<200xi32, #tpu.memory_space<hbm>>
          %dma_start3A_2674 = arith.constant 0 : i32
          %dma_start3A_2675 = tpu.memref_slice %arg7[%dma_start3A_2674] : memref<416xi32, #tpu.memory_space<vmem>> -> memref<200xi32, #tpu.memory_space<vmem>>
          %dma_start3A_2676 = tpu.memref_slice %arg2[%add3A_2330] : memref<204800xi32, #tpu.memory_space<hbm>> -> memref<200xi32, #tpu.memory_space<hbm>>
          tpu.enqueue_dma source(%dma_start3A_2676 : memref<200xi32, #tpu.memory_space<hbm>>) target(%dma_start3A_2675 : memref<200xi32, #tpu.memory_space<vmem>>) target_semaphore(%run_scoped3A : memref<!tpu.dma_semaphore, #tpu.memory_space<semaphore_mem>>)
          %dma_wait3A_2677 = arith.constant 0 : i32
          %dma_wait3A_2678 = tpu.memref_slice %arg7[%dma_wait3A_2677] : memref<416xi32, #tpu.memory_space<vmem>> -> memref<200xi32, #tpu.memory_space<vmem>>
          %dma_wait3A_2679 = tpu.memref_slice %arg2[%add3A_2330] : memref<204800xi32, #tpu.memory_space<hbm>> -> memref<200xi32, #tpu.memory_space<hbm>>
          %dma_wait3A_2680 = arith.constant 0 : i32
          %dma_wait3A_2681 = tpu.memref_slice %arg7[%dma_wait3A_2680] : memref<416xi32, #tpu.memory_space<vmem>> -> memref<200xi32, #tpu.memory_space<vmem>>
          %dma_wait3A_2682 = tpu.memref_slice %arg2[%add3A_2330] : memref<204800xi32, #tpu.memory_space<hbm>> -> memref<200xi32, #tpu.memory_space<hbm>>
          tpu.wait_dma2 semaphore(%run_scoped3A : memref<!tpu.dma_semaphore, #tpu.memory_space<semaphore_mem>>) src(%dma_wait3A_2682 : memref<200xi32, #tpu.memory_space<hbm>>) dst(%dma_wait3A_2681 : memref<200xi32, #tpu.memory_space<vmem>>)
          tpu.yield
        }) : () -> ()
        "tpu.region"() ({
          %run_scoped3A = tpu.sem_alloc : memref<!tpu.dma_semaphore, #tpu.memory_space<semaphore_mem>>
          %dma_start3A_2671 = arith.constant 208 : i32
          %dma_start3A_2672 = tpu.memref_slice %arg7[%dma_start3A_2671] : memref<416xi32, #tpu.memory_space<vmem>> -> memref<200xi32, #tpu.memory_space<vmem>>
          %dma_start3A_2673 = tpu.memref_slice %arg3[%add3A_2330] : memref<204800xi32, #tpu.memory_space<hbm>> -> memref<200xi32, #tpu.memory_space<hbm>>
          %dma_start3A_2674 = arith.constant 208 : i32
          %dma_start3A_2675 = tpu.memref_slice %arg7[%dma_start3A_2674] : memref<416xi32, #tpu.memory_space<vmem>> -> memref<200xi32, #tpu.memory_space<vmem>>
          %dma_start3A_2676 = tpu.memref_slice %arg3[%add3A_2330] : memref<204800xi32, #tpu.memory_space<hbm>> -> memref<200xi32, #tpu.memory_space<hbm>>
          tpu.enqueue_dma source(%dma_start3A_2676 : memref<200xi32, #tpu.memory_space<hbm>>) target(%dma_start3A_2675 : memref<200xi32, #tpu.memory_space<vmem>>) target_semaphore(%run_scoped3A : memref<!tpu.dma_semaphore, #tpu.memory_space<semaphore_mem>>)
          %dma_wait3A_2677 = arith.constant 208 : i32
          %dma_wait3A_2678 = tpu.memref_slice %arg7[%dma_wait3A_2677] : memref<416xi32, #tpu.memory_space<vmem>> -> memref<200xi32, #tpu.memory_space<vmem>>
          %dma_wait3A_2679 = tpu.memref_slice %arg3[%add3A_2330] : memref<204800xi32, #tpu.memory_space<hbm>> -> memref<200xi32, #tpu.memory_space<hbm>>
          %dma_wait3A_2680 = arith.constant 208 : i32
          %dma_wait3A_2681 = tpu.memref_slice %arg7[%dma_wait3A_2680] : memref<416xi32, #tpu.memory_space<vmem>> -> memref<200xi32, #tpu.memory_space<vmem>>
          %dma_wait3A_2682 = tpu.memref_slice %arg3[%add3A_2330] : memref<204800xi32, #tpu.memory_space<hbm>> -> memref<200xi32, #tpu.memory_space<hbm>>
          tpu.wait_dma2 semaphore(%run_scoped3A : memref<!tpu.dma_semaphore, #tpu.memory_space<semaphore_mem>>) src(%dma_wait3A_2682 : memref<200xi32, #tpu.memory_space<hbm>>) dst(%dma_wait3A_2681 : memref<200xi32, #tpu.memory_space<vmem>>)
          tpu.yield
        }) : () -> ()
        %broadcast_in_dim3A_2331 = arith.constant 1 : i32
        %broadcast_in_dim3A_2332 = vector.broadcast %broadcast_in_dim3A_2331 : i32 to vector<16xi32>
        %get3A_2333 = arith.constant 0 : index
        %get3A_2334 = tpu.vector_load %arg7[%get3A_2333] {strides = array<i32>} : memref<416xi32, #tpu.memory_space<vmem>>, vector<16xi32>,
        %shift_right_logical3A_2335 = arith.constant 1 : i32
        %shift_right_logical3A_2336 = vector.broadcast %shift_right_logical3A_2335 : i32 to vector<16xi32>
        %shift_right_logical3A_2337 = arith.shrui %get3A_2334, %shift_right_logical3A_2336 : vector<16xi32>
        %swap3A_2338 = arith.constant 0 : index
        %swap3A_2339 = tpu.vector_load %arg8[%swap3A_2338] {strides = array<i32>} : memref<416xi32, #tpu.memory_space<vmem>>, vector<16xi32>,
        tpu.vector_store %arg8[%swap3A_2338], %shift_right_logical3A_2337 {strides = array<i32>} : memref<416xi32, #tpu.memory_space<vmem>>, vector<16xi32>,
        %and3A_2340 = arith.andi %get3A_2334, %broadcast_in_dim3A_2332 : vector<16xi32>
        %shift_left3A_2341 = arith.constant 6 : i32
        %shift_left3A_2342 = vector.broadcast %shift_left3A_2341 : i32 to vector<16xi32>
        %shift_left3A_2343 = arith.shli %and3A_2340, %shift_left3A_2342 : vector<16xi32>
        %swap3A_2344 = arith.constant 0 : index
        %swap3A_2345 = tpu.vector_load %arg10[%swap3A_2344] {strides = array<i32>} : memref<416xi32, #tpu.memory_space<vmem>>, vector<16xi32>,
        tpu.vector_store %arg10[%swap3A_2344], %shift_left3A_2343 {strides = array<i32>} : memref<416xi32, #tpu.memory_space<vmem>>, vector<16xi32>,
        %get3A_2346 = arith.constant 16 : index
        %get3A_2347 = tpu.vector_load %arg7[%get3A_2346] {strides = array<i32>} : memref<416xi32, #tpu.memory_space<vmem>>, vector<16xi32>,
        %shift_right_logical3A_2348 = arith.constant 1 : i32
        %shift_right_logical3A_2349 = vector.broadcast %shift_right_logical3A_2348 : i32 to vector<16xi32>
        %shift_right_logical3A_2350 = arith.shrui %get3A_2347, %shift_right_logical3A_2349 : vector<16xi32>
        %swap3A_2351 = arith.constant 16 : index
        %swap3A_2352 = tpu.vector_load %arg8[%swap3A_2351] {strides = array<i32>} : memref<416xi32, #tpu.memory_space<vmem>>, vector<16xi32>,
        tpu.vector_store %arg8[%swap3A_2351], %shift_right_logical3A_2350 {strides = array<i32>} : memref<416xi32, #tpu.memory_space<vmem>>, vector<16xi32>,
        %and3A_2353 = arith.andi %get3A_2347, %broadcast_in_dim3A_2332 : vector<16xi32>
        %shift_left3A_2354 = arith.constant 6 : i32
        %shift_left3A_2355 = vector.broadcast %shift_left3A_2354 : i32 to vector<16xi32>
        %shift_left3A_2356 = arith.shli %and3A_2353, %shift_left3A_2355 : vector<16xi32>
        %swap3A_2357 = arith.constant 16 : index
        %swap3A_2358 = tpu.vector_load %arg10[%swap3A_2357] {strides = array<i32>} : memref<416xi32, #tpu.memory_space<vmem>>, vector<16xi32>,
        tpu.vector_store %arg10[%swap3A_2357], %shift_left3A_2356 {strides = array<i32>} : memref<416xi32, #tpu.memory_space<vmem>>, vector<16xi32>,
        %get3A_2359 = arith.constant 32 : index
        %get3A_2360 = tpu.vector_load %arg7[%get3A_2359] {strides = array<i32>} : memref<416xi32, #tpu.memory_space<vmem>>, vector<16xi32>,
        %shift_right_logical3A_2361 = arith.constant 1 : i32
        %shift_right_logical3A_2362 = vector.broadcast %shift_right_logical3A_2361 : i32 to vector<16xi32>
        %shift_right_logical3A_2363 = arith.shrui %get3A_2360, %shift_right_logical3A_2362 : vector<16xi32>
        %swap3A_2364 = arith.constant 32 : index
        %swap3A_2365 = tpu.vector_load %arg8[%swap3A_2364] {strides = array<i32>} : memref<416xi32, #tpu.memory_space<vmem>>, vector<16xi32>,
        tpu.vector_store %arg8[%swap3A_2364], %shift_right_logical3A_2363 {strides = array<i32>} : memref<416xi32, #tpu.memory_space<vmem>>, vector<16xi32>,
        %and3A_2366 = arith.andi %get3A_2360, %broadcast_in_dim3A_2332 : vector<16xi32>
        %shift_left3A_2367 = arith.constant 6 : i32
        %shift_left3A_2368 = vector.broadcast %shift_left3A_2367 : i32 to vector<16xi32>
        %shift_left3A_2369 = arith.shli %and3A_2366, %shift_left3A_2368 : vector<16xi32>
        %swap3A_2370 = arith.constant 32 : index
        %swap3A_2371 = tpu.vector_load %arg10[%swap3A_2370] {strides = array<i32>} : memref<416xi32, #tpu.memory_space<vmem>>, vector<16xi32>,
        tpu.vector_store %arg10[%swap3A_2370], %shift_left3A_2369 {strides = array<i32>} : memref<416xi32, #tpu.memory_space<vmem>>, vector<16xi32>,
        %get3A_2372 = arith.constant 48 : index
        %get3A_2373 = tpu.vector_load %arg7[%get3A_2372] {strides = array<i32>} : memref<416xi32, #tpu.memory_space<vmem>>, vector<16xi32>,
        %shift_right_logical3A_2374 = arith.constant 1 : i32
        %shift_right_logical3A_2375 = vector.broadcast %shift_right_logical3A_2374 : i32 to vector<16xi32>
        %shift_right_logical3A_2376 = arith.shrui %get3A_2373, %shift_right_logical3A_2375 : vector<16xi32>
        %swap3A_2377 = arith.constant 48 : index
        %swap3A_2378 = tpu.vector_load %arg8[%swap3A_2377] {strides = array<i32>} : memref<416xi32, #tpu.memory_space<vmem>>, vector<16xi32>,
        tpu.vector_store %arg8[%swap3A_2377], %shift_right_logical3A_2376 {strides = array<i32>} : memref<416xi32, #tpu.memory_space<vmem>>, vector<16xi32>,
        %and3A_2379 = arith.andi %get3A_2373, %broadcast_in_dim3A_2332 : vector<16xi32>
        %shift_left3A_2380 = arith.constant 6 : i32
        %shift_left3A_2381 = vector.broadcast %shift_left3A_2380 : i32 to vector<16xi32>
        %shift_left3A_2382 = arith.shli %and3A_2379, %shift_left3A_2381 : vector<16xi32>
        %swap3A_2383 = arith.constant 48 : index
        %swap3A_2384 = tpu.vector_load %arg10[%swap3A_2383] {strides = array<i32>} : memref<416xi32, #tpu.memory_space<vmem>>, vector<16xi32>,
        tpu.vector_store %arg10[%swap3A_2383], %shift_left3A_2382 {strides = array<i32>} : memref<416xi32, #tpu.memory_space<vmem>>, vector<16xi32>,
        %get3A_2385 = arith.constant 64 : index
        %get3A_2386 = tpu.vector_load %arg7[%get3A_2385] {strides = array<i32>} : memref<416xi32, #tpu.memory_space<vmem>>, vector<16xi32>,
        %shift_right_logical3A_2387 = arith.constant 1 : i32
        %shift_right_logical3A_2388 = vector.broadcast %shift_right_logical3A_2387 : i32 to vector<16xi32>
        %shift_right_logical3A_2389 = arith.shrui %get3A_2386, %shift_right_logical3A_2388 : vector<16xi32>
        %swap3A_2390 = arith.constant 64 : index
        %swap3A_2391 = tpu.vector_load %arg8[%swap3A_2390] {strides = array<i32>} : memref<416xi32, #tpu.memory_space<vmem>>, vector<16xi32>,
        tpu.vector_store %arg8[%swap3A_2390], %shift_right_logical3A_2389 {strides = array<i32>} : memref<416xi32, #tpu.memory_space<vmem>>, vector<16xi32>,
        %and3A_2392 = arith.andi %get3A_2386, %broadcast_in_dim3A_2332 : vector<16xi32>
        %shift_left3A_2393 = arith.constant 6 : i32
        %shift_left3A_2394 = vector.broadcast %shift_left3A_2393 : i32 to vector<16xi32>
        %shift_left3A_2395 = arith.shli %and3A_2392, %shift_left3A_2394 : vector<16xi32>
        %swap3A_2396 = arith.constant 64 : index
        %swap3A_2397 = tpu.vector_load %arg10[%swap3A_2396] {strides = array<i32>} : memref<416xi32, #tpu.memory_space<vmem>>, vector<16xi32>,
        tpu.vector_store %arg10[%swap3A_2396], %shift_left3A_2395 {strides = array<i32>} : memref<416xi32, #tpu.memory_space<vmem>>, vector<16xi32>,
        %get3A_2398 = arith.constant 80 : index
        %get3A_2399 = tpu.vector_load %arg7[%get3A_2398] {strides = array<i32>} : memref<416xi32, #tpu.memory_space<vmem>>, vector<16xi32>,
        %shift_right_logical3A_2400 = arith.constant 1 : i32
        %shift_right_logical3A_2401 = vector.broadcast %shift_right_logical3A_2400 : i32 to vector<16xi32>
        %shift_right_logical3A_2402 = arith.shrui %get3A_2399, %shift_right_logical3A_2401 : vector<16xi32>
        %swap3A_2403 = arith.constant 80 : index
        %swap3A_2404 = tpu.vector_load %arg8[%swap3A_2403] {strides = array<i32>} : memref<416xi32, #tpu.memory_space<vmem>>, vector<16xi32>,
        tpu.vector_store %arg8[%swap3A_2403], %shift_right_logical3A_2402 {strides = array<i32>} : memref<416xi32, #tpu.memory_space<vmem>>, vector<16xi32>,
        %and3A_2405 = arith.andi %get3A_2399, %broadcast_in_dim3A_2332 : vector<16xi32>
        %shift_left3A_2406 = arith.constant 6 : i32
        %shift_left3A_2407 = vector.broadcast %shift_left3A_2406 : i32 to vector<16xi32>
        %shift_left3A_2408 = arith.shli %and3A_2405, %shift_left3A_2407 : vector<16xi32>
        %swap3A_2409 = arith.constant 80 : index
        %swap3A_2410 = tpu.vector_load %arg10[%swap3A_2409] {strides = array<i32>} : memref<416xi32, #tpu.memory_space<vmem>>, vector<16xi32>,
        tpu.vector_store %arg10[%swap3A_2409], %shift_left3A_2408 {strides = array<i32>} : memref<416xi32, #tpu.memory_space<vmem>>, vector<16xi32>,
        %get3A_2411 = arith.constant 96 : index
        %get3A_2412 = tpu.vector_load %arg7[%get3A_2411] {strides = array<i32>} : memref<416xi32, #tpu.memory_space<vmem>>, vector<16xi32>,
        %shift_right_logical3A_2413 = arith.constant 1 : i32
        %shift_right_logical3A_2414 = vector.broadcast %shift_right_logical3A_2413 : i32 to vector<16xi32>
        %shift_right_logical3A_2415 = arith.shrui %get3A_2412, %shift_right_logical3A_2414 : vector<16xi32>
        %swap3A_2416 = arith.constant 96 : index
        %swap3A_2417 = tpu.vector_load %arg8[%swap3A_2416] {strides = array<i32>} : memref<416xi32, #tpu.memory_space<vmem>>, vector<16xi32>,
        tpu.vector_store %arg8[%swap3A_2416], %shift_right_logical3A_2415 {strides = array<i32>} : memref<416xi32, #tpu.memory_space<vmem>>, vector<16xi32>,
        %and3A_2418 = arith.andi %get3A_2412, %broadcast_in_dim3A_2332 : vector<16xi32>
        %shift_left3A_2419 = arith.constant 6 : i32
        %shift_left3A_2420 = vector.broadcast %shift_left3A_2419 : i32 to vector<16xi32>
        %shift_left3A_2421 = arith.shli %and3A_2418, %shift_left3A_2420 : vector<16xi32>
        %swap3A_2422 = arith.constant 96 : index
        %swap3A_2423 = tpu.vector_load %arg10[%swap3A_2422] {strides = array<i32>} : memref<416xi32, #tpu.memory_space<vmem>>, vector<16xi32>,
        tpu.vector_store %arg10[%swap3A_2422], %shift_left3A_2421 {strides = array<i32>} : memref<416xi32, #tpu.memory_space<vmem>>, vector<16xi32>,
        %get3A_2424 = arith.constant 112 : index
        %get3A_2425 = tpu.vector_load %arg7[%get3A_2424] {strides = array<i32>} : memref<416xi32, #tpu.memory_space<vmem>>, vector<16xi32>,
        %shift_right_logical3A_2426 = arith.constant 1 : i32
        %shift_right_logical3A_2427 = vector.broadcast %shift_right_logical3A_2426 : i32 to vector<16xi32>
        %shift_right_logical3A_2428 = arith.shrui %get3A_2425, %shift_right_logical3A_2427 : vector<16xi32>
        %swap3A_2429 = arith.constant 112 : index
        %swap3A_2430 = tpu.vector_load %arg8[%swap3A_2429] {strides = array<i32>} : memref<416xi32, #tpu.memory_space<vmem>>, vector<16xi32>,
        tpu.vector_store %arg8[%swap3A_2429], %shift_right_logical3A_2428 {strides = array<i32>} : memref<416xi32, #tpu.memory_space<vmem>>, vector<16xi32>,
        %and3A_2431 = arith.andi %get3A_2425, %broadcast_in_dim3A_2332 : vector<16xi32>
        %shift_left3A_2432 = arith.constant 6 : i32
        %shift_left3A_2433 = vector.broadcast %shift_left3A_2432 : i32 to vector<16xi32>
        %shift_left3A_2434 = arith.shli %and3A_2431, %shift_left3A_2433 : vector<16xi32>
        %swap3A_2435 = arith.constant 112 : index
        %swap3A_2436 = tpu.vector_load %arg10[%swap3A_2435] {strides = array<i32>} : memref<416xi32, #tpu.memory_space<vmem>>, vector<16xi32>,
        tpu.vector_store %arg10[%swap3A_2435], %shift_left3A_2434 {strides = array<i32>} : memref<416xi32, #tpu.memory_space<vmem>>, vector<16xi32>,
        %get3A_2437 = arith.constant 128 : index
        %get3A_2438 = tpu.vector_load %arg7[%get3A_2437] {strides = array<i32>} : memref<416xi32, #tpu.memory_space<vmem>>, vector<16xi32>,
        %shift_right_logical3A_2439 = arith.constant 1 : i32
        %shift_right_logical3A_2440 = vector.broadcast %shift_right_logical3A_2439 : i32 to vector<16xi32>
        %shift_right_logical3A_2441 = arith.shrui %get3A_2438, %shift_right_logical3A_2440 : vector<16xi32>
        %swap3A_2442 = arith.constant 128 : index
        %swap3A_2443 = tpu.vector_load %arg8[%swap3A_2442] {strides = array<i32>} : memref<416xi32, #tpu.memory_space<vmem>>, vector<16xi32>,
        tpu.vector_store %arg8[%swap3A_2442], %shift_right_logical3A_2441 {strides = array<i32>} : memref<416xi32, #tpu.memory_space<vmem>>, vector<16xi32>,
        %and3A_2444 = arith.andi %get3A_2438, %broadcast_in_dim3A_2332 : vector<16xi32>
        %shift_left3A_2445 = arith.constant 6 : i32
        %shift_left3A_2446 = vector.broadcast %shift_left3A_2445 : i32 to vector<16xi32>
        %shift_left3A_2447 = arith.shli %and3A_2444, %shift_left3A_2446 : vector<16xi32>
        %swap3A_2448 = arith.constant 128 : index
        %swap3A_2449 = tpu.vector_load %arg10[%swap3A_2448] {strides = array<i32>} : memref<416xi32, #tpu.memory_space<vmem>>, vector<16xi32>,
        tpu.vector_store %arg10[%swap3A_2448], %shift_left3A_2447 {strides = array<i32>} : memref<416xi32, #tpu.memory_space<vmem>>, vector<16xi32>,
        %get3A_2450 = arith.constant 144 : index
        %get3A_2451 = tpu.vector_load %arg7[%get3A_2450] {strides = array<i32>} : memref<416xi32, #tpu.memory_space<vmem>>, vector<16xi32>,
        %shift_right_logical3A_2452 = arith.constant 1 : i32
        %shift_right_logical3A_2453 = vector.broadcast %shift_right_logical3A_2452 : i32 to vector<16xi32>
        %shift_right_logical3A_2454 = arith.shrui %get3A_2451, %shift_right_logical3A_2453 : vector<16xi32>
        %swap3A_2455 = arith.constant 144 : index
        %swap3A_2456 = tpu.vector_load %arg8[%swap3A_2455] {strides = array<i32>} : memref<416xi32, #tpu.memory_space<vmem>>, vector<16xi32>,
        tpu.vector_store %arg8[%swap3A_2455], %shift_right_logical3A_2454 {strides = array<i32>} : memref<416xi32, #tpu.memory_space<vmem>>, vector<16xi32>,
        %and3A_2457 = arith.andi %get3A_2451, %broadcast_in_dim3A_2332 : vector<16xi32>
        %shift_left3A_2458 = arith.constant 6 : i32
        %shift_left3A_2459 = vector.broadcast %shift_left3A_2458 : i32 to vector<16xi32>
        %shift_left3A_2460 = arith.shli %and3A_2457, %shift_left3A_2459 : vector<16xi32>
        %swap3A_2461 = arith.constant 144 : index
        %swap3A_2462 = tpu.vector_load %arg10[%swap3A_2461] {strides = array<i32>} : memref<416xi32, #tpu.memory_space<vmem>>, vector<16xi32>,
        tpu.vector_store %arg10[%swap3A_2461], %shift_left3A_2460 {strides = array<i32>} : memref<416xi32, #tpu.memory_space<vmem>>, vector<16xi32>,
        %get3A_2463 = arith.constant 160 : index
        %get3A_2464 = tpu.vector_load %arg7[%get3A_2463] {strides = array<i32>} : memref<416xi32, #tpu.memory_space<vmem>>, vector<16xi32>,
        %shift_right_logical3A_2465 = arith.constant 1 : i32
        %shift_right_logical3A_2466 = vector.broadcast %shift_right_logical3A_2465 : i32 to vector<16xi32>
        %shift_right_logical3A_2467 = arith.shrui %get3A_2464, %shift_right_logical3A_2466 : vector<16xi32>
        %swap3A_2468 = arith.constant 160 : index
        %swap3A_2469 = tpu.vector_load %arg8[%swap3A_2468] {strides = array<i32>} : memref<416xi32, #tpu.memory_space<vmem>>, vector<16xi32>,
        tpu.vector_store %arg8[%swap3A_2468], %shift_right_logical3A_2467 {strides = array<i32>} : memref<416xi32, #tpu.memory_space<vmem>>, vector<16xi32>,
        %and3A_2470 = arith.andi %get3A_2464, %broadcast_in_dim3A_2332 : vector<16xi32>
        %shift_left3A_2471 = arith.constant 6 : i32
        %shift_left3A_2472 = vector.broadcast %shift_left3A_2471 : i32 to vector<16xi32>
        %shift_left3A_2473 = arith.shli %and3A_2470, %shift_left3A_2472 : vector<16xi32>
        %swap3A_2474 = arith.constant 160 : index
        %swap3A_2475 = tpu.vector_load %arg10[%swap3A_2474] {strides = array<i32>} : memref<416xi32, #tpu.memory_space<vmem>>, vector<16xi32>,
        tpu.vector_store %arg10[%swap3A_2474], %shift_left3A_2473 {strides = array<i32>} : memref<416xi32, #tpu.memory_space<vmem>>, vector<16xi32>,
        %get3A_2476 = arith.constant 176 : index
        %get3A_2477 = tpu.vector_load %arg7[%get3A_2476] {strides = array<i32>} : memref<416xi32, #tpu.memory_space<vmem>>, vector<16xi32>,
        %shift_right_logical3A_2478 = arith.constant 1 : i32
        %shift_right_logical3A_2479 = vector.broadcast %shift_right_logical3A_2478 : i32 to vector<16xi32>
        %shift_right_logical3A_2480 = arith.shrui %get3A_2477, %shift_right_logical3A_2479 : vector<16xi32>
        %swap3A_2481 = arith.constant 176 : index
        %swap3A_2482 = tpu.vector_load %arg8[%swap3A_2481] {strides = array<i32>} : memref<416xi32, #tpu.memory_space<vmem>>, vector<16xi32>,
        tpu.vector_store %arg8[%swap3A_2481], %shift_right_logical3A_2480 {strides = array<i32>} : memref<416xi32, #tpu.memory_space<vmem>>, vector<16xi32>,
        %and3A_2483 = arith.andi %get3A_2477, %broadcast_in_dim3A_2332 : vector<16xi32>
        %shift_left3A_2484 = arith.constant 6 : i32
        %shift_left3A_2485 = vector.broadcast %shift_left3A_2484 : i32 to vector<16xi32>
        %shift_left3A_2486 = arith.shli %and3A_2483, %shift_left3A_2485 : vector<16xi32>
        %swap3A_2487 = arith.constant 176 : index
        %swap3A_2488 = tpu.vector_load %arg10[%swap3A_2487] {strides = array<i32>} : memref<416xi32, #tpu.memory_space<vmem>>, vector<16xi32>,
        tpu.vector_store %arg10[%swap3A_2487], %shift_left3A_2486 {strides = array<i32>} : memref<416xi32, #tpu.memory_space<vmem>>, vector<16xi32>,
        %get3A_2489 = arith.constant 192 : index
        %get3A_2490 = tpu.vector_load %arg7[%get3A_2489] {strides = array<i32>} : memref<416xi32, #tpu.memory_space<vmem>>, vector<16xi32>,
        %shift_right_logical3A_2491 = arith.constant 1 : i32
        %shift_right_logical3A_2492 = vector.broadcast %shift_right_logical3A_2491 : i32 to vector<16xi32>
        %shift_right_logical3A_2493 = arith.shrui %get3A_2490, %shift_right_logical3A_2492 : vector<16xi32>
        %swap3A_2494 = arith.constant 192 : index
        %swap3A_2495 = tpu.vector_load %arg8[%swap3A_2494] {strides = array<i32>} : memref<416xi32, #tpu.memory_space<vmem>>, vector<16xi32>,
        tpu.vector_store %arg8[%swap3A_2494], %shift_right_logical3A_2493 {strides = array<i32>} : memref<416xi32, #tpu.memory_space<vmem>>, vector<16xi32>,
        %and3A_2496 = arith.andi %get3A_2490, %broadcast_in_dim3A_2332 : vector<16xi32>
        %shift_left3A_2497 = arith.constant 6 : i32
        %shift_left3A_2498 = vector.broadcast %shift_left3A_2497 : i32 to vector<16xi32>
        %shift_left3A_2499 = arith.shli %and3A_2496, %shift_left3A_2498 : vector<16xi32>
        %swap3A_2500 = arith.constant 192 : index
        %swap3A_2501 = tpu.vector_load %arg10[%swap3A_2500] {strides = array<i32>} : memref<416xi32, #tpu.memory_space<vmem>>, vector<16xi32>,
        tpu.vector_store %arg10[%swap3A_2500], %shift_left3A_2499 {strides = array<i32>} : memref<416xi32, #tpu.memory_space<vmem>>, vector<16xi32>,
        %get3A_2502 = arith.constant 208 : index
        %get3A_2503 = tpu.vector_load %arg7[%get3A_2502] {strides = array<i32>} : memref<416xi32, #tpu.memory_space<vmem>>, vector<16xi32>,
        %shift_right_logical3A_2504 = arith.constant 1 : i32
        %shift_right_logical3A_2505 = vector.broadcast %shift_right_logical3A_2504 : i32 to vector<16xi32>
        %shift_right_logical3A_2506 = arith.shrui %get3A_2503, %shift_right_logical3A_2505 : vector<16xi32>
        %swap3A_2507 = arith.constant 208 : index
        %swap3A_2508 = tpu.vector_load %arg8[%swap3A_2507] {strides = array<i32>} : memref<416xi32, #tpu.memory_space<vmem>>, vector<16xi32>,
        tpu.vector_store %arg8[%swap3A_2507], %shift_right_logical3A_2506 {strides = array<i32>} : memref<416xi32, #tpu.memory_space<vmem>>, vector<16xi32>,
        %and3A_2509 = arith.andi %get3A_2503, %broadcast_in_dim3A_2332 : vector<16xi32>
        %shift_left3A_2510 = arith.constant 6 : i32
        %shift_left3A_2511 = vector.broadcast %shift_left3A_2510 : i32 to vector<16xi32>
        %shift_left3A_2512 = arith.shli %and3A_2509, %shift_left3A_2511 : vector<16xi32>
        %swap3A_2513 = arith.constant 208 : index
        %swap3A_2514 = tpu.vector_load %arg10[%swap3A_2513] {strides = array<i32>} : memref<416xi32, #tpu.memory_space<vmem>>, vector<16xi32>,
        tpu.vector_store %arg10[%swap3A_2513], %shift_left3A_2512 {strides = array<i32>} : memref<416xi32, #tpu.memory_space<vmem>>, vector<16xi32>,
        %get3A_2515 = arith.constant 224 : index
        %get3A_2516 = tpu.vector_load %arg7[%get3A_2515] {strides = array<i32>} : memref<416xi32, #tpu.memory_space<vmem>>, vector<16xi32>,
        %shift_right_logical3A_2517 = arith.constant 1 : i32
        %shift_right_logical3A_2518 = vector.broadcast %shift_right_logical3A_2517 : i32 to vector<16xi32>
        %shift_right_logical3A_2519 = arith.shrui %get3A_2516, %shift_right_logical3A_2518 : vector<16xi32>
        %swap3A_2520 = arith.constant 224 : index
        %swap3A_2521 = tpu.vector_load %arg8[%swap3A_2520] {strides = array<i32>} : memref<416xi32, #tpu.memory_space<vmem>>, vector<16xi32>,
        tpu.vector_store %arg8[%swap3A_2520], %shift_right_logical3A_2519 {strides = array<i32>} : memref<416xi32, #tpu.memory_space<vmem>>, vector<16xi32>,
        %and3A_2522 = arith.andi %get3A_2516, %broadcast_in_dim3A_2332 : vector<16xi32>
        %shift_left3A_2523 = arith.constant 6 : i32
        %shift_left3A_2524 = vector.broadcast %shift_left3A_2523 : i32 to vector<16xi32>
        %shift_left3A_2525 = arith.shli %and3A_2522, %shift_left3A_2524 : vector<16xi32>
        %swap3A_2526 = arith.constant 224 : index
        %swap3A_2527 = tpu.vector_load %arg10[%swap3A_2526] {strides = array<i32>} : memref<416xi32, #tpu.memory_space<vmem>>, vector<16xi32>,
        tpu.vector_store %arg10[%swap3A_2526], %shift_left3A_2525 {strides = array<i32>} : memref<416xi32, #tpu.memory_space<vmem>>, vector<16xi32>,
        %get3A_2528 = arith.constant 240 : index
        %get3A_2529 = tpu.vector_load %arg7[%get3A_2528] {strides = array<i32>} : memref<416xi32, #tpu.memory_space<vmem>>, vector<16xi32>,
        %shift_right_logical3A_2530 = arith.constant 1 : i32
        %shift_right_logical3A_2531 = vector.broadcast %shift_right_logical3A_2530 : i32 to vector<16xi32>
        %shift_right_logical3A_2532 = arith.shrui %get3A_2529, %shift_right_logical3A_2531 : vector<16xi32>
        %swap3A_2533 = arith.constant 240 : index
        %swap3A_2534 = tpu.vector_load %arg8[%swap3A_2533] {strides = array<i32>} : memref<416xi32, #tpu.memory_space<vmem>>, vector<16xi32>,
        tpu.vector_store %arg8[%swap3A_2533], %shift_right_logical3A_2532 {strides = array<i32>} : memref<416xi32, #tpu.memory_space<vmem>>, vector<16xi32>,
        %and3A_2535 = arith.andi %get3A_2529, %broadcast_in_dim3A_2332 : vector<16xi32>
        %shift_left3A_2536 = arith.constant 6 : i32
        %shift_left3A_2537 = vector.broadcast %shift_left3A_2536 : i32 to vector<16xi32>
        %shift_left3A_2538 = arith.shli %and3A_2535, %shift_left3A_2537 : vector<16xi32>
        %swap3A_2539 = arith.constant 240 : index
        %swap3A_2540 = tpu.vector_load %arg10[%swap3A_2539] {strides = array<i32>} : memref<416xi32, #tpu.memory_space<vmem>>, vector<16xi32>,
        tpu.vector_store %arg10[%swap3A_2539], %shift_left3A_2538 {strides = array<i32>} : memref<416xi32, #tpu.memory_space<vmem>>, vector<16xi32>,
        %get3A_2541 = arith.constant 256 : index
        %get3A_2542 = tpu.vector_load %arg7[%get3A_2541] {strides = array<i32>} : memref<416xi32, #tpu.memory_space<vmem>>, vector<16xi32>,
        %shift_right_logical3A_2543 = arith.constant 1 : i32
        %shift_right_logical3A_2544 = vector.broadcast %shift_right_logical3A_2543 : i32 to vector<16xi32>
        %shift_right_logical3A_2545 = arith.shrui %get3A_2542, %shift_right_logical3A_2544 : vector<16xi32>
        %swap3A_2546 = arith.constant 256 : index
        %swap3A_2547 = tpu.vector_load %arg8[%swap3A_2546] {strides = array<i32>} : memref<416xi32, #tpu.memory_space<vmem>>, vector<16xi32>,
        tpu.vector_store %arg8[%swap3A_2546], %shift_right_logical3A_2545 {strides = array<i32>} : memref<416xi32, #tpu.memory_space<vmem>>, vector<16xi32>,
        %and3A_2548 = arith.andi %get3A_2542, %broadcast_in_dim3A_2332 : vector<16xi32>
        %shift_left3A_2549 = arith.constant 6 : i32
        %shift_left3A_2550 = vector.broadcast %shift_left3A_2549 : i32 to vector<16xi32>
        %shift_left3A_2551 = arith.shli %and3A_2548, %shift_left3A_2550 : vector<16xi32>
        %swap3A_2552 = arith.constant 256 : index
        %swap3A_2553 = tpu.vector_load %arg10[%swap3A_2552] {strides = array<i32>} : memref<416xi32, #tpu.memory_space<vmem>>, vector<16xi32>,
        tpu.vector_store %arg10[%swap3A_2552], %shift_left3A_2551 {strides = array<i32>} : memref<416xi32, #tpu.memory_space<vmem>>, vector<16xi32>,
        %get3A_2554 = arith.constant 272 : index
        %get3A_2555 = tpu.vector_load %arg7[%get3A_2554] {strides = array<i32>} : memref<416xi32, #tpu.memory_space<vmem>>, vector<16xi32>,
        %shift_right_logical3A_2556 = arith.constant 1 : i32
        %shift_right_logical3A_2557 = vector.broadcast %shift_right_logical3A_2556 : i32 to vector<16xi32>
        %shift_right_logical3A_2558 = arith.shrui %get3A_2555, %shift_right_logical3A_2557 : vector<16xi32>
        %swap3A_2559 = arith.constant 272 : index
        %swap3A_2560 = tpu.vector_load %arg8[%swap3A_2559] {strides = array<i32>} : memref<416xi32, #tpu.memory_space<vmem>>, vector<16xi32>,
        tpu.vector_store %arg8[%swap3A_2559], %shift_right_logical3A_2558 {strides = array<i32>} : memref<416xi32, #tpu.memory_space<vmem>>, vector<16xi32>,
        %and3A_2561 = arith.andi %get3A_2555, %broadcast_in_dim3A_2332 : vector<16xi32>
        %shift_left3A_2562 = arith.constant 6 : i32
        %shift_left3A_2563 = vector.broadcast %shift_left3A_2562 : i32 to vector<16xi32>
        %shift_left3A_2564 = arith.shli %and3A_2561, %shift_left3A_2563 : vector<16xi32>
        %swap3A_2565 = arith.constant 272 : index
        %swap3A_2566 = tpu.vector_load %arg10[%swap3A_2565] {strides = array<i32>} : memref<416xi32, #tpu.memory_space<vmem>>, vector<16xi32>,
        tpu.vector_store %arg10[%swap3A_2565], %shift_left3A_2564 {strides = array<i32>} : memref<416xi32, #tpu.memory_space<vmem>>, vector<16xi32>,
        %get3A_2567 = arith.constant 288 : index
        %get3A_2568 = tpu.vector_load %arg7[%get3A_2567] {strides = array<i32>} : memref<416xi32, #tpu.memory_space<vmem>>, vector<16xi32>,
        %shift_right_logical3A_2569 = arith.constant 1 : i32
        %shift_right_logical3A_2570 = vector.broadcast %shift_right_logical3A_2569 : i32 to vector<16xi32>
        %shift_right_logical3A_2571 = arith.shrui %get3A_2568, %shift_right_logical3A_2570 : vector<16xi32>
        %swap3A_2572 = arith.constant 288 : index
        %swap3A_2573 = tpu.vector_load %arg8[%swap3A_2572] {strides = array<i32>} : memref<416xi32, #tpu.memory_space<vmem>>, vector<16xi32>,
        tpu.vector_store %arg8[%swap3A_2572], %shift_right_logical3A_2571 {strides = array<i32>} : memref<416xi32, #tpu.memory_space<vmem>>, vector<16xi32>,
        %and3A_2574 = arith.andi %get3A_2568, %broadcast_in_dim3A_2332 : vector<16xi32>
        %shift_left3A_2575 = arith.constant 6 : i32
        %shift_left3A_2576 = vector.broadcast %shift_left3A_2575 : i32 to vector<16xi32>
        %shift_left3A_2577 = arith.shli %and3A_2574, %shift_left3A_2576 : vector<16xi32>
        %swap3A_2578 = arith.constant 288 : index
        %swap3A_2579 = tpu.vector_load %arg10[%swap3A_2578] {strides = array<i32>} : memref<416xi32, #tpu.memory_space<vmem>>, vector<16xi32>,
        tpu.vector_store %arg10[%swap3A_2578], %shift_left3A_2577 {strides = array<i32>} : memref<416xi32, #tpu.memory_space<vmem>>, vector<16xi32>,
        %get3A_2580 = arith.constant 304 : index
        %get3A_2581 = tpu.vector_load %arg7[%get3A_2580] {strides = array<i32>} : memref<416xi32, #tpu.memory_space<vmem>>, vector<16xi32>,
        %shift_right_logical3A_2582 = arith.constant 1 : i32
        %shift_right_logical3A_2583 = vector.broadcast %shift_right_logical3A_2582 : i32 to vector<16xi32>
        %shift_right_logical3A_2584 = arith.shrui %get3A_2581, %shift_right_logical3A_2583 : vector<16xi32>
        %swap3A_2585 = arith.constant 304 : index
        %swap3A_2586 = tpu.vector_load %arg8[%swap3A_2585] {strides = array<i32>} : memref<416xi32, #tpu.memory_space<vmem>>, vector<16xi32>,
        tpu.vector_store %arg8[%swap3A_2585], %shift_right_logical3A_2584 {strides = array<i32>} : memref<416xi32, #tpu.memory_space<vmem>>, vector<16xi32>,
        %and3A_2587 = arith.andi %get3A_2581, %broadcast_in_dim3A_2332 : vector<16xi32>
        %shift_left3A_2588 = arith.constant 6 : i32
        %shift_left3A_2589 = vector.broadcast %shift_left3A_2588 : i32 to vector<16xi32>
        %shift_left3A_2590 = arith.shli %and3A_2587, %shift_left3A_2589 : vector<16xi32>
        %swap3A_2591 = arith.constant 304 : index
        %swap3A_2592 = tpu.vector_load %arg10[%swap3A_2591] {strides = array<i32>} : memref<416xi32, #tpu.memory_space<vmem>>, vector<16xi32>,
        tpu.vector_store %arg10[%swap3A_2591], %shift_left3A_2590 {strides = array<i32>} : memref<416xi32, #tpu.memory_space<vmem>>, vector<16xi32>,
        %get3A_2593 = arith.constant 320 : index
        %get3A_2594 = tpu.vector_load %arg7[%get3A_2593] {strides = array<i32>} : memref<416xi32, #tpu.memory_space<vmem>>, vector<16xi32>,
        %shift_right_logical3A_2595 = arith.constant 1 : i32
        %shift_right_logical3A_2596 = vector.broadcast %shift_right_logical3A_2595 : i32 to vector<16xi32>
        %shift_right_logical3A_2597 = arith.shrui %get3A_2594, %shift_right_logical3A_2596 : vector<16xi32>
        %swap3A_2598 = arith.constant 320 : index
        %swap3A_2599 = tpu.vector_load %arg8[%swap3A_2598] {strides = array<i32>} : memref<416xi32, #tpu.memory_space<vmem>>, vector<16xi32>,
        tpu.vector_store %arg8[%swap3A_2598], %shift_right_logical3A_2597 {strides = array<i32>} : memref<416xi32, #tpu.memory_space<vmem>>, vector<16xi32>,
        %and3A_2600 = arith.andi %get3A_2594, %broadcast_in_dim3A_2332 : vector<16xi32>
        %shift_left3A_2601 = arith.constant 6 : i32
        %shift_left3A_2602 = vector.broadcast %shift_left3A_2601 : i32 to vector<16xi32>
        %shift_left3A_2603 = arith.shli %and3A_2600, %shift_left3A_2602 : vector<16xi32>
        %swap3A_2604 = arith.constant 320 : index
        %swap3A_2605 = tpu.vector_load %arg10[%swap3A_2604] {strides = array<i32>} : memref<416xi32, #tpu.memory_space<vmem>>, vector<16xi32>,
        tpu.vector_store %arg10[%swap3A_2604], %shift_left3A_2603 {strides = array<i32>} : memref<416xi32, #tpu.memory_space<vmem>>, vector<16xi32>,
        %get3A_2606 = arith.constant 336 : index
        %get3A_2607 = tpu.vector_load %arg7[%get3A_2606] {strides = array<i32>} : memref<416xi32, #tpu.memory_space<vmem>>, vector<16xi32>,
        %shift_right_logical3A_2608 = arith.constant 1 : i32
        %shift_right_logical3A_2609 = vector.broadcast %shift_right_logical3A_2608 : i32 to vector<16xi32>
        %shift_right_logical3A_2610 = arith.shrui %get3A_2607, %shift_right_logical3A_2609 : vector<16xi32>
        %swap3A_2611 = arith.constant 336 : index
        %swap3A_2612 = tpu.vector_load %arg8[%swap3A_2611] {strides = array<i32>} : memref<416xi32, #tpu.memory_space<vmem>>, vector<16xi32>,
        tpu.vector_store %arg8[%swap3A_2611], %shift_right_logical3A_2610 {strides = array<i32>} : memref<416xi32, #tpu.memory_space<vmem>>, vector<16xi32>,
        %and3A_2613 = arith.andi %get3A_2607, %broadcast_in_dim3A_2332 : vector<16xi32>
        %shift_left3A_2614 = arith.constant 6 : i32
        %shift_left3A_2615 = vector.broadcast %shift_left3A_2614 : i32 to vector<16xi32>
        %shift_left3A_2616 = arith.shli %and3A_2613, %shift_left3A_2615 : vector<16xi32>
        %swap3A_2617 = arith.constant 336 : index
        %swap3A_2618 = tpu.vector_load %arg10[%swap3A_2617] {strides = array<i32>} : memref<416xi32, #tpu.memory_space<vmem>>, vector<16xi32>,
        tpu.vector_store %arg10[%swap3A_2617], %shift_left3A_2616 {strides = array<i32>} : memref<416xi32, #tpu.memory_space<vmem>>, vector<16xi32>,
        %get3A_2619 = arith.constant 352 : index
        %get3A_2620 = tpu.vector_load %arg7[%get3A_2619] {strides = array<i32>} : memref<416xi32, #tpu.memory_space<vmem>>, vector<16xi32>,
        %shift_right_logical3A_2621 = arith.constant 1 : i32
        %shift_right_logical3A_2622 = vector.broadcast %shift_right_logical3A_2621 : i32 to vector<16xi32>
        %shift_right_logical3A_2623 = arith.shrui %get3A_2620, %shift_right_logical3A_2622 : vector<16xi32>
        %swap3A_2624 = arith.constant 352 : index
        %swap3A_2625 = tpu.vector_load %arg8[%swap3A_2624] {strides = array<i32>} : memref<416xi32, #tpu.memory_space<vmem>>, vector<16xi32>,
        tpu.vector_store %arg8[%swap3A_2624], %shift_right_logical3A_2623 {strides = array<i32>} : memref<416xi32, #tpu.memory_space<vmem>>, vector<16xi32>,
        %and3A_2626 = arith.andi %get3A_2620, %broadcast_in_dim3A_2332 : vector<16xi32>
        %shift_left3A_2627 = arith.constant 6 : i32
        %shift_left3A_2628 = vector.broadcast %shift_left3A_2627 : i32 to vector<16xi32>
        %shift_left3A_2629 = arith.shli %and3A_2626, %shift_left3A_2628 : vector<16xi32>
        %swap3A_2630 = arith.constant 352 : index
        %swap3A_2631 = tpu.vector_load %arg10[%swap3A_2630] {strides = array<i32>} : memref<416xi32, #tpu.memory_space<vmem>>, vector<16xi32>,
        tpu.vector_store %arg10[%swap3A_2630], %shift_left3A_2629 {strides = array<i32>} : memref<416xi32, #tpu.memory_space<vmem>>, vector<16xi32>,
        %get3A_2632 = arith.constant 368 : index
        %get3A_2633 = tpu.vector_load %arg7[%get3A_2632] {strides = array<i32>} : memref<416xi32, #tpu.memory_space<vmem>>, vector<16xi32>,
        %shift_right_logical3A_2634 = arith.constant 1 : i32
        %shift_right_logical3A_2635 = vector.broadcast %shift_right_logical3A_2634 : i32 to vector<16xi32>
        %shift_right_logical3A_2636 = arith.shrui %get3A_2633, %shift_right_logical3A_2635 : vector<16xi32>
        %swap3A_2637 = arith.constant 368 : index
        %swap3A_2638 = tpu.vector_load %arg8[%swap3A_2637] {strides = array<i32>} : memref<416xi32, #tpu.memory_space<vmem>>, vector<16xi32>,
        tpu.vector_store %arg8[%swap3A_2637], %shift_right_logical3A_2636 {strides = array<i32>} : memref<416xi32, #tpu.memory_space<vmem>>, vector<16xi32>,
        %and3A_2639 = arith.andi %get3A_2633, %broadcast_in_dim3A_2332 : vector<16xi32>
        %shift_left3A_2640 = arith.constant 6 : i32
        %shift_left3A_2641 = vector.broadcast %shift_left3A_2640 : i32 to vector<16xi32>
        %shift_left3A_2642 = arith.shli %and3A_2639, %shift_left3A_2641 : vector<16xi32>
        %swap3A_2643 = arith.constant 368 : index
        %swap3A_2644 = tpu.vector_load %arg10[%swap3A_2643] {strides = array<i32>} : memref<416xi32, #tpu.memory_space<vmem>>, vector<16xi32>,
        tpu.vector_store %arg10[%swap3A_2643], %shift_left3A_2642 {strides = array<i32>} : memref<416xi32, #tpu.memory_space<vmem>>, vector<16xi32>,
        %get3A_2645 = arith.constant 384 : index
        %get3A_2646 = tpu.vector_load %arg7[%get3A_2645] {strides = array<i32>} : memref<416xi32, #tpu.memory_space<vmem>>, vector<16xi32>,
        %shift_right_logical3A_2647 = arith.constant 1 : i32
        %shift_right_logical3A_2648 = vector.broadcast %shift_right_logical3A_2647 : i32 to vector<16xi32>
        %shift_right_logical3A_2649 = arith.shrui %get3A_2646, %shift_right_logical3A_2648 : vector<16xi32>
        %swap3A_2650 = arith.constant 384 : index
        %swap3A_2651 = tpu.vector_load %arg8[%swap3A_2650] {strides = array<i32>} : memref<416xi32, #tpu.memory_space<vmem>>, vector<16xi32>,
        tpu.vector_store %arg8[%swap3A_2650], %shift_right_logical3A_2649 {strides = array<i32>} : memref<416xi32, #tpu.memory_space<vmem>>, vector<16xi32>,
        %and3A_2652 = arith.andi %get3A_2646, %broadcast_in_dim3A_2332 : vector<16xi32>
        %shift_left3A_2653 = arith.constant 6 : i32
        %shift_left3A_2654 = vector.broadcast %shift_left3A_2653 : i32 to vector<16xi32>
        %shift_left3A_2655 = arith.shli %and3A_2652, %shift_left3A_2654 : vector<16xi32>
        %swap3A_2656 = arith.constant 384 : index
        %swap3A_2657 = tpu.vector_load %arg10[%swap3A_2656] {strides = array<i32>} : memref<416xi32, #tpu.memory_space<vmem>>, vector<16xi32>,
        tpu.vector_store %arg10[%swap3A_2656], %shift_left3A_2655 {strides = array<i32>} : memref<416xi32, #tpu.memory_space<vmem>>, vector<16xi32>,
        %get3A_2658 = arith.constant 400 : index
        %get3A_2659 = tpu.vector_load %arg7[%get3A_2658] {strides = array<i32>} : memref<416xi32, #tpu.memory_space<vmem>>, vector<16xi32>,
        %shift_right_logical3A_2660 = arith.constant 1 : i32
        %shift_right_logical3A_2661 = vector.broadcast %shift_right_logical3A_2660 : i32 to vector<16xi32>
        %shift_right_logical3A_2662 = arith.shrui %get3A_2659, %shift_right_logical3A_2661 : vector<16xi32>
        %swap3A_2663 = arith.constant 400 : index
        %swap3A_2664 = tpu.vector_load %arg8[%swap3A_2663] {strides = array<i32>} : memref<416xi32, #tpu.memory_space<vmem>>, vector<16xi32>,
        tpu.vector_store %arg8[%swap3A_2663], %shift_right_logical3A_2662 {strides = array<i32>} : memref<416xi32, #tpu.memory_space<vmem>>, vector<16xi32>,
        %and3A_2665 = arith.andi %get3A_2659, %broadcast_in_dim3A_2332 : vector<16xi32>
        %shift_left3A_2666 = arith.constant 6 : i32
        %shift_left3A_2667 = vector.broadcast %shift_left3A_2666 : i32 to vector<16xi32>
        %shift_left3A_2668 = arith.shli %and3A_2665, %shift_left3A_2667 : vector<16xi32>
        %swap3A_2669 = arith.constant 400 : index
        %swap3A_2670 = tpu.vector_load %arg10[%swap3A_2669] {strides = array<i32>} : memref<416xi32, #tpu.memory_space<vmem>>, vector<16xi32>,
        tpu.vector_store %arg10[%swap3A_2669], %shift_left3A_2668 {strides = array<i32>} : memref<416xi32, #tpu.memory_space<vmem>>, vector<16xi32>,
      } else {
      }
      %lt3A_2184 = arith.constant 31 : i32
      %lt3A_2185 = arith.cmpi slt, %add3A_2171, %lt3A_2184 : i32
      %convert_element_type3A_2186 = arith.extui %lt3A_2185 : i1 to i32
      %cond3A_2187 = arith.constant 0 : i32
      %cond3A_2188 = arith.cmpi ne, %convert_element_type3A_2186, %cond3A_2187 : i32
      scf.if %cond3A_2188 {
        %dma_start3A_2326 = arith.constant 0 : i32
        %dma_start3A_2327 = arith.constant 0 : i32
        %dma_start3A_2328 = tpu.memref_slice %arg13[%dma_start3A_2326, %dma_start3A_2327] : memref<416x128xf32, #tpu.memory_space<vmem>> -> memref<104x128xf32, #tpu.memory_space<vmem>>
        %dma_start3A_2329 = arith.constant 0 : i32
        %dma_start3A_2330 = arith.constant 0 : i32
        %dma_start3A_2331 = tpu.memref_slice %arg4[%dma_start3A_2329, %dma_start3A_2330] : memref<500000x128xf32, #tpu.memory_space<hbm>> -> memref<104x128xf32, #tpu.memory_space<hbm>>
        %dma_start3A_2332 = arith.constant 0 : i32
        %dma_start3A_2333 = arith.constant 0 : i32
        %dma_start3A_2334 = tpu.memref_slice %arg13[%dma_start3A_2332, %dma_start3A_2333] : memref<416x128xf32, #tpu.memory_space<vmem>> -> memref<104x128xf32, #tpu.memory_space<vmem>>
        %dma_start3A_2335 = arith.constant 0 : i32
        %dma_start3A_2336 = arith.constant 0 : i32
        %dma_start3A_2337 = tpu.memref_slice %arg4[%dma_start3A_2335, %dma_start3A_2336] : memref<500000x128xf32, #tpu.memory_space<hbm>> -> memref<104x128xf32, #tpu.memory_space<hbm>>
        tpu.enqueue_dma source(%dma_start3A_2337 : memref<104x128xf32, #tpu.memory_space<hbm>>) target(%dma_start3A_2334 : memref<104x128xf32, #tpu.memory_space<vmem>>) target_semaphore(%arg16 : memref<!tpu.dma_semaphore, #tpu.memory_space<semaphore_mem>>)
        %dma_start3A_2338 = arith.constant 104 : i32
        %dma_start3A_2339 = arith.constant 0 : i32
        %dma_start3A_2340 = tpu.memref_slice %arg13[%dma_start3A_2338, %dma_start3A_2339] : memref<416x128xf32, #tpu.memory_space<vmem>> -> memref<104x128xf32, #tpu.memory_space<vmem>>
        %dma_start3A_2341 = arith.constant 0 : i32
        %dma_start3A_2342 = arith.constant 0 : i32
        %dma_start3A_2343 = tpu.memref_slice %arg4[%dma_start3A_2341, %dma_start3A_2342] : memref<500000x128xf32, #tpu.memory_space<hbm>> -> memref<104x128xf32, #tpu.memory_space<hbm>>
        %dma_start3A_2344 = arith.constant 104 : i32
        %dma_start3A_2345 = arith.constant 0 : i32
        %dma_start3A_2346 = tpu.memref_slice %arg13[%dma_start3A_2344, %dma_start3A_2345] : memref<416x128xf32, #tpu.memory_space<vmem>> -> memref<104x128xf32, #tpu.memory_space<vmem>>
        %dma_start3A_2347 = arith.constant 0 : i32
        %dma_start3A_2348 = arith.constant 0 : i32
        %dma_start3A_2349 = tpu.memref_slice %arg4[%dma_start3A_2347, %dma_start3A_2348] : memref<500000x128xf32, #tpu.memory_space<hbm>> -> memref<104x128xf32, #tpu.memory_space<hbm>>
        tpu.enqueue_dma source(%dma_start3A_2349 : memref<104x128xf32, #tpu.memory_space<hbm>>) target(%dma_start3A_2346 : memref<104x128xf32, #tpu.memory_space<vmem>>) target_semaphore(%arg16 : memref<!tpu.dma_semaphore, #tpu.memory_space<semaphore_mem>>)
      } else {
      }
      %lt3A_2189 = arith.constant 31 : i32
      %lt3A_2190 = arith.cmpi slt, %add3A_2171, %lt3A_2189 : i32
      %convert_element_type3A_2191 = arith.extui %lt3A_2190 : i1 to i32
      %cond3A_2192 = arith.constant 0 : i32
      %cond3A_2193 = arith.cmpi ne, %convert_element_type3A_2191, %cond3A_2192 : i32
      scf.if %cond3A_2193 {
        %dma_start3A_2326 = arith.constant 208 : i32
        %dma_start3A_2327 = arith.constant 0 : i32
        %dma_start3A_2328 = tpu.memref_slice %arg13[%dma_start3A_2326, %dma_start3A_2327] : memref<416x128xf32, #tpu.memory_space<vmem>> -> memref<104x128xf32, #tpu.memory_space<vmem>>
        %dma_start3A_2329 = arith.constant 0 : i32
        %dma_start3A_2330 = arith.constant 0 : i32
        %dma_start3A_2331 = tpu.memref_slice %arg5[%dma_start3A_2329, %dma_start3A_2330] : memref<50000x128xf32, #tpu.memory_space<hbm>> -> memref<104x128xf32, #tpu.memory_space<hbm>>
        %dma_start3A_2332 = arith.constant 208 : i32
        %dma_start3A_2333 = arith.constant 0 : i32
        %dma_start3A_2334 = tpu.memref_slice %arg13[%dma_start3A_2332, %dma_start3A_2333] : memref<416x128xf32, #tpu.memory_space<vmem>> -> memref<104x128xf32, #tpu.memory_space<vmem>>
        %dma_start3A_2335 = arith.constant 0 : i32
        %dma_start3A_2336 = arith.constant 0 : i32
        %dma_start3A_2337 = tpu.memref_slice %arg5[%dma_start3A_2335, %dma_start3A_2336] : memref<50000x128xf32, #tpu.memory_space<hbm>> -> memref<104x128xf32, #tpu.memory_space<hbm>>
        tpu.enqueue_dma source(%dma_start3A_2337 : memref<104x128xf32, #tpu.memory_space<hbm>>) target(%dma_start3A_2334 : memref<104x128xf32, #tpu.memory_space<vmem>>) target_semaphore(%arg16 : memref<!tpu.dma_semaphore, #tpu.memory_space<semaphore_mem>>)
        %dma_start3A_2338 = arith.constant 312 : i32
        %dma_start3A_2339 = arith.constant 0 : i32
        %dma_start3A_2340 = tpu.memref_slice %arg13[%dma_start3A_2338, %dma_start3A_2339] : memref<416x128xf32, #tpu.memory_space<vmem>> -> memref<104x128xf32, #tpu.memory_space<vmem>>
        %dma_start3A_2341 = arith.constant 0 : i32
        %dma_start3A_2342 = arith.constant 0 : i32
        %dma_start3A_2343 = tpu.memref_slice %arg5[%dma_start3A_2341, %dma_start3A_2342] : memref<50000x128xf32, #tpu.memory_space<hbm>> -> memref<104x128xf32, #tpu.memory_space<hbm>>
        %dma_start3A_2344 = arith.constant 312 : i32
        %dma_start3A_2345 = arith.constant 0 : i32
        %dma_start3A_2346 = tpu.memref_slice %arg13[%dma_start3A_2344, %dma_start3A_2345] : memref<416x128xf32, #tpu.memory_space<vmem>> -> memref<104x128xf32, #tpu.memory_space<vmem>>
        %dma_start3A_2347 = arith.constant 0 : i32
        %dma_start3A_2348 = arith.constant 0 : i32
        %dma_start3A_2349 = tpu.memref_slice %arg5[%dma_start3A_2347, %dma_start3A_2348] : memref<50000x128xf32, #tpu.memory_space<hbm>> -> memref<104x128xf32, #tpu.memory_space<hbm>>
        tpu.enqueue_dma source(%dma_start3A_2349 : memref<104x128xf32, #tpu.memory_space<hbm>>) target(%dma_start3A_2346 : memref<104x128xf32, #tpu.memory_space<vmem>>) target_semaphore(%arg16 : memref<!tpu.dma_semaphore, #tpu.memory_space<semaphore_mem>>)
      } else {
      }
      %mul3A_2194 = arith.constant 4 : i32
      %mul3A_2195 = arith.muli %add3A_2171, %mul3A_2194 : i32
      %add3A_2196 = arith.addi %mul3A_4, %mul3A_2195 : i32
      %add3A_2197 = arith.constant 0 : i32
      %add3A_2198 = arith.addi %add3A_2196, %add3A_2197 : i32
      %dma_start3A_2199 = arith.constant 0 : i32
      %dma_start3A_2200 = tpu.memref_slice %arg14[%dma_start3A_2199] : memref<26624xf32, #tpu.memory_space<vmem>> -> memref<6400xf32, #tpu.memory_space<vmem>>
      %dma_start3A_2201 = arith.constant 0 : i32
      %dma_start3A_2202 = tpu.memref_slice %arg6[%add3A_2198, %dma_start3A_2201] : memref<4096x6400xf32, #tpu.memory_space<hbm>> -> memref<1x6400xf32, #tpu.memory_space<hbm>>
      %dma_start3A_2203 = tpu.memref_squeeze %dma_start3A_2202 : memref<1x6400xf32, #tpu.memory_space<hbm>> -> memref<6400xf32, #tpu.memory_space<hbm>>
      %dma_start3A_2204 = arith.constant 0 : i32
      %dma_start3A_2205 = tpu.memref_slice %arg6[%add3A_2198, %dma_start3A_2204] : memref<4096x6400xf32, #tpu.memory_space<hbm>> -> memref<1x6400xf32, #tpu.memory_space<hbm>>
      %dma_start3A_2206 = tpu.memref_squeeze %dma_start3A_2205 : memref<1x6400xf32, #tpu.memory_space<hbm>> -> memref<6400xf32, #tpu.memory_space<hbm>>
      %dma_start3A_2207 = arith.constant 0 : i32
      %dma_start3A_2208 = tpu.memref_slice %arg14[%dma_start3A_2207] : memref<26624xf32, #tpu.memory_space<vmem>> -> memref<6400xf32, #tpu.memory_space<vmem>>
      tpu.enqueue_dma source(%dma_start3A_2208 : memref<6400xf32, #tpu.memory_space<vmem>>) target(%dma_start3A_2206 : memref<6400xf32, #tpu.memory_space<hbm>>) target_semaphore(%arg17 : memref<!tpu.dma_semaphore, #tpu.memory_space<semaphore_mem>>)
      %add3A_2209 = arith.constant 1 : i32
      %add3A_2210 = arith.addi %add3A_2196, %add3A_2209 : i32
      %dma_start3A_2211 = arith.constant 6400 : i32
      %dma_start3A_2212 = tpu.memref_slice %arg14[%dma_start3A_2211] : memref<26624xf32, #tpu.memory_space<vmem>> -> memref<6400xf32, #tpu.memory_space<vmem>>
      %dma_start3A_2213 = arith.constant 0 : i32
      %dma_start3A_2214 = tpu.memref_slice %arg6[%add3A_2210, %dma_start3A_2213] : memref<4096x6400xf32, #tpu.memory_space<hbm>> -> memref<1x6400xf32, #tpu.memory_space<hbm>>
      %dma_start3A_2215 = tpu.memref_squeeze %dma_start3A_2214 : memref<1x6400xf32, #tpu.memory_space<hbm>> -> memref<6400xf32, #tpu.memory_space<hbm>>
      %dma_start3A_2216 = arith.constant 0 : i32
      %dma_start3A_2217 = tpu.memref_slice %arg6[%add3A_2210, %dma_start3A_2216] : memref<4096x6400xf32, #tpu.memory_space<hbm>> -> memref<1x6400xf32, #tpu.memory_space<hbm>>
      %dma_start3A_2218 = tpu.memref_squeeze %dma_start3A_2217 : memref<1x6400xf32, #tpu.memory_space<hbm>> -> memref<6400xf32, #tpu.memory_space<hbm>>
      %dma_start3A_2219 = arith.constant 6400 : i32
      %dma_start3A_2220 = tpu.memref_slice %arg14[%dma_start3A_2219] : memref<26624xf32, #tpu.memory_space<vmem>> -> memref<6400xf32, #tpu.memory_space<vmem>>
      tpu.enqueue_dma source(%dma_start3A_2220 : memref<6400xf32, #tpu.memory_space<vmem>>) target(%dma_start3A_2218 : memref<6400xf32, #tpu.memory_space<hbm>>) target_semaphore(%arg17 : memref<!tpu.dma_semaphore, #tpu.memory_space<semaphore_mem>>)
      %add3A_2221 = arith.constant 2 : i32
      %add3A_2222 = arith.addi %add3A_2196, %add3A_2221 : i32
      %dma_start3A_2223 = arith.constant 12800 : i32
      %dma_start3A_2224 = tpu.memref_slice %arg14[%dma_start3A_2223] : memref<26624xf32, #tpu.memory_space<vmem>> -> memref<6400xf32, #tpu.memory_space<vmem>>
      %dma_start3A_2225 = arith.constant 0 : i32
      %dma_start3A_2226 = tpu.memref_slice %arg6[%add3A_2222, %dma_start3A_2225] : memref<4096x6400xf32, #tpu.memory_space<hbm>> -> memref<1x6400xf32, #tpu.memory_space<hbm>>
      %dma_start3A_2227 = tpu.memref_squeeze %dma_start3A_2226 : memref<1x6400xf32, #tpu.memory_space<hbm>> -> memref<6400xf32, #tpu.memory_space<hbm>>
      %dma_start3A_2228 = arith.constant 0 : i32
      %dma_start3A_2229 = tpu.memref_slice %arg6[%add3A_2222, %dma_start3A_2228] : memref<4096x6400xf32, #tpu.memory_space<hbm>> -> memref<1x6400xf32, #tpu.memory_space<hbm>>
      %dma_start3A_2230 = tpu.memref_squeeze %dma_start3A_2229 : memref<1x6400xf32, #tpu.memory_space<hbm>> -> memref<6400xf32, #tpu.memory_space<hbm>>
      %dma_start3A_2231 = arith.constant 12800 : i32
      %dma_start3A_2232 = tpu.memref_slice %arg14[%dma_start3A_2231] : memref<26624xf32, #tpu.memory_space<vmem>> -> memref<6400xf32, #tpu.memory_space<vmem>>
      tpu.enqueue_dma source(%dma_start3A_2232 : memref<6400xf32, #tpu.memory_space<vmem>>) target(%dma_start3A_2230 : memref<6400xf32, #tpu.memory_space<hbm>>) target_semaphore(%arg17 : memref<!tpu.dma_semaphore, #tpu.memory_space<semaphore_mem>>)
      %add3A_2233 = arith.constant 3 : i32
      %add3A_2234 = arith.addi %add3A_2196, %add3A_2233 : i32
      %dma_start3A_2235 = arith.constant 19200 : i32
      %dma_start3A_2236 = tpu.memref_slice %arg14[%dma_start3A_2235] : memref<26624xf32, #tpu.memory_space<vmem>> -> memref<6400xf32, #tpu.memory_space<vmem>>
      %dma_start3A_2237 = arith.constant 0 : i32
      %dma_start3A_2238 = tpu.memref_slice %arg6[%add3A_2234, %dma_start3A_2237] : memref<4096x6400xf32, #tpu.memory_space<hbm>> -> memref<1x6400xf32, #tpu.memory_space<hbm>>
      %dma_start3A_2239 = tpu.memref_squeeze %dma_start3A_2238 : memref<1x6400xf32, #tpu.memory_space<hbm>> -> memref<6400xf32, #tpu.memory_space<hbm>>
      %dma_start3A_2240 = arith.constant 0 : i32
      %dma_start3A_2241 = tpu.memref_slice %arg6[%add3A_2234, %dma_start3A_2240] : memref<4096x6400xf32, #tpu.memory_space<hbm>> -> memref<1x6400xf32, #tpu.memory_space<hbm>>
      %dma_start3A_2242 = tpu.memref_squeeze %dma_start3A_2241 : memref<1x6400xf32, #tpu.memory_space<hbm>> -> memref<6400xf32, #tpu.memory_space<hbm>>
      %dma_start3A_2243 = arith.constant 19200 : i32
      %dma_start3A_2244 = tpu.memref_slice %arg14[%dma_start3A_2243] : memref<26624xf32, #tpu.memory_space<vmem>> -> memref<6400xf32, #tpu.memory_space<vmem>>
      tpu.enqueue_dma source(%dma_start3A_2244 : memref<6400xf32, #tpu.memory_space<vmem>>) target(%dma_start3A_2242 : memref<6400xf32, #tpu.memory_space<hbm>>) target_semaphore(%arg17 : memref<!tpu.dma_semaphore, #tpu.memory_space<semaphore_mem>>)
      %mul3A_2245 = arith.constant 2 : i32
      %mul3A_2246 = arith.muli %scan3A_2167, %mul3A_2245 : i32
      %add3A_2247 = arith.constant 1 : i32
      %add3A_2248 = arith.addi %mul3A_2246, %add3A_2247 : i32
      %dma_wait3A_2249 = arith.constant 0 : i32
      %dma_wait3A_2250 = arith.constant 0 : i32
      %dma_wait3A_2251 = tpu.memref_slice %arg4[%dma_wait3A_2249, %dma_wait3A_2250] : memref<500000x128xf32, #tpu.memory_space<hbm>> -> memref<416x128xf32, #tpu.memory_space<hbm>>
      %dma_wait3A_2252 = arith.constant 0 : i32
      %dma_wait3A_2253 = arith.constant 0 : i32
      %dma_wait3A_2254 = tpu.memref_slice %arg4[%dma_wait3A_2252, %dma_wait3A_2253] : memref<500000x128xf32, #tpu.memory_space<hbm>> -> memref<416x128xf32, #tpu.memory_space<hbm>>
      tpu.wait_dma2 semaphore(%arg16 : memref<!tpu.dma_semaphore, #tpu.memory_space<semaphore_mem>>) src(%dma_wait3A_2254 : memref<416x128xf32, #tpu.memory_space<hbm>>) dst(%arg13 : memref<416x128xf32, #tpu.memory_space<vmem>>)
      %ge3A_2255 = arith.constant 2 : i32
      %ge3A_2256 = arith.cmpi sge, %add3A_2248, %ge3A_2255 : i32
      %convert_element_type3A_2257 = arith.extui %ge3A_2256 : i1 to i32
      %cond3A_2258 = arith.constant 0 : i32
      %cond3A_2259 = arith.cmpi ne, %convert_element_type3A_2257, %cond3A_2258 : i32
      scf.if %cond3A_2259 {
        %dma_wait3A_2326 = arith.constant 0 : i32
        %dma_wait3A_2327 = tpu.memref_slice %arg15[%dma_wait3A_2326] : memref<26624xf32, #tpu.memory_space<vmem>> -> memref<6400xf32, #tpu.memory_space<vmem>>
        %dma_wait3A_2328 = arith.constant 0 : i32
        %dma_wait3A_2329 = tpu.memref_slice %arg6[%mul3A_4, %dma_wait3A_2328] : memref<4096x6400xf32, #tpu.memory_space<hbm>> -> memref<1x6400xf32, #tpu.memory_space<hbm>>
        %dma_wait3A_2330 = tpu.memref_squeeze %dma_wait3A_2329 : memref<1x6400xf32, #tpu.memory_space<hbm>> -> memref<6400xf32, #tpu.memory_space<hbm>>
        %dma_wait3A_2331 = arith.constant 0 : i32
        %dma_wait3A_2332 = tpu.memref_slice %arg15[%dma_wait3A_2331] : memref<26624xf32, #tpu.memory_space<vmem>> -> memref<6400xf32, #tpu.memory_space<vmem>>
        %dma_wait3A_2333 = arith.constant 0 : i32
        %dma_wait3A_2334 = tpu.memref_slice %arg6[%mul3A_4, %dma_wait3A_2333] : memref<4096x6400xf32, #tpu.memory_space<hbm>> -> memref<1x6400xf32, #tpu.memory_space<hbm>>
        %dma_wait3A_2335 = tpu.memref_squeeze %dma_wait3A_2334 : memref<1x6400xf32, #tpu.memory_space<hbm>> -> memref<6400xf32, #tpu.memory_space<hbm>>
        tpu.wait_dma2 semaphore(%arg18 : memref<!tpu.dma_semaphore, #tpu.memory_space<semaphore_mem>>) src(%dma_wait3A_2335 : memref<6400xf32, #tpu.memory_space<hbm>>) dst(%dma_wait3A_2332 : memref<6400xf32, #tpu.memory_space<vmem>>)
        %dma_wait3A_2336 = arith.constant 6400 : i32
        %dma_wait3A_2337 = tpu.memref_slice %arg15[%dma_wait3A_2336] : memref<26624xf32, #tpu.memory_space<vmem>> -> memref<6400xf32, #tpu.memory_space<vmem>>
        %dma_wait3A_2338 = arith.constant 0 : i32
        %dma_wait3A_2339 = tpu.memref_slice %arg6[%mul3A_4, %dma_wait3A_2338] : memref<4096x6400xf32, #tpu.memory_space<hbm>> -> memref<1x6400xf32, #tpu.memory_space<hbm>>
        %dma_wait3A_2340 = tpu.memref_squeeze %dma_wait3A_2339 : memref<1x6400xf32, #tpu.memory_space<hbm>> -> memref<6400xf32, #tpu.memory_space<hbm>>
        %dma_wait3A_2341 = arith.constant 6400 : i32
        %dma_wait3A_2342 = tpu.memref_slice %arg15[%dma_wait3A_2341] : memref<26624xf32, #tpu.memory_space<vmem>> -> memref<6400xf32, #tpu.memory_space<vmem>>
        %dma_wait3A_2343 = arith.constant 0 : i32
        %dma_wait3A_2344 = tpu.memref_slice %arg6[%mul3A_4, %dma_wait3A_2343] : memref<4096x6400xf32, #tpu.memory_space<hbm>> -> memref<1x6400xf32, #tpu.memory_space<hbm>>
        %dma_wait3A_2345 = tpu.memref_squeeze %dma_wait3A_2344 : memref<1x6400xf32, #tpu.memory_space<hbm>> -> memref<6400xf32, #tpu.memory_space<hbm>>
        tpu.wait_dma2 semaphore(%arg18 : memref<!tpu.dma_semaphore, #tpu.memory_space<semaphore_mem>>) src(%dma_wait3A_2345 : memref<6400xf32, #tpu.memory_space<hbm>>) dst(%dma_wait3A_2342 : memref<6400xf32, #tpu.memory_space<vmem>>)
        %dma_wait3A_2346 = arith.constant 12800 : i32
        %dma_wait3A_2347 = tpu.memref_slice %arg15[%dma_wait3A_2346] : memref<26624xf32, #tpu.memory_space<vmem>> -> memref<6400xf32, #tpu.memory_space<vmem>>
        %dma_wait3A_2348 = arith.constant 0 : i32
        %dma_wait3A_2349 = tpu.memref_slice %arg6[%mul3A_4, %dma_wait3A_2348] : memref<4096x6400xf32, #tpu.memory_space<hbm>> -> memref<1x6400xf32, #tpu.memory_space<hbm>>
        %dma_wait3A_2350 = tpu.memref_squeeze %dma_wait3A_2349 : memref<1x6400xf32, #tpu.memory_space<hbm>> -> memref<6400xf32, #tpu.memory_space<hbm>>
        %dma_wait3A_2351 = arith.constant 12800 : i32
        %dma_wait3A_2352 = tpu.memref_slice %arg15[%dma_wait3A_2351] : memref<26624xf32, #tpu.memory_space<vmem>> -> memref<6400xf32, #tpu.memory_space<vmem>>
        %dma_wait3A_2353 = arith.constant 0 : i32
        %dma_wait3A_2354 = tpu.memref_slice %arg6[%mul3A_4, %dma_wait3A_2353] : memref<4096x6400xf32, #tpu.memory_space<hbm>> -> memref<1x6400xf32, #tpu.memory_space<hbm>>
        %dma_wait3A_2355 = tpu.memref_squeeze %dma_wait3A_2354 : memref<1x6400xf32, #tpu.memory_space<hbm>> -> memref<6400xf32, #tpu.memory_space<hbm>>
        tpu.wait_dma2 semaphore(%arg18 : memref<!tpu.dma_semaphore, #tpu.memory_space<semaphore_mem>>) src(%dma_wait3A_2355 : memref<6400xf32, #tpu.memory_space<hbm>>) dst(%dma_wait3A_2352 : memref<6400xf32, #tpu.memory_space<vmem>>)
        %dma_wait3A_2356 = arith.constant 19200 : i32
        %dma_wait3A_2357 = tpu.memref_slice %arg15[%dma_wait3A_2356] : memref<26624xf32, #tpu.memory_space<vmem>> -> memref<6400xf32, #tpu.memory_space<vmem>>
        %dma_wait3A_2358 = arith.constant 0 : i32
        %dma_wait3A_2359 = tpu.memref_slice %arg6[%mul3A_4, %dma_wait3A_2358] : memref<4096x6400xf32, #tpu.memory_space<hbm>> -> memref<1x6400xf32, #tpu.memory_space<hbm>>
        %dma_wait3A_2360 = tpu.memref_squeeze %dma_wait3A_2359 : memref<1x6400xf32, #tpu.memory_space<hbm>> -> memref<6400xf32, #tpu.memory_space<hbm>>
        %dma_wait3A_2361 = arith.constant 19200 : i32
        %dma_wait3A_2362 = tpu.memref_slice %arg15[%dma_wait3A_2361] : memref<26624xf32, #tpu.memory_space<vmem>> -> memref<6400xf32, #tpu.memory_space<vmem>>
        %dma_wait3A_2363 = arith.constant 0 : i32
        %dma_wait3A_2364 = tpu.memref_slice %arg6[%mul3A_4, %dma_wait3A_2363] : memref<4096x6400xf32, #tpu.memory_space<hbm>> -> memref<1x6400xf32, #tpu.memory_space<hbm>>
        %dma_wait3A_2365 = tpu.memref_squeeze %dma_wait3A_2364 : memref<1x6400xf32, #tpu.memory_space<hbm>> -> memref<6400xf32, #tpu.memory_space<hbm>>
        tpu.wait_dma2 semaphore(%arg18 : memref<!tpu.dma_semaphore, #tpu.memory_space<semaphore_mem>>) src(%dma_wait3A_2365 : memref<6400xf32, #tpu.memory_space<hbm>>) dst(%dma_wait3A_2362 : memref<6400xf32, #tpu.memory_space<vmem>>)
      } else {
      }
      %lt3A_2260 = arith.constant 31 : i32
      %lt3A_2261 = arith.cmpi slt, %add3A_2248, %lt3A_2260 : i32
      %convert_element_type3A_2262 = arith.extui %lt3A_2261 : i1 to i32
      %cond3A_2263 = arith.constant 0 : i32
      %cond3A_2264 = arith.cmpi ne, %convert_element_type3A_2262, %cond3A_2263 : i32
      scf.if %cond3A_2264 {
        %add3A_2326 = arith.constant 1 : i32
        %add3A_2327 = arith.addi %add3A_2248, %add3A_2326 : i32
        %mul3A_2328 = arith.constant 200 : i32
        %mul3A_2329 = arith.muli %add3A_2327, %mul3A_2328 : i32
        %add3A_2330 = arith.addi %mul3A_2, %mul3A_2329 : i32
        "tpu.region"() ({
          %run_scoped3A = tpu.sem_alloc : memref<!tpu.dma_semaphore, #tpu.memory_space<semaphore_mem>>
          %dma_start3A_2671 = arith.constant 0 : i32
          %dma_start3A_2672 = tpu.memref_slice %arg7[%dma_start3A_2671] : memref<416xi32, #tpu.memory_space<vmem>> -> memref<200xi32, #tpu.memory_space<vmem>>
          %dma_start3A_2673 = tpu.memref_slice %arg2[%add3A_2330] : memref<204800xi32, #tpu.memory_space<hbm>> -> memref<200xi32, #tpu.memory_space<hbm>>
          %dma_start3A_2674 = arith.constant 0 : i32
          %dma_start3A_2675 = tpu.memref_slice %arg7[%dma_start3A_2674] : memref<416xi32, #tpu.memory_space<vmem>> -> memref<200xi32, #tpu.memory_space<vmem>>
          %dma_start3A_2676 = tpu.memref_slice %arg2[%add3A_2330] : memref<204800xi32, #tpu.memory_space<hbm>> -> memref<200xi32, #tpu.memory_space<hbm>>
          tpu.enqueue_dma source(%dma_start3A_2676 : memref<200xi32, #tpu.memory_space<hbm>>) target(%dma_start3A_2675 : memref<200xi32, #tpu.memory_space<vmem>>) target_semaphore(%run_scoped3A : memref<!tpu.dma_semaphore, #tpu.memory_space<semaphore_mem>>)
          %dma_wait3A_2677 = arith.constant 0 : i32
          %dma_wait3A_2678 = tpu.memref_slice %arg7[%dma_wait3A_2677] : memref<416xi32, #tpu.memory_space<vmem>> -> memref<200xi32, #tpu.memory_space<vmem>>
          %dma_wait3A_2679 = tpu.memref_slice %arg2[%add3A_2330] : memref<204800xi32, #tpu.memory_space<hbm>> -> memref<200xi32, #tpu.memory_space<hbm>>
          %dma_wait3A_2680 = arith.constant 0 : i32
          %dma_wait3A_2681 = tpu.memref_slice %arg7[%dma_wait3A_2680] : memref<416xi32, #tpu.memory_space<vmem>> -> memref<200xi32, #tpu.memory_space<vmem>>
          %dma_wait3A_2682 = tpu.memref_slice %arg2[%add3A_2330] : memref<204800xi32, #tpu.memory_space<hbm>> -> memref<200xi32, #tpu.memory_space<hbm>>
          tpu.wait_dma2 semaphore(%run_scoped3A : memref<!tpu.dma_semaphore, #tpu.memory_space<semaphore_mem>>) src(%dma_wait3A_2682 : memref<200xi32, #tpu.memory_space<hbm>>) dst(%dma_wait3A_2681 : memref<200xi32, #tpu.memory_space<vmem>>)
          tpu.yield
        }) : () -> ()
        "tpu.region"() ({
          %run_scoped3A = tpu.sem_alloc : memref<!tpu.dma_semaphore, #tpu.memory_space<semaphore_mem>>
          %dma_start3A_2671 = arith.constant 208 : i32
          %dma_start3A_2672 = tpu.memref_slice %arg7[%dma_start3A_2671] : memref<416xi32, #tpu.memory_space<vmem>> -> memref<200xi32, #tpu.memory_space<vmem>>
          %dma_start3A_2673 = tpu.memref_slice %arg3[%add3A_2330] : memref<204800xi32, #tpu.memory_space<hbm>> -> memref<200xi32, #tpu.memory_space<hbm>>
          %dma_start3A_2674 = arith.constant 208 : i32
          %dma_start3A_2675 = tpu.memref_slice %arg7[%dma_start3A_2674] : memref<416xi32, #tpu.memory_space<vmem>> -> memref<200xi32, #tpu.memory_space<vmem>>
          %dma_start3A_2676 = tpu.memref_slice %arg3[%add3A_2330] : memref<204800xi32, #tpu.memory_space<hbm>> -> memref<200xi32, #tpu.memory_space<hbm>>
          tpu.enqueue_dma source(%dma_start3A_2676 : memref<200xi32, #tpu.memory_space<hbm>>) target(%dma_start3A_2675 : memref<200xi32, #tpu.memory_space<vmem>>) target_semaphore(%run_scoped3A : memref<!tpu.dma_semaphore, #tpu.memory_space<semaphore_mem>>)
          %dma_wait3A_2677 = arith.constant 208 : i32
          %dma_wait3A_2678 = tpu.memref_slice %arg7[%dma_wait3A_2677] : memref<416xi32, #tpu.memory_space<vmem>> -> memref<200xi32, #tpu.memory_space<vmem>>
          %dma_wait3A_2679 = tpu.memref_slice %arg3[%add3A_2330] : memref<204800xi32, #tpu.memory_space<hbm>> -> memref<200xi32, #tpu.memory_space<hbm>>
          %dma_wait3A_2680 = arith.constant 208 : i32
          %dma_wait3A_2681 = tpu.memref_slice %arg7[%dma_wait3A_2680] : memref<416xi32, #tpu.memory_space<vmem>> -> memref<200xi32, #tpu.memory_space<vmem>>
          %dma_wait3A_2682 = tpu.memref_slice %arg3[%add3A_2330] : memref<204800xi32, #tpu.memory_space<hbm>> -> memref<200xi32, #tpu.memory_space<hbm>>
          tpu.wait_dma2 semaphore(%run_scoped3A : memref<!tpu.dma_semaphore, #tpu.memory_space<semaphore_mem>>) src(%dma_wait3A_2682 : memref<200xi32, #tpu.memory_space<hbm>>) dst(%dma_wait3A_2681 : memref<200xi32, #tpu.memory_space<vmem>>)
          tpu.yield
        }) : () -> ()
        %broadcast_in_dim3A_2331 = arith.constant 1 : i32
        %broadcast_in_dim3A_2332 = vector.broadcast %broadcast_in_dim3A_2331 : i32 to vector<16xi32>
        %get3A_2333 = arith.constant 0 : index
        %get3A_2334 = tpu.vector_load %arg7[%get3A_2333] {strides = array<i32>} : memref<416xi32, #tpu.memory_space<vmem>>, vector<16xi32>,
        %shift_right_logical3A_2335 = arith.constant 1 : i32
        %shift_right_logical3A_2336 = vector.broadcast %shift_right_logical3A_2335 : i32 to vector<16xi32>
        %shift_right_logical3A_2337 = arith.shrui %get3A_2334, %shift_right_logical3A_2336 : vector<16xi32>
        %swap3A_2338 = arith.constant 0 : index
        %swap3A_2339 = tpu.vector_load %arg8[%swap3A_2338] {strides = array<i32>} : memref<416xi32, #tpu.memory_space<vmem>>, vector<16xi32>,
        tpu.vector_store %arg8[%swap3A_2338], %shift_right_logical3A_2337 {strides = array<i32>} : memref<416xi32, #tpu.memory_space<vmem>>, vector<16xi32>,
        %and3A_2340 = arith.andi %get3A_2334, %broadcast_in_dim3A_2332 : vector<16xi32>
        %shift_left3A_2341 = arith.constant 6 : i32
        %shift_left3A_2342 = vector.broadcast %shift_left3A_2341 : i32 to vector<16xi32>
        %shift_left3A_2343 = arith.shli %and3A_2340, %shift_left3A_2342 : vector<16xi32>
        %swap3A_2344 = arith.constant 0 : index
        %swap3A_2345 = tpu.vector_load %arg9[%swap3A_2344] {strides = array<i32>} : memref<416xi32, #tpu.memory_space<vmem>>, vector<16xi32>,
        tpu.vector_store %arg9[%swap3A_2344], %shift_left3A_2343 {strides = array<i32>} : memref<416xi32, #tpu.memory_space<vmem>>, vector<16xi32>,
        %get3A_2346 = arith.constant 16 : index
        %get3A_2347 = tpu.vector_load %arg7[%get3A_2346] {strides = array<i32>} : memref<416xi32, #tpu.memory_space<vmem>>, vector<16xi32>,
        %shift_right_logical3A_2348 = arith.constant 1 : i32
        %shift_right_logical3A_2349 = vector.broadcast %shift_right_logical3A_2348 : i32 to vector<16xi32>
        %shift_right_logical3A_2350 = arith.shrui %get3A_2347, %shift_right_logical3A_2349 : vector<16xi32>
        %swap3A_2351 = arith.constant 16 : index
        %swap3A_2352 = tpu.vector_load %arg8[%swap3A_2351] {strides = array<i32>} : memref<416xi32, #tpu.memory_space<vmem>>, vector<16xi32>,
        tpu.vector_store %arg8[%swap3A_2351], %shift_right_logical3A_2350 {strides = array<i32>} : memref<416xi32, #tpu.memory_space<vmem>>, vector<16xi32>,
        %and3A_2353 = arith.andi %get3A_2347, %broadcast_in_dim3A_2332 : vector<16xi32>
        %shift_left3A_2354 = arith.constant 6 : i32
        %shift_left3A_2355 = vector.broadcast %shift_left3A_2354 : i32 to vector<16xi32>
        %shift_left3A_2356 = arith.shli %and3A_2353, %shift_left3A_2355 : vector<16xi32>
        %swap3A_2357 = arith.constant 16 : index
        %swap3A_2358 = tpu.vector_load %arg9[%swap3A_2357] {strides = array<i32>} : memref<416xi32, #tpu.memory_space<vmem>>, vector<16xi32>,
        tpu.vector_store %arg9[%swap3A_2357], %shift_left3A_2356 {strides = array<i32>} : memref<416xi32, #tpu.memory_space<vmem>>, vector<16xi32>,
        %get3A_2359 = arith.constant 32 : index
        %get3A_2360 = tpu.vector_load %arg7[%get3A_2359] {strides = array<i32>} : memref<416xi32, #tpu.memory_space<vmem>>, vector<16xi32>,
        %shift_right_logical3A_2361 = arith.constant 1 : i32
        %shift_right_logical3A_2362 = vector.broadcast %shift_right_logical3A_2361 : i32 to vector<16xi32>
        %shift_right_logical3A_2363 = arith.shrui %get3A_2360, %shift_right_logical3A_2362 : vector<16xi32>
        %swap3A_2364 = arith.constant 32 : index
        %swap3A_2365 = tpu.vector_load %arg8[%swap3A_2364] {strides = array<i32>} : memref<416xi32, #tpu.memory_space<vmem>>, vector<16xi32>,
        tpu.vector_store %arg8[%swap3A_2364], %shift_right_logical3A_2363 {strides = array<i32>} : memref<416xi32, #tpu.memory_space<vmem>>, vector<16xi32>,
        %and3A_2366 = arith.andi %get3A_2360, %broadcast_in_dim3A_2332 : vector<16xi32>
        %shift_left3A_2367 = arith.constant 6 : i32
        %shift_left3A_2368 = vector.broadcast %shift_left3A_2367 : i32 to vector<16xi32>
        %shift_left3A_2369 = arith.shli %and3A_2366, %shift_left3A_2368 : vector<16xi32>
        %swap3A_2370 = arith.constant 32 : index
        %swap3A_2371 = tpu.vector_load %arg9[%swap3A_2370] {strides = array<i32>} : memref<416xi32, #tpu.memory_space<vmem>>, vector<16xi32>,
        tpu.vector_store %arg9[%swap3A_2370], %shift_left3A_2369 {strides = array<i32>} : memref<416xi32, #tpu.memory_space<vmem>>, vector<16xi32>,
        %get3A_2372 = arith.constant 48 : index
        %get3A_2373 = tpu.vector_load %arg7[%get3A_2372] {strides = array<i32>} : memref<416xi32, #tpu.memory_space<vmem>>, vector<16xi32>,
        %shift_right_logical3A_2374 = arith.constant 1 : i32
        %shift_right_logical3A_2375 = vector.broadcast %shift_right_logical3A_2374 : i32 to vector<16xi32>
        %shift_right_logical3A_2376 = arith.shrui %get3A_2373, %shift_right_logical3A_2375 : vector<16xi32>
        %swap3A_2377 = arith.constant 48 : index
        %swap3A_2378 = tpu.vector_load %arg8[%swap3A_2377] {strides = array<i32>} : memref<416xi32, #tpu.memory_space<vmem>>, vector<16xi32>,
        tpu.vector_store %arg8[%swap3A_2377], %shift_right_logical3A_2376 {strides = array<i32>} : memref<416xi32, #tpu.memory_space<vmem>>, vector<16xi32>,
        %and3A_2379 = arith.andi %get3A_2373, %broadcast_in_dim3A_2332 : vector<16xi32>
        %shift_left3A_2380 = arith.constant 6 : i32
        %shift_left3A_2381 = vector.broadcast %shift_left3A_2380 : i32 to vector<16xi32>
        %shift_left3A_2382 = arith.shli %and3A_2379, %shift_left3A_2381 : vector<16xi32>
        %swap3A_2383 = arith.constant 48 : index
        %swap3A_2384 = tpu.vector_load %arg9[%swap3A_2383] {strides = array<i32>} : memref<416xi32, #tpu.memory_space<vmem>>, vector<16xi32>,
        tpu.vector_store %arg9[%swap3A_2383], %shift_left3A_2382 {strides = array<i32>} : memref<416xi32, #tpu.memory_space<vmem>>, vector<16xi32>,
        %get3A_2385 = arith.constant 64 : index
        %get3A_2386 = tpu.vector_load %arg7[%get3A_2385] {strides = array<i32>} : memref<416xi32, #tpu.memory_space<vmem>>, vector<16xi32>,
        %shift_right_logical3A_2387 = arith.constant 1 : i32
        %shift_right_logical3A_2388 = vector.broadcast %shift_right_logical3A_2387 : i32 to vector<16xi32>
        %shift_right_logical3A_2389 = arith.shrui %get3A_2386, %shift_right_logical3A_2388 : vector<16xi32>
        %swap3A_2390 = arith.constant 64 : index
        %swap3A_2391 = tpu.vector_load %arg8[%swap3A_2390] {strides = array<i32>} : memref<416xi32, #tpu.memory_space<vmem>>, vector<16xi32>,
        tpu.vector_store %arg8[%swap3A_2390], %shift_right_logical3A_2389 {strides = array<i32>} : memref<416xi32, #tpu.memory_space<vmem>>, vector<16xi32>,
        %and3A_2392 = arith.andi %get3A_2386, %broadcast_in_dim3A_2332 : vector<16xi32>
        %shift_left3A_2393 = arith.constant 6 : i32
        %shift_left3A_2394 = vector.broadcast %shift_left3A_2393 : i32 to vector<16xi32>
        %shift_left3A_2395 = arith.shli %and3A_2392, %shift_left3A_2394 : vector<16xi32>
        %swap3A_2396 = arith.constant 64 : index
        %swap3A_2397 = tpu.vector_load %arg9[%swap3A_2396] {strides = array<i32>} : memref<416xi32, #tpu.memory_space<vmem>>, vector<16xi32>,
        tpu.vector_store %arg9[%swap3A_2396], %shift_left3A_2395 {strides = array<i32>} : memref<416xi32, #tpu.memory_space<vmem>>, vector<16xi32>,
        %get3A_2398 = arith.constant 80 : index
        %get3A_2399 = tpu.vector_load %arg7[%get3A_2398] {strides = array<i32>} : memref<416xi32, #tpu.memory_space<vmem>>, vector<16xi32>,
        %shift_right_logical3A_2400 = arith.constant 1 : i32
        %shift_right_logical3A_2401 = vector.broadcast %shift_right_logical3A_2400 : i32 to vector<16xi32>
        %shift_right_logical3A_2402 = arith.shrui %get3A_2399, %shift_right_logical3A_2401 : vector<16xi32>
        %swap3A_2403 = arith.constant 80 : index
        %swap3A_2404 = tpu.vector_load %arg8[%swap3A_2403] {strides = array<i32>} : memref<416xi32, #tpu.memory_space<vmem>>, vector<16xi32>,
        tpu.vector_store %arg8[%swap3A_2403], %shift_right_logical3A_2402 {strides = array<i32>} : memref<416xi32, #tpu.memory_space<vmem>>, vector<16xi32>,
        %and3A_2405 = arith.andi %get3A_2399, %broadcast_in_dim3A_2332 : vector<16xi32>
        %shift_left3A_2406 = arith.constant 6 : i32
        %shift_left3A_2407 = vector.broadcast %shift_left3A_2406 : i32 to vector<16xi32>
        %shift_left3A_2408 = arith.shli %and3A_2405, %shift_left3A_2407 : vector<16xi32>
        %swap3A_2409 = arith.constant 80 : index
        %swap3A_2410 = tpu.vector_load %arg9[%swap3A_2409] {strides = array<i32>} : memref<416xi32, #tpu.memory_space<vmem>>, vector<16xi32>,
        tpu.vector_store %arg9[%swap3A_2409], %shift_left3A_2408 {strides = array<i32>} : memref<416xi32, #tpu.memory_space<vmem>>, vector<16xi32>,
        %get3A_2411 = arith.constant 96 : index
        %get3A_2412 = tpu.vector_load %arg7[%get3A_2411] {strides = array<i32>} : memref<416xi32, #tpu.memory_space<vmem>>, vector<16xi32>,
        %shift_right_logical3A_2413 = arith.constant 1 : i32
        %shift_right_logical3A_2414 = vector.broadcast %shift_right_logical3A_2413 : i32 to vector<16xi32>
        %shift_right_logical3A_2415 = arith.shrui %get3A_2412, %shift_right_logical3A_2414 : vector<16xi32>
        %swap3A_2416 = arith.constant 96 : index
        %swap3A_2417 = tpu.vector_load %arg8[%swap3A_2416] {strides = array<i32>} : memref<416xi32, #tpu.memory_space<vmem>>, vector<16xi32>,
        tpu.vector_store %arg8[%swap3A_2416], %shift_right_logical3A_2415 {strides = array<i32>} : memref<416xi32, #tpu.memory_space<vmem>>, vector<16xi32>,
        %and3A_2418 = arith.andi %get3A_2412, %broadcast_in_dim3A_2332 : vector<16xi32>
        %shift_left3A_2419 = arith.constant 6 : i32
        %shift_left3A_2420 = vector.broadcast %shift_left3A_2419 : i32 to vector<16xi32>
        %shift_left3A_2421 = arith.shli %and3A_2418, %shift_left3A_2420 : vector<16xi32>
        %swap3A_2422 = arith.constant 96 : index
        %swap3A_2423 = tpu.vector_load %arg9[%swap3A_2422] {strides = array<i32>} : memref<416xi32, #tpu.memory_space<vmem>>, vector<16xi32>,
        tpu.vector_store %arg9[%swap3A_2422], %shift_left3A_2421 {strides = array<i32>} : memref<416xi32, #tpu.memory_space<vmem>>, vector<16xi32>,
        %get3A_2424 = arith.constant 112 : index
        %get3A_2425 = tpu.vector_load %arg7[%get3A_2424] {strides = array<i32>} : memref<416xi32, #tpu.memory_space<vmem>>, vector<16xi32>,
        %shift_right_logical3A_2426 = arith.constant 1 : i32
        %shift_right_logical3A_2427 = vector.broadcast %shift_right_logical3A_2426 : i32 to vector<16xi32>
        %shift_right_logical3A_2428 = arith.shrui %get3A_2425, %shift_right_logical3A_2427 : vector<16xi32>
        %swap3A_2429 = arith.constant 112 : index
        %swap3A_2430 = tpu.vector_load %arg8[%swap3A_2429] {strides = array<i32>} : memref<416xi32, #tpu.memory_space<vmem>>, vector<16xi32>,
        tpu.vector_store %arg8[%swap3A_2429], %shift_right_logical3A_2428 {strides = array<i32>} : memref<416xi32, #tpu.memory_space<vmem>>, vector<16xi32>,
        %and3A_2431 = arith.andi %get3A_2425, %broadcast_in_dim3A_2332 : vector<16xi32>
        %shift_left3A_2432 = arith.constant 6 : i32
        %shift_left3A_2433 = vector.broadcast %shift_left3A_2432 : i32 to vector<16xi32>
        %shift_left3A_2434 = arith.shli %and3A_2431, %shift_left3A_2433 : vector<16xi32>
        %swap3A_2435 = arith.constant 112 : index
        %swap3A_2436 = tpu.vector_load %arg9[%swap3A_2435] {strides = array<i32>} : memref<416xi32, #tpu.memory_space<vmem>>, vector<16xi32>,
        tpu.vector_store %arg9[%swap3A_2435], %shift_left3A_2434 {strides = array<i32>} : memref<416xi32, #tpu.memory_space<vmem>>, vector<16xi32>,
        %get3A_2437 = arith.constant 128 : index
        %get3A_2438 = tpu.vector_load %arg7[%get3A_2437] {strides = array<i32>} : memref<416xi32, #tpu.memory_space<vmem>>, vector<16xi32>,
        %shift_right_logical3A_2439 = arith.constant 1 : i32
        %shift_right_logical3A_2440 = vector.broadcast %shift_right_logical3A_2439 : i32 to vector<16xi32>
        %shift_right_logical3A_2441 = arith.shrui %get3A_2438, %shift_right_logical3A_2440 : vector<16xi32>
        %swap3A_2442 = arith.constant 128 : index
        %swap3A_2443 = tpu.vector_load %arg8[%swap3A_2442] {strides = array<i32>} : memref<416xi32, #tpu.memory_space<vmem>>, vector<16xi32>,
        tpu.vector_store %arg8[%swap3A_2442], %shift_right_logical3A_2441 {strides = array<i32>} : memref<416xi32, #tpu.memory_space<vmem>>, vector<16xi32>,
        %and3A_2444 = arith.andi %get3A_2438, %broadcast_in_dim3A_2332 : vector<16xi32>
        %shift_left3A_2445 = arith.constant 6 : i32
        %shift_left3A_2446 = vector.broadcast %shift_left3A_2445 : i32 to vector<16xi32>
        %shift_left3A_2447 = arith.shli %and3A_2444, %shift_left3A_2446 : vector<16xi32>
        %swap3A_2448 = arith.constant 128 : index
        %swap3A_2449 = tpu.vector_load %arg9[%swap3A_2448] {strides = array<i32>} : memref<416xi32, #tpu.memory_space<vmem>>, vector<16xi32>,
        tpu.vector_store %arg9[%swap3A_2448], %shift_left3A_2447 {strides = array<i32>} : memref<416xi32, #tpu.memory_space<vmem>>, vector<16xi32>,
        %get3A_2450 = arith.constant 144 : index
        %get3A_2451 = tpu.vector_load %arg7[%get3A_2450] {strides = array<i32>} : memref<416xi32, #tpu.memory_space<vmem>>, vector<16xi32>,
        %shift_right_logical3A_2452 = arith.constant 1 : i32
        %shift_right_logical3A_2453 = vector.broadcast %shift_right_logical3A_2452 : i32 to vector<16xi32>
        %shift_right_logical3A_2454 = arith.shrui %get3A_2451, %shift_right_logical3A_2453 : vector<16xi32>
        %swap3A_2455 = arith.constant 144 : index
        %swap3A_2456 = tpu.vector_load %arg8[%swap3A_2455] {strides = array<i32>} : memref<416xi32, #tpu.memory_space<vmem>>, vector<16xi32>,
        tpu.vector_store %arg8[%swap3A_2455], %shift_right_logical3A_2454 {strides = array<i32>} : memref<416xi32, #tpu.memory_space<vmem>>, vector<16xi32>,
        %and3A_2457 = arith.andi %get3A_2451, %broadcast_in_dim3A_2332 : vector<16xi32>
        %shift_left3A_2458 = arith.constant 6 : i32
        %shift_left3A_2459 = vector.broadcast %shift_left3A_2458 : i32 to vector<16xi32>
        %shift_left3A_2460 = arith.shli %and3A_2457, %shift_left3A_2459 : vector<16xi32>
        %swap3A_2461 = arith.constant 144 : index
        %swap3A_2462 = tpu.vector_load %arg9[%swap3A_2461] {strides = array<i32>} : memref<416xi32, #tpu.memory_space<vmem>>, vector<16xi32>,
        tpu.vector_store %arg9[%swap3A_2461], %shift_left3A_2460 {strides = array<i32>} : memref<416xi32, #tpu.memory_space<vmem>>, vector<16xi32>,
        %get3A_2463 = arith.constant 160 : index
        %get3A_2464 = tpu.vector_load %arg7[%get3A_2463] {strides = array<i32>} : memref<416xi32, #tpu.memory_space<vmem>>, vector<16xi32>,
        %shift_right_logical3A_2465 = arith.constant 1 : i32
        %shift_right_logical3A_2466 = vector.broadcast %shift_right_logical3A_2465 : i32 to vector<16xi32>
        %shift_right_logical3A_2467 = arith.shrui %get3A_2464, %shift_right_logical3A_2466 : vector<16xi32>
        %swap3A_2468 = arith.constant 160 : index
        %swap3A_2469 = tpu.vector_load %arg8[%swap3A_2468] {strides = array<i32>} : memref<416xi32, #tpu.memory_space<vmem>>, vector<16xi32>,
        tpu.vector_store %arg8[%swap3A_2468], %shift_right_logical3A_2467 {strides = array<i32>} : memref<416xi32, #tpu.memory_space<vmem>>, vector<16xi32>,
        %and3A_2470 = arith.andi %get3A_2464, %broadcast_in_dim3A_2332 : vector<16xi32>
        %shift_left3A_2471 = arith.constant 6 : i32
        %shift_left3A_2472 = vector.broadcast %shift_left3A_2471 : i32 to vector<16xi32>
        %shift_left3A_2473 = arith.shli %and3A_2470, %shift_left3A_2472 : vector<16xi32>
        %swap3A_2474 = arith.constant 160 : index
        %swap3A_2475 = tpu.vector_load %arg9[%swap3A_2474] {strides = array<i32>} : memref<416xi32, #tpu.memory_space<vmem>>, vector<16xi32>,
        tpu.vector_store %arg9[%swap3A_2474], %shift_left3A_2473 {strides = array<i32>} : memref<416xi32, #tpu.memory_space<vmem>>, vector<16xi32>,
        %get3A_2476 = arith.constant 176 : index
        %get3A_2477 = tpu.vector_load %arg7[%get3A_2476] {strides = array<i32>} : memref<416xi32, #tpu.memory_space<vmem>>, vector<16xi32>,
        %shift_right_logical3A_2478 = arith.constant 1 : i32
        %shift_right_logical3A_2479 = vector.broadcast %shift_right_logical3A_2478 : i32 to vector<16xi32>
        %shift_right_logical3A_2480 = arith.shrui %get3A_2477, %shift_right_logical3A_2479 : vector<16xi32>
        %swap3A_2481 = arith.constant 176 : index
        %swap3A_2482 = tpu.vector_load %arg8[%swap3A_2481] {strides = array<i32>} : memref<416xi32, #tpu.memory_space<vmem>>, vector<16xi32>,
        tpu.vector_store %arg8[%swap3A_2481], %shift_right_logical3A_2480 {strides = array<i32>} : memref<416xi32, #tpu.memory_space<vmem>>, vector<16xi32>,
        %and3A_2483 = arith.andi %get3A_2477, %broadcast_in_dim3A_2332 : vector<16xi32>
        %shift_left3A_2484 = arith.constant 6 : i32
        %shift_left3A_2485 = vector.broadcast %shift_left3A_2484 : i32 to vector<16xi32>
        %shift_left3A_2486 = arith.shli %and3A_2483, %shift_left3A_2485 : vector<16xi32>
        %swap3A_2487 = arith.constant 176 : index
        %swap3A_2488 = tpu.vector_load %arg9[%swap3A_2487] {strides = array<i32>} : memref<416xi32, #tpu.memory_space<vmem>>, vector<16xi32>,
        tpu.vector_store %arg9[%swap3A_2487], %shift_left3A_2486 {strides = array<i32>} : memref<416xi32, #tpu.memory_space<vmem>>, vector<16xi32>,
        %get3A_2489 = arith.constant 192 : index
        %get3A_2490 = tpu.vector_load %arg7[%get3A_2489] {strides = array<i32>} : memref<416xi32, #tpu.memory_space<vmem>>, vector<16xi32>,
        %shift_right_logical3A_2491 = arith.constant 1 : i32
        %shift_right_logical3A_2492 = vector.broadcast %shift_right_logical3A_2491 : i32 to vector<16xi32>
        %shift_right_logical3A_2493 = arith.shrui %get3A_2490, %shift_right_logical3A_2492 : vector<16xi32>
        %swap3A_2494 = arith.constant 192 : index
        %swap3A_2495 = tpu.vector_load %arg8[%swap3A_2494] {strides = array<i32>} : memref<416xi32, #tpu.memory_space<vmem>>, vector<16xi32>,
        tpu.vector_store %arg8[%swap3A_2494], %shift_right_logical3A_2493 {strides = array<i32>} : memref<416xi32, #tpu.memory_space<vmem>>, vector<16xi32>,
        %and3A_2496 = arith.andi %get3A_2490, %broadcast_in_dim3A_2332 : vector<16xi32>
        %shift_left3A_2497 = arith.constant 6 : i32
        %shift_left3A_2498 = vector.broadcast %shift_left3A_2497 : i32 to vector<16xi32>
        %shift_left3A_2499 = arith.shli %and3A_2496, %shift_left3A_2498 : vector<16xi32>
        %swap3A_2500 = arith.constant 192 : index
        %swap3A_2501 = tpu.vector_load %arg9[%swap3A_2500] {strides = array<i32>} : memref<416xi32, #tpu.memory_space<vmem>>, vector<16xi32>,
        tpu.vector_store %arg9[%swap3A_2500], %shift_left3A_2499 {strides = array<i32>} : memref<416xi32, #tpu.memory_space<vmem>>, vector<16xi32>,
        %get3A_2502 = arith.constant 208 : index
        %get3A_2503 = tpu.vector_load %arg7[%get3A_2502] {strides = array<i32>} : memref<416xi32, #tpu.memory_space<vmem>>, vector<16xi32>,
        %shift_right_logical3A_2504 = arith.constant 1 : i32
        %shift_right_logical3A_2505 = vector.broadcast %shift_right_logical3A_2504 : i32 to vector<16xi32>
        %shift_right_logical3A_2506 = arith.shrui %get3A_2503, %shift_right_logical3A_2505 : vector<16xi32>
        %swap3A_2507 = arith.constant 208 : index
        %swap3A_2508 = tpu.vector_load %arg8[%swap3A_2507] {strides = array<i32>} : memref<416xi32, #tpu.memory_space<vmem>>, vector<16xi32>,
        tpu.vector_store %arg8[%swap3A_2507], %shift_right_logical3A_2506 {strides = array<i32>} : memref<416xi32, #tpu.memory_space<vmem>>, vector<16xi32>,
        %and3A_2509 = arith.andi %get3A_2503, %broadcast_in_dim3A_2332 : vector<16xi32>
        %shift_left3A_2510 = arith.constant 6 : i32
        %shift_left3A_2511 = vector.broadcast %shift_left3A_2510 : i32 to vector<16xi32>
        %shift_left3A_2512 = arith.shli %and3A_2509, %shift_left3A_2511 : vector<16xi32>
        %swap3A_2513 = arith.constant 208 : index
        %swap3A_2514 = tpu.vector_load %arg9[%swap3A_2513] {strides = array<i32>} : memref<416xi32, #tpu.memory_space<vmem>>, vector<16xi32>,
        tpu.vector_store %arg9[%swap3A_2513], %shift_left3A_2512 {strides = array<i32>} : memref<416xi32, #tpu.memory_space<vmem>>, vector<16xi32>,
        %get3A_2515 = arith.constant 224 : index
        %get3A_2516 = tpu.vector_load %arg7[%get3A_2515] {strides = array<i32>} : memref<416xi32, #tpu.memory_space<vmem>>, vector<16xi32>,
        %shift_right_logical3A_2517 = arith.constant 1 : i32
        %shift_right_logical3A_2518 = vector.broadcast %shift_right_logical3A_2517 : i32 to vector<16xi32>
        %shift_right_logical3A_2519 = arith.shrui %get3A_2516, %shift_right_logical3A_2518 : vector<16xi32>
        %swap3A_2520 = arith.constant 224 : index
        %swap3A_2521 = tpu.vector_load %arg8[%swap3A_2520] {strides = array<i32>} : memref<416xi32, #tpu.memory_space<vmem>>, vector<16xi32>,
        tpu.vector_store %arg8[%swap3A_2520], %shift_right_logical3A_2519 {strides = array<i32>} : memref<416xi32, #tpu.memory_space<vmem>>, vector<16xi32>,
        %and3A_2522 = arith.andi %get3A_2516, %broadcast_in_dim3A_2332 : vector<16xi32>
        %shift_left3A_2523 = arith.constant 6 : i32
        %shift_left3A_2524 = vector.broadcast %shift_left3A_2523 : i32 to vector<16xi32>
        %shift_left3A_2525 = arith.shli %and3A_2522, %shift_left3A_2524 : vector<16xi32>
        %swap3A_2526 = arith.constant 224 : index
        %swap3A_2527 = tpu.vector_load %arg9[%swap3A_2526] {strides = array<i32>} : memref<416xi32, #tpu.memory_space<vmem>>, vector<16xi32>,
        tpu.vector_store %arg9[%swap3A_2526], %shift_left3A_2525 {strides = array<i32>} : memref<416xi32, #tpu.memory_space<vmem>>, vector<16xi32>,
        %get3A_2528 = arith.constant 240 : index
        %get3A_2529 = tpu.vector_load %arg7[%get3A_2528] {strides = array<i32>} : memref<416xi32, #tpu.memory_space<vmem>>, vector<16xi32>,
        %shift_right_logical3A_2530 = arith.constant 1 : i32
        %shift_right_logical3A_2531 = vector.broadcast %shift_right_logical3A_2530 : i32 to vector<16xi32>
        %shift_right_logical3A_2532 = arith.shrui %get3A_2529, %shift_right_logical3A_2531 : vector<16xi32>
        %swap3A_2533 = arith.constant 240 : index
        %swap3A_2534 = tpu.vector_load %arg8[%swap3A_2533] {strides = array<i32>} : memref<416xi32, #tpu.memory_space<vmem>>, vector<16xi32>,
        tpu.vector_store %arg8[%swap3A_2533], %shift_right_logical3A_2532 {strides = array<i32>} : memref<416xi32, #tpu.memory_space<vmem>>, vector<16xi32>,
        %and3A_2535 = arith.andi %get3A_2529, %broadcast_in_dim3A_2332 : vector<16xi32>
        %shift_left3A_2536 = arith.constant 6 : i32
        %shift_left3A_2537 = vector.broadcast %shift_left3A_2536 : i32 to vector<16xi32>
        %shift_left3A_2538 = arith.shli %and3A_2535, %shift_left3A_2537 : vector<16xi32>
        %swap3A_2539 = arith.constant 240 : index
        %swap3A_2540 = tpu.vector_load %arg9[%swap3A_2539] {strides = array<i32>} : memref<416xi32, #tpu.memory_space<vmem>>, vector<16xi32>,
        tpu.vector_store %arg9[%swap3A_2539], %shift_left3A_2538 {strides = array<i32>} : memref<416xi32, #tpu.memory_space<vmem>>, vector<16xi32>,
        %get3A_2541 = arith.constant 256 : index
        %get3A_2542 = tpu.vector_load %arg7[%get3A_2541] {strides = array<i32>} : memref<416xi32, #tpu.memory_space<vmem>>, vector<16xi32>,
        %shift_right_logical3A_2543 = arith.constant 1 : i32
        %shift_right_logical3A_2544 = vector.broadcast %shift_right_logical3A_2543 : i32 to vector<16xi32>
        %shift_right_logical3A_2545 = arith.shrui %get3A_2542, %shift_right_logical3A_2544 : vector<16xi32>
        %swap3A_2546 = arith.constant 256 : index
        %swap3A_2547 = tpu.vector_load %arg8[%swap3A_2546] {strides = array<i32>} : memref<416xi32, #tpu.memory_space<vmem>>, vector<16xi32>,
        tpu.vector_store %arg8[%swap3A_2546], %shift_right_logical3A_2545 {strides = array<i32>} : memref<416xi32, #tpu.memory_space<vmem>>, vector<16xi32>,
        %and3A_2548 = arith.andi %get3A_2542, %broadcast_in_dim3A_2332 : vector<16xi32>
        %shift_left3A_2549 = arith.constant 6 : i32
        %shift_left3A_2550 = vector.broadcast %shift_left3A_2549 : i32 to vector<16xi32>
        %shift_left3A_2551 = arith.shli %and3A_2548, %shift_left3A_2550 : vector<16xi32>
        %swap3A_2552 = arith.constant 256 : index
        %swap3A_2553 = tpu.vector_load %arg9[%swap3A_2552] {strides = array<i32>} : memref<416xi32, #tpu.memory_space<vmem>>, vector<16xi32>,
        tpu.vector_store %arg9[%swap3A_2552], %shift_left3A_2551 {strides = array<i32>} : memref<416xi32, #tpu.memory_space<vmem>>, vector<16xi32>,
        %get3A_2554 = arith.constant 272 : index
        %get3A_2555 = tpu.vector_load %arg7[%get3A_2554] {strides = array<i32>} : memref<416xi32, #tpu.memory_space<vmem>>, vector<16xi32>,
        %shift_right_logical3A_2556 = arith.constant 1 : i32
        %shift_right_logical3A_2557 = vector.broadcast %shift_right_logical3A_2556 : i32 to vector<16xi32>
        %shift_right_logical3A_2558 = arith.shrui %get3A_2555, %shift_right_logical3A_2557 : vector<16xi32>
        %swap3A_2559 = arith.constant 272 : index
        %swap3A_2560 = tpu.vector_load %arg8[%swap3A_2559] {strides = array<i32>} : memref<416xi32, #tpu.memory_space<vmem>>, vector<16xi32>,
        tpu.vector_store %arg8[%swap3A_2559], %shift_right_logical3A_2558 {strides = array<i32>} : memref<416xi32, #tpu.memory_space<vmem>>, vector<16xi32>,
        %and3A_2561 = arith.andi %get3A_2555, %broadcast_in_dim3A_2332 : vector<16xi32>
        %shift_left3A_2562 = arith.constant 6 : i32
        %shift_left3A_2563 = vector.broadcast %shift_left3A_2562 : i32 to vector<16xi32>
        %shift_left3A_2564 = arith.shli %and3A_2561, %shift_left3A_2563 : vector<16xi32>
        %swap3A_2565 = arith.constant 272 : index
        %swap3A_2566 = tpu.vector_load %arg9[%swap3A_2565] {strides = array<i32>} : memref<416xi32, #tpu.memory_space<vmem>>, vector<16xi32>,
        tpu.vector_store %arg9[%swap3A_2565], %shift_left3A_2564 {strides = array<i32>} : memref<416xi32, #tpu.memory_space<vmem>>, vector<16xi32>,
        %get3A_2567 = arith.constant 288 : index
        %get3A_2568 = tpu.vector_load %arg7[%get3A_2567] {strides = array<i32>} : memref<416xi32, #tpu.memory_space<vmem>>, vector<16xi32>,
        %shift_right_logical3A_2569 = arith.constant 1 : i32
        %shift_right_logical3A_2570 = vector.broadcast %shift_right_logical3A_2569 : i32 to vector<16xi32>
        %shift_right_logical3A_2571 = arith.shrui %get3A_2568, %shift_right_logical3A_2570 : vector<16xi32>
        %swap3A_2572 = arith.constant 288 : index
        %swap3A_2573 = tpu.vector_load %arg8[%swap3A_2572] {strides = array<i32>} : memref<416xi32, #tpu.memory_space<vmem>>, vector<16xi32>,
        tpu.vector_store %arg8[%swap3A_2572], %shift_right_logical3A_2571 {strides = array<i32>} : memref<416xi32, #tpu.memory_space<vmem>>, vector<16xi32>,
        %and3A_2574 = arith.andi %get3A_2568, %broadcast_in_dim3A_2332 : vector<16xi32>
        %shift_left3A_2575 = arith.constant 6 : i32
        %shift_left3A_2576 = vector.broadcast %shift_left3A_2575 : i32 to vector<16xi32>
        %shift_left3A_2577 = arith.shli %and3A_2574, %shift_left3A_2576 : vector<16xi32>
        %swap3A_2578 = arith.constant 288 : index
        %swap3A_2579 = tpu.vector_load %arg9[%swap3A_2578] {strides = array<i32>} : memref<416xi32, #tpu.memory_space<vmem>>, vector<16xi32>,
        tpu.vector_store %arg9[%swap3A_2578], %shift_left3A_2577 {strides = array<i32>} : memref<416xi32, #tpu.memory_space<vmem>>, vector<16xi32>,
        %get3A_2580 = arith.constant 304 : index
        %get3A_2581 = tpu.vector_load %arg7[%get3A_2580] {strides = array<i32>} : memref<416xi32, #tpu.memory_space<vmem>>, vector<16xi32>,
        %shift_right_logical3A_2582 = arith.constant 1 : i32
        %shift_right_logical3A_2583 = vector.broadcast %shift_right_logical3A_2582 : i32 to vector<16xi32>
        %shift_right_logical3A_2584 = arith.shrui %get3A_2581, %shift_right_logical3A_2583 : vector<16xi32>
        %swap3A_2585 = arith.constant 304 : index
        %swap3A_2586 = tpu.vector_load %arg8[%swap3A_2585] {strides = array<i32>} : memref<416xi32, #tpu.memory_space<vmem>>, vector<16xi32>,
        tpu.vector_store %arg8[%swap3A_2585], %shift_right_logical3A_2584 {strides = array<i32>} : memref<416xi32, #tpu.memory_space<vmem>>, vector<16xi32>,
        %and3A_2587 = arith.andi %get3A_2581, %broadcast_in_dim3A_2332 : vector<16xi32>
        %shift_left3A_2588 = arith.constant 6 : i32
        %shift_left3A_2589 = vector.broadcast %shift_left3A_2588 : i32 to vector<16xi32>
        %shift_left3A_2590 = arith.shli %and3A_2587, %shift_left3A_2589 : vector<16xi32>
        %swap3A_2591 = arith.constant 304 : index
        %swap3A_2592 = tpu.vector_load %arg9[%swap3A_2591] {strides = array<i32>} : memref<416xi32, #tpu.memory_space<vmem>>, vector<16xi32>,
        tpu.vector_store %arg9[%swap3A_2591], %shift_left3A_2590 {strides = array<i32>} : memref<416xi32, #tpu.memory_space<vmem>>, vector<16xi32>,
        %get3A_2593 = arith.constant 320 : index
        %get3A_2594 = tpu.vector_load %arg7[%get3A_2593] {strides = array<i32>} : memref<416xi32, #tpu.memory_space<vmem>>, vector<16xi32>,
        %shift_right_logical3A_2595 = arith.constant 1 : i32
        %shift_right_logical3A_2596 = vector.broadcast %shift_right_logical3A_2595 : i32 to vector<16xi32>
        %shift_right_logical3A_2597 = arith.shrui %get3A_2594, %shift_right_logical3A_2596 : vector<16xi32>
        %swap3A_2598 = arith.constant 320 : index
        %swap3A_2599 = tpu.vector_load %arg8[%swap3A_2598] {strides = array<i32>} : memref<416xi32, #tpu.memory_space<vmem>>, vector<16xi32>,
        tpu.vector_store %arg8[%swap3A_2598], %shift_right_logical3A_2597 {strides = array<i32>} : memref<416xi32, #tpu.memory_space<vmem>>, vector<16xi32>,
        %and3A_2600 = arith.andi %get3A_2594, %broadcast_in_dim3A_2332 : vector<16xi32>
        %shift_left3A_2601 = arith.constant 6 : i32
        %shift_left3A_2602 = vector.broadcast %shift_left3A_2601 : i32 to vector<16xi32>
        %shift_left3A_2603 = arith.shli %and3A_2600, %shift_left3A_2602 : vector<16xi32>
        %swap3A_2604 = arith.constant 320 : index
        %swap3A_2605 = tpu.vector_load %arg9[%swap3A_2604] {strides = array<i32>} : memref<416xi32, #tpu.memory_space<vmem>>, vector<16xi32>,
        tpu.vector_store %arg9[%swap3A_2604], %shift_left3A_2603 {strides = array<i32>} : memref<416xi32, #tpu.memory_space<vmem>>, vector<16xi32>,
        %get3A_2606 = arith.constant 336 : index
        %get3A_2607 = tpu.vector_load %arg7[%get3A_2606] {strides = array<i32>} : memref<416xi32, #tpu.memory_space<vmem>>, vector<16xi32>,
        %shift_right_logical3A_2608 = arith.constant 1 : i32
        %shift_right_logical3A_2609 = vector.broadcast %shift_right_logical3A_2608 : i32 to vector<16xi32>
        %shift_right_logical3A_2610 = arith.shrui %get3A_2607, %shift_right_logical3A_2609 : vector<16xi32>
        %swap3A_2611 = arith.constant 336 : index
        %swap3A_2612 = tpu.vector_load %arg8[%swap3A_2611] {strides = array<i32>} : memref<416xi32, #tpu.memory_space<vmem>>, vector<16xi32>,
        tpu.vector_store %arg8[%swap3A_2611], %shift_right_logical3A_2610 {strides = array<i32>} : memref<416xi32, #tpu.memory_space<vmem>>, vector<16xi32>,
        %and3A_2613 = arith.andi %get3A_2607, %broadcast_in_dim3A_2332 : vector<16xi32>
        %shift_left3A_2614 = arith.constant 6 : i32
        %shift_left3A_2615 = vector.broadcast %shift_left3A_2614 : i32 to vector<16xi32>
        %shift_left3A_2616 = arith.shli %and3A_2613, %shift_left3A_2615 : vector<16xi32>
        %swap3A_2617 = arith.constant 336 : index
        %swap3A_2618 = tpu.vector_load %arg9[%swap3A_2617] {strides = array<i32>} : memref<416xi32, #tpu.memory_space<vmem>>, vector<16xi32>,
        tpu.vector_store %arg9[%swap3A_2617], %shift_left3A_2616 {strides = array<i32>} : memref<416xi32, #tpu.memory_space<vmem>>, vector<16xi32>,
        %get3A_2619 = arith.constant 352 : index
        %get3A_2620 = tpu.vector_load %arg7[%get3A_2619] {strides = array<i32>} : memref<416xi32, #tpu.memory_space<vmem>>, vector<16xi32>,
        %shift_right_logical3A_2621 = arith.constant 1 : i32
        %shift_right_logical3A_2622 = vector.broadcast %shift_right_logical3A_2621 : i32 to vector<16xi32>
        %shift_right_logical3A_2623 = arith.shrui %get3A_2620, %shift_right_logical3A_2622 : vector<16xi32>
        %swap3A_2624 = arith.constant 352 : index
        %swap3A_2625 = tpu.vector_load %arg8[%swap3A_2624] {strides = array<i32>} : memref<416xi32, #tpu.memory_space<vmem>>, vector<16xi32>,
        tpu.vector_store %arg8[%swap3A_2624], %shift_right_logical3A_2623 {strides = array<i32>} : memref<416xi32, #tpu.memory_space<vmem>>, vector<16xi32>,
        %and3A_2626 = arith.andi %get3A_2620, %broadcast_in_dim3A_2332 : vector<16xi32>
        %shift_left3A_2627 = arith.constant 6 : i32
        %shift_left3A_2628 = vector.broadcast %shift_left3A_2627 : i32 to vector<16xi32>
        %shift_left3A_2629 = arith.shli %and3A_2626, %shift_left3A_2628 : vector<16xi32>
        %swap3A_2630 = arith.constant 352 : index
        %swap3A_2631 = tpu.vector_load %arg9[%swap3A_2630] {strides = array<i32>} : memref<416xi32, #tpu.memory_space<vmem>>, vector<16xi32>,
        tpu.vector_store %arg9[%swap3A_2630], %shift_left3A_2629 {strides = array<i32>} : memref<416xi32, #tpu.memory_space<vmem>>, vector<16xi32>,
        %get3A_2632 = arith.constant 368 : index
        %get3A_2633 = tpu.vector_load %arg7[%get3A_2632] {strides = array<i32>} : memref<416xi32, #tpu.memory_space<vmem>>, vector<16xi32>,
        %shift_right_logical3A_2634 = arith.constant 1 : i32
        %shift_right_logical3A_2635 = vector.broadcast %shift_right_logical3A_2634 : i32 to vector<16xi32>
        %shift_right_logical3A_2636 = arith.shrui %get3A_2633, %shift_right_logical3A_2635 : vector<16xi32>
        %swap3A_2637 = arith.constant 368 : index
        %swap3A_2638 = tpu.vector_load %arg8[%swap3A_2637] {strides = array<i32>} : memref<416xi32, #tpu.memory_space<vmem>>, vector<16xi32>,
        tpu.vector_store %arg8[%swap3A_2637], %shift_right_logical3A_2636 {strides = array<i32>} : memref<416xi32, #tpu.memory_space<vmem>>, vector<16xi32>,
        %and3A_2639 = arith.andi %get3A_2633, %broadcast_in_dim3A_2332 : vector<16xi32>
        %shift_left3A_2640 = arith.constant 6 : i32
        %shift_left3A_2641 = vector.broadcast %shift_left3A_2640 : i32 to vector<16xi32>
        %shift_left3A_2642 = arith.shli %and3A_2639, %shift_left3A_2641 : vector<16xi32>
        %swap3A_2643 = arith.constant 368 : index
        %swap3A_2644 = tpu.vector_load %arg9[%swap3A_2643] {strides = array<i32>} : memref<416xi32, #tpu.memory_space<vmem>>, vector<16xi32>,
        tpu.vector_store %arg9[%swap3A_2643], %shift_left3A_2642 {strides = array<i32>} : memref<416xi32, #tpu.memory_space<vmem>>, vector<16xi32>,
        %get3A_2645 = arith.constant 384 : index
        %get3A_2646 = tpu.vector_load %arg7[%get3A_2645] {strides = array<i32>} : memref<416xi32, #tpu.memory_space<vmem>>, vector<16xi32>,
        %shift_right_logical3A_2647 = arith.constant 1 : i32
        %shift_right_logical3A_2648 = vector.broadcast %shift_right_logical3A_2647 : i32 to vector<16xi32>
        %shift_right_logical3A_2649 = arith.shrui %get3A_2646, %shift_right_logical3A_2648 : vector<16xi32>
        %swap3A_2650 = arith.constant 384 : index
        %swap3A_2651 = tpu.vector_load %arg8[%swap3A_2650] {strides = array<i32>} : memref<416xi32, #tpu.memory_space<vmem>>, vector<16xi32>,
        tpu.vector_store %arg8[%swap3A_2650], %shift_right_logical3A_2649 {strides = array<i32>} : memref<416xi32, #tpu.memory_space<vmem>>, vector<16xi32>,
        %and3A_2652 = arith.andi %get3A_2646, %broadcast_in_dim3A_2332 : vector<16xi32>
        %shift_left3A_2653 = arith.constant 6 : i32
        %shift_left3A_2654 = vector.broadcast %shift_left3A_2653 : i32 to vector<16xi32>
        %shift_left3A_2655 = arith.shli %and3A_2652, %shift_left3A_2654 : vector<16xi32>
        %swap3A_2656 = arith.constant 384 : index
        %swap3A_2657 = tpu.vector_load %arg9[%swap3A_2656] {strides = array<i32>} : memref<416xi32, #tpu.memory_space<vmem>>, vector<16xi32>,
        tpu.vector_store %arg9[%swap3A_2656], %shift_left3A_2655 {strides = array<i32>} : memref<416xi32, #tpu.memory_space<vmem>>, vector<16xi32>,
        %get3A_2658 = arith.constant 400 : index
        %get3A_2659 = tpu.vector_load %arg7[%get3A_2658] {strides = array<i32>} : memref<416xi32, #tpu.memory_space<vmem>>, vector<16xi32>,
        %shift_right_logical3A_2660 = arith.constant 1 : i32
        %shift_right_logical3A_2661 = vector.broadcast %shift_right_logical3A_2660 : i32 to vector<16xi32>
        %shift_right_logical3A_2662 = arith.shrui %get3A_2659, %shift_right_logical3A_2661 : vector<16xi32>
        %swap3A_2663 = arith.constant 400 : index
        %swap3A_2664 = tpu.vector_load %arg8[%swap3A_2663] {strides = array<i32>} : memref<416xi32, #tpu.memory_space<vmem>>, vector<16xi32>,
        tpu.vector_store %arg8[%swap3A_2663], %shift_right_logical3A_2662 {strides = array<i32>} : memref<416xi32, #tpu.memory_space<vmem>>, vector<16xi32>,
        %and3A_2665 = arith.andi %get3A_2659, %broadcast_in_dim3A_2332 : vector<16xi32>
        %shift_left3A_2666 = arith.constant 6 : i32
        %shift_left3A_2667 = vector.broadcast %shift_left3A_2666 : i32 to vector<16xi32>
        %shift_left3A_2668 = arith.shli %and3A_2665, %shift_left3A_2667 : vector<16xi32>
        %swap3A_2669 = arith.constant 400 : index
        %swap3A_2670 = tpu.vector_load %arg9[%swap3A_2669] {strides = array<i32>} : memref<416xi32, #tpu.memory_space<vmem>>, vector<16xi32>,
        tpu.vector_store %arg9[%swap3A_2669], %shift_left3A_2668 {strides = array<i32>} : memref<416xi32, #tpu.memory_space<vmem>>, vector<16xi32>,
      } else {
      }
      %lt3A_2265 = arith.constant 31 : i32
      %lt3A_2266 = arith.cmpi slt, %add3A_2248, %lt3A_2265 : i32
      %convert_element_type3A_2267 = arith.extui %lt3A_2266 : i1 to i32
      %cond3A_2268 = arith.constant 0 : i32
      %cond3A_2269 = arith.cmpi ne, %convert_element_type3A_2267, %cond3A_2268 : i32
      scf.if %cond3A_2269 {
        %dma_start3A_2326 = arith.constant 0 : i32
        %dma_start3A_2327 = arith.constant 0 : i32
        %dma_start3A_2328 = tpu.memref_slice %arg13[%dma_start3A_2326, %dma_start3A_2327] : memref<416x128xf32, #tpu.memory_space<vmem>> -> memref<104x128xf32, #tpu.memory_space<vmem>>
        %dma_start3A_2329 = arith.constant 0 : i32
        %dma_start3A_2330 = arith.constant 0 : i32
        %dma_start3A_2331 = tpu.memref_slice %arg4[%dma_start3A_2329, %dma_start3A_2330] : memref<500000x128xf32, #tpu.memory_space<hbm>> -> memref<104x128xf32, #tpu.memory_space<hbm>>
        %dma_start3A_2332 = arith.constant 0 : i32
        %dma_start3A_2333 = arith.constant 0 : i32
        %dma_start3A_2334 = tpu.memref_slice %arg13[%dma_start3A_2332, %dma_start3A_2333] : memref<416x128xf32, #tpu.memory_space<vmem>> -> memref<104x128xf32, #tpu.memory_space<vmem>>
        %dma_start3A_2335 = arith.constant 0 : i32
        %dma_start3A_2336 = arith.constant 0 : i32
        %dma_start3A_2337 = tpu.memref_slice %arg4[%dma_start3A_2335, %dma_start3A_2336] : memref<500000x128xf32, #tpu.memory_space<hbm>> -> memref<104x128xf32, #tpu.memory_space<hbm>>
        tpu.enqueue_dma source(%dma_start3A_2337 : memref<104x128xf32, #tpu.memory_space<hbm>>) target(%dma_start3A_2334 : memref<104x128xf32, #tpu.memory_space<vmem>>) target_semaphore(%arg16 : memref<!tpu.dma_semaphore, #tpu.memory_space<semaphore_mem>>)
        %dma_start3A_2338 = arith.constant 104 : i32
        %dma_start3A_2339 = arith.constant 0 : i32
        %dma_start3A_2340 = tpu.memref_slice %arg13[%dma_start3A_2338, %dma_start3A_2339] : memref<416x128xf32, #tpu.memory_space<vmem>> -> memref<104x128xf32, #tpu.memory_space<vmem>>
        %dma_start3A_2341 = arith.constant 0 : i32
        %dma_start3A_2342 = arith.constant 0 : i32
        %dma_start3A_2343 = tpu.memref_slice %arg4[%dma_start3A_2341, %dma_start3A_2342] : memref<500000x128xf32, #tpu.memory_space<hbm>> -> memref<104x128xf32, #tpu.memory_space<hbm>>
        %dma_start3A_2344 = arith.constant 104 : i32
        %dma_start3A_2345 = arith.constant 0 : i32
        %dma_start3A_2346 = tpu.memref_slice %arg13[%dma_start3A_2344, %dma_start3A_2345] : memref<416x128xf32, #tpu.memory_space<vmem>> -> memref<104x128xf32, #tpu.memory_space<vmem>>
        %dma_start3A_2347 = arith.constant 0 : i32
        %dma_start3A_2348 = arith.constant 0 : i32
        %dma_start3A_2349 = tpu.memref_slice %arg4[%dma_start3A_2347, %dma_start3A_2348] : memref<500000x128xf32, #tpu.memory_space<hbm>> -> memref<104x128xf32, #tpu.memory_space<hbm>>
        tpu.enqueue_dma source(%dma_start3A_2349 : memref<104x128xf32, #tpu.memory_space<hbm>>) target(%dma_start3A_2346 : memref<104x128xf32, #tpu.memory_space<vmem>>) target_semaphore(%arg16 : memref<!tpu.dma_semaphore, #tpu.memory_space<semaphore_mem>>)
      } else {
      }
      %lt3A_2270 = arith.constant 31 : i32
      %lt3A_2271 = arith.cmpi slt, %add3A_2248, %lt3A_2270 : i32
      %convert_element_type3A_2272 = arith.extui %lt3A_2271 : i1 to i32
      %cond3A_2273 = arith.constant 0 : i32
      %cond3A_2274 = arith.cmpi ne, %convert_element_type3A_2272, %cond3A_2273 : i32
      scf.if %cond3A_2274 {
        %dma_start3A_2326 = arith.constant 208 : i32
        %dma_start3A_2327 = arith.constant 0 : i32
        %dma_start3A_2328 = tpu.memref_slice %arg13[%dma_start3A_2326, %dma_start3A_2327] : memref<416x128xf32, #tpu.memory_space<vmem>> -> memref<104x128xf32, #tpu.memory_space<vmem>>
        %dma_start3A_2329 = arith.constant 0 : i32
        %dma_start3A_2330 = arith.constant 0 : i32
        %dma_start3A_2331 = tpu.memref_slice %arg5[%dma_start3A_2329, %dma_start3A_2330] : memref<50000x128xf32, #tpu.memory_space<hbm>> -> memref<104x128xf32, #tpu.memory_space<hbm>>
        %dma_start3A_2332 = arith.constant 208 : i32
        %dma_start3A_2333 = arith.constant 0 : i32
        %dma_start3A_2334 = tpu.memref_slice %arg13[%dma_start3A_2332, %dma_start3A_2333] : memref<416x128xf32, #tpu.memory_space<vmem>> -> memref<104x128xf32, #tpu.memory_space<vmem>>
        %dma_start3A_2335 = arith.constant 0 : i32
        %dma_start3A_2336 = arith.constant 0 : i32
        %dma_start3A_2337 = tpu.memref_slice %arg5[%dma_start3A_2335, %dma_start3A_2336] : memref<50000x128xf32, #tpu.memory_space<hbm>> -> memref<104x128xf32, #tpu.memory_space<hbm>>
        tpu.enqueue_dma source(%dma_start3A_2337 : memref<104x128xf32, #tpu.memory_space<hbm>>) target(%dma_start3A_2334 : memref<104x128xf32, #tpu.memory_space<vmem>>) target_semaphore(%arg16 : memref<!tpu.dma_semaphore, #tpu.memory_space<semaphore_mem>>)
        %dma_start3A_2338 = arith.constant 312 : i32
        %dma_start3A_2339 = arith.constant 0 : i32
        %dma_start3A_2340 = tpu.memref_slice %arg13[%dma_start3A_2338, %dma_start3A_2339] : memref<416x128xf32, #tpu.memory_space<vmem>> -> memref<104x128xf32, #tpu.memory_space<vmem>>
        %dma_start3A_2341 = arith.constant 0 : i32
        %dma_start3A_2342 = arith.constant 0 : i32
        %dma_start3A_2343 = tpu.memref_slice %arg5[%dma_start3A_2341, %dma_start3A_2342] : memref<50000x128xf32, #tpu.memory_space<hbm>> -> memref<104x128xf32, #tpu.memory_space<hbm>>
        %dma_start3A_2344 = arith.constant 312 : i32
        %dma_start3A_2345 = arith.constant 0 : i32
        %dma_start3A_2346 = tpu.memref_slice %arg13[%dma_start3A_2344, %dma_start3A_2345] : memref<416x128xf32, #tpu.memory_space<vmem>> -> memref<104x128xf32, #tpu.memory_space<vmem>>
        %dma_start3A_2347 = arith.constant 0 : i32
        %dma_start3A_2348 = arith.constant 0 : i32
        %dma_start3A_2349 = tpu.memref_slice %arg5[%dma_start3A_2347, %dma_start3A_2348] : memref<50000x128xf32, #tpu.memory_space<hbm>> -> memref<104x128xf32, #tpu.memory_space<hbm>>
        tpu.enqueue_dma source(%dma_start3A_2349 : memref<104x128xf32, #tpu.memory_space<hbm>>) target(%dma_start3A_2346 : memref<104x128xf32, #tpu.memory_space<vmem>>) target_semaphore(%arg16 : memref<!tpu.dma_semaphore, #tpu.memory_space<semaphore_mem>>)
      } else {
      }
      %mul3A_2275 = arith.constant 4 : i32
      %mul3A_2276 = arith.muli %add3A_2248, %mul3A_2275 : i32
      %add3A_2277 = arith.addi %mul3A_4, %mul3A_2276 : i32
      %add3A_2278 = arith.constant 0 : i32
      %add3A_2279 = arith.addi %add3A_2277, %add3A_2278 : i32
      %dma_start3A_2280 = arith.constant 0 : i32
      %dma_start3A_2281 = tpu.memref_slice %arg15[%dma_start3A_2280] : memref<26624xf32, #tpu.memory_space<vmem>> -> memref<6400xf32, #tpu.memory_space<vmem>>
      %dma_start3A_2282 = arith.constant 0 : i32
      %dma_start3A_2283 = tpu.memref_slice %arg6[%add3A_2279, %dma_start3A_2282] : memref<4096x6400xf32, #tpu.memory_space<hbm>> -> memref<1x6400xf32, #tpu.memory_space<hbm>>
      %dma_start3A_2284 = tpu.memref_squeeze %dma_start3A_2283 : memref<1x6400xf32, #tpu.memory_space<hbm>> -> memref<6400xf32, #tpu.memory_space<hbm>>
      %dma_start3A_2285 = arith.constant 0 : i32
      %dma_start3A_2286 = tpu.memref_slice %arg6[%add3A_2279, %dma_start3A_2285] : memref<4096x6400xf32, #tpu.memory_space<hbm>> -> memref<1x6400xf32, #tpu.memory_space<hbm>>
      %dma_start3A_2287 = tpu.memref_squeeze %dma_start3A_2286 : memref<1x6400xf32, #tpu.memory_space<hbm>> -> memref<6400xf32, #tpu.memory_space<hbm>>
      %dma_start3A_2288 = arith.constant 0 : i32
      %dma_start3A_2289 = tpu.memref_slice %arg15[%dma_start3A_2288] : memref<26624xf32, #tpu.memory_space<vmem>> -> memref<6400xf32, #tpu.memory_space<vmem>>
      tpu.enqueue_dma source(%dma_start3A_2289 : memref<6400xf32, #tpu.memory_space<vmem>>) target(%dma_start3A_2287 : memref<6400xf32, #tpu.memory_space<hbm>>) target_semaphore(%arg18 : memref<!tpu.dma_semaphore, #tpu.memory_space<semaphore_mem>>)
      %add3A_2290 = arith.constant 1 : i32
      %add3A_2291 = arith.addi %add3A_2277, %add3A_2290 : i32
      %dma_start3A_2292 = arith.constant 6400 : i32
      %dma_start3A_2293 = tpu.memref_slice %arg15[%dma_start3A_2292] : memref<26624xf32, #tpu.memory_space<vmem>> -> memref<6400xf32, #tpu.memory_space<vmem>>
      %dma_start3A_2294 = arith.constant 0 : i32
      %dma_start3A_2295 = tpu.memref_slice %arg6[%add3A_2291, %dma_start3A_2294] : memref<4096x6400xf32, #tpu.memory_space<hbm>> -> memref<1x6400xf32, #tpu.memory_space<hbm>>
      %dma_start3A_2296 = tpu.memref_squeeze %dma_start3A_2295 : memref<1x6400xf32, #tpu.memory_space<hbm>> -> memref<6400xf32, #tpu.memory_space<hbm>>
      %dma_start3A_2297 = arith.constant 0 : i32
      %dma_start3A_2298 = tpu.memref_slice %arg6[%add3A_2291, %dma_start3A_2297] : memref<4096x6400xf32, #tpu.memory_space<hbm>> -> memref<1x6400xf32, #tpu.memory_space<hbm>>
      %dma_start3A_2299 = tpu.memref_squeeze %dma_start3A_2298 : memref<1x6400xf32, #tpu.memory_space<hbm>> -> memref<6400xf32, #tpu.memory_space<hbm>>
      %dma_start3A_2300 = arith.constant 6400 : i32
      %dma_start3A_2301 = tpu.memref_slice %arg15[%dma_start3A_2300] : memref<26624xf32, #tpu.memory_space<vmem>> -> memref<6400xf32, #tpu.memory_space<vmem>>
      tpu.enqueue_dma source(%dma_start3A_2301 : memref<6400xf32, #tpu.memory_space<vmem>>) target(%dma_start3A_2299 : memref<6400xf32, #tpu.memory_space<hbm>>) target_semaphore(%arg18 : memref<!tpu.dma_semaphore, #tpu.memory_space<semaphore_mem>>)
      %add3A_2302 = arith.constant 2 : i32
      %add3A_2303 = arith.addi %add3A_2277, %add3A_2302 : i32
      %dma_start3A_2304 = arith.constant 12800 : i32
      %dma_start3A_2305 = tpu.memref_slice %arg15[%dma_start3A_2304] : memref<26624xf32, #tpu.memory_space<vmem>> -> memref<6400xf32, #tpu.memory_space<vmem>>
      %dma_start3A_2306 = arith.constant 0 : i32
      %dma_start3A_2307 = tpu.memref_slice %arg6[%add3A_2303, %dma_start3A_2306] : memref<4096x6400xf32, #tpu.memory_space<hbm>> -> memref<1x6400xf32, #tpu.memory_space<hbm>>
      %dma_start3A_2308 = tpu.memref_squeeze %dma_start3A_2307 : memref<1x6400xf32, #tpu.memory_space<hbm>> -> memref<6400xf32, #tpu.memory_space<hbm>>
      %dma_start3A_2309 = arith.constant 0 : i32
      %dma_start3A_2310 = tpu.memref_slice %arg6[%add3A_2303, %dma_start3A_2309] : memref<4096x6400xf32, #tpu.memory_space<hbm>> -> memref<1x6400xf32, #tpu.memory_space<hbm>>
      %dma_start3A_2311 = tpu.memref_squeeze %dma_start3A_2310 : memref<1x6400xf32, #tpu.memory_space<hbm>> -> memref<6400xf32, #tpu.memory_space<hbm>>
      %dma_start3A_2312 = arith.constant 12800 : i32
      %dma_start3A_2313 = tpu.memref_slice %arg15[%dma_start3A_2312] : memref<26624xf32, #tpu.memory_space<vmem>> -> memref<6400xf32, #tpu.memory_space<vmem>>
      tpu.enqueue_dma source(%dma_start3A_2313 : memref<6400xf32, #tpu.memory_space<vmem>>) target(%dma_start3A_2311 : memref<6400xf32, #tpu.memory_space<hbm>>) target_semaphore(%arg18 : memref<!tpu.dma_semaphore, #tpu.memory_space<semaphore_mem>>)
      %add3A_2314 = arith.constant 3 : i32
      %add3A_2315 = arith.addi %add3A_2277, %add3A_2314 : i32
      %dma_start3A_2316 = arith.constant 19200 : i32
      %dma_start3A_2317 = tpu.memref_slice %arg15[%dma_start3A_2316] : memref<26624xf32, #tpu.memory_space<vmem>> -> memref<6400xf32, #tpu.memory_space<vmem>>
      %dma_start3A_2318 = arith.constant 0 : i32
      %dma_start3A_2319 = tpu.memref_slice %arg6[%add3A_2315, %dma_start3A_2318] : memref<4096x6400xf32, #tpu.memory_space<hbm>> -> memref<1x6400xf32, #tpu.memory_space<hbm>>
      %dma_start3A_2320 = tpu.memref_squeeze %dma_start3A_2319 : memref<1x6400xf32, #tpu.memory_space<hbm>> -> memref<6400xf32, #tpu.memory_space<hbm>>
      %dma_start3A_2321 = arith.constant 0 : i32
      %dma_start3A_2322 = tpu.memref_slice %arg6[%add3A_2315, %dma_start3A_2321] : memref<4096x6400xf32, #tpu.memory_space<hbm>> -> memref<1x6400xf32, #tpu.memory_space<hbm>>
      %dma_start3A_2323 = tpu.memref_squeeze %dma_start3A_2322 : memref<1x6400xf32, #tpu.memory_space<hbm>> -> memref<6400xf32, #tpu.memory_space<hbm>>
      %dma_start3A_2324 = arith.constant 19200 : i32
      %dma_start3A_2325 = tpu.memref_slice %arg15[%dma_start3A_2324] : memref<26624xf32, #tpu.memory_space<vmem>> -> memref<6400xf32, #tpu.memory_space<vmem>>
      tpu.enqueue_dma source(%dma_start3A_2325 : memref<6400xf32, #tpu.memory_space<vmem>>) target(%dma_start3A_2323 : memref<6400xf32, #tpu.memory_space<hbm>>) target_semaphore(%arg18 : memref<!tpu.dma_semaphore, #tpu.memory_space<semaphore_mem>>)
    }
    %scan3A_2087 = arith.constant 16 : i32
    %dma_wait3A = arith.constant 0 : i32
    %dma_wait3A_2088 = tpu.memref_slice %arg14[%dma_wait3A] : memref<26624xf32, #tpu.memory_space<vmem>> -> memref<6400xf32, #tpu.memory_space<vmem>>
    %dma_wait3A_2089 = arith.constant 0 : i32
    %dma_wait3A_2090 = tpu.memref_slice %arg6[%mul3A_4, %dma_wait3A_2089] : memref<4096x6400xf32, #tpu.memory_space<hbm>> -> memref<1x6400xf32, #tpu.memory_space<hbm>>
    %dma_wait3A_2091 = tpu.memref_squeeze %dma_wait3A_2090 : memref<1x6400xf32, #tpu.memory_space<hbm>> -> memref<6400xf32, #tpu.memory_space<hbm>>
    %dma_wait3A_2092 = arith.constant 0 : i32
    %dma_wait3A_2093 = tpu.memref_slice %arg14[%dma_wait3A_2092] : memref<26624xf32, #tpu.memory_space<vmem>> -> memref<6400xf32, #tpu.memory_space<vmem>>
    %dma_wait3A_2094 = arith.constant 0 : i32
    %dma_wait3A_2095 = tpu.memref_slice %arg6[%mul3A_4, %dma_wait3A_2094] : memref<4096x6400xf32, #tpu.memory_space<hbm>> -> memref<1x6400xf32, #tpu.memory_space<hbm>>
    %dma_wait3A_2096 = tpu.memref_squeeze %dma_wait3A_2095 : memref<1x6400xf32, #tpu.memory_space<hbm>> -> memref<6400xf32, #tpu.memory_space<hbm>>
    tpu.wait_dma2 semaphore(%arg17 : memref<!tpu.dma_semaphore, #tpu.memory_space<semaphore_mem>>) src(%dma_wait3A_2096 : memref<6400xf32, #tpu.memory_space<hbm>>) dst(%dma_wait3A_2093 : memref<6400xf32, #tpu.memory_space<vmem>>)
    %dma_wait3A_2097 = arith.constant 6400 : i32
    %dma_wait3A_2098 = tpu.memref_slice %arg14[%dma_wait3A_2097] : memref<26624xf32, #tpu.memory_space<vmem>> -> memref<6400xf32, #tpu.memory_space<vmem>>
    %dma_wait3A_2099 = arith.constant 0 : i32
    %dma_wait3A_2100 = tpu.memref_slice %arg6[%mul3A_4, %dma_wait3A_2099] : memref<4096x6400xf32, #tpu.memory_space<hbm>> -> memref<1x6400xf32, #tpu.memory_space<hbm>>
    %dma_wait3A_2101 = tpu.memref_squeeze %dma_wait3A_2100 : memref<1x6400xf32, #tpu.memory_space<hbm>> -> memref<6400xf32, #tpu.memory_space<hbm>>
    %dma_wait3A_2102 = arith.constant 6400 : i32
    %dma_wait3A_2103 = tpu.memref_slice %arg14[%dma_wait3A_2102] : memref<26624xf32, #tpu.memory_space<vmem>> -> memref<6400xf32, #tpu.memory_space<vmem>>
    %dma_wait3A_2104 = arith.constant 0 : i32
    %dma_wait3A_2105 = tpu.memref_slice %arg6[%mul3A_4, %dma_wait3A_2104] : memref<4096x6400xf32, #tpu.memory_space<hbm>> -> memref<1x6400xf32, #tpu.memory_space<hbm>>
    %dma_wait3A_2106 = tpu.memref_squeeze %dma_wait3A_2105 : memref<1x6400xf32, #tpu.memory_space<hbm>> -> memref<6400xf32, #tpu.memory_space<hbm>>
    tpu.wait_dma2 semaphore(%arg17 : memref<!tpu.dma_semaphore, #tpu.memory_space<semaphore_mem>>) src(%dma_wait3A_2106 : memref<6400xf32, #tpu.memory_space<hbm>>) dst(%dma_wait3A_2103 : memref<6400xf32, #tpu.memory_space<vmem>>)
    %dma_wait3A_2107 = arith.constant 12800 : i32
    %dma_wait3A_2108 = tpu.memref_slice %arg14[%dma_wait3A_2107] : memref<26624xf32, #tpu.memory_space<vmem>> -> memref<6400xf32, #tpu.memory_space<vmem>>
    %dma_wait3A_2109 = arith.constant 0 : i32
    %dma_wait3A_2110 = tpu.memref_slice %arg6[%mul3A_4, %dma_wait3A_2109] : memref<4096x6400xf32, #tpu.memory_space<hbm>> -> memref<1x6400xf32, #tpu.memory_space<hbm>>
    %dma_wait3A_2111 = tpu.memref_squeeze %dma_wait3A_2110 : memref<1x6400xf32, #tpu.memory_space<hbm>> -> memref<6400xf32, #tpu.memory_space<hbm>>
    %dma_wait3A_2112 = arith.constant 12800 : i32
    %dma_wait3A_2113 = tpu.memref_slice %arg14[%dma_wait3A_2112] : memref<26624xf32, #tpu.memory_space<vmem>> -> memref<6400xf32, #tpu.memory_space<vmem>>
    %dma_wait3A_2114 = arith.constant 0 : i32
    %dma_wait3A_2115 = tpu.memref_slice %arg6[%mul3A_4, %dma_wait3A_2114] : memref<4096x6400xf32, #tpu.memory_space<hbm>> -> memref<1x6400xf32, #tpu.memory_space<hbm>>
    %dma_wait3A_2116 = tpu.memref_squeeze %dma_wait3A_2115 : memref<1x6400xf32, #tpu.memory_space<hbm>> -> memref<6400xf32, #tpu.memory_space<hbm>>
    tpu.wait_dma2 semaphore(%arg17 : memref<!tpu.dma_semaphore, #tpu.memory_space<semaphore_mem>>) src(%dma_wait3A_2116 : memref<6400xf32, #tpu.memory_space<hbm>>) dst(%dma_wait3A_2113 : memref<6400xf32, #tpu.memory_space<vmem>>)
    %dma_wait3A_2117 = arith.constant 19200 : i32
    %dma_wait3A_2118 = tpu.memref_slice %arg14[%dma_wait3A_2117] : memref<26624xf32, #tpu.memory_space<vmem>> -> memref<6400xf32, #tpu.memory_space<vmem>>
    %dma_wait3A_2119 = arith.constant 0 : i32
    %dma_wait3A_2120 = tpu.memref_slice %arg6[%mul3A_4, %dma_wait3A_2119] : memref<4096x6400xf32, #tpu.memory_space<hbm>> -> memref<1x6400xf32, #tpu.memory_space<hbm>>
    %dma_wait3A_2121 = tpu.memref_squeeze %dma_wait3A_2120 : memref<1x6400xf32, #tpu.memory_space<hbm>> -> memref<6400xf32, #tpu.memory_space<hbm>>
    %dma_wait3A_2122 = arith.constant 19200 : i32
    %dma_wait3A_2123 = tpu.memref_slice %arg14[%dma_wait3A_2122] : memref<26624xf32, #tpu.memory_space<vmem>> -> memref<6400xf32, #tpu.memory_space<vmem>>
    %dma_wait3A_2124 = arith.constant 0 : i32
    %dma_wait3A_2125 = tpu.memref_slice %arg6[%mul3A_4, %dma_wait3A_2124] : memref<4096x6400xf32, #tpu.memory_space<hbm>> -> memref<1x6400xf32, #tpu.memory_space<hbm>>
    %dma_wait3A_2126 = tpu.memref_squeeze %dma_wait3A_2125 : memref<1x6400xf32, #tpu.memory_space<hbm>> -> memref<6400xf32, #tpu.memory_space<hbm>>
    tpu.wait_dma2 semaphore(%arg17 : memref<!tpu.dma_semaphore, #tpu.memory_space<semaphore_mem>>) src(%dma_wait3A_2126 : memref<6400xf32, #tpu.memory_space<hbm>>) dst(%dma_wait3A_2123 : memref<6400xf32, #tpu.memory_space<vmem>>)
    %dma_wait3A_2127 = arith.constant 0 : i32
    %dma_wait3A_2128 = tpu.memref_slice %arg15[%dma_wait3A_2127] : memref<26624xf32, #tpu.memory_space<vmem>> -> memref<6400xf32, #tpu.memory_space<vmem>>
    %dma_wait3A_2129 = arith.constant 0 : i32
    %dma_wait3A_2130 = tpu.memref_slice %arg6[%mul3A_4, %dma_wait3A_2129] : memref<4096x6400xf32, #tpu.memory_space<hbm>> -> memref<1x6400xf32, #tpu.memory_space<hbm>>
    %dma_wait3A_2131 = tpu.memref_squeeze %dma_wait3A_2130 : memref<1x6400xf32, #tpu.memory_space<hbm>> -> memref<6400xf32, #tpu.memory_space<hbm>>
    %dma_wait3A_2132 = arith.constant 0 : i32
    %dma_wait3A_2133 = tpu.memref_slice %arg15[%dma_wait3A_2132] : memref<26624xf32, #tpu.memory_space<vmem>> -> memref<6400xf32, #tpu.memory_space<vmem>>
    %dma_wait3A_2134 = arith.constant 0 : i32
    %dma_wait3A_2135 = tpu.memref_slice %arg6[%mul3A_4, %dma_wait3A_2134] : memref<4096x6400xf32, #tpu.memory_space<hbm>> -> memref<1x6400xf32, #tpu.memory_space<hbm>>
    %dma_wait3A_2136 = tpu.memref_squeeze %dma_wait3A_2135 : memref<1x6400xf32, #tpu.memory_space<hbm>> -> memref<6400xf32, #tpu.memory_space<hbm>>
    tpu.wait_dma2 semaphore(%arg18 : memref<!tpu.dma_semaphore, #tpu.memory_space<semaphore_mem>>) src(%dma_wait3A_2136 : memref<6400xf32, #tpu.memory_space<hbm>>) dst(%dma_wait3A_2133 : memref<6400xf32, #tpu.memory_space<vmem>>)
    %dma_wait3A_2137 = arith.constant 6400 : i32
    %dma_wait3A_2138 = tpu.memref_slice %arg15[%dma_wait3A_2137] : memref<26624xf32, #tpu.memory_space<vmem>> -> memref<6400xf32, #tpu.memory_space<vmem>>
    %dma_wait3A_2139 = arith.constant 0 : i32
    %dma_wait3A_2140 = tpu.memref_slice %arg6[%mul3A_4, %dma_wait3A_2139] : memref<4096x6400xf32, #tpu.memory_space<hbm>> -> memref<1x6400xf32, #tpu.memory_space<hbm>>
    %dma_wait3A_2141 = tpu.memref_squeeze %dma_wait3A_2140 : memref<1x6400xf32, #tpu.memory_space<hbm>> -> memref<6400xf32, #tpu.memory_space<hbm>>
    %dma_wait3A_2142 = arith.constant 6400 : i32
    %dma_wait3A_2143 = tpu.memref_slice %arg15[%dma_wait3A_2142] : memref<26624xf32, #tpu.memory_space<vmem>> -> memref<6400xf32, #tpu.memory_space<vmem>>
    %dma_wait3A_2144 = arith.constant 0 : i32
    %dma_wait3A_2145 = tpu.memref_slice %arg6[%mul3A_4, %dma_wait3A_2144] : memref<4096x6400xf32, #tpu.memory_space<hbm>> -> memref<1x6400xf32, #tpu.memory_space<hbm>>
    %dma_wait3A_2146 = tpu.memref_squeeze %dma_wait3A_2145 : memref<1x6400xf32, #tpu.memory_space<hbm>> -> memref<6400xf32, #tpu.memory_space<hbm>>
    tpu.wait_dma2 semaphore(%arg18 : memref<!tpu.dma_semaphore, #tpu.memory_space<semaphore_mem>>) src(%dma_wait3A_2146 : memref<6400xf32, #tpu.memory_space<hbm>>) dst(%dma_wait3A_2143 : memref<6400xf32, #tpu.memory_space<vmem>>)
    %dma_wait3A_2147 = arith.constant 12800 : i32
    %dma_wait3A_2148 = tpu.memref_slice %arg15[%dma_wait3A_2147] : memref<26624xf32, #tpu.memory_space<vmem>> -> memref<6400xf32, #tpu.memory_space<vmem>>
    %dma_wait3A_2149 = arith.constant 0 : i32
    %dma_wait3A_2150 = tpu.memref_slice %arg6[%mul3A_4, %dma_wait3A_2149] : memref<4096x6400xf32, #tpu.memory_space<hbm>> -> memref<1x6400xf32, #tpu.memory_space<hbm>>
    %dma_wait3A_2151 = tpu.memref_squeeze %dma_wait3A_2150 : memref<1x6400xf32, #tpu.memory_space<hbm>> -> memref<6400xf32, #tpu.memory_space<hbm>>
    %dma_wait3A_2152 = arith.constant 12800 : i32
    %dma_wait3A_2153 = tpu.memref_slice %arg15[%dma_wait3A_2152] : memref<26624xf32, #tpu.memory_space<vmem>> -> memref<6400xf32, #tpu.memory_space<vmem>>
    %dma_wait3A_2154 = arith.constant 0 : i32
    %dma_wait3A_2155 = tpu.memref_slice %arg6[%mul3A_4, %dma_wait3A_2154] : memref<4096x6400xf32, #tpu.memory_space<hbm>> -> memref<1x6400xf32, #tpu.memory_space<hbm>>
    %dma_wait3A_2156 = tpu.memref_squeeze %dma_wait3A_2155 : memref<1x6400xf32, #tpu.memory_space<hbm>> -> memref<6400xf32, #tpu.memory_space<hbm>>
    tpu.wait_dma2 semaphore(%arg18 : memref<!tpu.dma_semaphore, #tpu.memory_space<semaphore_mem>>) src(%dma_wait3A_2156 : memref<6400xf32, #tpu.memory_space<hbm>>) dst(%dma_wait3A_2153 : memref<6400xf32, #tpu.memory_space<vmem>>)
    %dma_wait3A_2157 = arith.constant 19200 : i32
    %dma_wait3A_2158 = tpu.memref_slice %arg15[%dma_wait3A_2157] : memref<26624xf32, #tpu.memory_space<vmem>> -> memref<6400xf32, #tpu.memory_space<vmem>>
    %dma_wait3A_2159 = arith.constant 0 : i32
    %dma_wait3A_2160 = tpu.memref_slice %arg6[%mul3A_4, %dma_wait3A_2159] : memref<4096x6400xf32, #tpu.memory_space<hbm>> -> memref<1x6400xf32, #tpu.memory_space<hbm>>
    %dma_wait3A_2161 = tpu.memref_squeeze %dma_wait3A_2160 : memref<1x6400xf32, #tpu.memory_space<hbm>> -> memref<6400xf32, #tpu.memory_space<hbm>>
    %dma_wait3A_2162 = arith.constant 19200 : i32
    %dma_wait3A_2163 = tpu.memref_slice %arg15[%dma_wait3A_2162] : memref<26624xf32, #tpu.memory_space<vmem>> -> memref<6400xf32, #tpu.memory_space<vmem>>
    %dma_wait3A_2164 = arith.constant 0 : i32
    %dma_wait3A_2165 = tpu.memref_slice %arg6[%mul3A_4, %dma_wait3A_2164] : memref<4096x6400xf32, #tpu.memory_space<hbm>> -> memref<1x6400xf32, #tpu.memory_space<hbm>>
    %dma_wait3A_2166 = tpu.memref_squeeze %dma_wait3A_2165 : memref<1x6400xf32, #tpu.memory_space<hbm>> -> memref<6400xf32, #tpu.memory_space<hbm>>
    tpu.wait_dma2 semaphore(%arg18 : memref<!tpu.dma_semaphore, #tpu.memory_space<semaphore_mem>>) src(%dma_wait3A_2166 : memref<6400xf32, #tpu.memory_space<hbm>>) dst(%dma_wait3A_2163 : memref<6400xf32, #tpu.memory_space<vmem>>)
    return
  }
}

</mosaic_0001>

<sc_bundles>
// kernel: kernel.3.cloned.1.call-start
scs
__scs_entry_jumppad:
0x0: {  	(pc) =	sbr.rel $0x88, $3  }
0x1: {  	(tag) =	ssettag $0x0;
	lr =	simm.s32 $0x1  }
0x2: {  	[smem:$0x3F9D] =	sst lr;
	_ =	strace $0xD0000000  }
0x3: {  	_ = 	snop  }
0x4: {  	_ = 	snop  }
0x5: {  	_ = 	snop  }
0x6: {  	_ = 	snop  }
0x7: {  	_ = 	snop  }
__scs_overlays_trampoline_lowered:
0x8: {  	[smem:$0x3FAC] =	sst s0  }
0x9: {  	[smem:$0x3FAD] =	sst s1  }
0xa: {  	[smem:$0x3FAE] =	sst s2  }
0xb: {  	[smem:$0x3FAF] =	sst s3  }
0xc: {  	[smem:$0x3FB0] =	sst s4  }
0xd: {  	[smem:$0x3FB1] =	sst s5  }
0xe: {  	[smem:$0x3FB2] =	sst s6  }
0xf: {  	[smem:$0x3FB3] =	sst s7  }
0x10: {  	[smem:$0x3FB4] =	sst s8  }
0x11: {  	[smem:$0x3FB5] =	sst s9;
	s0 =	simm.s32 @!p0 $0x0  }
0x12: {  	s1 =	sld [smem:$0x3F9B];
	s0 =	simm.s32 @p0 $0x1  }
0x13: {  	[smem:$0x3FB6] =	sst s0;
	s0 =	simm.s32 @!p1 $0x0  }
0x14: {  	s2 =	sld [smem:$0x3F9A];
	s0 =	simm.s32 @p1 $0x1  }
0x15: {  	[smem:$0x3FB7] =	sst s0;
	s0 =	simm.s32 @!p2 $0x0  }
0x16: {  	s3 =	sld [smem:$0x3FDB];
	s0 =	simm.s32 @p2 $0x1  }
0x17: {  	s4 =	simm.s32 $0x1BF5;
	[smem:$0x3FB9] =	sst s0  }
0x18: {  	s0 =	sld [smem:$0x3F9C];
	_ =	swait.ge [sflag:s4], $0x0  }
0x19: {  	s7 =	sld [smem:$0x3F9D]  }
0x1a: {  	s8 =	sadd.s32 $0xFFFFE003, lr  }
0x1b: {  	s9 =	sadd.s32 $0xFFFFFEF7, lr;
	s5 =	simm.s32 $0xFFFFFFFF;
	p2 =	slt.u32 s8, $0xFFFFF086  }
0x1c: {  	p1 =	slt.u32 s9, $0xF7A;
	s5 =	simm.s32 @!p2 $0x0  }
0x1d: {  	s5 =	simm.s32 @p1 $0x1;
	p0 =	seq.s32 s7, s2  }
0x1e: {  	s7 =	smul.u32 @!p0 $0xF7A, s2;
	p2 =	seq.s32 @!p0 s5, $0x0  }
0x1f: {  	s9 =	smul.u32 $0xF7A, s1;
	s8 =	simm.s32 @!p0 $0x1BF5;
	p2 =	por !p2, p0  }
0x20: {  	[sflag:s8] =	ssyncset.s32 @!p0 $0xFFFFF086;
	s6 =	sadd.s32 @!p0 s3, s7;
	s7 =	simm.s32 @!p0 $0x108  }
0x21: {  	s3 =	sadd.s32 s3, s9;
	s6 =	sadd.s32 @!p0 $0x88, s6;
	s7 =	simm.s32 @p2 $0x1082  }
0x22: {  	[simem:s7], [sflag:s8] =	dma.local @!p0 [hbm:s6], $0xF7A  }
0x23: {  	s9 =	sor.u32 $0xD0000000, s2;
	s6 =	simm.s32 $0x108;
	_ =	swait.ge @!p0 [sflag:s8], $0x0  }
0x24: {  	s3 =	sadd.s32 $0x88, s3;
	s6 =	simm.s32 @!p1 $0x1082;
	[sflag:s4] =	ssyncset.s32 $0xFFFFF086  }
0x25: {  	[simem:s6], [sflag:s4] =	dma.local [hbm:s3], $0xF7A  }
0x26: {  	[smem:$0x3F9D] =	sst s1;
	(tag) =	ssettag s2;
	_ =	strace s9  }
0x27: {  	s1 =	sld [smem:$0x3FAD]  }
0x28: {  	s2 =	sld [smem:$0x3FAE]  }
0x29: {  	s4 =	sld [smem:$0x3FB0]  }
0x2a: {  	p0 =	seq.s32 s5, $0x0;
	s5 =	sld [smem:$0x3FB1]  }
0x2b: {  	s6 =	sld [smem:$0x3FB2]  }
0x2c: {  	s7 =	sld [smem:$0x3FB3]  }
0x2d: {  	s3 =	simm.s32 $0x108;
	s8 =	sld [smem:$0x3FB4]  }
0x2e: {  	s3 =	simm.s32 @!p0 $0x1082;
	s9 =	sld [smem:$0x3FB5]  }
0x2f: {  	lr =	sadd.s32 s0, s3;
	s0 =	sld [smem:$0x3FAC]  }
0x30: {  	s3 =	sld [smem:$0x3FAF]  }
0x31: {  	[smem:$0x3FB8] =	sst s10  }
0x32: {  	s10 =	sld [smem:$0x3FB6];
	_ =	sdelay $0x3  }
0x33: {  	p0 =	seq.s32 s10, $0x1;
	s10 =	sld [smem:$0x3FB8];
	_ =	sdelay $0x3  }
0x34: {  	[smem:$0x3FB8] =	sst s10  }
0x35: {  	s10 =	sld [smem:$0x3FB7];
	_ =	sdelay $0x3  }
0x36: {  	p1 =	seq.s32 s10, $0x1;
	s10 =	sld [smem:$0x3FB8];
	_ =	sdelay $0x3  }
0x37: {  	[smem:$0x3FB8] =	sst s10  }
0x38: {  	s10 =	sld [smem:$0x3FB9]  }
0x39: {  	_ = 	snop;
	(pc) =	sbr.ind lr, $3  }
0x3a: {  	_ = 	snop  }
0x3b: {  	_ = 	snop  }
0x3c: {  	p2 =	seq.s32 s10, $0x1;
	s10 =	sld [smem:$0x3FB8]  }
0x3d: {  	_ =	shalt  }
0x3e: {  	_ =	shalt  }
0x3f: {  	_ =	shalt  }
0x40: {  	_ =	shalt  }
0x41: {  	_ =	shalt  }
0x42: {  	_ =	shalt  }
0x43: {  	_ =	shalt  }
0x44: {  	_ =	shalt  }
0x45: {  	_ =	shalt  }
0x46: {  	_ =	shalt  }
0x47: {  	_ =	shalt  }
0x48: {  	_ =	shalt  }
0x49: {  	_ =	shalt  }
0x4a: {  	_ =	shalt  }
0x4b: {  	_ =	shalt  }
0x4c: {  	_ =	shalt  }
0x4d: {  	_ =	shalt  }
0x4e: {  	_ =	shalt  }
0x4f: {  	_ =	shalt  }
0x50: {  	_ =	shalt  }
0x51: {  	_ =	shalt  }
0x52: {  	_ =	shalt  }
0x53: {  	_ =	shalt  }
0x54: {  	_ =	shalt  }
0x55: {  	_ =	shalt  }
0x56: {  	_ =	shalt  }
0x57: {  	_ =	shalt  }
0x58: {  	_ =	shalt  }
0x59: {  	_ =	shalt  }
0x5a: {  	_ =	shalt  }
0x5b: {  	_ =	shalt  }
0x5c: {  	_ =	shalt  }
0x5d: {  	_ =	shalt  }
0x5e: {  	_ =	shalt  }
0x5f: {  	_ =	shalt  }
0x60: {  	_ =	shalt  }
0x61: {  	_ =	shalt  }
0x62: {  	_ =	shalt  }
0x63: {  	_ =	shalt  }
0x64: {  	_ =	shalt  }
0x65: {  	_ =	shalt  }
0x66: {  	_ =	shalt  }
0x67: {  	_ =	shalt  }
0x68: {  	_ =	shalt  }
0x69: {  	_ =	shalt  }
0x6a: {  	_ =	shalt  }
0x6b: {  	_ =	shalt  }
0x6c: {  	_ =	shalt  }
0x6d: {  	_ =	shalt  }
0x6e: {  	_ =	shalt  }
0x6f: {  	_ =	shalt  }
0x70: {  	_ =	shalt  }
0x71: {  	_ =	shalt  }
0x72: {  	_ =	shalt  }
0x73: {  	_ =	shalt  }
0x74: {  	_ =	shalt  }
0x75: {  	_ =	shalt  }
0x76: {  	_ =	shalt  }
0x77: {  	_ =	shalt  }
0x78: {  	_ =	shalt  }
0x79: {  	_ =	shalt  }
0x7a: {  	_ =	shalt  }
0x7b: {  	_ =	shalt  }
0x7c: {  	_ =	shalt  }
0x7d: {  	_ =	shalt  }
0x7e: {  	_ =	shalt  }
0x7f: {  	_ =	shalt  }
0x80: {  	_ =	shalt  }
0x81: {  	_ =	shalt  }
0x82: {  	_ =	shalt  }
0x83: {  	_ =	shalt  }
0x84: {  	_ =	shalt  }
0x85: {  	_ =	shalt  }
0x86: {  	_ =	shalt  }
0x87: {  	_ =	shalt  }
.Lfunc_end0:
.L_simem_size_0:
called_computation_lowered:
.L_overlay_start_0:
0x88: {  	s2 =	sld [smem:$0x3FD9]  }
0x89: {  	s3 =	sld [smem:$0x3FFE];
	_ =	sdelay $0x1  }
0x8a: {  	s1 =	srdreg.scid  }
0x8b: {  	s0 =	sand.u32 $0x1, s1  }
0x8c: {  	s17 =	sshll.u32 s0, $0xA;
	s2 =	sadd.s32 s3, s2  }
0x8d: {  	s2 =	sadd.s32 s2, s17  }
0x8e: {  	[smem:$0x3FC4] =	sst s2  }
0x8f: {  	_ = 	snop  }
0x90: {  	s2 =	sld [smem:$0x3FD0];
	(tm) =	ssettm $0x1  }
0x91: {  	s18 =	sld [smem:$0x3FFB];
	_ =	sdelay $0x3  }
0x92: {  	_ =	strace s18  }
0x93: {  	s3 =	sld [smem:$0x3FFC];
	_ =	sdelay $0x3  }
0x94: {  	_ =	strace s3  }
0x95: {  	s3 =	sld [smem:$0x3FFD];
	_ =	sdelay $0x3  }
0x96: {  	_ =	strace s3  }
0x97: {  	_ =	strace $0x8FFFFFFF  }
0x98: {  	s19 =	sld [smem:$0x3FDB];
	_ =	sdelay $0x1  }
0x99: {  	s4 =	simm.s32 $_scs_section_size  }
0x9a: {  	s5 =	simm.s32 $_size__tile_overlayer_lowered;
	s6 =	simm.s32 $_tile_overlayer_lowered  }
0x9b: {  	s22 =	simm.s32 $0x1BFF;
	s21 =	sshll.u32 s6, $0x1;
	s3 =	sadd.s32 s4, s19  }
0x9c: {  	s7 =	simm.s32 $0x0;
	s20 =	sshll.u32 s5, $0x1;
	s5 =	sadd.s32 s21, s3  }
0x9d: {  	[timem:s7], [sflag:s22] =	dma.local [hbm:s5], s20  }
0x9e: {  	_ =	swait.ge [sflag:s22], s20  }
0x9f: {  	s4 =	ssub.s32 $0x0, s20;
	[sflag:s22] =	ssyncset.done $0x0  }
0xa0: {  	[sflag:s22] =	ssyncadd.s32 s4;
	_ =	sdelay $0x1  }
0xa1: {  	s23 =	simm.s32 $0x1B8B  }
0xa2: {  	_ =	swait.ge [sflag:s23], $0x1  }
0xa3: {  	[sflag:s23] =	ssyncset.done $0x0  }
0xa4: {  	s25 =	simm.s32 $0x1B8E;
	s24 =	sld [smem:$0x3FFE];
	[sflag:s23] =	ssyncadd.s32 $0xFFFFFFFF  }
0xa5: {  	s26 =	simm.s32 $execute0_lowered;
	[smem:$0x3FD2] =	sst s25  }
0xa6: {  	s5 =	sshll.u32 s26, $0x1;
	_ =	strace $0x80000046;
	[dreg:$0x1] =	wrdreg $0xFFFFFFFF  }
0xa7: {  	s28 =	simm.s32 $_size_execute0_lowered;
	s3 =	sadd.s32 s3, s5;
	[dreg:$0x0] =	wrdreg $0x0  }
0xa8: {  	s5 =	sshll.u32 s28, $0x1;
	[dreg:$0x2] =	wrdreg s3  }
0xa9: {  	[dreg:$0x3] =	wrdreg s5  }
0xaa: {  	[dreg:$0x4] =	wrdreg $0xC0  }
0xab: {  	_ =	task [dreg:s7], $0x5FFFF  }
0xac: {  	[dreg:$0x1] =	wrdreg $0xFFFFFFFF  }
0xad: {  	[dreg:$0x0] =	wrdreg $0x60  }
0xae: {  	[dreg:$0x2] =	wrdreg s24  }
0xaf: {  	[dreg:$0x3] =	wrdreg s2  }
0xb0: {  	[dreg:$0x4] =	wrdreg $0x9  }
0xb1: {  	_ =	task.clear_ibuf [dreg:s7], $0x5FFFF;
	_ =	strace $0x90000046  }
0xb2: {  	s29 =	simm.s32 $0x9;
	_ =	strace $0x80000048  }
0xb3: {  	_ =	swait.ge [sflag:s29], $0x1  }
0xb4: {  	[sflag:s29] =	ssyncadd.s32 $0xFFFFFFFF  }
0xb5: {  	_ =	strace $0x90000048  }
0xb6: {  	_ =	sfence  }
0xb7: {  	s30 =	sld [smem:$0x0];
	_ =	sdelay $0x2  }
0xb8: {  	s31 =	sshll.u32 s1, $0xD;
	s1 =	sshrl.u32 s1, $0x2  }
0xb9: {  	s3 =	sand.u32 $0x4000, s31;
	s1 =	sadd.s32 s1, s30  }
0xba: {  	s0 =	sor.u32 s3, s0;
	s1 =	sshll.u32 s1, $0x11  }
0xbb: {  	s0 =	sor.u32 s1, s0  }
0xbc: {  	s0 =	sadd.s32 $0x8F2B, s0  }
0xbd: {  	[sflag:s0] =	ssyncadd.remote.s32 $0x1  }
0xbe: {  	_ =	sfence.sel $0xFFFF  }
0xbf: {  	[dreg:$0x0] =	wrdreg $0xFFFFFFFF;
	(pc) =	sbr.abs _section_cstart, $3  }
0xc0: {  	[dreg:$0x1] =	wrdreg $0xFFFFFFFF  }
0xc1: {  	_ =	task.clear_ibuf [dreg:s7], $0x2FFFF;
	_ =	strace $0x9FFFFFFF  }
0xc2: {  	(tm) =	ssettm $0x7FFFFFFF  }
0xc3: {  	_ =	shalt  }
tec
execute0_lowered:
.L_overlay_start_1:
0x0: {  	(tag) =	ssettag $0x1  }
0x1: {  	v0 =	vimm.s32 $0x1C40;
	vm14 =	vcmask $0x300  }
0x2: {  	vm13 =	vcmask $0x704;
	vm12 =	vcmask $0xB08;
	vm11 =	vcmask $0xF0C  }
0x3: {  	vm10 =	vcmask $0x1310;
	vm9 =	vcmask $0x1714;
	vm8 =	vcmask $0x1B18  }
0x4: {  	vm7 =	vcmask $0x1F1C;
	vm6 =	vcmask $0x2320;
	vm5 =	vcmask $0x2724  }
0x5: {  	vm4 =	vcmask $0x2B28;
	vm3 =	vcmask $0x2F2C;
	v8 =	vimm.s32 $0x34C0  }
0x6: {  	vm2 =	vcmask $0x3330;
	vm1 =	vcmask $0x3734;
	vm0 =	vcmask $0x3B38  }
0x7: {  	v12 =	vimm.s32 $0x4D40;
	v16 =	vimm.s32 $0x65C0;
	v26 =	vimm.s32 $0x28C0  }
0x8: {  	v35 =	vimm.s32 $0x4140;
	v36 =	vimm.s32 $0x59C0;
	v0 =	vsel vm14, $0xC00, v0  }
0x9: {  	v8 =	vsel vm14, $0x2480, v8;
	v12 =	vsel vm14, $0x3D00, v12;
	v16 =	vsel vm14, $0x5580, v16  }
0xa: {  	v26 =	vsel vm14, $0x1880, v26;
	v35 =	vsel vm14, $0x3100, v35;
	v36 =	vsel vm14, $0x4980, v36  }
0xb: {  	v0 =	vsel vm13, $0xC40, v0;
	v8 =	vsel vm13, $0x24C0, v8;
	v14 =	vsel vm13, $0x3D40, v12  }
0xc: {  	v16 =	vsel vm13, $0x55C0, v16;
	v28 =	vsel vm13, $0x18C0, v26;
	v35 =	vsel vm13, $0x3140, v35  }
0xd: {  	v36 =	vsel vm13, $0x49C0, v36;
	v1 =	vsel vm12, $0x1900, v0;
	v0 =	vimm.s32 $0x0  }
0xe: {  	v10 =	vsel vm12, $0x2500, v8;
	v14 =	vsel vm12, $0x3D80, v14;
	v16 =	vsel vm12, $0x5600, v16  }
0xf: {  	v30 =	vsel vm12, $0x2580, v28;
	v35 =	vsel vm12, $0x3180, v35;
	v36 =	vsel vm12, $0x4A00, v36  }
0x10: {  	v2 =	vsel vm11, $0x1940, v1;
	v1 =	vlaneseq.u32;
	v10 =	vsel vm11, $0x2540, v10  }
0x11: {  	v14 =	vsel vm11, $0x3DC0, v14;
	v16 =	vsel vm11, $0x5640, v16;
	v32 =	vsel vm11, $0x25C0, v30  }
0x12: {  	v35 =	vsel vm11, $0x31C0, v35;
	v36 =	vsel vm11, $0x4A40, v36;
	v3 =	vsel vm10, $0x1980, v2  }
0x13: {  	v2 =	vmul.u32 $0x40, v1;
	v11 =	vsel vm10, $0x3200, v10;
	v14 =	vsel vm10, $0x3E00, v14  }
0x14: {  	v16 =	vsel vm10, $0x5680, v16;
	v29 =	vor.u32 $0xE0, v1;
	v31 =	vor.u32 $0xF0, v1  }
0x15: {  	v33 =	vsel vm10, $0x2600, v32;
	v35 =	vsel vm10, $0x3E80, v35;
	v36 =	vsel vm10, $0x4A80, v36  }
0x16: {  	v43 =	vor.u32 $0x150, v1;
	v45 =	vor.u32 $0x160, v1;
	v47 =	vor.u32 $0x170, v1  }
0x17: {  	v49 =	vor.u32 $0x180, v1;
	v51 =	vor.u32 $0x190, v1;
	v4 =	vsel vm9, $0x19C0, v3  }
0x18: {  	v3 =	vor.u32 $0x10, v1;
	v13 =	vsel vm9, $0x3240, v11;
	v11 =	vor.u32 $0x50, v1  }
0x19: {  	v14 =	vsel vm9, $0x3E40, v14;
	v18 =	vsel vm9, $0x56C0, v16;
	v34 =	vsel vm9, $0x2640, v33  }
0x1a: {  	v33 =	vor.u32 $0x100, v1;
	v35 =	vsel vm9, $0x3EC0, v35;
	v36 =	vsel vm9, $0x4AC0, v36  }
0x1b: {  	v5 =	vsel vm8, $0x1A00, v4;
	v4 =	vor.u32 $0x400, v2;
	v10 =	vadd.s32 $0x1C80, v2  }
0x1c: {  	v13 =	vsel vm8, $0x3280, v13;
	v12 =	vadd.s32 $0x2080, v2;
	v14 =	vsel vm8, $0x4B00, v14  }
0x1d: {  	v16 =	vadd.s32 $0x3500, v2;
	v18 =	vsel vm8, $0x5700, v18;
	v28 =	vadd.s32 $0xC80, v2  }
0x1e: {  	v30 =	vadd.s32 $0x1080, v2;
	v32 =	vadd.s32 $0x1480, v2;
	v34 =	vsel vm8, $0x2680, v34  }
0x1f: {  	v35 =	vsel vm8, $0x3F00, v35;
	v36 =	vsel vm8, $0x5780, v36;
	v48 =	vadd.s32 $0x5A00, v2  }
0x20: {  	v50 =	vadd.s32 $0x5E00, v2;
	v52 =	vadd.s32 $0x6200, v2;
	v6 =	vsel vm7, $0x1A40, v5  }
0x21: {  	v5 =	vor.u32 $0x20, v1;
	v15 =	vsel vm7, $0x32C0, v13;
	v13 =	vor.u32 $0x60, v1  }
0x22: {  	v14 =	vsel vm7, $0x4B40, v14;
	v20 =	vsel vm7, $0x5740, v18;
	v18 =	vadd.s32 $0x3900, v2  }
0x23: {  	v34 =	vsel vm7, $0x26C0, v34;
	v35 =	vsel vm7, $0x3F40, v35;
	v38 =	vsel vm7, $0x57C0, v36  }
0x24: {  	v36 =	vadd.s32 $0x2900, v2;
	v7 =	vsel vm6, $0x1A80, v6;
	v6 =	vor.u32 $0x800, v2  }
0x25: {  	v15 =	vsel vm6, $0x3300, v15;
	v17 =	vsel vm6, $0x4B80, v14;
	v22 =	vsel vm6, $0x6400, v20  }
0x26: {  	s1 =	rddreg [dreg:$0x0];
	v34 =	vsel vm6, $0x2700, v34;
	v37 =	vsel vm6, $0x3F80, v35;
	v35 =	vor.u32 $0x110, v1  }
0x27: {  	s0 =	rddreg [dreg:$0x1];
	v38 =	vsel vm6, $0x5800, v38;
	v7 =	vsel vm5, $0x1AC0, v7;
	v15 =	vsel vm5, $0x3340, v15  }
0x28: {  	s2 =	simm.s32 $0x0;
	s3 =	srdreg.scid;
	s13 =	stileid.u32;
	v17 =	vsel vm5, $0x4BC0, v17;
	v23 =	vsel vm5, $0x6440, v22;
	v22 =	vadd.s32 $0x4D80, v2  }
0x29: {  	s14 =	simm.s32 $0x4;
	s15 =	simm.s32 $0xD0;
	s16 =	simm.s32 $0xC00;
	v34 =	vsel vm5, $0x2740, v34;
	v37 =	vsel vm5, $0x3FC0, v37;
	v40 =	vsel vm5, $0x5840, v38  }
0x2a: {  	s17 =	simm.s32 $0x4000;
	s18 =	simm.s32 $0x7400;
	s19 =	simm.s32 $0xA800;
	v38 =	vadd.s32 $0x2D00, v2;
	v7 =	vsel vm4, $0x1B00, v7;
	v15 =	vsel vm4, $0x3380, v15  }
0x2b: {  	s28 =	simm.s32 $0x14400;
	s29 =	simm.s32 $0x15D00;
	s30 =	simm.s32 $0x17600;
	v17 =	vsel vm4, $0x4C00, v17;
	v24 =	vsel vm4, $0x6480, v23;
	v23 =	vor.u32 $0xB0, v1  }
0x2c: {  	s31 =	simm.s32 $0x18F00;
	[smem:$0x7FF] =	sst s2;
	s7 =	sand.u32 $0x1, s3;
	v34 =	vsel vm4, $0x2780, v34;
	v39 =	vsel vm4, $0x4000, v37;
	v37 =	vor.u32 $0x120, v1  }
0x2d: {  	s20 =	sshll.u32 s13, $0x1;
	s10 =	smul.u32 $0x3200, s13;
	s5 =	sadd.s32 $0xF42E00, s1;
	v40 =	vsel vm4, $0x5880, v40;
	v7 =	vsel vm3, $0x1B40, v7;
	v15 =	vsel vm3, $0x33C0, v15  }
0x2e: {  	s3 =	sadd.s32 $0xC4000, s1;
	s6 =	sadd.s32 $0xA00, s1;
	s25 =	smul.u32 $0x32000, s13;
	v19 =	vsel vm3, $0x4C40, v17;
	v17 =	vor.u32 $0x80, v1;
	v25 =	vsel vm3, $0x64C0, v24  }
0x2f: {  	_ =	strace $0x80000047;
	s4 =	sor.u32 s7, s20;
	s12 =	smul.u32 $0x1900, s7;
	v24 =	vadd.s32 $0x5180, v2;
	v34 =	vsel vm3, $0x27C0, v34;
	v39 =	vsel vm3, $0x4040, v39  }
0x30: {  	s9 =	ssub.s32 $0x2, s7;
	s7 =	smul.u32 $0x19000, s7;
	s20 =	simm.s32 $0x1;
	v42 =	vsel vm3, $0x58C0, v40;
	v7 =	vsel vm2, $0x1B80, v7;
	v15 =	vsel vm2, $0x3400, v15  }
0x31: {  	s8 =	smul.u32 $0x1900, s4;
	s4 =	sadd.s32 $0xCA400, s1;
	s11 =	sshrl.u32 s9, $0x1;
	v19 =	vsel vm2, $0x4C80, v19;
	v27 =	vsel vm2, $0x6500, v25;
	v25 =	vor.u32 $0xC0, v1  }
0x32: {  	s0 =	sadd.s32 s25, s0;
	s25 =	simm.s32 $0x10E00;
	s21 =	ssub.s32 s9, s11;
	v34 =	vsel vm2, $0x2800, v34;
	v41 =	vsel vm2, $0x4080, v39;
	v39 =	vor.u32 $0x130, v1  }
0x33: {  	s23 =	sadd.s32 s12, s10;
	s13 =	sadd.s32 s7, s0;
	s7 =	simm.s32 $0x0;
	v44 =	vsel vm2, $0x5900, v42;
	v42 =	vadd.s32 $0x4180, v2;
	v9 =	vsel vm1, $0x1BC0, v7  }
0x34: {  	s8 =	sshrl.u32 s8, $0x3;
	s1 =	smax.u32 s21, $0x1;
	s24 =	sor.u32 $0xC8, s23;
	v7 =	vor.u32 $0x30, v1;
	v15 =	vsel vm1, $0x3440, v15;
	v21 =	vsel vm1, $0x4CC0, v19  }
0x35: {  	s21 =	simm.s32 $0x80;
	s22 =	sadd.s32 s3, s8;
	[dreg:$0x5] =	wrdreg s1;
	v19 =	vor.u32 $0x90, v1;
	v27 =	vsel vm1, $0x6540, v27;
	v34 =	vsel vm1, $0x2840, v34  }
.Ltmp0:
0x36: {  	s8 =	sadd.s32 s4, s8;
	[dreg:$0x3] =	wrdreg s22;
	v41 =	vsel vm1, $0x40C0, v41;
	v46 =	vsel vm1, $0x5940, v44;
	v44 =	vadd.s32 $0x4580, v2;
	(pc) =	sbr.rel .LBB2_1-.Ltmp0, $4  }
0x37: {  	s1 =	sshrl.u32 s24, $0x3;
	[dreg:$0x4] =	wrdreg s8;
	s8 =	sadd.s32 $0x190, s23;
	v8 =	vsel vm0, $0x1C00, v9;
	v9 =	vor.u32 $0x40, v1;
	v14 =	vsel vm0, $0x3480, v15  }
0x38: {  	s24 =	simm.s32 $0xF500;
	s26 =	sadd.s32 s1, s4;
	[dreg:$0x6] =	wrdreg s8;
	v15 =	vor.u32 $0x70, v1;
	v20 =	vsel vm0, $0x4D00, v21;
	v21 =	vor.u32 $0xA0, v1  }
0x39: {  	s1 =	sadd.s32 s1, s3;
	s22 =	simm.s32 $0x400;
	[dreg:$0x7] =	wrdreg s26;
	v26 =	vsel vm0, $0x6580, v27;
	v27 =	vor.u32 $0xD0, v1;
	v34 =	vsel vm0, $0x2880, v34  }
0x3a: {  	s23 =	simm.s32 $0xDC00;
	[dreg:$0x8] =	wrdreg s1;
	s26 =	simm.s32 $0x12700;
	v40 =	vsel vm0, $0x4100, v41;
	v41 =	vor.u32 $0x140, v1;
	v46 =	vsel vm0, $0x5980, v46  }
.LBB2_5:
0x3b: {  	s0 =	simm.s32 $0x2  }
0x3c: {  	_ =	swait.ge [sflag:s0], $0x1900  }
0x3d: {  	[sflag:s0] =	ssyncset.done $0x0  }
0x3e: {  	[sflag:s0] =	ssyncadd.s32 $0xFFFFE700  }
0x3f: {  	_ =	swait.ge [sflag:s0], $0x1900  }
0x40: {  	[sflag:s0] =	ssyncset.done $0x0  }
0x41: {  	[sflag:s0] =	ssyncadd.s32 $0xFFFFE700  }
0x42: {  	_ =	swait.ge [sflag:s0], $0x1900  }
0x43: {  	[sflag:s0] =	ssyncset.done $0x0  }
0x44: {  	[sflag:s0] =	ssyncadd.s32 $0xFFFFE700  }
0x45: {  	_ =	swait.ge [sflag:s0], $0x1900  }
0x46: {  	[sflag:s0] =	ssyncset.done $0x0  }
0x47: {  	s1 =	simm.s32 $0x3;
	[sflag:s0] =	ssyncadd.s32 $0xFFFFE700  }
0x48: {  	_ =	swait.ge [sflag:s1], $0x1900  }
0x49: {  	[sflag:s1] =	ssyncset.done $0x0  }
0x4a: {  	[sflag:s1] =	ssyncadd.s32 $0xFFFFE700  }
0x4b: {  	_ =	swait.ge [sflag:s1], $0x1900  }
0x4c: {  	[sflag:s1] =	ssyncset.done $0x0  }
0x4d: {  	[sflag:s1] =	ssyncadd.s32 $0xFFFFE700  }
0x4e: {  	_ =	swait.ge [sflag:s1], $0x1900  }
0x4f: {  	[sflag:s1] =	ssyncset.done $0x0  }
0x50: {  	[sflag:s1] =	ssyncadd.s32 $0xFFFFE700  }
0x51: {  	_ =	swait.ge [sflag:s1], $0x1900  }
0x52: {  	s7 =	rddreg [dreg:$0x9]  }
0x53: {  	s12 =	rddreg [dreg:$0x5];
	s7 =	sadd.s32 $0x1, s7  }
0x54: {  	p0 =	sne.s32 s7, s12  }
.Ltmp1:
0x55: {  	_ = 	snop;
	(pc) =	sbr.rel @!p0 .LBB2_6-.Ltmp1, $3  }
0x56: {  	_ =	sdelay $0x1  }
0x57: {  	[sflag:s1] =	ssyncset.done $0x0  }
0x58: {  	[sflag:s1] =	ssyncadd.s32 $0xFFFFE700  }
.LBB2_1:
0x59: {  	[tilespmem:$0xC8] =	vst v0  }
0x5a: {  	[tilespmem:$0x190] =	vst v0  }
0x5b: {  	[tilespmem:$0x800] =	vst v1  }
0x5c: {  	[tilespmem:$0xA00] =	vst v2  }
0x5d: {  	[tilespmem:$0x810] =	vst v3  }
0x5e: {  	[tilespmem:$0xA10] =	vst v4  }
0x5f: {  	[tilespmem:$0x820] =	vst v5  }
0x60: {  	[tilespmem:$0xA20] =	vst v6  }
0x61: {  	[tilespmem:$0x830] =	vst v7  }
0x62: {  	[tilespmem:$0xA30] =	vst v8  }
0x63: {  	[tilespmem:$0x840] =	vst v9  }
0x64: {  	[tilespmem:$0xA40] =	vst v10  }
0x65: {  	[tilespmem:$0x850] =	vst v11  }
0x66: {  	[tilespmem:$0xA50] =	vst v12  }
0x67: {  	[tilespmem:$0x860] =	vst v13  }
0x68: {  	[tilespmem:$0xA60] =	vst v14  }
0x69: {  	[tilespmem:$0x870] =	vst v15  }
0x6a: {  	[tilespmem:$0xA70] =	vst v16  }
0x6b: {  	[tilespmem:$0x880] =	vst v17  }
0x6c: {  	[tilespmem:$0xA80] =	vst v18  }
0x6d: {  	[tilespmem:$0x890] =	vst v19  }
0x6e: {  	[tilespmem:$0xA90] =	vst v20  }
0x6f: {  	[tilespmem:$0x8A0] =	vst v21  }
0x70: {  	[tilespmem:$0xAA0] =	vst v22  }
0x71: {  	[tilespmem:$0x8B0] =	vst v23  }
0x72: {  	[tilespmem:$0xAB0] =	vst v24  }
0x73: {  	[tilespmem:$0x8C0] =	vst v25  }
0x74: {  	[tilespmem:$0xAC0] =	vst v26  }
0x75: {  	[tilespmem:$0x8D0] =	vst v27  }
0x76: {  	[tilespmem:$0xAD0] =	vst v28  }
0x77: {  	[tilespmem:$0x8E0] =	vst v29  }
0x78: {  	[tilespmem:$0xAE0] =	vst v30  }
0x79: {  	[tilespmem:$0x8F0] =	vst v31  }
0x7a: {  	[tilespmem:$0xAF0] =	vst v32  }
0x7b: {  	[tilespmem:$0x900] =	vst v33  }
0x7c: {  	[tilespmem:$0xB00] =	vst v34  }
0x7d: {  	[tilespmem:$0x910] =	vst v35  }
0x7e: {  	[tilespmem:$0xB10] =	vst v36  }
0x7f: {  	[tilespmem:$0x920] =	vst v37  }
0x80: {  	[tilespmem:$0xB20] =	vst v38  }
0x81: {  	[tilespmem:$0x930] =	vst v39  }
0x82: {  	[tilespmem:$0xB30] =	vst v40  }
0x83: {  	[tilespmem:$0x940] =	vst v41  }
0x84: {  	[tilespmem:$0xB40] =	vst v42  }
0x85: {  	[tilespmem:$0x950] =	vst v43  }
0x86: {  	[tilespmem:$0xB50] =	vst v44  }
0x87: {  	[tilespmem:$0x960] =	vst v45  }
0x88: {  	[tilespmem:$0xB60] =	vst v46  }
0x89: {  	[tilespmem:$0x970] =	vst v47  }
0x8a: {  	[tilespmem:$0xB70] =	vst v48  }
0x8b: {  	[tilespmem:$0x980] =	vst v49  }
0x8c: {  	[tilespmem:$0xB80] =	vst v50  }
0x8d: {  	[dreg:$0x9] =	wrdreg s7;
	[tilespmem:$0x990] =	vst v51  }
0x8e: {  	[tilespmem:$0xB90] =	vst v52;
	s0 =	rddreg [dreg:$0x3]  }
0x8f: {  	[tilespmem:s2], [sflag:$0x4] =	stream.linear.gather [hbm4b:s0+s2], $0xC8, $0x38;
	[tilespmem:$0x1AC00] =	vst v63  }
0x90: {  	_ =	swait.ge [sflag:s14], $0xC8  }
0x91: {  	[sflag:s14] =	ssyncset.done $0x0  }
0x92: {  	s12 =	rddreg [dreg:$0x4];
	[sflag:s14] =	ssyncadd.s32 $0xFFFFFF38  }
0x93: {  	[tilespmem:s15], [sflag:$0x4] =	stream.linear.gather [hbm4b:s12+s2], $0xC8, $0x38;
	[tilespmem:$0x1AC00] =	vst v63  }
0x94: {  	_ =	swait.ge [sflag:s14], $0xC8  }
0x95: {  	[sflag:s14] =	ssyncset.done $0x0  }
0x96: {  	[sflag:s14] =	ssyncadd.s32 $0xFFFFFF38  }
0x97: {  	v53 =	vld [tilespmem:$0x0]  }
0x98: {  	v54 =	vld [tilespmem:$0x10]  }
0x99: {  	v55 =	vld [tilespmem:$0x20]  }
0x9a: {  	v62 =	vld [tilespmem:$0x30];
	_ =	sdelay $0x1  }
0x9b: {  	v56 =	vshrl.u32 v53, $0x1  }
0x9c: {  	v63 =	vshrl.u32 v54, $0x1;
	v54 =	vshll.u32 v54, $0x6;
	[tilespmem:$0x200] =	vst v56  }
0x9d: {  	v58 =	vshrl.u32 v55, $0x1;
	v55 =	vshll.u32 v55, $0x6;
	[tilespmem:$0x210] =	vst v63;
	v57 =	vand.u32 $0x40, v54;
	v54 =	vld [tilespmem:$0x40]  }
0x9e: {  	v53 =	vshll.u32 v53, $0x6;
	v60 =	vshrl.u32 v62, $0x1;
	[tilespmem:$0x220] =	vst v58;
	v59 =	vand.u32 $0x40, v55;
	v55 =	vld [tilespmem:$0x50]  }
0x9f: {  	v53 =	vand.u32 $0x40, v53;
	v56 =	vshll.u32 v62, $0x6;
	[tilespmem:$0x230] =	vst v60;
	v62 =	vld [tilespmem:$0x60]  }
0xa0: {  	[tilespmem:$0x400] =	vst v53  }
0xa1: {  	[tilespmem:$0x410] =	vst v57  }
0xa2: {  	[tilespmem:$0x420] =	vst v59;
	v61 =	vand.u32 $0x40, v56  }
0xa3: {  	[tilespmem:$0x430] =	vst v61;
	v63 =	vshrl.u32 v54, $0x1;
	v54 =	vshll.u32 v54, $0x6  }
0xa4: {  	v58 =	vshrl.u32 v55, $0x1;
	v60 =	vshrl.u32 v62, $0x1;
	v56 =	vshll.u32 v62, $0x6;
	v62 =	vld [tilespmem:$0x90];
	[tilespmem:$0x240] =	vst v63  }
0xa5: {  	v55 =	vshll.u32 v55, $0x6;
	v57 =	vand.u32 $0x40, v54;
	v54 =	vld [tilespmem:$0x70];
	[tilespmem:$0x250] =	vst v58  }
0xa6: {  	v59 =	vand.u32 $0x40, v55;
	v55 =	vld [tilespmem:$0x80];
	[tilespmem:$0x260] =	vst v60  }
0xa7: {  	[tilespmem:$0x440] =	vst v57  }
0xa8: {  	v61 =	vand.u32 $0x40, v56;
	[tilespmem:$0x450] =	vst v59  }
0xa9: {  	[tilespmem:$0x460] =	vst v61;
	v60 =	vshrl.u32 v62, $0x1  }
0xaa: {  	v56 =	vshll.u32 v62, $0x6;
	v62 =	vld [tilespmem:$0xC0];
	v63 =	vshrl.u32 v54, $0x1;
	[tilespmem:$0x290] =	vst v60  }
0xab: {  	v54 =	vshll.u32 v54, $0x6;
	v58 =	vshrl.u32 v55, $0x1;
	[tilespmem:$0x270] =	vst v63  }
0xac: {  	v55 =	vshll.u32 v55, $0x6;
	v61 =	vand.u32 $0x40, v56;
	v57 =	vand.u32 $0x40, v54;
	v54 =	vld [tilespmem:$0xA0];
	[tilespmem:$0x280] =	vst v58  }
0xad: {  	v59 =	vand.u32 $0x40, v55;
	v55 =	vld [tilespmem:$0xB0];
	[tilespmem:$0x490] =	vst v61  }
0xae: {  	[tilespmem:$0x470] =	vst v57  }
0xaf: {  	[tilespmem:$0x480] =	vst v59;
	v60 =	vshrl.u32 v62, $0x1;
	v56 =	vshll.u32 v62, $0x6  }
0xb0: {  	v62 =	vld [tilespmem:$0xF0];
	[tilespmem:$0x2C0] =	vst v60;
	v61 =	vand.u32 $0x40, v56  }
0xb1: {  	v63 =	vshrl.u32 v54, $0x1;
	v54 =	vshll.u32 v54, $0x6;
	[tilespmem:$0x4C0] =	vst v61  }
0xb2: {  	v58 =	vshrl.u32 v55, $0x1;
	v55 =	vshll.u32 v55, $0x6;
	[tilespmem:$0x2A0] =	vst v63;
	v57 =	vand.u32 $0x40, v54;
	v54 =	vld [tilespmem:$0xD0]  }
0xb3: {  	[tilespmem:$0x2B0] =	vst v58;
	v59 =	vand.u32 $0x40, v55;
	v55 =	vld [tilespmem:$0xE0]  }
0xb4: {  	[tilespmem:$0x4A0] =	vst v57  }
0xb5: {  	[tilespmem:$0x4B0] =	vst v59;
	v61 =	vshrl.u32 v62, $0x1;
	v56 =	vshll.u32 v62, $0x6  }
0xb6: {  	v60 =	vld [tilespmem:$0x110];
	[tilespmem:$0x2F0] =	vst v61;
	v62 =	vand.u32 $0x40, v56  }
0xb7: {  	[tilespmem:$0x4F0] =	vst v62;
	v63 =	vshrl.u32 v54, $0x1;
	v54 =	vshll.u32 v54, $0x6  }
0xb8: {  	v58 =	vshrl.u32 v55, $0x1;
	[tilespmem:$0x2D0] =	vst v63;
	v57 =	vand.u32 $0x40, v54;
	v54 =	vld [tilespmem:$0x100]  }
0xb9: {  	v55 =	vshll.u32 v55, $0x6;
	[tilespmem:$0x2E0] =	vst v58;
	v63 =	vld [tilespmem:$0x120]  }
0xba: {  	v59 =	vand.u32 $0x40, v55;
	[tilespmem:$0x4D0] =	vst v57  }
0xbb: {  	v55 =	vshll.u32 v60, $0x6;
	[tilespmem:$0x4E0] =	vst v59;
	v59 =	vshrl.u32 v60, $0x1  }
0xbc: {  	v60 =	vand.u32 $0x40, v55;
	v55 =	vld [tilespmem:$0x140];
	[tilespmem:$0x310] =	vst v59  }
0xbd: {  	[tilespmem:$0x510] =	vst v60;
	v57 =	vshrl.u32 v54, $0x1  }
0xbe: {  	v54 =	vshll.u32 v54, $0x6;
	v61 =	vshrl.u32 v63, $0x1;
	v56 =	vshll.u32 v63, $0x6;
	v63 =	vld [tilespmem:$0x150];
	[tilespmem:$0x300] =	vst v57  }
0xbf: {  	v58 =	vand.u32 $0x40, v54;
	v54 =	vld [tilespmem:$0x130];
	[tilespmem:$0x320] =	vst v61  }
0xc0: {  	v62 =	vand.u32 $0x40, v56;
	[tilespmem:$0x500] =	vst v58  }
0xc1: {  	v60 =	vshrl.u32 v55, $0x1;
	v55 =	vshll.u32 v55, $0x6;
	[tilespmem:$0x520] =	vst v62  }
0xc2: {  	[tilespmem:$0x340] =	vst v60;
	v61 =	vand.u32 $0x40, v55;
	v55 =	vld [tilespmem:$0x170]  }
0xc3: {  	[tilespmem:$0x540] =	vst v61;
	v62 =	vshrl.u32 v63, $0x1  }
0xc4: {  	v60 =	vld [tilespmem:$0x180];
	v56 =	vshll.u32 v63, $0x6;
	v58 =	vshrl.u32 v54, $0x1;
	v54 =	vshll.u32 v54, $0x6;
	[tilespmem:$0x350] =	vst v62  }
0xc5: {  	v63 =	vand.u32 $0x40, v56;
	[tilespmem:$0x330] =	vst v58;
	v59 =	vand.u32 $0x40, v54;
	v54 =	vld [tilespmem:$0x160]  }
0xc6: {  	[tilespmem:$0x550] =	vst v63  }
0xc7: {  	v57 =	vshrl.u32 v55, $0x1;
	v55 =	vshll.u32 v55, $0x6;
	[tilespmem:$0x530] =	vst v59  }
0xc8: {  	v63 =	vld [tilespmem:$0x190];
	[tilespmem:$0x370] =	vst v57;
	v58 =	vand.u32 $0x40, v55  }
0xc9: {  	v59 =	vshrl.u32 v60, $0x1;
	[tilespmem:$0x570] =	vst v58  }
0xca: {  	[tilespmem:$0x380] =	vst v59;
	v61 =	vshrl.u32 v54, $0x1;
	v54 =	vshll.u32 v54, $0x6  }
0xcb: {  	v60 =	vshll.u32 v60, $0x6;
	[tilespmem:$0x360] =	vst v61;
	v62 =	vand.u32 $0x40, v54  }
0xcc: {  	v61 =	vand.u32 $0x40, v60;
	[tilespmem:$0x560] =	vst v62  }
0xcd: {  	v54 =	vshll.u32 v63, $0x6;
	[tilespmem:$0x580] =	vst v61;
	v62 =	vshrl.u32 v63, $0x1  }
0xce: {  	v63 =	vand.u32 $0x40, v54;
	[tilespmem:$0x390] =	vst v62  }
0xcf: {  	[tilespmem:$0x590] =	vst v63  }
0xd0: {  	[tilespmem:s16], [sflag:$0x1] =	stream.linear.gather [hbm4b:s5+s2], $0x3400, $0x38;
	[tilespmem:$0x1AC00] =	vst v63  }
0xd1: {  	_ = 	snop  }
0xd2: {  	[tilespmem:s17], [sflag:$0x1] =	stream.linear.gather [hbm4b:s5+s2], $0x3400, $0x38;
	[tilespmem:$0x1AC00] =	vst v63  }
.Ltmp2:
0xd3: {  	s12 =	rddreg [dreg:$0x8];
	(pc) =	sbr.rel .LBB2_2-.Ltmp2, $4  }
0xd4: {  	s11 =	rddreg [dreg:$0x7]  }
0xd5: {  	[tilespmem:s18], [sflag:$0x1] =	stream.linear.gather [hbm4b:s6+s2], $0x3400, $0x38;
	[tilespmem:$0x1AC00] =	vst v63  }
0xd6: {  	s9 =	simm.s32 $0x0;
	s8 =	simm.s32 $0x0;
	s10 =	rddreg [dreg:$0x6]  }
0xd7: {  	[tilespmem:s19], [sflag:$0x1] =	stream.linear.gather [hbm4b:s6+s2], $0x3400, $0x38;
	[tilespmem:$0x1AC00] =	vst v63  }
.LBB2_4:
0xd8: {  	s1 =	sadd.s32 $0x40, s0;
	s9 =	sadd.s32 $0x1900, s9  }
0xd9: {  	[hbm4b:s1+s21] =	stream.strided.scatter [tilespmem:s28], [sflag:$0x3], $0x1900, s22, s21, $0x38;
	[tilespmem:$0x1AC00] =	vst v63  }
0xda: {  	s7 =	sadd.s32 $0x50, s0;
	p0 =	sne.s32 s9, $0x19000  }
0xdb: {  	[hbm4b:s7+s21] =	stream.strided.scatter [tilespmem:s29], [sflag:$0x3], $0x1900, s22, s21, $0x38;
	[tilespmem:$0x1AC00] =	vst v63  }
.Ltmp3:
0xdc: {  	_ = 	snop;
	(pc) =	sbr.rel @!p0 .LBB2_5-.Ltmp3, $4  }
0xdd: {  	s8 =	sadd.s32 $0x1, s8;
	s10 =	sadd.s32 $0x190, s10;
	s7 =	sadd.s32 $0x60, s0  }
0xde: {  	[hbm4b:s7+s21] =	stream.strided.scatter [tilespmem:s30], [sflag:$0x3], $0x1900, s22, s21, $0x38;
	[tilespmem:$0x1AC00] =	vst v63  }
0xdf: {  	s11 =	sadd.s32 $0x32, s11;
	s12 =	sadd.s32 $0x32, s12;
	s7 =	sadd.s32 $0x70, s0  }
0xe0: {  	[hbm4b:s7+s21] =	stream.strided.scatter [tilespmem:s31], [sflag:$0x3], $0x1900, s22, s21, $0x38;
	[tilespmem:$0x1AC00] =	vst v63  }
.LBB2_2:
0xe1: {  	_ =	swait.ge [sflag:s20], $0xD000  }
0xe2: {  	p0 =	seq.s32 s9, $0x0;
	[sflag:s20] =	ssyncset.done $0x0  }
0xe3: {  	s0 =	simm.s32 @!p0 $0x2;
	[sflag:s20] =	ssyncadd.s32 $0xFFFF3000  }
0xe4: {  	_ =	swait.ge @!p0 [sflag:s0], $0x1900  }
0xe5: {  	[sflag:s0] =	ssyncset.done @!p0 $0x0  }
0xe6: {  	[sflag:s0] =	ssyncadd.s32 @!p0 $0xFFFFE700  }
0xe7: {  	_ =	swait.ge @!p0 [sflag:s0], $0x1900  }
0xe8: {  	[sflag:s0] =	ssyncset.done @!p0 $0x0  }
0xe9: {  	[sflag:s0] =	ssyncadd.s32 @!p0 $0xFFFFE700  }
0xea: {  	_ =	swait.ge @!p0 [sflag:s0], $0x1900  }
0xeb: {  	[sflag:s0] =	ssyncset.done @!p0 $0x0  }
0xec: {  	[sflag:s0] =	ssyncadd.s32 @!p0 $0xFFFFE700  }
0xed: {  	_ =	swait.ge @!p0 [sflag:s0], $0x1900  }
0xee: {  	[sflag:s0] =	ssyncset.done @!p0 $0x0  }
0xef: {  	[sflag:s0] =	ssyncadd.s32 @!p0 $0xFFFFE700  }
0xf0: {  	[tilespmem:s2], [sflag:$0x4] =	stream.linear.gather [hbm4b:s12+s2], $0xC8, $0x38;
	[tilespmem:$0x1AC00] =	vst v63  }
0xf1: {  	_ =	swait.ge [sflag:s14], $0xC8  }
0xf2: {  	[sflag:s14] =	ssyncset.done $0x0  }
0xf3: {  	[sflag:s14] =	ssyncadd.s32 $0xFFFFFF38  }
0xf4: {  	[tilespmem:s15], [sflag:$0x4] =	stream.linear.gather [hbm4b:s11+s2], $0xC8, $0x38;
	[tilespmem:$0x1AC00] =	vst v63  }
0xf5: {  	_ =	swait.ge [sflag:s14], $0xC8  }
0xf6: {  	[sflag:s14] =	ssyncset.done $0x0  }
0xf7: {  	[sflag:s14] =	ssyncadd.s32 $0xFFFFFF38  }
0xf8: {  	v53 =	vld [tilespmem:$0x0]  }
0xf9: {  	v54 =	vld [tilespmem:$0x10]  }
0xfa: {  	v55 =	vld [tilespmem:$0x20]  }
0xfb: {  	v62 =	vld [tilespmem:$0x30];
	_ =	sdelay $0x1  }
0xfc: {  	v56 =	vshrl.u32 v53, $0x1  }
0xfd: {  	v63 =	vshrl.u32 v54, $0x1;
	v54 =	vshll.u32 v54, $0x6;
	[tilespmem:$0x200] =	vst v56  }
0xfe: {  	v58 =	vshrl.u32 v55, $0x1;
	v55 =	vshll.u32 v55, $0x6;
	[tilespmem:$0x210] =	vst v63;
	v57 =	vand.u32 $0x40, v54;
	v54 =	vld [tilespmem:$0x40]  }
0xff: {  	v53 =	vshll.u32 v53, $0x6;
	v60 =	vshrl.u32 v62, $0x1;
	[tilespmem:$0x220] =	vst v58;
	v59 =	vand.u32 $0x40, v55;
	v55 =	vld [tilespmem:$0x50]  }
0x100: {  	v53 =	vand.u32 $0x40, v53;
	v56 =	vshll.u32 v62, $0x6;
	[tilespmem:$0x230] =	vst v60;
	v62 =	vld [tilespmem:$0x60]  }
0x101: {  	[tilespmem:$0x600] =	vst v53  }
0x102: {  	[tilespmem:$0x610] =	vst v57  }
0x103: {  	[tilespmem:$0x620] =	vst v59;
	v61 =	vand.u32 $0x40, v56  }
0x104: {  	[tilespmem:$0x630] =	vst v61;
	v63 =	vshrl.u32 v54, $0x1;
	v54 =	vshll.u32 v54, $0x6  }
0x105: {  	v58 =	vshrl.u32 v55, $0x1;
	v60 =	vshrl.u32 v62, $0x1;
	v56 =	vshll.u32 v62, $0x6;
	v62 =	vld [tilespmem:$0x90];
	[tilespmem:$0x240] =	vst v63  }
0x106: {  	v55 =	vshll.u32 v55, $0x6;
	v57 =	vand.u32 $0x40, v54;
	v54 =	vld [tilespmem:$0x70];
	[tilespmem:$0x250] =	vst v58  }
0x107: {  	v59 =	vand.u32 $0x40, v55;
	v55 =	vld [tilespmem:$0x80];
	[tilespmem:$0x260] =	vst v60  }
0x108: {  	[tilespmem:$0x640] =	vst v57  }
0x109: {  	v61 =	vand.u32 $0x40, v56;
	[tilespmem:$0x650] =	vst v59  }
0x10a: {  	[tilespmem:$0x660] =	vst v61;
	v60 =	vshrl.u32 v62, $0x1  }
0x10b: {  	v56 =	vshll.u32 v62, $0x6;
	v62 =	vld [tilespmem:$0xC0];
	v63 =	vshrl.u32 v54, $0x1;
	[tilespmem:$0x290] =	vst v60  }
0x10c: {  	v54 =	vshll.u32 v54, $0x6;
	v58 =	vshrl.u32 v55, $0x1;
	[tilespmem:$0x270] =	vst v63  }
0x10d: {  	v55 =	vshll.u32 v55, $0x6;
	v61 =	vand.u32 $0x40, v56;
	v57 =	vand.u32 $0x40, v54;
	v54 =	vld [tilespmem:$0xA0];
	[tilespmem:$0x280] =	vst v58  }
0x10e: {  	v59 =	vand.u32 $0x40, v55;
	v55 =	vld [tilespmem:$0xB0];
	[tilespmem:$0x690] =	vst v61  }
0x10f: {  	[tilespmem:$0x670] =	vst v57  }
0x110: {  	[tilespmem:$0x680] =	vst v59;
	v60 =	vshrl.u32 v62, $0x1;
	v56 =	vshll.u32 v62, $0x6  }
0x111: {  	v62 =	vld [tilespmem:$0xF0];
	[tilespmem:$0x2C0] =	vst v60;
	v61 =	vand.u32 $0x40, v56  }
0x112: {  	v63 =	vshrl.u32 v54, $0x1;
	v54 =	vshll.u32 v54, $0x6;
	[tilespmem:$0x6C0] =	vst v61  }
0x113: {  	v58 =	vshrl.u32 v55, $0x1;
	v55 =	vshll.u32 v55, $0x6;
	[tilespmem:$0x2A0] =	vst v63;
	v57 =	vand.u32 $0x40, v54;
	v54 =	vld [tilespmem:$0xD0]  }
0x114: {  	[tilespmem:$0x2B0] =	vst v58;
	v59 =	vand.u32 $0x40, v55;
	v55 =	vld [tilespmem:$0xE0]  }
0x115: {  	[tilespmem:$0x6A0] =	vst v57  }
0x116: {  	[tilespmem:$0x6B0] =	vst v59;
	v61 =	vshrl.u32 v62, $0x1;
	v56 =	vshll.u32 v62, $0x6  }
0x117: {  	v60 =	vld [tilespmem:$0x110];
	[tilespmem:$0x2F0] =	vst v61;
	v62 =	vand.u32 $0x40, v56  }
0x118: {  	[tilespmem:$0x6F0] =	vst v62;
	v63 =	vshrl.u32 v54, $0x1;
	v54 =	vshll.u32 v54, $0x6  }
0x119: {  	v58 =	vshrl.u32 v55, $0x1;
	[tilespmem:$0x2D0] =	vst v63;
	v57 =	vand.u32 $0x40, v54;
	v54 =	vld [tilespmem:$0x100]  }
0x11a: {  	v55 =	vshll.u32 v55, $0x6;
	[tilespmem:$0x2E0] =	vst v58;
	v63 =	vld [tilespmem:$0x120]  }
0x11b: {  	v59 =	vand.u32 $0x40, v55;
	[tilespmem:$0x6D0] =	vst v57  }
0x11c: {  	v55 =	vshll.u32 v60, $0x6;
	[tilespmem:$0x6E0] =	vst v59;
	v59 =	vshrl.u32 v60, $0x1  }
0x11d: {  	v60 =	vand.u32 $0x40, v55;
	v55 =	vld [tilespmem:$0x140];
	[tilespmem:$0x310] =	vst v59  }
0x11e: {  	[tilespmem:$0x710] =	vst v60;
	v57 =	vshrl.u32 v54, $0x1  }
0x11f: {  	v54 =	vshll.u32 v54, $0x6;
	v61 =	vshrl.u32 v63, $0x1;
	v56 =	vshll.u32 v63, $0x6;
	v63 =	vld [tilespmem:$0x150];
	[tilespmem:$0x300] =	vst v57  }
0x120: {  	v58 =	vand.u32 $0x40, v54;
	v54 =	vld [tilespmem:$0x130];
	[tilespmem:$0x320] =	vst v61  }
0x121: {  	v62 =	vand.u32 $0x40, v56;
	[tilespmem:$0x700] =	vst v58  }
0x122: {  	v60 =	vshrl.u32 v55, $0x1;
	v55 =	vshll.u32 v55, $0x6;
	[tilespmem:$0x720] =	vst v62  }
0x123: {  	[tilespmem:$0x340] =	vst v60;
	v61 =	vand.u32 $0x40, v55;
	v55 =	vld [tilespmem:$0x170]  }
0x124: {  	[tilespmem:$0x740] =	vst v61;
	v62 =	vshrl.u32 v63, $0x1  }
0x125: {  	v60 =	vld [tilespmem:$0x180];
	v56 =	vshll.u32 v63, $0x6;
	v58 =	vshrl.u32 v54, $0x1;
	v54 =	vshll.u32 v54, $0x6;
	[tilespmem:$0x350] =	vst v62  }
0x126: {  	v63 =	vand.u32 $0x40, v56;
	[tilespmem:$0x330] =	vst v58;
	v59 =	vand.u32 $0x40, v54;
	v54 =	vld [tilespmem:$0x160]  }
0x127: {  	[tilespmem:$0x750] =	vst v63  }
0x128: {  	v57 =	vshrl.u32 v55, $0x1;
	v55 =	vshll.u32 v55, $0x6;
	[tilespmem:$0x730] =	vst v59  }
0x129: {  	v63 =	vld [tilespmem:$0x190];
	[tilespmem:$0x370] =	vst v57;
	v58 =	vand.u32 $0x40, v55  }
0x12a: {  	v59 =	vshrl.u32 v60, $0x1;
	[tilespmem:$0x770] =	vst v58  }
0x12b: {  	[tilespmem:$0x380] =	vst v59;
	v61 =	vshrl.u32 v54, $0x1;
	v54 =	vshll.u32 v54, $0x6  }
0x12c: {  	v60 =	vshll.u32 v60, $0x6;
	[tilespmem:$0x360] =	vst v61;
	v62 =	vand.u32 $0x40, v54  }
0x12d: {  	v61 =	vand.u32 $0x40, v60;
	[tilespmem:$0x760] =	vst v62  }
0x12e: {  	v54 =	vshll.u32 v63, $0x6;
	[tilespmem:$0x780] =	vst v61;
	v62 =	vshrl.u32 v63, $0x1  }
0x12f: {  	v63 =	vand.u32 $0x40, v54;
	[tilespmem:$0x390] =	vst v62  }
0x130: {  	[tilespmem:$0x790] =	vst v63  }
0x131: {  	[tilespmem:s16], [sflag:$0x1] =	stream.linear.gather [hbm4b:s5+s2], $0x3400, $0x38;
	[tilespmem:$0x1AC00] =	vst v63  }
0x132: {  	_ = 	snop  }
0x133: {  	[tilespmem:s17], [sflag:$0x1] =	stream.linear.gather [hbm4b:s5+s2], $0x3400, $0x38;
	[tilespmem:$0x1AC00] =	vst v63  }
0x134: {  	_ = 	snop  }
0x135: {  	[tilespmem:s18], [sflag:$0x1] =	stream.linear.gather [hbm4b:s6+s2], $0x3400, $0x38;
	[tilespmem:$0x1AC00] =	vst v63  }
0x136: {  	_ = 	snop  }
0x137: {  	[tilespmem:s19], [sflag:$0x1] =	stream.linear.gather [hbm4b:s6+s2], $0x3400, $0x38;
	[tilespmem:$0x1AC00] =	vst v63  }
0x138: {  	s0 =	sadd.s32 s9, s13  }
0x139: {  	[hbm4b:s0+s21] =	stream.strided.scatter [tilespmem:s23], [sflag:$0x2], $0x1900, s22, s21, $0x38;
	[tilespmem:$0x1AC00] =	vst v63  }
0x13a: {  	s1 =	sadd.s32 $0x10, s0  }
0x13b: {  	[hbm4b:s1+s21] =	stream.strided.scatter [tilespmem:s24], [sflag:$0x2], $0x1900, s22, s21, $0x38;
	[tilespmem:$0x1AC00] =	vst v63  }
0x13c: {  	s7 =	sadd.s32 $0x20, s0  }
0x13d: {  	[hbm4b:s7+s21] =	stream.strided.scatter [tilespmem:s25], [sflag:$0x2], $0x1900, s22, s21, $0x38;
	[tilespmem:$0x1AC00] =	vst v63  }
0x13e: {  	s7 =	sadd.s32 $0x30, s0  }
0x13f: {  	[hbm4b:s7+s21] =	stream.strided.scatter [tilespmem:s26], [sflag:$0x2], $0x1900, s22, s21, $0x38;
	[tilespmem:$0x1AC00] =	vst v63  }
0x140: {  	_ =	swait.ge [sflag:s20], $0xD000  }
0x141: {  	[sflag:s20] =	ssyncset.done $0x0  }
0x142: {  	s1 =	simm.s32 @!p0 $0x3;
	[sflag:s20] =	ssyncadd.s32 $0xFFFF3000  }
0x143: {  	_ =	swait.ge @!p0 [sflag:s1], $0x1900  }
0x144: {  	[sflag:s1] =	ssyncset.done @!p0 $0x0  }
0x145: {  	[sflag:s1] =	ssyncadd.s32 @!p0 $0xFFFFE700  }
0x146: {  	_ =	swait.ge @!p0 [sflag:s1], $0x1900  }
0x147: {  	[sflag:s1] =	ssyncset.done @!p0 $0x0  }
0x148: {  	p1 =	sgt.u32 @!p0 s8, $0xE;
	[sflag:s1] =	ssyncadd.s32 @!p0 $0xFFFFE700  }
0x149: {  	p1 =	por p0, !p1;
	_ =	swait.ge @!p0 [sflag:s1], $0x1900  }
.Ltmp4:
0x14a: {  	[sflag:s1] =	ssyncset.done @!p0 $0x0;
	(pc) =	sbr.rel @!p1 .LBB2_4-.Ltmp4, $4  }
0x14b: {  	[sflag:s1] =	ssyncadd.s32 @!p0 $0xFFFFE700  }
0x14c: {  	_ =	swait.ge @!p0 [sflag:s1], $0x1900  }
0x14d: {  	[sflag:s1] =	ssyncset.done @!p0 $0x0  }
0x14e: {  	[sflag:s1] =	ssyncadd.s32 @!p0 $0xFFFFE700  }
0x14f: {  	s1 =	sshrl.u32 s10, $0x3  }
0x150: {  	s7 =	sadd.s32 s3, s1  }
0x151: {  	[tilespmem:s2], [sflag:$0x4] =	stream.linear.gather [hbm4b:s7+s2], $0xC8, $0x38;
	[tilespmem:$0x1AC00] =	vst v63  }
0x152: {  	_ =	swait.ge [sflag:s14], $0xC8  }
0x153: {  	[sflag:s14] =	ssyncset.done $0x0  }
0x154: {  	s1 =	sadd.s32 s4, s1;
	[sflag:s14] =	ssyncadd.s32 $0xFFFFFF38  }
0x155: {  	[tilespmem:s15], [sflag:$0x4] =	stream.linear.gather [hbm4b:s1+s2], $0xC8, $0x38;
	[tilespmem:$0x1AC00] =	vst v63  }
0x156: {  	_ =	swait.ge [sflag:s14], $0xC8  }
0x157: {  	[sflag:s14] =	ssyncset.done $0x0  }
0x158: {  	[sflag:s14] =	ssyncadd.s32 $0xFFFFFF38  }
0x159: {  	v53 =	vld [tilespmem:$0x0]  }
0x15a: {  	v54 =	vld [tilespmem:$0x10]  }
0x15b: {  	v55 =	vld [tilespmem:$0x20]  }
0x15c: {  	v62 =	vld [tilespmem:$0x30];
	_ =	sdelay $0x1  }
0x15d: {  	v56 =	vshrl.u32 v53, $0x1  }
0x15e: {  	v63 =	vshrl.u32 v54, $0x1;
	v54 =	vshll.u32 v54, $0x6;
	[tilespmem:$0x200] =	vst v56  }
0x15f: {  	v58 =	vshrl.u32 v55, $0x1;
	v55 =	vshll.u32 v55, $0x6;
	[tilespmem:$0x210] =	vst v63;
	v57 =	vand.u32 $0x40, v54;
	v54 =	vld [tilespmem:$0x40]  }
0x160: {  	v53 =	vshll.u32 v53, $0x6;
	v60 =	vshrl.u32 v62, $0x1;
	[tilespmem:$0x220] =	vst v58;
	v59 =	vand.u32 $0x40, v55;
	v55 =	vld [tilespmem:$0x50]  }
0x161: {  	v53 =	vand.u32 $0x40, v53;
	v56 =	vshll.u32 v62, $0x6;
	[tilespmem:$0x230] =	vst v60;
	v62 =	vld [tilespmem:$0x60]  }
0x162: {  	[tilespmem:$0x400] =	vst v53  }
0x163: {  	[tilespmem:$0x410] =	vst v57  }
0x164: {  	[tilespmem:$0x420] =	vst v59;
	v61 =	vand.u32 $0x40, v56  }
0x165: {  	[tilespmem:$0x430] =	vst v61;
	v63 =	vshrl.u32 v54, $0x1;
	v54 =	vshll.u32 v54, $0x6  }
0x166: {  	v58 =	vshrl.u32 v55, $0x1;
	v60 =	vshrl.u32 v62, $0x1;
	v56 =	vshll.u32 v62, $0x6;
	v62 =	vld [tilespmem:$0x90];
	[tilespmem:$0x240] =	vst v63  }
0x167: {  	v55 =	vshll.u32 v55, $0x6;
	v57 =	vand.u32 $0x40, v54;
	v54 =	vld [tilespmem:$0x70];
	[tilespmem:$0x250] =	vst v58  }
0x168: {  	v59 =	vand.u32 $0x40, v55;
	v55 =	vld [tilespmem:$0x80];
	[tilespmem:$0x260] =	vst v60  }
0x169: {  	[tilespmem:$0x440] =	vst v57  }
0x16a: {  	v61 =	vand.u32 $0x40, v56;
	[tilespmem:$0x450] =	vst v59  }
0x16b: {  	[tilespmem:$0x460] =	vst v61;
	v60 =	vshrl.u32 v62, $0x1  }
0x16c: {  	v56 =	vshll.u32 v62, $0x6;
	v62 =	vld [tilespmem:$0xC0];
	v63 =	vshrl.u32 v54, $0x1;
	[tilespmem:$0x290] =	vst v60  }
0x16d: {  	v54 =	vshll.u32 v54, $0x6;
	v58 =	vshrl.u32 v55, $0x1;
	[tilespmem:$0x270] =	vst v63  }
0x16e: {  	v55 =	vshll.u32 v55, $0x6;
	v61 =	vand.u32 $0x40, v56;
	v57 =	vand.u32 $0x40, v54;
	v54 =	vld [tilespmem:$0xA0];
	[tilespmem:$0x280] =	vst v58  }
0x16f: {  	v59 =	vand.u32 $0x40, v55;
	v55 =	vld [tilespmem:$0xB0];
	[tilespmem:$0x490] =	vst v61  }
0x170: {  	[tilespmem:$0x470] =	vst v57  }
0x171: {  	[tilespmem:$0x480] =	vst v59;
	v60 =	vshrl.u32 v62, $0x1;
	v56 =	vshll.u32 v62, $0x6  }
0x172: {  	v62 =	vld [tilespmem:$0xF0];
	[tilespmem:$0x2C0] =	vst v60;
	v61 =	vand.u32 $0x40, v56  }
0x173: {  	v63 =	vshrl.u32 v54, $0x1;
	v54 =	vshll.u32 v54, $0x6;
	[tilespmem:$0x4C0] =	vst v61  }
0x174: {  	v58 =	vshrl.u32 v55, $0x1;
	v55 =	vshll.u32 v55, $0x6;
	[tilespmem:$0x2A0] =	vst v63;
	v57 =	vand.u32 $0x40, v54;
	v54 =	vld [tilespmem:$0xD0]  }
0x175: {  	[tilespmem:$0x2B0] =	vst v58;
	v59 =	vand.u32 $0x40, v55;
	v55 =	vld [tilespmem:$0xE0]  }
0x176: {  	[tilespmem:$0x4A0] =	vst v57  }
0x177: {  	[tilespmem:$0x4B0] =	vst v59;
	v61 =	vshrl.u32 v62, $0x1;
	v56 =	vshll.u32 v62, $0x6  }
0x178: {  	v60 =	vld [tilespmem:$0x110];
	[tilespmem:$0x2F0] =	vst v61;
	v62 =	vand.u32 $0x40, v56  }
0x179: {  	[tilespmem:$0x4F0] =	vst v62;
	v63 =	vshrl.u32 v54, $0x1;
	v54 =	vshll.u32 v54, $0x6  }
0x17a: {  	v58 =	vshrl.u32 v55, $0x1;
	[tilespmem:$0x2D0] =	vst v63;
	v57 =	vand.u32 $0x40, v54;
	v54 =	vld [tilespmem:$0x100]  }
0x17b: {  	v55 =	vshll.u32 v55, $0x6;
	[tilespmem:$0x2E0] =	vst v58;
	v63 =	vld [tilespmem:$0x120]  }
0x17c: {  	v59 =	vand.u32 $0x40, v55;
	[tilespmem:$0x4D0] =	vst v57  }
0x17d: {  	v55 =	vshll.u32 v60, $0x6;
	[tilespmem:$0x4E0] =	vst v59;
	v59 =	vshrl.u32 v60, $0x1  }
0x17e: {  	v60 =	vand.u32 $0x40, v55;
	v55 =	vld [tilespmem:$0x140];
	[tilespmem:$0x310] =	vst v59  }
0x17f: {  	[tilespmem:$0x510] =	vst v60;
	v57 =	vshrl.u32 v54, $0x1  }
0x180: {  	v54 =	vshll.u32 v54, $0x6;
	v61 =	vshrl.u32 v63, $0x1;
	v56 =	vshll.u32 v63, $0x6;
	v63 =	vld [tilespmem:$0x150];
	[tilespmem:$0x300] =	vst v57  }
0x181: {  	v58 =	vand.u32 $0x40, v54;
	v54 =	vld [tilespmem:$0x130];
	[tilespmem:$0x320] =	vst v61  }
0x182: {  	v62 =	vand.u32 $0x40, v56;
	[tilespmem:$0x500] =	vst v58  }
0x183: {  	v60 =	vshrl.u32 v55, $0x1;
	v55 =	vshll.u32 v55, $0x6;
	[tilespmem:$0x520] =	vst v62  }
0x184: {  	[tilespmem:$0x340] =	vst v60;
	v61 =	vand.u32 $0x40, v55;
	v55 =	vld [tilespmem:$0x170]  }
0x185: {  	[tilespmem:$0x540] =	vst v61;
	v62 =	vshrl.u32 v63, $0x1  }
0x186: {  	v60 =	vld [tilespmem:$0x180];
	v56 =	vshll.u32 v63, $0x6;
	v58 =	vshrl.u32 v54, $0x1;
	v54 =	vshll.u32 v54, $0x6;
	[tilespmem:$0x350] =	vst v62  }
0x187: {  	v63 =	vand.u32 $0x40, v56;
	[tilespmem:$0x330] =	vst v58;
	v59 =	vand.u32 $0x40, v54;
	v54 =	vld [tilespmem:$0x160]  }
0x188: {  	[tilespmem:$0x550] =	vst v63  }
0x189: {  	v57 =	vshrl.u32 v55, $0x1;
	v55 =	vshll.u32 v55, $0x6;
	[tilespmem:$0x530] =	vst v59  }
0x18a: {  	v63 =	vld [tilespmem:$0x190];
	[tilespmem:$0x370] =	vst v57;
	v58 =	vand.u32 $0x40, v55  }
0x18b: {  	v59 =	vshrl.u32 v60, $0x1;
	[tilespmem:$0x570] =	vst v58  }
0x18c: {  	[tilespmem:$0x380] =	vst v59;
	v61 =	vshrl.u32 v54, $0x1;
	v54 =	vshll.u32 v54, $0x6  }
0x18d: {  	v60 =	vshll.u32 v60, $0x6;
	[tilespmem:$0x360] =	vst v61;
	v62 =	vand.u32 $0x40, v54  }
0x18e: {  	v61 =	vand.u32 $0x40, v60;
	[tilespmem:$0x560] =	vst v62  }
0x18f: {  	v54 =	vshll.u32 v63, $0x6;
	[tilespmem:$0x580] =	vst v61;
	v62 =	vshrl.u32 v63, $0x1  }
0x190: {  	v63 =	vand.u32 $0x40, v54;
	[tilespmem:$0x390] =	vst v62  }
0x191: {  	[tilespmem:$0x590] =	vst v63  }
0x192: {  	[tilespmem:s16], [sflag:$0x1] =	stream.linear.gather [hbm4b:s5+s2], $0x3400, $0x38;
	[tilespmem:$0x1AC00] =	vst v63  }
0x193: {  	_ = 	snop  }
0x194: {  	[tilespmem:s17], [sflag:$0x1] =	stream.linear.gather [hbm4b:s5+s2], $0x3400, $0x38;
	[tilespmem:$0x1AC00] =	vst v63  }
.Ltmp5:
0x195: {  	_ = 	snop;
	(pc) =	sbr.rel .LBB2_4-.Ltmp5, $4  }
0x196: {  	_ = 	snop  }
0x197: {  	[tilespmem:s18], [sflag:$0x1] =	stream.linear.gather [hbm4b:s6+s2], $0x3400, $0x38;
	[tilespmem:$0x1AC00] =	vst v63  }
0x198: {  	_ = 	snop  }
0x199: {  	[tilespmem:s19], [sflag:$0x1] =	stream.linear.gather [hbm4b:s6+s2], $0x3400, $0x38;
	[tilespmem:$0x1AC00] =	vst v63  }
.LBB2_6:
0x19a: {  	_ =	sfence.sel $0x180000  }
0x19b: {  	[bflag:$0x0] =	sbarrier.arrive $0xFFFF  }
0x19c: {  	_ =	strace $0x90000047  }
0x19d: {  	s0 =	stileid.u32;
	[bflag:$0x2] =	sbarrier.arrive $0xFFFF  }
0x19e: {  	p0 =	sne.s32 s0, $0x0;
	s0 =	rddreg [dreg:$0x2]  }
0x19f: {  	s0 =	sadd.s32 @!p0 $0x100000, s0  }
0x1a0: {  	[sflag:s0] =	ssyncadd.tile.s32 @!p0 $0x1;
	_ =	shalt  }
.Lfunc_end2:
_tile_overlayer_lowered:
.L_overlay_start_2:
0x1a1: {  	(tag) =	ssettag $0x2  }
0x1a2: {  	s0 =	rddreg [dreg:$0x0];
	s2 =	stileid.u32  }
0x1a3: {  	s1 =	rddreg [dreg:$0x1];
	p0 =	sne.s32 s2, $0x0  }
0x1a4: {  	s3 =	rddreg [dreg:$0x2];
	[bflag:$0x3] =	sbarrier.arrive $0xFFFF;
	s2 =	simm.s32 @!p0 $0x1C04  }
0x1a5: {  	[timem:s3], [sflag:s2] =	dma.local @!p0 [hbm:s0], s1  }
0x1a6: {  	s0 =	simm.s32 @!p0 $0x4  }
0x1a7: {  	_ =	swait.ge @!p0 [sflag:s0], s1  }
0x1a8: {  	s1 =	ssub.s32 @!p0 $0x0, s1;
	[sflag:s0] =	ssyncset.done @!p0 $0x0  }
0x1a9: {  	[sflag:s0] =	ssyncadd.s32 @!p0 s1  }
0x1aa: {  	[bflag:$0x3] =	sbarrier.arrive $0xFFFF  }
0x1ab: {  	_ =	shalt  }

</sc_bundles>
